<compile_context>
chip_gen: v7x
topology: tpu7x:2x2x1
jax: 0.10.2.dev20260603
libtpu: 0.0.44.dev20260713+nightly
codegen_flags: <defaults>
</compile_context>

<pallas_src>
import functools

import jax
import jax.numpy as jnp
from jax import lax
from jax.experimental import pallas as pl
from jax.experimental.pallas import tpu as pltpu
from jax.experimental.pallas import tpu_sc as plsc

F32 = jnp.float32

NC = 2
NS = 16
NW = NC * NS
CH = 125
RS = 80
BLK = 12800


def _mesh():
    return plsc.VectorSubcoreMesh(
        core_axis_name="c", subcore_axis_name="s", num_cores=NC, num_subcores=NS
    )


def _make_deg_kernel(NP, n_rows):
    rows_per_worker = n_rows // NW
    n_stages = rows_per_worker // RS
    rpt = NP // NS

    @functools.partial(
        pl.kernel,
        out_type=jax.ShapeDtypeStruct((NC * NP,), F32),
        mesh=_mesh(),
        scratch_types=[
            pltpu.VMEM((RS, CH), jnp.int32),
            pltpu.VMEM((128,), F32),
            pltpu.VMEM((CH,), F32),
            pltpu.VMEM_SHARED((NP,), F32),
            pltpu.SemaphoreType.DMA,
        ],
    )
    def deg_kernel(dst2d, zeros1, out, idx_v, ones_v, drain_v, deg_sh, ssem):
        cid = lax.axis_index("c")
        sid = lax.axis_index("s")
        wid = cid * NS + sid
        base_row = wid * rows_per_worker
        r0 = sid * rpt
        pltpu.sync_copy(zeros1.at[pl.ds(r0, rpt)], deg_sh.at[pl.ds(r0, rpt)])
        for i in range(128 // 16):
            ones_v[pl.ds(i * 16, 16)] = jnp.ones((16,), F32)
        plsc.subcore_barrier()

        row_bytes = 4 * CH
        LAG = 8

        def _drain(nbytes):
            pltpu.make_async_copy(zeros1.at[pl.ds(0, nbytes // 4)],
                                  drain_v.at[pl.ds(0, nbytes // 4)],
                                  ssem).wait()

        def stage(st, carry):
            pltpu.sync_copy(dst2d.at[pl.ds(base_row + st * RS, RS)], idx_v)

            def inner(j, c2):
                @pl.when(j >= LAG)
                def _():
                    _drain(row_bytes)

                pltpu.async_copy(ones_v.at[pl.ds(0, CH)],
                                 deg_sh.at[idx_v.at[j]], ssem, add=True)
                return c2

            r = lax.fori_loop(0, RS, inner, carry)
            _drain(LAG * row_bytes)
            return r

        lax.fori_loop(0, n_stages, stage, 0)
        plsc.subcore_barrier()
        pltpu.sync_copy(deg_sh.at[pl.ds(r0, rpt)],
                        out.at[pl.ds(cid * NP + r0, rpt)])

    return deg_kernel


def _make_time_agg_kernel(NP, T, n_rows):
    rows_per_worker = n_rows // NW
    n_stages = rows_per_worker // RS
    rpt = NP // NS

    @functools.partial(
        pl.kernel,
        out_type=jax.ShapeDtypeStruct((NC * T * NP,), F32),
        mesh=_mesh(),
        scratch_types=[
            pltpu.VMEM((RS, CH), jnp.int32),
            pltpu.VMEM((RS, CH), jnp.int32),
            pltpu.VMEM((12, T, CH), F32),
            pltpu.VMEM((T * CH,), F32),
            [pltpu.VMEM_SHARED((NP,), F32) for _ in range(T)],
            [pltpu.VMEM_SHARED((NP,), F32) for _ in range(T - T // 3)],
            pltpu.SemaphoreType.DMA,
            pltpu.SemaphoreType.DMA,
            pltpu.SemaphoreType.DMA,
        ],
    )
    def time_agg(*refs):
        xts = refs[0:T]
        src2d, dst2d, zeros1, out = refs[T:T + 4]
        (src_v, dst_v, vals, drain_v, accs, xsh,
         gsem, gsem2, ssem) = refs[T + 4:]
        cid = lax.axis_index("c")
        sid = lax.axis_index("s")
        wid = cid * NS + sid
        base_row = wid * rows_per_worker
        r0 = sid * rpt
        for t in range(T):
            pltpu.sync_copy(zeros1.at[pl.ds(r0, rpt)],
                            accs[t].at[pl.ds(r0, rpt)])
        for t in range(T // 3, T):
            pltpu.sync_copy(xts[t].at[pl.ds(r0, rpt)],
                            xsh[t - T // 3].at[pl.ds(r0, rpt)])
        plsc.subcore_barrier()

        def src_arr(t):
            if t < T // 3:
                return xts[t], gsem
            return xsh[t - T // 3], gsem2

        row_bytes = 4 * CH

        def _drain(sem, nbytes):
            pltpu.make_async_copy(zeros1.at[pl.ds(0, nbytes // 4)],
                                  drain_v.at[pl.ds(0, nbytes // 4)],
                                  sem).wait()

        D = 12

        def stage(st, carry):
            row0 = base_row + st * RS
            pltpu.sync_copy(src2d.at[pl.ds(row0, RS)], src_v)
            pltpu.sync_copy(dst2d.at[pl.ds(row0, RS)], dst_v)

            for k in range(D - 1):
                for t in range(T):
                    arr, sem = src_arr(t)
                    pltpu.async_copy(arr.at[src_v.at[k]], vals.at[k, t], sem)

            def inner(j, c2):
                @pl.when(j > 0)
                def _():
                    _drain(ssem, T * row_bytes)

                @pl.when(j + D - 1 < RS)
                def _():
                    for t in range(T):
                        arr, sem = src_arr(t)
                        pltpu.async_copy(arr.at[src_v.at[j + D - 1]],
                                         vals.at[lax.rem(j + D - 1, D), t],
                                         sem)

                _drain(gsem, (T // 3) * row_bytes)
                _drain(gsem2, (T - T // 3) * row_bytes)
                for t in range(T):
                    pltpu.async_copy(vals.at[lax.rem(j, D), t],
                                     accs[t].at[dst_v.at[j]], ssem, add=True)
                return c2

            r = lax.fori_loop(0, RS, inner, carry)
            _drain(ssem, T * row_bytes)
            return r

        lax.fori_loop(0, n_stages, stage, 0)
        plsc.subcore_barrier()
        for t in range(T):
            pltpu.sync_copy(accs[t].at[pl.ds(r0, rpt)],
                            out.at[pl.ds((cid * T + t) * NP + r0, rpt)])

    return time_agg


def _make_scalar_agg_kernel(NP, n_rows):
    rows_per_worker = n_rows // NW
    n_stages = rows_per_worker // RS
    rpt = NP // NS

    @functools.partial(
        pl.kernel,
        out_type=jax.ShapeDtypeStruct((NC * NP,), F32),
        mesh=_mesh(),
        scratch_types=[
            pltpu.VMEM((RS, CH), jnp.int32),
            pltpu.VMEM((RS, CH), jnp.int32),
            pltpu.VMEM((8, CH), F32),
            pltpu.VMEM((CH,), F32),
            pltpu.VMEM_SHARED((NP,), F32),
            pltpu.VMEM_SHARED((NP,), F32),
            pltpu.SemaphoreType.DMA,
            pltpu.SemaphoreType.DMA,
        ],
    )
    def scal_agg(ys, src2d, dst2d, zeros1, out,
                 src_v, dst_v, vals, drain_v, b_sh, ysh, gsem, ssem):
        cid = lax.axis_index("c")
        sid = lax.axis_index("s")
        wid = cid * NS + sid
        base_row = wid * rows_per_worker
        r0 = sid * rpt
        pltpu.sync_copy(zeros1.at[pl.ds(r0, rpt)], b_sh.at[pl.ds(r0, rpt)])
        pltpu.sync_copy(ys.at[pl.ds(r0, rpt)], ysh.at[pl.ds(r0, rpt)])
        plsc.subcore_barrier()

        row_bytes = 4 * CH

        def _drain(sem, nbytes):
            pltpu.make_async_copy(zeros1.at[pl.ds(0, nbytes // 4)],
                                  drain_v.at[pl.ds(0, nbytes // 4)],
                                  sem).wait()

        D = 8

        def stage(st, carry):
            row0 = base_row + st * RS
            pltpu.sync_copy(src2d.at[pl.ds(row0, RS)], src_v)
            pltpu.sync_copy(dst2d.at[pl.ds(row0, RS)], dst_v)
            for k in range(D - 1):
                pltpu.async_copy(ysh.at[src_v.at[k]], vals.at[k], gsem)

            def inner(j, c2):
                @pl.when(j > 0)
                def _():
                    _drain(ssem, row_bytes)

                @pl.when(j + D - 1 < RS)
                def _():
                    pltpu.async_copy(ysh.at[src_v.at[j + D - 1]],
                                     vals.at[lax.rem(j + D - 1, D)], gsem)

                _drain(gsem, row_bytes)
                pltpu.async_copy(vals.at[lax.rem(j, D)],
                                 b_sh.at[dst_v.at[j]], ssem, add=True)
                return c2

            r = lax.fori_loop(0, RS, inner, carry)
            _drain(ssem, row_bytes)
            return r

        lax.fori_loop(0, n_stages, stage, 0)
        plsc.subcore_barrier()
        pltpu.sync_copy(b_sh.at[pl.ds(r0, rpt)],
                        out.at[pl.ds(cid * NP + r0, rpt)])

    return scal_agg


def _prep_body(d, xT, dinv_o, xs_o):
    deg = d[0:1, :] + d[1:2, :] + 1.0
    dinv = lax.rsqrt(deg)
    dinv_o[...] = dinv
    xs_o[...] = dinv * xT[...]


def _make_gru_body(T, H):
    def _gru_body(aT, xsT, dinv, w1c, b1c, wih, whh, bic, bhc, w2r, ys_o):
        dv = dinv[...]
        s = dv * (aT[0:T, :] + aT[T:2 * T, :] + xsT[...])
        h = jnp.zeros((H, s.shape[1]), F32)
        for t in range(T):
            g = jax.nn.relu(w1c[...] * s[t:t + 1, :] + b1c[...])
            ui = jnp.dot(wih[...], g, preferred_element_type=F32) + bic[...]
            uh = jnp.dot(whh[...], h, preferred_element_type=F32) + bhc[...]
            r = jax.nn.sigmoid(ui[0:H] + uh[0:H])
            z = jax.nn.sigmoid(ui[H:2 * H] + uh[H:2 * H])
            nt = jnp.tanh(ui[2 * H:3 * H] + r * uh[2 * H:3 * H])
            h = (1.0 - z) * nt + z * h
        y = jnp.dot(w2r[...], h, preferred_element_type=F32)
        ys_o[...] = dv * y
    return _gru_body


def _out_body(b, ysc, dinv, b2s, o):
    o[...] = dinv[...] * (b[0:1, :] + b[1:2, :] + ysc[...]) + b2s[...]


def _row_spec(r):
    return pl.BlockSpec((r, BLK), lambda i: (0, i))


def _full_spec(shape):
    return pl.BlockSpec(shape, lambda i: tuple(0 for _ in shape))


def kernel(x_seq, edge_index, W1, b1, Wih, Whh, bih, bhh, W2, b2):
    N, T = x_seq.shape
    E = edge_index.shape[1]
    H = Whh.shape[1]
    NP = ((N + 2047) // 2048) * 2048
    nblocks = NP // BLK
    n_rows = E // CH

    xT = jnp.pad(x_seq.T, ((0, 0), (0, NP - N)))
    src2d = edge_index[0].reshape(n_rows, CH)
    dst2d = edge_index[1].reshape(n_rows, CH)
    zeros1 = jnp.zeros((NP,), F32)
    w1c = W1.reshape(H, 1)
    b1c = b1.reshape(H, 1)
    bic = bih.reshape(3 * H, 1)
    bhc = bhh.reshape(3 * H, 1)
    w2r = W2.reshape(1, H)
    b2s = b2.reshape(1, 1)

    deg2 = _make_deg_kernel(NP, n_rows)(dst2d, zeros1).reshape(NC, NP)

    dinv, xsT = pl.pallas_call(
        _prep_body,
        grid=(nblocks,),
        in_specs=[_row_spec(NC), _row_spec(T)],
        out_specs=[_row_spec(1), _row_spec(T)],
        out_shape=[jax.ShapeDtypeStruct((1, NP), F32),
                   jax.ShapeDtypeStruct((T, NP), F32)],
    )(deg2, xT)

    xts = [xsT[t] for t in range(T)]
    aT = _make_time_agg_kernel(NP, T, n_rows)(
        *xts, src2d, dst2d, zeros1).reshape(NC * T, NP)

    ysc = pl.pallas_call(
        _make_gru_body(T, H),
        grid=(nblocks,),
        in_specs=[_row_spec(NC * T), _row_spec(T), _row_spec(1),
                  _full_spec((H, 1)), _full_spec((H, 1)),
                  _full_spec((3 * H, H)), _full_spec((3 * H, H)),
                  _full_spec((3 * H, 1)), _full_spec((3 * H, 1)),
                  _full_spec((1, H))],
        out_specs=_row_spec(1),
        out_shape=jax.ShapeDtypeStruct((1, NP), F32),
    )(aT, xsT, dinv, w1c, b1c, Wih, Whh, bic, bhc, w2r)

    b2p = _make_scalar_agg_kernel(NP, n_rows)(
        ysc.reshape(NP), src2d, dst2d, zeros1).reshape(NC, NP)

    o = pl.pallas_call(
        _out_body,
        grid=(nblocks,),
        in_specs=[_row_spec(NC), _row_spec(1), _row_spec(1),
                  _full_spec((1, 1))],
        out_specs=_row_spec(1),
        out_shape=jax.ShapeDtypeStruct((1, NP), F32),
    )(b2p, ysc, dinv, b2s)

    return o[:, :N]

# --- scband reference (transcript-rebuilt; emitter-appended) ---
"""Pipeline reference for scband-gcrn-29265907155019 (READ-ONLY COPY).

The authoritative reference and input builder live on the scoring server;
editing this copy changes nothing except your own understanding.
"""

import jax, jax.numpy as jnp
import numpy as np

N_NODES = 50000
N_EDGES = 1600000
HISTORY = 12
HID = 32
GRU_H = 32


def setup_inputs(seed: int = 0) -> dict:
    key = jax.random.key(seed)
    ks = jax.random.split(key, 10)
    x_seq = jax.random.normal(ks[0], (N_NODES, HISTORY), dtype=jnp.float32)
    edge_index = jax.random.randint(ks[1], (2, N_EDGES), 0, N_NODES, dtype=jnp.int32)
    # gcn_in: Linear(1 -> 32)
    W1 = jax.random.normal(ks[2], (1, HID), dtype=jnp.float32) * 0.1
    b1 = jnp.zeros((HID,), dtype=jnp.float32)
    # GRU(32 -> 32), torch layout: weight_ih [3H, in], weight_hh [3H, H]
    Wih = jax.random.normal(ks[3], (3 * GRU_H, HID), dtype=jnp.float32) * 0.1
    Whh = jax.random.normal(ks[4], (3 * GRU_H, GRU_H), dtype=jnp.float32) * 0.1
    bih = jnp.zeros((3 * GRU_H,), dtype=jnp.float32)
    bhh = jnp.zeros((3 * GRU_H,), dtype=jnp.float32)
    # gcn_out: Linear(32 -> 1)
    W2 = jax.random.normal(ks[5], (GRU_H, 1), dtype=jnp.float32) * 0.1
    b2 = jnp.zeros((1,), dtype=jnp.float32)
    return {"x_seq": x_seq, "edge_index": edge_index, "W1": W1, "b1": b1,
            "Wih": Wih, "Whh": Whh, "bih": bih, "bhh": bhh, "W2": W2, "b2": b2}


def gcn_conv(x, edge_index, W, b):
    # PyG GCNConv with add_self_loops=True, symmetric normalization
    n = x.shape[0]
    src = edge_index[0]
    dst = edge_index[1]
    loop = jnp.arange(n, dtype=src.dtype)
    src = jnp.concatenate([src, loop])
    dst = jnp.concatenate([dst, loop])
    h = x @ W
    deg = jnp.zeros((n,), dtype=x.dtype).at[dst].add(1.0)
    dinv = jnp.where(deg > 0, deg ** -0.5, 0.0)
    norm = dinv[src] * dinv[dst]
    msg = h[src] * norm[:, None]
    out = jnp.zeros((n, h.shape[1]), dtype=x.dtype).at[dst].add(msg)
    return out + b


def reference(x_seq, edge_index, W1, b1, Wih, Whh, bih, bhh, W2, b2):
    N, T = x_seq.shape
    hs = []
    for t in range(T):
        xt = x_seq[:, t:t + 1]  # [N, 1]
        hs.append(jax.nn.relu(gcn_conv(xt, edge_index, W1, b1)))
    h_seq = jnp.stack(hs, axis=1)  # [N, T, HID]

    H = Whh.shape[1]

    def step(h, x_t):
        gi = x_t @ Wih.T + bih
        gh = h @ Whh.T + bhh
        ir, iz, inn = jnp.split(gi, 3, axis=1)
        hr, hz, hn = jnp.split(gh, 3, axis=1)
        r = jax.nn.sigmoid(ir + hr)
        z = jax.nn.sigmoid(iz + hz)
        nt = jnp.tanh(inn + r * hn)
        h_new = (1.0 - z) * nt + z * h
        return h_new, None

    h0 = jnp.zeros((N, H), dtype=x_seq.dtype)
    x_time = jnp.transpose(h_seq, (1, 0, 2))  # [T, N, HID]
    h_last, _ = jax.lax.scan(step, h0, x_time)
    # dropout is identity in eval mode
    out = gcn_conv(h_last, edge_index, W2, b2)  # [N, 1]
    return out.reshape(1, N)

if __name__ == "__main__":
    import jax
    _d = setup_inputs()
    print(jax.jit(kernel)(*tuple(_d.values())))

</pallas_src>

<mosaic_0001>
#map = affine_map<(d0, d1) -> (0)>
#map1 = affine_map<(d0, d1) -> (0, 0)>
module attributes {stable_mosaic.version = 14 : i64} {
  func.func @time_agg(%arg0: i32, %arg1: i32, %arg2: memref<51200xf32, #tpu.memory_space<hbm>>, %arg3: memref<51200xf32, #tpu.memory_space<hbm>>, %arg4: memref<51200xf32, #tpu.memory_space<hbm>>, %arg5: memref<51200xf32, #tpu.memory_space<hbm>>, %arg6: memref<51200xf32, #tpu.memory_space<hbm>>, %arg7: memref<51200xf32, #tpu.memory_space<hbm>>, %arg8: memref<51200xf32, #tpu.memory_space<hbm>>, %arg9: memref<51200xf32, #tpu.memory_space<hbm>>, %arg10: memref<51200xf32, #tpu.memory_space<hbm>>, %arg11: memref<51200xf32, #tpu.memory_space<hbm>>, %arg12: memref<51200xf32, #tpu.memory_space<hbm>>, %arg13: memref<51200xf32, #tpu.memory_space<hbm>>, %arg14: memref<12800x125xi32, #tpu.memory_space<hbm>>, %arg15: memref<12800x125xi32, #tpu.memory_space<hbm>>, %arg16: memref<51200xf32, #tpu.memory_space<hbm>>, %arg17: memref<1228800xf32, #tpu.memory_space<hbm>>, %arg18: memref<80x125xi32, #tpu.memory_space<vmem>>, %arg19: memref<80x125xi32, #tpu.memory_space<vmem>>, %arg20: memref<12x12x125xf32, #tpu.memory_space<vmem>>, %arg21: memref<1500xf32, #tpu.memory_space<vmem>>, %arg22: memref<51200xf32, #tpu.memory_space<vmem_shared>>, %arg23: memref<51200xf32, #tpu.memory_space<vmem_shared>>, %arg24: memref<51200xf32, #tpu.memory_space<vmem_shared>>, %arg25: memref<51200xf32, #tpu.memory_space<vmem_shared>>, %arg26: memref<51200xf32, #tpu.memory_space<vmem_shared>>, %arg27: memref<51200xf32, #tpu.memory_space<vmem_shared>>, %arg28: memref<51200xf32, #tpu.memory_space<vmem_shared>>, %arg29: memref<51200xf32, #tpu.memory_space<vmem_shared>>, %arg30: memref<51200xf32, #tpu.memory_space<vmem_shared>>, %arg31: memref<51200xf32, #tpu.memory_space<vmem_shared>>, %arg32: memref<51200xf32, #tpu.memory_space<vmem_shared>>, %arg33: memref<51200xf32, #tpu.memory_space<vmem_shared>>, %arg34: memref<51200xf32, #tpu.memory_space<vmem_shared>>, %arg35: memref<51200xf32, #tpu.memory_space<vmem_shared>>, %arg36: memref<51200xf32, #tpu.memory_space<vmem_shared>>, %arg37: memref<51200xf32, #tpu.memory_space<vmem_shared>>, %arg38: memref<51200xf32, #tpu.memory_space<vmem_shared>>, %arg39: memref<51200xf32, #tpu.memory_space<vmem_shared>>, %arg40: memref<51200xf32, #tpu.memory_space<vmem_shared>>, %arg41: memref<51200xf32, #tpu.memory_space<vmem_shared>>, %arg42: memref<!tpu.dma_semaphore, #tpu.memory_space<semaphore_mem>>, %arg43: memref<!tpu.dma_semaphore, #tpu.memory_space<semaphore_mem>>, %arg44: memref<!tpu.dma_semaphore, #tpu.memory_space<semaphore_mem>>) attributes {dimension_semantics = [#tpu.dimension_semantics<core_parallel>, #tpu.dimension_semantics<subcore_parallel>], iteration_bounds = array<i64: 2, 16>, scalar_prefetch = 0 : i64, scratch_operands = 27 : i64, tpu.core_type = #tpu.core_type<sc_vector_subcore>, window_params = [{transform_indices = #map}, {transform_indices = #map}, {transform_indices = #map}, {transform_indices = #map}, {transform_indices = #map}, {transform_indices = #map}, {transform_indices = #map}, {transform_indices = #map}, {transform_indices = #map}, {transform_indices = #map}, {transform_indices = #map}, {transform_indices = #map}, {transform_indices = #map1}, {transform_indices = #map1}, {transform_indices = #map}, {transform_indices = #map}]} {
    %mul3A = arith.constant 16 : i32
    %mul3A_0 = arith.muli %arg0, %mul3A : i32
    %add3A = arith.addi %mul3A_0, %arg1 : i32
    %mul3A_1 = arith.constant 400 : i32
    %mul3A_2 = arith.muli %add3A, %mul3A_1 : i32
    %mul3A_3 = arith.constant 3200 : i32
    %mul3A_4 = arith.muli %arg1, %mul3A_3 : i32
    "tpu.region"() ({
      %run_scoped3A = tpu.sem_alloc : memref<!tpu.dma_semaphore, #tpu.memory_space<semaphore_mem>>
      %dma_start3A = tpu.memref_slice %arg22[%mul3A_4] : memref<51200xf32, #tpu.memory_space<vmem_shared>> -> memref<3200xf32, #tpu.memory_space<vmem_shared>>
      %dma_start3A_95 = tpu.memref_slice %arg16[%mul3A_4] : memref<51200xf32, #tpu.memory_space<hbm>> -> memref<3200xf32, #tpu.memory_space<hbm>>
      tpu.enqueue_dma source(%dma_start3A_95 : memref<3200xf32, #tpu.memory_space<hbm>>) target(%dma_start3A : memref<3200xf32, #tpu.memory_space<vmem_shared>>) target_semaphore(%run_scoped3A : memref<!tpu.dma_semaphore, #tpu.memory_space<semaphore_mem>>)
      %dma_wait3A = tpu.memref_slice %arg22[%mul3A_4] : memref<51200xf32, #tpu.memory_space<vmem_shared>> -> memref<3200xf32, #tpu.memory_space<vmem_shared>>
      %dma_wait3A_96 = tpu.memref_slice %arg16[%mul3A_4] : memref<51200xf32, #tpu.memory_space<hbm>> -> memref<3200xf32, #tpu.memory_space<hbm>>
      tpu.wait_dma2 semaphore(%run_scoped3A : memref<!tpu.dma_semaphore, #tpu.memory_space<semaphore_mem>>) src(%dma_wait3A_96 : memref<3200xf32, #tpu.memory_space<hbm>>) dst(%dma_wait3A : memref<3200xf32, #tpu.memory_space<vmem_shared>>)
      tpu.yield
    }) : () -> ()
    "tpu.region"() ({
      %run_scoped3A = tpu.sem_alloc : memref<!tpu.dma_semaphore, #tpu.memory_space<semaphore_mem>>
      %dma_start3A = tpu.memref_slice %arg23[%mul3A_4] : memref<51200xf32, #tpu.memory_space<vmem_shared>> -> memref<3200xf32, #tpu.memory_space<vmem_shared>>
      %dma_start3A_95 = tpu.memref_slice %arg16[%mul3A_4] : memref<51200xf32, #tpu.memory_space<hbm>> -> memref<3200xf32, #tpu.memory_space<hbm>>
      tpu.enqueue_dma source(%dma_start3A_95 : memref<3200xf32, #tpu.memory_space<hbm>>) target(%dma_start3A : memref<3200xf32, #tpu.memory_space<vmem_shared>>) target_semaphore(%run_scoped3A : memref<!tpu.dma_semaphore, #tpu.memory_space<semaphore_mem>>)
      %dma_wait3A = tpu.memref_slice %arg23[%mul3A_4] : memref<51200xf32, #tpu.memory_space<vmem_shared>> -> memref<3200xf32, #tpu.memory_space<vmem_shared>>
      %dma_wait3A_96 = tpu.memref_slice %arg16[%mul3A_4] : memref<51200xf32, #tpu.memory_space<hbm>> -> memref<3200xf32, #tpu.memory_space<hbm>>
      tpu.wait_dma2 semaphore(%run_scoped3A : memref<!tpu.dma_semaphore, #tpu.memory_space<semaphore_mem>>) src(%dma_wait3A_96 : memref<3200xf32, #tpu.memory_space<hbm>>) dst(%dma_wait3A : memref<3200xf32, #tpu.memory_space<vmem_shared>>)
      tpu.yield
    }) : () -> ()
    "tpu.region"() ({
      %run_scoped3A = tpu.sem_alloc : memref<!tpu.dma_semaphore, #tpu.memory_space<semaphore_mem>>
      %dma_start3A = tpu.memref_slice %arg24[%mul3A_4] : memref<51200xf32, #tpu.memory_space<vmem_shared>> -> memref<3200xf32, #tpu.memory_space<vmem_shared>>
      %dma_start3A_95 = tpu.memref_slice %arg16[%mul3A_4] : memref<51200xf32, #tpu.memory_space<hbm>> -> memref<3200xf32, #tpu.memory_space<hbm>>
      tpu.enqueue_dma source(%dma_start3A_95 : memref<3200xf32, #tpu.memory_space<hbm>>) target(%dma_start3A : memref<3200xf32, #tpu.memory_space<vmem_shared>>) target_semaphore(%run_scoped3A : memref<!tpu.dma_semaphore, #tpu.memory_space<semaphore_mem>>)
      %dma_wait3A = tpu.memref_slice %arg24[%mul3A_4] : memref<51200xf32, #tpu.memory_space<vmem_shared>> -> memref<3200xf32, #tpu.memory_space<vmem_shared>>
      %dma_wait3A_96 = tpu.memref_slice %arg16[%mul3A_4] : memref<51200xf32, #tpu.memory_space<hbm>> -> memref<3200xf32, #tpu.memory_space<hbm>>
      tpu.wait_dma2 semaphore(%run_scoped3A : memref<!tpu.dma_semaphore, #tpu.memory_space<semaphore_mem>>) src(%dma_wait3A_96 : memref<3200xf32, #tpu.memory_space<hbm>>) dst(%dma_wait3A : memref<3200xf32, #tpu.memory_space<vmem_shared>>)
      tpu.yield
    }) : () -> ()
    "tpu.region"() ({
      %run_scoped3A = tpu.sem_alloc : memref<!tpu.dma_semaphore, #tpu.memory_space<semaphore_mem>>
      %dma_start3A = tpu.memref_slice %arg25[%mul3A_4] : memref<51200xf32, #tpu.memory_space<vmem_shared>> -> memref<3200xf32, #tpu.memory_space<vmem_shared>>
      %dma_start3A_95 = tpu.memref_slice %arg16[%mul3A_4] : memref<51200xf32, #tpu.memory_space<hbm>> -> memref<3200xf32, #tpu.memory_space<hbm>>
      tpu.enqueue_dma source(%dma_start3A_95 : memref<3200xf32, #tpu.memory_space<hbm>>) target(%dma_start3A : memref<3200xf32, #tpu.memory_space<vmem_shared>>) target_semaphore(%run_scoped3A : memref<!tpu.dma_semaphore, #tpu.memory_space<semaphore_mem>>)
      %dma_wait3A = tpu.memref_slice %arg25[%mul3A_4] : memref<51200xf32, #tpu.memory_space<vmem_shared>> -> memref<3200xf32, #tpu.memory_space<vmem_shared>>
      %dma_wait3A_96 = tpu.memref_slice %arg16[%mul3A_4] : memref<51200xf32, #tpu.memory_space<hbm>> -> memref<3200xf32, #tpu.memory_space<hbm>>
      tpu.wait_dma2 semaphore(%run_scoped3A : memref<!tpu.dma_semaphore, #tpu.memory_space<semaphore_mem>>) src(%dma_wait3A_96 : memref<3200xf32, #tpu.memory_space<hbm>>) dst(%dma_wait3A : memref<3200xf32, #tpu.memory_space<vmem_shared>>)
      tpu.yield
    }) : () -> ()
    "tpu.region"() ({
      %run_scoped3A = tpu.sem_alloc : memref<!tpu.dma_semaphore, #tpu.memory_space<semaphore_mem>>
      %dma_start3A = tpu.memref_slice %arg26[%mul3A_4] : memref<51200xf32, #tpu.memory_space<vmem_shared>> -> memref<3200xf32, #tpu.memory_space<vmem_shared>>
      %dma_start3A_95 = tpu.memref_slice %arg16[%mul3A_4] : memref<51200xf32, #tpu.memory_space<hbm>> -> memref<3200xf32, #tpu.memory_space<hbm>>
      tpu.enqueue_dma source(%dma_start3A_95 : memref<3200xf32, #tpu.memory_space<hbm>>) target(%dma_start3A : memref<3200xf32, #tpu.memory_space<vmem_shared>>) target_semaphore(%run_scoped3A : memref<!tpu.dma_semaphore, #tpu.memory_space<semaphore_mem>>)
      %dma_wait3A = tpu.memref_slice %arg26[%mul3A_4] : memref<51200xf32, #tpu.memory_space<vmem_shared>> -> memref<3200xf32, #tpu.memory_space<vmem_shared>>
      %dma_wait3A_96 = tpu.memref_slice %arg16[%mul3A_4] : memref<51200xf32, #tpu.memory_space<hbm>> -> memref<3200xf32, #tpu.memory_space<hbm>>
      tpu.wait_dma2 semaphore(%run_scoped3A : memref<!tpu.dma_semaphore, #tpu.memory_space<semaphore_mem>>) src(%dma_wait3A_96 : memref<3200xf32, #tpu.memory_space<hbm>>) dst(%dma_wait3A : memref<3200xf32, #tpu.memory_space<vmem_shared>>)
      tpu.yield
    }) : () -> ()
    "tpu.region"() ({
      %run_scoped3A = tpu.sem_alloc : memref<!tpu.dma_semaphore, #tpu.memory_space<semaphore_mem>>
      %dma_start3A = tpu.memref_slice %arg27[%mul3A_4] : memref<51200xf32, #tpu.memory_space<vmem_shared>> -> memref<3200xf32, #tpu.memory_space<vmem_shared>>
      %dma_start3A_95 = tpu.memref_slice %arg16[%mul3A_4] : memref<51200xf32, #tpu.memory_space<hbm>> -> memref<3200xf32, #tpu.memory_space<hbm>>
      tpu.enqueue_dma source(%dma_start3A_95 : memref<3200xf32, #tpu.memory_space<hbm>>) target(%dma_start3A : memref<3200xf32, #tpu.memory_space<vmem_shared>>) target_semaphore(%run_scoped3A : memref<!tpu.dma_semaphore, #tpu.memory_space<semaphore_mem>>)
      %dma_wait3A = tpu.memref_slice %arg27[%mul3A_4] : memref<51200xf32, #tpu.memory_space<vmem_shared>> -> memref<3200xf32, #tpu.memory_space<vmem_shared>>
      %dma_wait3A_96 = tpu.memref_slice %arg16[%mul3A_4] : memref<51200xf32, #tpu.memory_space<hbm>> -> memref<3200xf32, #tpu.memory_space<hbm>>
      tpu.wait_dma2 semaphore(%run_scoped3A : memref<!tpu.dma_semaphore, #tpu.memory_space<semaphore_mem>>) src(%dma_wait3A_96 : memref<3200xf32, #tpu.memory_space<hbm>>) dst(%dma_wait3A : memref<3200xf32, #tpu.memory_space<vmem_shared>>)
      tpu.yield
    }) : () -> ()
    "tpu.region"() ({
      %run_scoped3A = tpu.sem_alloc : memref<!tpu.dma_semaphore, #tpu.memory_space<semaphore_mem>>
      %dma_start3A = tpu.memref_slice %arg28[%mul3A_4] : memref<51200xf32, #tpu.memory_space<vmem_shared>> -> memref<3200xf32, #tpu.memory_space<vmem_shared>>
      %dma_start3A_95 = tpu.memref_slice %arg16[%mul3A_4] : memref<51200xf32, #tpu.memory_space<hbm>> -> memref<3200xf32, #tpu.memory_space<hbm>>
      tpu.enqueue_dma source(%dma_start3A_95 : memref<3200xf32, #tpu.memory_space<hbm>>) target(%dma_start3A : memref<3200xf32, #tpu.memory_space<vmem_shared>>) target_semaphore(%run_scoped3A : memref<!tpu.dma_semaphore, #tpu.memory_space<semaphore_mem>>)
      %dma_wait3A = tpu.memref_slice %arg28[%mul3A_4] : memref<51200xf32, #tpu.memory_space<vmem_shared>> -> memref<3200xf32, #tpu.memory_space<vmem_shared>>
      %dma_wait3A_96 = tpu.memref_slice %arg16[%mul3A_4] : memref<51200xf32, #tpu.memory_space<hbm>> -> memref<3200xf32, #tpu.memory_space<hbm>>
      tpu.wait_dma2 semaphore(%run_scoped3A : memref<!tpu.dma_semaphore, #tpu.memory_space<semaphore_mem>>) src(%dma_wait3A_96 : memref<3200xf32, #tpu.memory_space<hbm>>) dst(%dma_wait3A : memref<3200xf32, #tpu.memory_space<vmem_shared>>)
      tpu.yield
    }) : () -> ()
    "tpu.region"() ({
      %run_scoped3A = tpu.sem_alloc : memref<!tpu.dma_semaphore, #tpu.memory_space<semaphore_mem>>
      %dma_start3A = tpu.memref_slice %arg29[%mul3A_4] : memref<51200xf32, #tpu.memory_space<vmem_shared>> -> memref<3200xf32, #tpu.memory_space<vmem_shared>>
      %dma_start3A_95 = tpu.memref_slice %arg16[%mul3A_4] : memref<51200xf32, #tpu.memory_space<hbm>> -> memref<3200xf32, #tpu.memory_space<hbm>>
      tpu.enqueue_dma source(%dma_start3A_95 : memref<3200xf32, #tpu.memory_space<hbm>>) target(%dma_start3A : memref<3200xf32, #tpu.memory_space<vmem_shared>>) target_semaphore(%run_scoped3A : memref<!tpu.dma_semaphore, #tpu.memory_space<semaphore_mem>>)
      %dma_wait3A = tpu.memref_slice %arg29[%mul3A_4] : memref<51200xf32, #tpu.memory_space<vmem_shared>> -> memref<3200xf32, #tpu.memory_space<vmem_shared>>
      %dma_wait3A_96 = tpu.memref_slice %arg16[%mul3A_4] : memref<51200xf32, #tpu.memory_space<hbm>> -> memref<3200xf32, #tpu.memory_space<hbm>>
      tpu.wait_dma2 semaphore(%run_scoped3A : memref<!tpu.dma_semaphore, #tpu.memory_space<semaphore_mem>>) src(%dma_wait3A_96 : memref<3200xf32, #tpu.memory_space<hbm>>) dst(%dma_wait3A : memref<3200xf32, #tpu.memory_space<vmem_shared>>)
      tpu.yield
    }) : () -> ()
    "tpu.region"() ({
      %run_scoped3A = tpu.sem_alloc : memref<!tpu.dma_semaphore, #tpu.memory_space<semaphore_mem>>
      %dma_start3A = tpu.memref_slice %arg30[%mul3A_4] : memref<51200xf32, #tpu.memory_space<vmem_shared>> -> memref<3200xf32, #tpu.memory_space<vmem_shared>>
      %dma_start3A_95 = tpu.memref_slice %arg16[%mul3A_4] : memref<51200xf32, #tpu.memory_space<hbm>> -> memref<3200xf32, #tpu.memory_space<hbm>>
      tpu.enqueue_dma source(%dma_start3A_95 : memref<3200xf32, #tpu.memory_space<hbm>>) target(%dma_start3A : memref<3200xf32, #tpu.memory_space<vmem_shared>>) target_semaphore(%run_scoped3A : memref<!tpu.dma_semaphore, #tpu.memory_space<semaphore_mem>>)
      %dma_wait3A = tpu.memref_slice %arg30[%mul3A_4] : memref<51200xf32, #tpu.memory_space<vmem_shared>> -> memref<3200xf32, #tpu.memory_space<vmem_shared>>
      %dma_wait3A_96 = tpu.memref_slice %arg16[%mul3A_4] : memref<51200xf32, #tpu.memory_space<hbm>> -> memref<3200xf32, #tpu.memory_space<hbm>>
      tpu.wait_dma2 semaphore(%run_scoped3A : memref<!tpu.dma_semaphore, #tpu.memory_space<semaphore_mem>>) src(%dma_wait3A_96 : memref<3200xf32, #tpu.memory_space<hbm>>) dst(%dma_wait3A : memref<3200xf32, #tpu.memory_space<vmem_shared>>)
      tpu.yield
    }) : () -> ()
    "tpu.region"() ({
      %run_scoped3A = tpu.sem_alloc : memref<!tpu.dma_semaphore, #tpu.memory_space<semaphore_mem>>
      %dma_start3A = tpu.memref_slice %arg31[%mul3A_4] : memref<51200xf32, #tpu.memory_space<vmem_shared>> -> memref<3200xf32, #tpu.memory_space<vmem_shared>>
      %dma_start3A_95 = tpu.memref_slice %arg16[%mul3A_4] : memref<51200xf32, #tpu.memory_space<hbm>> -> memref<3200xf32, #tpu.memory_space<hbm>>
      tpu.enqueue_dma source(%dma_start3A_95 : memref<3200xf32, #tpu.memory_space<hbm>>) target(%dma_start3A : memref<3200xf32, #tpu.memory_space<vmem_shared>>) target_semaphore(%run_scoped3A : memref<!tpu.dma_semaphore, #tpu.memory_space<semaphore_mem>>)
      %dma_wait3A = tpu.memref_slice %arg31[%mul3A_4] : memref<51200xf32, #tpu.memory_space<vmem_shared>> -> memref<3200xf32, #tpu.memory_space<vmem_shared>>
      %dma_wait3A_96 = tpu.memref_slice %arg16[%mul3A_4] : memref<51200xf32, #tpu.memory_space<hbm>> -> memref<3200xf32, #tpu.memory_space<hbm>>
      tpu.wait_dma2 semaphore(%run_scoped3A : memref<!tpu.dma_semaphore, #tpu.memory_space<semaphore_mem>>) src(%dma_wait3A_96 : memref<3200xf32, #tpu.memory_space<hbm>>) dst(%dma_wait3A : memref<3200xf32, #tpu.memory_space<vmem_shared>>)
      tpu.yield
    }) : () -> ()
    "tpu.region"() ({
      %run_scoped3A = tpu.sem_alloc : memref<!tpu.dma_semaphore, #tpu.memory_space<semaphore_mem>>
      %dma_start3A = tpu.memref_slice %arg32[%mul3A_4] : memref<51200xf32, #tpu.memory_space<vmem_shared>> -> memref<3200xf32, #tpu.memory_space<vmem_shared>>
      %dma_start3A_95 = tpu.memref_slice %arg16[%mul3A_4] : memref<51200xf32, #tpu.memory_space<hbm>> -> memref<3200xf32, #tpu.memory_space<hbm>>
      tpu.enqueue_dma source(%dma_start3A_95 : memref<3200xf32, #tpu.memory_space<hbm>>) target(%dma_start3A : memref<3200xf32, #tpu.memory_space<vmem_shared>>) target_semaphore(%run_scoped3A : memref<!tpu.dma_semaphore, #tpu.memory_space<semaphore_mem>>)
      %dma_wait3A = tpu.memref_slice %arg32[%mul3A_4] : memref<51200xf32, #tpu.memory_space<vmem_shared>> -> memref<3200xf32, #tpu.memory_space<vmem_shared>>
      %dma_wait3A_96 = tpu.memref_slice %arg16[%mul3A_4] : memref<51200xf32, #tpu.memory_space<hbm>> -> memref<3200xf32, #tpu.memory_space<hbm>>
      tpu.wait_dma2 semaphore(%run_scoped3A : memref<!tpu.dma_semaphore, #tpu.memory_space<semaphore_mem>>) src(%dma_wait3A_96 : memref<3200xf32, #tpu.memory_space<hbm>>) dst(%dma_wait3A : memref<3200xf32, #tpu.memory_space<vmem_shared>>)
      tpu.yield
    }) : () -> ()
    "tpu.region"() ({
      %run_scoped3A = tpu.sem_alloc : memref<!tpu.dma_semaphore, #tpu.memory_space<semaphore_mem>>
      %dma_start3A = tpu.memref_slice %arg33[%mul3A_4] : memref<51200xf32, #tpu.memory_space<vmem_shared>> -> memref<3200xf32, #tpu.memory_space<vmem_shared>>
      %dma_start3A_95 = tpu.memref_slice %arg16[%mul3A_4] : memref<51200xf32, #tpu.memory_space<hbm>> -> memref<3200xf32, #tpu.memory_space<hbm>>
      tpu.enqueue_dma source(%dma_start3A_95 : memref<3200xf32, #tpu.memory_space<hbm>>) target(%dma_start3A : memref<3200xf32, #tpu.memory_space<vmem_shared>>) target_semaphore(%run_scoped3A : memref<!tpu.dma_semaphore, #tpu.memory_space<semaphore_mem>>)
      %dma_wait3A = tpu.memref_slice %arg33[%mul3A_4] : memref<51200xf32, #tpu.memory_space<vmem_shared>> -> memref<3200xf32, #tpu.memory_space<vmem_shared>>
      %dma_wait3A_96 = tpu.memref_slice %arg16[%mul3A_4] : memref<51200xf32, #tpu.memory_space<hbm>> -> memref<3200xf32, #tpu.memory_space<hbm>>
      tpu.wait_dma2 semaphore(%run_scoped3A : memref<!tpu.dma_semaphore, #tpu.memory_space<semaphore_mem>>) src(%dma_wait3A_96 : memref<3200xf32, #tpu.memory_space<hbm>>) dst(%dma_wait3A : memref<3200xf32, #tpu.memory_space<vmem_shared>>)
      tpu.yield
    }) : () -> ()
    "tpu.region"() ({
      %run_scoped3A = tpu.sem_alloc : memref<!tpu.dma_semaphore, #tpu.memory_space<semaphore_mem>>
      %dma_start3A = tpu.memref_slice %arg34[%mul3A_4] : memref<51200xf32, #tpu.memory_space<vmem_shared>> -> memref<3200xf32, #tpu.memory_space<vmem_shared>>
      %dma_start3A_95 = tpu.memref_slice %arg6[%mul3A_4] : memref<51200xf32, #tpu.memory_space<hbm>> -> memref<3200xf32, #tpu.memory_space<hbm>>
      tpu.enqueue_dma source(%dma_start3A_95 : memref<3200xf32, #tpu.memory_space<hbm>>) target(%dma_start3A : memref<3200xf32, #tpu.memory_space<vmem_shared>>) target_semaphore(%run_scoped3A : memref<!tpu.dma_semaphore, #tpu.memory_space<semaphore_mem>>)
      %dma_wait3A = tpu.memref_slice %arg34[%mul3A_4] : memref<51200xf32, #tpu.memory_space<vmem_shared>> -> memref<3200xf32, #tpu.memory_space<vmem_shared>>
      %dma_wait3A_96 = tpu.memref_slice %arg6[%mul3A_4] : memref<51200xf32, #tpu.memory_space<hbm>> -> memref<3200xf32, #tpu.memory_space<hbm>>
      tpu.wait_dma2 semaphore(%run_scoped3A : memref<!tpu.dma_semaphore, #tpu.memory_space<semaphore_mem>>) src(%dma_wait3A_96 : memref<3200xf32, #tpu.memory_space<hbm>>) dst(%dma_wait3A : memref<3200xf32, #tpu.memory_space<vmem_shared>>)
      tpu.yield
    }) : () -> ()
    "tpu.region"() ({
      %run_scoped3A = tpu.sem_alloc : memref<!tpu.dma_semaphore, #tpu.memory_space<semaphore_mem>>
      %dma_start3A = tpu.memref_slice %arg35[%mul3A_4] : memref<51200xf32, #tpu.memory_space<vmem_shared>> -> memref<3200xf32, #tpu.memory_space<vmem_shared>>
      %dma_start3A_95 = tpu.memref_slice %arg7[%mul3A_4] : memref<51200xf32, #tpu.memory_space<hbm>> -> memref<3200xf32, #tpu.memory_space<hbm>>
      tpu.enqueue_dma source(%dma_start3A_95 : memref<3200xf32, #tpu.memory_space<hbm>>) target(%dma_start3A : memref<3200xf32, #tpu.memory_space<vmem_shared>>) target_semaphore(%run_scoped3A : memref<!tpu.dma_semaphore, #tpu.memory_space<semaphore_mem>>)
      %dma_wait3A = tpu.memref_slice %arg35[%mul3A_4] : memref<51200xf32, #tpu.memory_space<vmem_shared>> -> memref<3200xf32, #tpu.memory_space<vmem_shared>>
      %dma_wait3A_96 = tpu.memref_slice %arg7[%mul3A_4] : memref<51200xf32, #tpu.memory_space<hbm>> -> memref<3200xf32, #tpu.memory_space<hbm>>
      tpu.wait_dma2 semaphore(%run_scoped3A : memref<!tpu.dma_semaphore, #tpu.memory_space<semaphore_mem>>) src(%dma_wait3A_96 : memref<3200xf32, #tpu.memory_space<hbm>>) dst(%dma_wait3A : memref<3200xf32, #tpu.memory_space<vmem_shared>>)
      tpu.yield
    }) : () -> ()
    "tpu.region"() ({
      %run_scoped3A = tpu.sem_alloc : memref<!tpu.dma_semaphore, #tpu.memory_space<semaphore_mem>>
      %dma_start3A = tpu.memref_slice %arg36[%mul3A_4] : memref<51200xf32, #tpu.memory_space<vmem_shared>> -> memref<3200xf32, #tpu.memory_space<vmem_shared>>
      %dma_start3A_95 = tpu.memref_slice %arg8[%mul3A_4] : memref<51200xf32, #tpu.memory_space<hbm>> -> memref<3200xf32, #tpu.memory_space<hbm>>
      tpu.enqueue_dma source(%dma_start3A_95 : memref<3200xf32, #tpu.memory_space<hbm>>) target(%dma_start3A : memref<3200xf32, #tpu.memory_space<vmem_shared>>) target_semaphore(%run_scoped3A : memref<!tpu.dma_semaphore, #tpu.memory_space<semaphore_mem>>)
      %dma_wait3A = tpu.memref_slice %arg36[%mul3A_4] : memref<51200xf32, #tpu.memory_space<vmem_shared>> -> memref<3200xf32, #tpu.memory_space<vmem_shared>>
      %dma_wait3A_96 = tpu.memref_slice %arg8[%mul3A_4] : memref<51200xf32, #tpu.memory_space<hbm>> -> memref<3200xf32, #tpu.memory_space<hbm>>
      tpu.wait_dma2 semaphore(%run_scoped3A : memref<!tpu.dma_semaphore, #tpu.memory_space<semaphore_mem>>) src(%dma_wait3A_96 : memref<3200xf32, #tpu.memory_space<hbm>>) dst(%dma_wait3A : memref<3200xf32, #tpu.memory_space<vmem_shared>>)
      tpu.yield
    }) : () -> ()
    "tpu.region"() ({
      %run_scoped3A = tpu.sem_alloc : memref<!tpu.dma_semaphore, #tpu.memory_space<semaphore_mem>>
      %dma_start3A = tpu.memref_slice %arg37[%mul3A_4] : memref<51200xf32, #tpu.memory_space<vmem_shared>> -> memref<3200xf32, #tpu.memory_space<vmem_shared>>
      %dma_start3A_95 = tpu.memref_slice %arg9[%mul3A_4] : memref<51200xf32, #tpu.memory_space<hbm>> -> memref<3200xf32, #tpu.memory_space<hbm>>
      tpu.enqueue_dma source(%dma_start3A_95 : memref<3200xf32, #tpu.memory_space<hbm>>) target(%dma_start3A : memref<3200xf32, #tpu.memory_space<vmem_shared>>) target_semaphore(%run_scoped3A : memref<!tpu.dma_semaphore, #tpu.memory_space<semaphore_mem>>)
      %dma_wait3A = tpu.memref_slice %arg37[%mul3A_4] : memref<51200xf32, #tpu.memory_space<vmem_shared>> -> memref<3200xf32, #tpu.memory_space<vmem_shared>>
      %dma_wait3A_96 = tpu.memref_slice %arg9[%mul3A_4] : memref<51200xf32, #tpu.memory_space<hbm>> -> memref<3200xf32, #tpu.memory_space<hbm>>
      tpu.wait_dma2 semaphore(%run_scoped3A : memref<!tpu.dma_semaphore, #tpu.memory_space<semaphore_mem>>) src(%dma_wait3A_96 : memref<3200xf32, #tpu.memory_space<hbm>>) dst(%dma_wait3A : memref<3200xf32, #tpu.memory_space<vmem_shared>>)
      tpu.yield
    }) : () -> ()
    "tpu.region"() ({
      %run_scoped3A = tpu.sem_alloc : memref<!tpu.dma_semaphore, #tpu.memory_space<semaphore_mem>>
      %dma_start3A = tpu.memref_slice %arg38[%mul3A_4] : memref<51200xf32, #tpu.memory_space<vmem_shared>> -> memref<3200xf32, #tpu.memory_space<vmem_shared>>
      %dma_start3A_95 = tpu.memref_slice %arg10[%mul3A_4] : memref<51200xf32, #tpu.memory_space<hbm>> -> memref<3200xf32, #tpu.memory_space<hbm>>
      tpu.enqueue_dma source(%dma_start3A_95 : memref<3200xf32, #tpu.memory_space<hbm>>) target(%dma_start3A : memref<3200xf32, #tpu.memory_space<vmem_shared>>) target_semaphore(%run_scoped3A : memref<!tpu.dma_semaphore, #tpu.memory_space<semaphore_mem>>)
      %dma_wait3A = tpu.memref_slice %arg38[%mul3A_4] : memref<51200xf32, #tpu.memory_space<vmem_shared>> -> memref<3200xf32, #tpu.memory_space<vmem_shared>>
      %dma_wait3A_96 = tpu.memref_slice %arg10[%mul3A_4] : memref<51200xf32, #tpu.memory_space<hbm>> -> memref<3200xf32, #tpu.memory_space<hbm>>
      tpu.wait_dma2 semaphore(%run_scoped3A : memref<!tpu.dma_semaphore, #tpu.memory_space<semaphore_mem>>) src(%dma_wait3A_96 : memref<3200xf32, #tpu.memory_space<hbm>>) dst(%dma_wait3A : memref<3200xf32, #tpu.memory_space<vmem_shared>>)
      tpu.yield
    }) : () -> ()
    "tpu.region"() ({
      %run_scoped3A = tpu.sem_alloc : memref<!tpu.dma_semaphore, #tpu.memory_space<semaphore_mem>>
      %dma_start3A = tpu.memref_slice %arg39[%mul3A_4] : memref<51200xf32, #tpu.memory_space<vmem_shared>> -> memref<3200xf32, #tpu.memory_space<vmem_shared>>
      %dma_start3A_95 = tpu.memref_slice %arg11[%mul3A_4] : memref<51200xf32, #tpu.memory_space<hbm>> -> memref<3200xf32, #tpu.memory_space<hbm>>
      tpu.enqueue_dma source(%dma_start3A_95 : memref<3200xf32, #tpu.memory_space<hbm>>) target(%dma_start3A : memref<3200xf32, #tpu.memory_space<vmem_shared>>) target_semaphore(%run_scoped3A : memref<!tpu.dma_semaphore, #tpu.memory_space<semaphore_mem>>)
      %dma_wait3A = tpu.memref_slice %arg39[%mul3A_4] : memref<51200xf32, #tpu.memory_space<vmem_shared>> -> memref<3200xf32, #tpu.memory_space<vmem_shared>>
      %dma_wait3A_96 = tpu.memref_slice %arg11[%mul3A_4] : memref<51200xf32, #tpu.memory_space<hbm>> -> memref<3200xf32, #tpu.memory_space<hbm>>
      tpu.wait_dma2 semaphore(%run_scoped3A : memref<!tpu.dma_semaphore, #tpu.memory_space<semaphore_mem>>) src(%dma_wait3A_96 : memref<3200xf32, #tpu.memory_space<hbm>>) dst(%dma_wait3A : memref<3200xf32, #tpu.memory_space<vmem_shared>>)
      tpu.yield
    }) : () -> ()
    "tpu.region"() ({
      %run_scoped3A = tpu.sem_alloc : memref<!tpu.dma_semaphore, #tpu.memory_space<semaphore_mem>>
      %dma_start3A = tpu.memref_slice %arg40[%mul3A_4] : memref<51200xf32, #tpu.memory_space<vmem_shared>> -> memref<3200xf32, #tpu.memory_space<vmem_shared>>
      %dma_start3A_95 = tpu.memref_slice %arg12[%mul3A_4] : memref<51200xf32, #tpu.memory_space<hbm>> -> memref<3200xf32, #tpu.memory_space<hbm>>
      tpu.enqueue_dma source(%dma_start3A_95 : memref<3200xf32, #tpu.memory_space<hbm>>) target(%dma_start3A : memref<3200xf32, #tpu.memory_space<vmem_shared>>) target_semaphore(%run_scoped3A : memref<!tpu.dma_semaphore, #tpu.memory_space<semaphore_mem>>)
      %dma_wait3A = tpu.memref_slice %arg40[%mul3A_4] : memref<51200xf32, #tpu.memory_space<vmem_shared>> -> memref<3200xf32, #tpu.memory_space<vmem_shared>>
      %dma_wait3A_96 = tpu.memref_slice %arg12[%mul3A_4] : memref<51200xf32, #tpu.memory_space<hbm>> -> memref<3200xf32, #tpu.memory_space<hbm>>
      tpu.wait_dma2 semaphore(%run_scoped3A : memref<!tpu.dma_semaphore, #tpu.memory_space<semaphore_mem>>) src(%dma_wait3A_96 : memref<3200xf32, #tpu.memory_space<hbm>>) dst(%dma_wait3A : memref<3200xf32, #tpu.memory_space<vmem_shared>>)
      tpu.yield
    }) : () -> ()
    "tpu.region"() ({
      %run_scoped3A = tpu.sem_alloc : memref<!tpu.dma_semaphore, #tpu.memory_space<semaphore_mem>>
      %dma_start3A = tpu.memref_slice %arg41[%mul3A_4] : memref<51200xf32, #tpu.memory_space<vmem_shared>> -> memref<3200xf32, #tpu.memory_space<vmem_shared>>
      %dma_start3A_95 = tpu.memref_slice %arg13[%mul3A_4] : memref<51200xf32, #tpu.memory_space<hbm>> -> memref<3200xf32, #tpu.memory_space<hbm>>
      tpu.enqueue_dma source(%dma_start3A_95 : memref<3200xf32, #tpu.memory_space<hbm>>) target(%dma_start3A : memref<3200xf32, #tpu.memory_space<vmem_shared>>) target_semaphore(%run_scoped3A : memref<!tpu.dma_semaphore, #tpu.memory_space<semaphore_mem>>)
      %dma_wait3A = tpu.memref_slice %arg41[%mul3A_4] : memref<51200xf32, #tpu.memory_space<vmem_shared>> -> memref<3200xf32, #tpu.memory_space<vmem_shared>>
      %dma_wait3A_96 = tpu.memref_slice %arg13[%mul3A_4] : memref<51200xf32, #tpu.memory_space<hbm>> -> memref<3200xf32, #tpu.memory_space<hbm>>
      tpu.wait_dma2 semaphore(%run_scoped3A : memref<!tpu.dma_semaphore, #tpu.memory_space<semaphore_mem>>) src(%dma_wait3A_96 : memref<3200xf32, #tpu.memory_space<hbm>>) dst(%dma_wait3A : memref<3200xf32, #tpu.memory_space<vmem_shared>>)
      tpu.yield
    }) : () -> ()
    %barrier3A = arith.constant 0 : index
    tpu.barrier barrier_id(%barrier3A)
    %scan3A = arith.constant 0 : i32
    %scan3A_5 = arith.constant 0 : i32
    %scan3A_6 = arith.constant 5 : i32
    %scan3A_7 = arith.addi %scan3A_5, %scan3A_6 : i32
    %scan3A_8 = arith.constant 1 : i32
    scf.for %scan3A_95 = %scan3A_5 to %scan3A_7 step %scan3A_8  : i32 {
      %mul3A_96 = arith.constant 80 : i32
      %mul3A_97 = arith.muli %scan3A_95, %mul3A_96 : i32
      %add3A_98 = arith.addi %mul3A_2, %mul3A_97 : i32
      "tpu.region"() ({
        %run_scoped3A = tpu.sem_alloc : memref<!tpu.dma_semaphore, #tpu.memory_space<semaphore_mem>>
        %dma_start3A_1562 = arith.constant 0 : i32
        %dma_start3A_1563 = tpu.memref_slice %arg14[%add3A_98, %dma_start3A_1562] : memref<12800x125xi32, #tpu.memory_space<hbm>> -> memref<80x125xi32, #tpu.memory_space<hbm>>
        %dma_start3A_1564 = arith.constant 0 : i32
        %dma_start3A_1565 = tpu.memref_slice %arg14[%add3A_98, %dma_start3A_1564] : memref<12800x125xi32, #tpu.memory_space<hbm>> -> memref<80x125xi32, #tpu.memory_space<hbm>>
        tpu.enqueue_dma source(%dma_start3A_1565 : memref<80x125xi32, #tpu.memory_space<hbm>>) target(%arg18 : memref<80x125xi32, #tpu.memory_space<vmem>>) target_semaphore(%run_scoped3A : memref<!tpu.dma_semaphore, #tpu.memory_space<semaphore_mem>>)
        %dma_wait3A_1566 = arith.constant 0 : i32
        %dma_wait3A_1567 = tpu.memref_slice %arg14[%add3A_98, %dma_wait3A_1566] : memref<12800x125xi32, #tpu.memory_space<hbm>> -> memref<80x125xi32, #tpu.memory_space<hbm>>
        %dma_wait3A_1568 = arith.constant 0 : i32
        %dma_wait3A_1569 = tpu.memref_slice %arg14[%add3A_98, %dma_wait3A_1568] : memref<12800x125xi32, #tpu.memory_space<hbm>> -> memref<80x125xi32, #tpu.memory_space<hbm>>
        tpu.wait_dma2 semaphore(%run_scoped3A : memref<!tpu.dma_semaphore, #tpu.memory_space<semaphore_mem>>) src(%dma_wait3A_1569 : memref<80x125xi32, #tpu.memory_space<hbm>>) dst(%arg18 : memref<80x125xi32, #tpu.memory_space<vmem>>)
        tpu.yield
      }) : () -> ()
      "tpu.region"() ({
        %run_scoped3A = tpu.sem_alloc : memref<!tpu.dma_semaphore, #tpu.memory_space<semaphore_mem>>
        %dma_start3A_1562 = arith.constant 0 : i32
        %dma_start3A_1563 = tpu.memref_slice %arg15[%add3A_98, %dma_start3A_1562] : memref<12800x125xi32, #tpu.memory_space<hbm>> -> memref<80x125xi32, #tpu.memory_space<hbm>>
        %dma_start3A_1564 = arith.constant 0 : i32
        %dma_start3A_1565 = tpu.memref_slice %arg15[%add3A_98, %dma_start3A_1564] : memref<12800x125xi32, #tpu.memory_space<hbm>> -> memref<80x125xi32, #tpu.memory_space<hbm>>
        tpu.enqueue_dma source(%dma_start3A_1565 : memref<80x125xi32, #tpu.memory_space<hbm>>) target(%arg19 : memref<80x125xi32, #tpu.memory_space<vmem>>) target_semaphore(%run_scoped3A : memref<!tpu.dma_semaphore, #tpu.memory_space<semaphore_mem>>)
        %dma_wait3A_1566 = arith.constant 0 : i32
        %dma_wait3A_1567 = tpu.memref_slice %arg15[%add3A_98, %dma_wait3A_1566] : memref<12800x125xi32, #tpu.memory_space<hbm>> -> memref<80x125xi32, #tpu.memory_space<hbm>>
        %dma_wait3A_1568 = arith.constant 0 : i32
        %dma_wait3A_1569 = tpu.memref_slice %arg15[%add3A_98, %dma_wait3A_1568] : memref<12800x125xi32, #tpu.memory_space<hbm>> -> memref<80x125xi32, #tpu.memory_space<hbm>>
        tpu.wait_dma2 semaphore(%run_scoped3A : memref<!tpu.dma_semaphore, #tpu.memory_space<semaphore_mem>>) src(%dma_wait3A_1569 : memref<80x125xi32, #tpu.memory_space<hbm>>) dst(%arg19 : memref<80x125xi32, #tpu.memory_space<vmem>>)
        tpu.yield
      }) : () -> ()
      %dma_start3A = arith.constant 0 : i32
      %dma_start3A_99 = arith.constant 0 : i32
      %dma_start3A_100 = arith.constant 0 : i32
      %dma_start3A_101 = arith.constant 0 : i32
      %dma_start3A_102 = tpu.memref_slice %arg20[%dma_start3A_99, %dma_start3A_100, %dma_start3A_101] : memref<12x12x125xf32, #tpu.memory_space<vmem>> -> memref<1x1x125xf32, #tpu.memory_space<vmem>>
      %dma_start3A_103 = tpu.memref_squeeze %dma_start3A_102 : memref<1x1x125xf32, #tpu.memory_space<vmem>> -> memref<125xf32, #tpu.memory_space<vmem>>
      %dma_start3A_104 = arith.constant 0 : i32
      %dma_start3A_105 = tpu.memref_slice %arg18[%dma_start3A, %dma_start3A_104] : memref<80x125xi32, #tpu.memory_space<vmem>> -> memref<1x125xi32, #tpu.memory_space<vmem>>
      %dma_start3A_106 = tpu.memref_squeeze %dma_start3A_105 : memref<1x125xi32, #tpu.memory_space<vmem>> -> memref<125xi32, #tpu.memory_space<vmem>>
      %dma_start3A_107 = arith.constant 0 : i32
      %dma_start3A_108 = tpu.memref_slice %arg2[%dma_start3A_107] : memref<51200xf32, #tpu.memory_space<hbm>> -> memref<51200xf32, #tpu.memory_space<hbm>>
      tpu.enqueue_indirect_dma source(%dma_start3A_108 : memref<51200xf32, #tpu.memory_space<hbm>>) target(%dma_start3A_103 : memref<125xf32, #tpu.memory_space<vmem>>) offsets(%dma_start3A_106 : memref<125xi32, #tpu.memory_space<vmem>>) semaphore(%arg42 : memref<!tpu.dma_semaphore, #tpu.memory_space<semaphore_mem>>)
      %dma_start3A_109 = arith.constant 0 : i32
      %dma_start3A_110 = arith.constant 0 : i32
      %dma_start3A_111 = arith.constant 1 : i32
      %dma_start3A_112 = arith.constant 0 : i32
      %dma_start3A_113 = tpu.memref_slice %arg20[%dma_start3A_110, %dma_start3A_111, %dma_start3A_112] : memref<12x12x125xf32, #tpu.memory_space<vmem>> -> memref<1x1x125xf32, #tpu.memory_space<vmem>>
      %dma_start3A_114 = tpu.memref_squeeze %dma_start3A_113 : memref<1x1x125xf32, #tpu.memory_space<vmem>> -> memref<125xf32, #tpu.memory_space<vmem>>
      %dma_start3A_115 = arith.constant 0 : i32
      %dma_start3A_116 = tpu.memref_slice %arg18[%dma_start3A_109, %dma_start3A_115] : memref<80x125xi32, #tpu.memory_space<vmem>> -> memref<1x125xi32, #tpu.memory_space<vmem>>
      %dma_start3A_117 = tpu.memref_squeeze %dma_start3A_116 : memref<1x125xi32, #tpu.memory_space<vmem>> -> memref<125xi32, #tpu.memory_space<vmem>>
      %dma_start3A_118 = arith.constant 0 : i32
      %dma_start3A_119 = tpu.memref_slice %arg3[%dma_start3A_118] : memref<51200xf32, #tpu.memory_space<hbm>> -> memref<51200xf32, #tpu.memory_space<hbm>>
      tpu.enqueue_indirect_dma source(%dma_start3A_119 : memref<51200xf32, #tpu.memory_space<hbm>>) target(%dma_start3A_114 : memref<125xf32, #tpu.memory_space<vmem>>) offsets(%dma_start3A_117 : memref<125xi32, #tpu.memory_space<vmem>>) semaphore(%arg42 : memref<!tpu.dma_semaphore, #tpu.memory_space<semaphore_mem>>)
      %dma_start3A_120 = arith.constant 0 : i32
      %dma_start3A_121 = arith.constant 0 : i32
      %dma_start3A_122 = arith.constant 2 : i32
      %dma_start3A_123 = arith.constant 0 : i32
      %dma_start3A_124 = tpu.memref_slice %arg20[%dma_start3A_121, %dma_start3A_122, %dma_start3A_123] : memref<12x12x125xf32, #tpu.memory_space<vmem>> -> memref<1x1x125xf32, #tpu.memory_space<vmem>>
      %dma_start3A_125 = tpu.memref_squeeze %dma_start3A_124 : memref<1x1x125xf32, #tpu.memory_space<vmem>> -> memref<125xf32, #tpu.memory_space<vmem>>
      %dma_start3A_126 = arith.constant 0 : i32
      %dma_start3A_127 = tpu.memref_slice %arg18[%dma_start3A_120, %dma_start3A_126] : memref<80x125xi32, #tpu.memory_space<vmem>> -> memref<1x125xi32, #tpu.memory_space<vmem>>
      %dma_start3A_128 = tpu.memref_squeeze %dma_start3A_127 : memref<1x125xi32, #tpu.memory_space<vmem>> -> memref<125xi32, #tpu.memory_space<vmem>>
      %dma_start3A_129 = arith.constant 0 : i32
      %dma_start3A_130 = tpu.memref_slice %arg4[%dma_start3A_129] : memref<51200xf32, #tpu.memory_space<hbm>> -> memref<51200xf32, #tpu.memory_space<hbm>>
      tpu.enqueue_indirect_dma source(%dma_start3A_130 : memref<51200xf32, #tpu.memory_space<hbm>>) target(%dma_start3A_125 : memref<125xf32, #tpu.memory_space<vmem>>) offsets(%dma_start3A_128 : memref<125xi32, #tpu.memory_space<vmem>>) semaphore(%arg42 : memref<!tpu.dma_semaphore, #tpu.memory_space<semaphore_mem>>)
      %dma_start3A_131 = arith.constant 0 : i32
      %dma_start3A_132 = arith.constant 0 : i32
      %dma_start3A_133 = arith.constant 3 : i32
      %dma_start3A_134 = arith.constant 0 : i32
      %dma_start3A_135 = tpu.memref_slice %arg20[%dma_start3A_132, %dma_start3A_133, %dma_start3A_134] : memref<12x12x125xf32, #tpu.memory_space<vmem>> -> memref<1x1x125xf32, #tpu.memory_space<vmem>>
      %dma_start3A_136 = tpu.memref_squeeze %dma_start3A_135 : memref<1x1x125xf32, #tpu.memory_space<vmem>> -> memref<125xf32, #tpu.memory_space<vmem>>
      %dma_start3A_137 = arith.constant 0 : i32
      %dma_start3A_138 = tpu.memref_slice %arg18[%dma_start3A_131, %dma_start3A_137] : memref<80x125xi32, #tpu.memory_space<vmem>> -> memref<1x125xi32, #tpu.memory_space<vmem>>
      %dma_start3A_139 = tpu.memref_squeeze %dma_start3A_138 : memref<1x125xi32, #tpu.memory_space<vmem>> -> memref<125xi32, #tpu.memory_space<vmem>>
      %dma_start3A_140 = arith.constant 0 : i32
      %dma_start3A_141 = tpu.memref_slice %arg5[%dma_start3A_140] : memref<51200xf32, #tpu.memory_space<hbm>> -> memref<51200xf32, #tpu.memory_space<hbm>>
      tpu.enqueue_indirect_dma source(%dma_start3A_141 : memref<51200xf32, #tpu.memory_space<hbm>>) target(%dma_start3A_136 : memref<125xf32, #tpu.memory_space<vmem>>) offsets(%dma_start3A_139 : memref<125xi32, #tpu.memory_space<vmem>>) semaphore(%arg42 : memref<!tpu.dma_semaphore, #tpu.memory_space<semaphore_mem>>)
      %dma_start3A_142 = arith.constant 0 : i32
      %dma_start3A_143 = arith.constant 0 : i32
      %dma_start3A_144 = arith.constant 4 : i32
      %dma_start3A_145 = arith.constant 0 : i32
      %dma_start3A_146 = tpu.memref_slice %arg20[%dma_start3A_143, %dma_start3A_144, %dma_start3A_145] : memref<12x12x125xf32, #tpu.memory_space<vmem>> -> memref<1x1x125xf32, #tpu.memory_space<vmem>>
      %dma_start3A_147 = tpu.memref_squeeze %dma_start3A_146 : memref<1x1x125xf32, #tpu.memory_space<vmem>> -> memref<125xf32, #tpu.memory_space<vmem>>
      %dma_start3A_148 = arith.constant 0 : i32
      %dma_start3A_149 = tpu.memref_slice %arg18[%dma_start3A_142, %dma_start3A_148] : memref<80x125xi32, #tpu.memory_space<vmem>> -> memref<1x125xi32, #tpu.memory_space<vmem>>
      %dma_start3A_150 = tpu.memref_squeeze %dma_start3A_149 : memref<1x125xi32, #tpu.memory_space<vmem>> -> memref<125xi32, #tpu.memory_space<vmem>>
      %dma_start3A_151 = arith.constant 0 : i32
      %dma_start3A_152 = tpu.memref_slice %arg34[%dma_start3A_151] : memref<51200xf32, #tpu.memory_space<vmem_shared>> -> memref<51200xf32, #tpu.memory_space<vmem_shared>>
      tpu.enqueue_indirect_dma source(%dma_start3A_152 : memref<51200xf32, #tpu.memory_space<vmem_shared>>) target(%dma_start3A_147 : memref<125xf32, #tpu.memory_space<vmem>>) offsets(%dma_start3A_150 : memref<125xi32, #tpu.memory_space<vmem>>) semaphore(%arg43 : memref<!tpu.dma_semaphore, #tpu.memory_space<semaphore_mem>>)
      %dma_start3A_153 = arith.constant 0 : i32
      %dma_start3A_154 = arith.constant 0 : i32
      %dma_start3A_155 = arith.constant 5 : i32
      %dma_start3A_156 = arith.constant 0 : i32
      %dma_start3A_157 = tpu.memref_slice %arg20[%dma_start3A_154, %dma_start3A_155, %dma_start3A_156] : memref<12x12x125xf32, #tpu.memory_space<vmem>> -> memref<1x1x125xf32, #tpu.memory_space<vmem>>
      %dma_start3A_158 = tpu.memref_squeeze %dma_start3A_157 : memref<1x1x125xf32, #tpu.memory_space<vmem>> -> memref<125xf32, #tpu.memory_space<vmem>>
      %dma_start3A_159 = arith.constant 0 : i32
      %dma_start3A_160 = tpu.memref_slice %arg18[%dma_start3A_153, %dma_start3A_159] : memref<80x125xi32, #tpu.memory_space<vmem>> -> memref<1x125xi32, #tpu.memory_space<vmem>>
      %dma_start3A_161 = tpu.memref_squeeze %dma_start3A_160 : memref<1x125xi32, #tpu.memory_space<vmem>> -> memref<125xi32, #tpu.memory_space<vmem>>
      %dma_start3A_162 = arith.constant 0 : i32
      %dma_start3A_163 = tpu.memref_slice %arg35[%dma_start3A_162] : memref<51200xf32, #tpu.memory_space<vmem_shared>> -> memref<51200xf32, #tpu.memory_space<vmem_shared>>
      tpu.enqueue_indirect_dma source(%dma_start3A_163 : memref<51200xf32, #tpu.memory_space<vmem_shared>>) target(%dma_start3A_158 : memref<125xf32, #tpu.memory_space<vmem>>) offsets(%dma_start3A_161 : memref<125xi32, #tpu.memory_space<vmem>>) semaphore(%arg43 : memref<!tpu.dma_semaphore, #tpu.memory_space<semaphore_mem>>)
      %dma_start3A_164 = arith.constant 0 : i32
      %dma_start3A_165 = arith.constant 0 : i32
      %dma_start3A_166 = arith.constant 6 : i32
      %dma_start3A_167 = arith.constant 0 : i32
      %dma_start3A_168 = tpu.memref_slice %arg20[%dma_start3A_165, %dma_start3A_166, %dma_start3A_167] : memref<12x12x125xf32, #tpu.memory_space<vmem>> -> memref<1x1x125xf32, #tpu.memory_space<vmem>>
      %dma_start3A_169 = tpu.memref_squeeze %dma_start3A_168 : memref<1x1x125xf32, #tpu.memory_space<vmem>> -> memref<125xf32, #tpu.memory_space<vmem>>
      %dma_start3A_170 = arith.constant 0 : i32
      %dma_start3A_171 = tpu.memref_slice %arg18[%dma_start3A_164, %dma_start3A_170] : memref<80x125xi32, #tpu.memory_space<vmem>> -> memref<1x125xi32, #tpu.memory_space<vmem>>
      %dma_start3A_172 = tpu.memref_squeeze %dma_start3A_171 : memref<1x125xi32, #tpu.memory_space<vmem>> -> memref<125xi32, #tpu.memory_space<vmem>>
      %dma_start3A_173 = arith.constant 0 : i32
      %dma_start3A_174 = tpu.memref_slice %arg36[%dma_start3A_173] : memref<51200xf32, #tpu.memory_space<vmem_shared>> -> memref<51200xf32, #tpu.memory_space<vmem_shared>>
      tpu.enqueue_indirect_dma source(%dma_start3A_174 : memref<51200xf32, #tpu.memory_space<vmem_shared>>) target(%dma_start3A_169 : memref<125xf32, #tpu.memory_space<vmem>>) offsets(%dma_start3A_172 : memref<125xi32, #tpu.memory_space<vmem>>) semaphore(%arg43 : memref<!tpu.dma_semaphore, #tpu.memory_space<semaphore_mem>>)
      %dma_start3A_175 = arith.constant 0 : i32
      %dma_start3A_176 = arith.constant 0 : i32
      %dma_start3A_177 = arith.constant 7 : i32
      %dma_start3A_178 = arith.constant 0 : i32
      %dma_start3A_179 = tpu.memref_slice %arg20[%dma_start3A_176, %dma_start3A_177, %dma_start3A_178] : memref<12x12x125xf32, #tpu.memory_space<vmem>> -> memref<1x1x125xf32, #tpu.memory_space<vmem>>
      %dma_start3A_180 = tpu.memref_squeeze %dma_start3A_179 : memref<1x1x125xf32, #tpu.memory_space<vmem>> -> memref<125xf32, #tpu.memory_space<vmem>>
      %dma_start3A_181 = arith.constant 0 : i32
      %dma_start3A_182 = tpu.memref_slice %arg18[%dma_start3A_175, %dma_start3A_181] : memref<80x125xi32, #tpu.memory_space<vmem>> -> memref<1x125xi32, #tpu.memory_space<vmem>>
      %dma_start3A_183 = tpu.memref_squeeze %dma_start3A_182 : memref<1x125xi32, #tpu.memory_space<vmem>> -> memref<125xi32, #tpu.memory_space<vmem>>
      %dma_start3A_184 = arith.constant 0 : i32
      %dma_start3A_185 = tpu.memref_slice %arg37[%dma_start3A_184] : memref<51200xf32, #tpu.memory_space<vmem_shared>> -> memref<51200xf32, #tpu.memory_space<vmem_shared>>
      tpu.enqueue_indirect_dma source(%dma_start3A_185 : memref<51200xf32, #tpu.memory_space<vmem_shared>>) target(%dma_start3A_180 : memref<125xf32, #tpu.memory_space<vmem>>) offsets(%dma_start3A_183 : memref<125xi32, #tpu.memory_space<vmem>>) semaphore(%arg43 : memref<!tpu.dma_semaphore, #tpu.memory_space<semaphore_mem>>)
      %dma_start3A_186 = arith.constant 0 : i32
      %dma_start3A_187 = arith.constant 0 : i32
      %dma_start3A_188 = arith.constant 8 : i32
      %dma_start3A_189 = arith.constant 0 : i32
      %dma_start3A_190 = tpu.memref_slice %arg20[%dma_start3A_187, %dma_start3A_188, %dma_start3A_189] : memref<12x12x125xf32, #tpu.memory_space<vmem>> -> memref<1x1x125xf32, #tpu.memory_space<vmem>>
      %dma_start3A_191 = tpu.memref_squeeze %dma_start3A_190 : memref<1x1x125xf32, #tpu.memory_space<vmem>> -> memref<125xf32, #tpu.memory_space<vmem>>
      %dma_start3A_192 = arith.constant 0 : i32
      %dma_start3A_193 = tpu.memref_slice %arg18[%dma_start3A_186, %dma_start3A_192] : memref<80x125xi32, #tpu.memory_space<vmem>> -> memref<1x125xi32, #tpu.memory_space<vmem>>
      %dma_start3A_194 = tpu.memref_squeeze %dma_start3A_193 : memref<1x125xi32, #tpu.memory_space<vmem>> -> memref<125xi32, #tpu.memory_space<vmem>>
      %dma_start3A_195 = arith.constant 0 : i32
      %dma_start3A_196 = tpu.memref_slice %arg38[%dma_start3A_195] : memref<51200xf32, #tpu.memory_space<vmem_shared>> -> memref<51200xf32, #tpu.memory_space<vmem_shared>>
      tpu.enqueue_indirect_dma source(%dma_start3A_196 : memref<51200xf32, #tpu.memory_space<vmem_shared>>) target(%dma_start3A_191 : memref<125xf32, #tpu.memory_space<vmem>>) offsets(%dma_start3A_194 : memref<125xi32, #tpu.memory_space<vmem>>) semaphore(%arg43 : memref<!tpu.dma_semaphore, #tpu.memory_space<semaphore_mem>>)
      %dma_start3A_197 = arith.constant 0 : i32
      %dma_start3A_198 = arith.constant 0 : i32
      %dma_start3A_199 = arith.constant 9 : i32
      %dma_start3A_200 = arith.constant 0 : i32
      %dma_start3A_201 = tpu.memref_slice %arg20[%dma_start3A_198, %dma_start3A_199, %dma_start3A_200] : memref<12x12x125xf32, #tpu.memory_space<vmem>> -> memref<1x1x125xf32, #tpu.memory_space<vmem>>
      %dma_start3A_202 = tpu.memref_squeeze %dma_start3A_201 : memref<1x1x125xf32, #tpu.memory_space<vmem>> -> memref<125xf32, #tpu.memory_space<vmem>>
      %dma_start3A_203 = arith.constant 0 : i32
      %dma_start3A_204 = tpu.memref_slice %arg18[%dma_start3A_197, %dma_start3A_203] : memref<80x125xi32, #tpu.memory_space<vmem>> -> memref<1x125xi32, #tpu.memory_space<vmem>>
      %dma_start3A_205 = tpu.memref_squeeze %dma_start3A_204 : memref<1x125xi32, #tpu.memory_space<vmem>> -> memref<125xi32, #tpu.memory_space<vmem>>
      %dma_start3A_206 = arith.constant 0 : i32
      %dma_start3A_207 = tpu.memref_slice %arg39[%dma_start3A_206] : memref<51200xf32, #tpu.memory_space<vmem_shared>> -> memref<51200xf32, #tpu.memory_space<vmem_shared>>
      tpu.enqueue_indirect_dma source(%dma_start3A_207 : memref<51200xf32, #tpu.memory_space<vmem_shared>>) target(%dma_start3A_202 : memref<125xf32, #tpu.memory_space<vmem>>) offsets(%dma_start3A_205 : memref<125xi32, #tpu.memory_space<vmem>>) semaphore(%arg43 : memref<!tpu.dma_semaphore, #tpu.memory_space<semaphore_mem>>)
      %dma_start3A_208 = arith.constant 0 : i32
      %dma_start3A_209 = arith.constant 0 : i32
      %dma_start3A_210 = arith.constant 10 : i32
      %dma_start3A_211 = arith.constant 0 : i32
      %dma_start3A_212 = tpu.memref_slice %arg20[%dma_start3A_209, %dma_start3A_210, %dma_start3A_211] : memref<12x12x125xf32, #tpu.memory_space<vmem>> -> memref<1x1x125xf32, #tpu.memory_space<vmem>>
      %dma_start3A_213 = tpu.memref_squeeze %dma_start3A_212 : memref<1x1x125xf32, #tpu.memory_space<vmem>> -> memref<125xf32, #tpu.memory_space<vmem>>
      %dma_start3A_214 = arith.constant 0 : i32
      %dma_start3A_215 = tpu.memref_slice %arg18[%dma_start3A_208, %dma_start3A_214] : memref<80x125xi32, #tpu.memory_space<vmem>> -> memref<1x125xi32, #tpu.memory_space<vmem>>
      %dma_start3A_216 = tpu.memref_squeeze %dma_start3A_215 : memref<1x125xi32, #tpu.memory_space<vmem>> -> memref<125xi32, #tpu.memory_space<vmem>>
      %dma_start3A_217 = arith.constant 0 : i32
      %dma_start3A_218 = tpu.memref_slice %arg40[%dma_start3A_217] : memref<51200xf32, #tpu.memory_space<vmem_shared>> -> memref<51200xf32, #tpu.memory_space<vmem_shared>>
      tpu.enqueue_indirect_dma source(%dma_start3A_218 : memref<51200xf32, #tpu.memory_space<vmem_shared>>) target(%dma_start3A_213 : memref<125xf32, #tpu.memory_space<vmem>>) offsets(%dma_start3A_216 : memref<125xi32, #tpu.memory_space<vmem>>) semaphore(%arg43 : memref<!tpu.dma_semaphore, #tpu.memory_space<semaphore_mem>>)
      %dma_start3A_219 = arith.constant 0 : i32
      %dma_start3A_220 = arith.constant 0 : i32
      %dma_start3A_221 = arith.constant 11 : i32
      %dma_start3A_222 = arith.constant 0 : i32
      %dma_start3A_223 = tpu.memref_slice %arg20[%dma_start3A_220, %dma_start3A_221, %dma_start3A_222] : memref<12x12x125xf32, #tpu.memory_space<vmem>> -> memref<1x1x125xf32, #tpu.memory_space<vmem>>
      %dma_start3A_224 = tpu.memref_squeeze %dma_start3A_223 : memref<1x1x125xf32, #tpu.memory_space<vmem>> -> memref<125xf32, #tpu.memory_space<vmem>>
      %dma_start3A_225 = arith.constant 0 : i32
      %dma_start3A_226 = tpu.memref_slice %arg18[%dma_start3A_219, %dma_start3A_225] : memref<80x125xi32, #tpu.memory_space<vmem>> -> memref<1x125xi32, #tpu.memory_space<vmem>>
      %dma_start3A_227 = tpu.memref_squeeze %dma_start3A_226 : memref<1x125xi32, #tpu.memory_space<vmem>> -> memref<125xi32, #tpu.memory_space<vmem>>
      %dma_start3A_228 = arith.constant 0 : i32
      %dma_start3A_229 = tpu.memref_slice %arg41[%dma_start3A_228] : memref<51200xf32, #tpu.memory_space<vmem_shared>> -> memref<51200xf32, #tpu.memory_space<vmem_shared>>
      tpu.enqueue_indirect_dma source(%dma_start3A_229 : memref<51200xf32, #tpu.memory_space<vmem_shared>>) target(%dma_start3A_224 : memref<125xf32, #tpu.memory_space<vmem>>) offsets(%dma_start3A_227 : memref<125xi32, #tpu.memory_space<vmem>>) semaphore(%arg43 : memref<!tpu.dma_semaphore, #tpu.memory_space<semaphore_mem>>)
      %dma_start3A_230 = arith.constant 1 : i32
      %dma_start3A_231 = arith.constant 1 : i32
      %dma_start3A_232 = arith.constant 0 : i32
      %dma_start3A_233 = arith.constant 0 : i32
      %dma_start3A_234 = tpu.memref_slice %arg20[%dma_start3A_231, %dma_start3A_232, %dma_start3A_233] : memref<12x12x125xf32, #tpu.memory_space<vmem>> -> memref<1x1x125xf32, #tpu.memory_space<vmem>>
      %dma_start3A_235 = tpu.memref_squeeze %dma_start3A_234 : memref<1x1x125xf32, #tpu.memory_space<vmem>> -> memref<125xf32, #tpu.memory_space<vmem>>
      %dma_start3A_236 = arith.constant 0 : i32
      %dma_start3A_237 = tpu.memref_slice %arg18[%dma_start3A_230, %dma_start3A_236] : memref<80x125xi32, #tpu.memory_space<vmem>> -> memref<1x125xi32, #tpu.memory_space<vmem>>
      %dma_start3A_238 = tpu.memref_squeeze %dma_start3A_237 : memref<1x125xi32, #tpu.memory_space<vmem>> -> memref<125xi32, #tpu.memory_space<vmem>>
      %dma_start3A_239 = arith.constant 0 : i32
      %dma_start3A_240 = tpu.memref_slice %arg2[%dma_start3A_239] : memref<51200xf32, #tpu.memory_space<hbm>> -> memref<51200xf32, #tpu.memory_space<hbm>>
      tpu.enqueue_indirect_dma source(%dma_start3A_240 : memref<51200xf32, #tpu.memory_space<hbm>>) target(%dma_start3A_235 : memref<125xf32, #tpu.memory_space<vmem>>) offsets(%dma_start3A_238 : memref<125xi32, #tpu.memory_space<vmem>>) semaphore(%arg42 : memref<!tpu.dma_semaphore, #tpu.memory_space<semaphore_mem>>)
      %dma_start3A_241 = arith.constant 1 : i32
      %dma_start3A_242 = arith.constant 1 : i32
      %dma_start3A_243 = arith.constant 1 : i32
      %dma_start3A_244 = arith.constant 0 : i32
      %dma_start3A_245 = tpu.memref_slice %arg20[%dma_start3A_242, %dma_start3A_243, %dma_start3A_244] : memref<12x12x125xf32, #tpu.memory_space<vmem>> -> memref<1x1x125xf32, #tpu.memory_space<vmem>>
      %dma_start3A_246 = tpu.memref_squeeze %dma_start3A_245 : memref<1x1x125xf32, #tpu.memory_space<vmem>> -> memref<125xf32, #tpu.memory_space<vmem>>
      %dma_start3A_247 = arith.constant 0 : i32
      %dma_start3A_248 = tpu.memref_slice %arg18[%dma_start3A_241, %dma_start3A_247] : memref<80x125xi32, #tpu.memory_space<vmem>> -> memref<1x125xi32, #tpu.memory_space<vmem>>
      %dma_start3A_249 = tpu.memref_squeeze %dma_start3A_248 : memref<1x125xi32, #tpu.memory_space<vmem>> -> memref<125xi32, #tpu.memory_space<vmem>>
      %dma_start3A_250 = arith.constant 0 : i32
      %dma_start3A_251 = tpu.memref_slice %arg3[%dma_start3A_250] : memref<51200xf32, #tpu.memory_space<hbm>> -> memref<51200xf32, #tpu.memory_space<hbm>>
      tpu.enqueue_indirect_dma source(%dma_start3A_251 : memref<51200xf32, #tpu.memory_space<hbm>>) target(%dma_start3A_246 : memref<125xf32, #tpu.memory_space<vmem>>) offsets(%dma_start3A_249 : memref<125xi32, #tpu.memory_space<vmem>>) semaphore(%arg42 : memref<!tpu.dma_semaphore, #tpu.memory_space<semaphore_mem>>)
      %dma_start3A_252 = arith.constant 1 : i32
      %dma_start3A_253 = arith.constant 1 : i32
      %dma_start3A_254 = arith.constant 2 : i32
      %dma_start3A_255 = arith.constant 0 : i32
      %dma_start3A_256 = tpu.memref_slice %arg20[%dma_start3A_253, %dma_start3A_254, %dma_start3A_255] : memref<12x12x125xf32, #tpu.memory_space<vmem>> -> memref<1x1x125xf32, #tpu.memory_space<vmem>>
      %dma_start3A_257 = tpu.memref_squeeze %dma_start3A_256 : memref<1x1x125xf32, #tpu.memory_space<vmem>> -> memref<125xf32, #tpu.memory_space<vmem>>
      %dma_start3A_258 = arith.constant 0 : i32
      %dma_start3A_259 = tpu.memref_slice %arg18[%dma_start3A_252, %dma_start3A_258] : memref<80x125xi32, #tpu.memory_space<vmem>> -> memref<1x125xi32, #tpu.memory_space<vmem>>
      %dma_start3A_260 = tpu.memref_squeeze %dma_start3A_259 : memref<1x125xi32, #tpu.memory_space<vmem>> -> memref<125xi32, #tpu.memory_space<vmem>>
      %dma_start3A_261 = arith.constant 0 : i32
      %dma_start3A_262 = tpu.memref_slice %arg4[%dma_start3A_261] : memref<51200xf32, #tpu.memory_space<hbm>> -> memref<51200xf32, #tpu.memory_space<hbm>>
      tpu.enqueue_indirect_dma source(%dma_start3A_262 : memref<51200xf32, #tpu.memory_space<hbm>>) target(%dma_start3A_257 : memref<125xf32, #tpu.memory_space<vmem>>) offsets(%dma_start3A_260 : memref<125xi32, #tpu.memory_space<vmem>>) semaphore(%arg42 : memref<!tpu.dma_semaphore, #tpu.memory_space<semaphore_mem>>)
      %dma_start3A_263 = arith.constant 1 : i32
      %dma_start3A_264 = arith.constant 1 : i32
      %dma_start3A_265 = arith.constant 3 : i32
      %dma_start3A_266 = arith.constant 0 : i32
      %dma_start3A_267 = tpu.memref_slice %arg20[%dma_start3A_264, %dma_start3A_265, %dma_start3A_266] : memref<12x12x125xf32, #tpu.memory_space<vmem>> -> memref<1x1x125xf32, #tpu.memory_space<vmem>>
      %dma_start3A_268 = tpu.memref_squeeze %dma_start3A_267 : memref<1x1x125xf32, #tpu.memory_space<vmem>> -> memref<125xf32, #tpu.memory_space<vmem>>
      %dma_start3A_269 = arith.constant 0 : i32
      %dma_start3A_270 = tpu.memref_slice %arg18[%dma_start3A_263, %dma_start3A_269] : memref<80x125xi32, #tpu.memory_space<vmem>> -> memref<1x125xi32, #tpu.memory_space<vmem>>
      %dma_start3A_271 = tpu.memref_squeeze %dma_start3A_270 : memref<1x125xi32, #tpu.memory_space<vmem>> -> memref<125xi32, #tpu.memory_space<vmem>>
      %dma_start3A_272 = arith.constant 0 : i32
      %dma_start3A_273 = tpu.memref_slice %arg5[%dma_start3A_272] : memref<51200xf32, #tpu.memory_space<hbm>> -> memref<51200xf32, #tpu.memory_space<hbm>>
      tpu.enqueue_indirect_dma source(%dma_start3A_273 : memref<51200xf32, #tpu.memory_space<hbm>>) target(%dma_start3A_268 : memref<125xf32, #tpu.memory_space<vmem>>) offsets(%dma_start3A_271 : memref<125xi32, #tpu.memory_space<vmem>>) semaphore(%arg42 : memref<!tpu.dma_semaphore, #tpu.memory_space<semaphore_mem>>)
      %dma_start3A_274 = arith.constant 1 : i32
      %dma_start3A_275 = arith.constant 1 : i32
      %dma_start3A_276 = arith.constant 4 : i32
      %dma_start3A_277 = arith.constant 0 : i32
      %dma_start3A_278 = tpu.memref_slice %arg20[%dma_start3A_275, %dma_start3A_276, %dma_start3A_277] : memref<12x12x125xf32, #tpu.memory_space<vmem>> -> memref<1x1x125xf32, #tpu.memory_space<vmem>>
      %dma_start3A_279 = tpu.memref_squeeze %dma_start3A_278 : memref<1x1x125xf32, #tpu.memory_space<vmem>> -> memref<125xf32, #tpu.memory_space<vmem>>
      %dma_start3A_280 = arith.constant 0 : i32
      %dma_start3A_281 = tpu.memref_slice %arg18[%dma_start3A_274, %dma_start3A_280] : memref<80x125xi32, #tpu.memory_space<vmem>> -> memref<1x125xi32, #tpu.memory_space<vmem>>
      %dma_start3A_282 = tpu.memref_squeeze %dma_start3A_281 : memref<1x125xi32, #tpu.memory_space<vmem>> -> memref<125xi32, #tpu.memory_space<vmem>>
      %dma_start3A_283 = arith.constant 0 : i32
      %dma_start3A_284 = tpu.memref_slice %arg34[%dma_start3A_283] : memref<51200xf32, #tpu.memory_space<vmem_shared>> -> memref<51200xf32, #tpu.memory_space<vmem_shared>>
      tpu.enqueue_indirect_dma source(%dma_start3A_284 : memref<51200xf32, #tpu.memory_space<vmem_shared>>) target(%dma_start3A_279 : memref<125xf32, #tpu.memory_space<vmem>>) offsets(%dma_start3A_282 : memref<125xi32, #tpu.memory_space<vmem>>) semaphore(%arg43 : memref<!tpu.dma_semaphore, #tpu.memory_space<semaphore_mem>>)
      %dma_start3A_285 = arith.constant 1 : i32
      %dma_start3A_286 = arith.constant 1 : i32
      %dma_start3A_287 = arith.constant 5 : i32
      %dma_start3A_288 = arith.constant 0 : i32
      %dma_start3A_289 = tpu.memref_slice %arg20[%dma_start3A_286, %dma_start3A_287, %dma_start3A_288] : memref<12x12x125xf32, #tpu.memory_space<vmem>> -> memref<1x1x125xf32, #tpu.memory_space<vmem>>
      %dma_start3A_290 = tpu.memref_squeeze %dma_start3A_289 : memref<1x1x125xf32, #tpu.memory_space<vmem>> -> memref<125xf32, #tpu.memory_space<vmem>>
      %dma_start3A_291 = arith.constant 0 : i32
      %dma_start3A_292 = tpu.memref_slice %arg18[%dma_start3A_285, %dma_start3A_291] : memref<80x125xi32, #tpu.memory_space<vmem>> -> memref<1x125xi32, #tpu.memory_space<vmem>>
      %dma_start3A_293 = tpu.memref_squeeze %dma_start3A_292 : memref<1x125xi32, #tpu.memory_space<vmem>> -> memref<125xi32, #tpu.memory_space<vmem>>
      %dma_start3A_294 = arith.constant 0 : i32
      %dma_start3A_295 = tpu.memref_slice %arg35[%dma_start3A_294] : memref<51200xf32, #tpu.memory_space<vmem_shared>> -> memref<51200xf32, #tpu.memory_space<vmem_shared>>
      tpu.enqueue_indirect_dma source(%dma_start3A_295 : memref<51200xf32, #tpu.memory_space<vmem_shared>>) target(%dma_start3A_290 : memref<125xf32, #tpu.memory_space<vmem>>) offsets(%dma_start3A_293 : memref<125xi32, #tpu.memory_space<vmem>>) semaphore(%arg43 : memref<!tpu.dma_semaphore, #tpu.memory_space<semaphore_mem>>)
      %dma_start3A_296 = arith.constant 1 : i32
      %dma_start3A_297 = arith.constant 1 : i32
      %dma_start3A_298 = arith.constant 6 : i32
      %dma_start3A_299 = arith.constant 0 : i32
      %dma_start3A_300 = tpu.memref_slice %arg20[%dma_start3A_297, %dma_start3A_298, %dma_start3A_299] : memref<12x12x125xf32, #tpu.memory_space<vmem>> -> memref<1x1x125xf32, #tpu.memory_space<vmem>>
      %dma_start3A_301 = tpu.memref_squeeze %dma_start3A_300 : memref<1x1x125xf32, #tpu.memory_space<vmem>> -> memref<125xf32, #tpu.memory_space<vmem>>
      %dma_start3A_302 = arith.constant 0 : i32
      %dma_start3A_303 = tpu.memref_slice %arg18[%dma_start3A_296, %dma_start3A_302] : memref<80x125xi32, #tpu.memory_space<vmem>> -> memref<1x125xi32, #tpu.memory_space<vmem>>
      %dma_start3A_304 = tpu.memref_squeeze %dma_start3A_303 : memref<1x125xi32, #tpu.memory_space<vmem>> -> memref<125xi32, #tpu.memory_space<vmem>>
      %dma_start3A_305 = arith.constant 0 : i32
      %dma_start3A_306 = tpu.memref_slice %arg36[%dma_start3A_305] : memref<51200xf32, #tpu.memory_space<vmem_shared>> -> memref<51200xf32, #tpu.memory_space<vmem_shared>>
      tpu.enqueue_indirect_dma source(%dma_start3A_306 : memref<51200xf32, #tpu.memory_space<vmem_shared>>) target(%dma_start3A_301 : memref<125xf32, #tpu.memory_space<vmem>>) offsets(%dma_start3A_304 : memref<125xi32, #tpu.memory_space<vmem>>) semaphore(%arg43 : memref<!tpu.dma_semaphore, #tpu.memory_space<semaphore_mem>>)
      %dma_start3A_307 = arith.constant 1 : i32
      %dma_start3A_308 = arith.constant 1 : i32
      %dma_start3A_309 = arith.constant 7 : i32
      %dma_start3A_310 = arith.constant 0 : i32
      %dma_start3A_311 = tpu.memref_slice %arg20[%dma_start3A_308, %dma_start3A_309, %dma_start3A_310] : memref<12x12x125xf32, #tpu.memory_space<vmem>> -> memref<1x1x125xf32, #tpu.memory_space<vmem>>
      %dma_start3A_312 = tpu.memref_squeeze %dma_start3A_311 : memref<1x1x125xf32, #tpu.memory_space<vmem>> -> memref<125xf32, #tpu.memory_space<vmem>>
      %dma_start3A_313 = arith.constant 0 : i32
      %dma_start3A_314 = tpu.memref_slice %arg18[%dma_start3A_307, %dma_start3A_313] : memref<80x125xi32, #tpu.memory_space<vmem>> -> memref<1x125xi32, #tpu.memory_space<vmem>>
      %dma_start3A_315 = tpu.memref_squeeze %dma_start3A_314 : memref<1x125xi32, #tpu.memory_space<vmem>> -> memref<125xi32, #tpu.memory_space<vmem>>
      %dma_start3A_316 = arith.constant 0 : i32
      %dma_start3A_317 = tpu.memref_slice %arg37[%dma_start3A_316] : memref<51200xf32, #tpu.memory_space<vmem_shared>> -> memref<51200xf32, #tpu.memory_space<vmem_shared>>
      tpu.enqueue_indirect_dma source(%dma_start3A_317 : memref<51200xf32, #tpu.memory_space<vmem_shared>>) target(%dma_start3A_312 : memref<125xf32, #tpu.memory_space<vmem>>) offsets(%dma_start3A_315 : memref<125xi32, #tpu.memory_space<vmem>>) semaphore(%arg43 : memref<!tpu.dma_semaphore, #tpu.memory_space<semaphore_mem>>)
      %dma_start3A_318 = arith.constant 1 : i32
      %dma_start3A_319 = arith.constant 1 : i32
      %dma_start3A_320 = arith.constant 8 : i32
      %dma_start3A_321 = arith.constant 0 : i32
      %dma_start3A_322 = tpu.memref_slice %arg20[%dma_start3A_319, %dma_start3A_320, %dma_start3A_321] : memref<12x12x125xf32, #tpu.memory_space<vmem>> -> memref<1x1x125xf32, #tpu.memory_space<vmem>>
      %dma_start3A_323 = tpu.memref_squeeze %dma_start3A_322 : memref<1x1x125xf32, #tpu.memory_space<vmem>> -> memref<125xf32, #tpu.memory_space<vmem>>
      %dma_start3A_324 = arith.constant 0 : i32
      %dma_start3A_325 = tpu.memref_slice %arg18[%dma_start3A_318, %dma_start3A_324] : memref<80x125xi32, #tpu.memory_space<vmem>> -> memref<1x125xi32, #tpu.memory_space<vmem>>
      %dma_start3A_326 = tpu.memref_squeeze %dma_start3A_325 : memref<1x125xi32, #tpu.memory_space<vmem>> -> memref<125xi32, #tpu.memory_space<vmem>>
      %dma_start3A_327 = arith.constant 0 : i32
      %dma_start3A_328 = tpu.memref_slice %arg38[%dma_start3A_327] : memref<51200xf32, #tpu.memory_space<vmem_shared>> -> memref<51200xf32, #tpu.memory_space<vmem_shared>>
      tpu.enqueue_indirect_dma source(%dma_start3A_328 : memref<51200xf32, #tpu.memory_space<vmem_shared>>) target(%dma_start3A_323 : memref<125xf32, #tpu.memory_space<vmem>>) offsets(%dma_start3A_326 : memref<125xi32, #tpu.memory_space<vmem>>) semaphore(%arg43 : memref<!tpu.dma_semaphore, #tpu.memory_space<semaphore_mem>>)
      %dma_start3A_329 = arith.constant 1 : i32
      %dma_start3A_330 = arith.constant 1 : i32
      %dma_start3A_331 = arith.constant 9 : i32
      %dma_start3A_332 = arith.constant 0 : i32
      %dma_start3A_333 = tpu.memref_slice %arg20[%dma_start3A_330, %dma_start3A_331, %dma_start3A_332] : memref<12x12x125xf32, #tpu.memory_space<vmem>> -> memref<1x1x125xf32, #tpu.memory_space<vmem>>
      %dma_start3A_334 = tpu.memref_squeeze %dma_start3A_333 : memref<1x1x125xf32, #tpu.memory_space<vmem>> -> memref<125xf32, #tpu.memory_space<vmem>>
      %dma_start3A_335 = arith.constant 0 : i32
      %dma_start3A_336 = tpu.memref_slice %arg18[%dma_start3A_329, %dma_start3A_335] : memref<80x125xi32, #tpu.memory_space<vmem>> -> memref<1x125xi32, #tpu.memory_space<vmem>>
      %dma_start3A_337 = tpu.memref_squeeze %dma_start3A_336 : memref<1x125xi32, #tpu.memory_space<vmem>> -> memref<125xi32, #tpu.memory_space<vmem>>
      %dma_start3A_338 = arith.constant 0 : i32
      %dma_start3A_339 = tpu.memref_slice %arg39[%dma_start3A_338] : memref<51200xf32, #tpu.memory_space<vmem_shared>> -> memref<51200xf32, #tpu.memory_space<vmem_shared>>
      tpu.enqueue_indirect_dma source(%dma_start3A_339 : memref<51200xf32, #tpu.memory_space<vmem_shared>>) target(%dma_start3A_334 : memref<125xf32, #tpu.memory_space<vmem>>) offsets(%dma_start3A_337 : memref<125xi32, #tpu.memory_space<vmem>>) semaphore(%arg43 : memref<!tpu.dma_semaphore, #tpu.memory_space<semaphore_mem>>)
      %dma_start3A_340 = arith.constant 1 : i32
      %dma_start3A_341 = arith.constant 1 : i32
      %dma_start3A_342 = arith.constant 10 : i32
      %dma_start3A_343 = arith.constant 0 : i32
      %dma_start3A_344 = tpu.memref_slice %arg20[%dma_start3A_341, %dma_start3A_342, %dma_start3A_343] : memref<12x12x125xf32, #tpu.memory_space<vmem>> -> memref<1x1x125xf32, #tpu.memory_space<vmem>>
      %dma_start3A_345 = tpu.memref_squeeze %dma_start3A_344 : memref<1x1x125xf32, #tpu.memory_space<vmem>> -> memref<125xf32, #tpu.memory_space<vmem>>
      %dma_start3A_346 = arith.constant 0 : i32
      %dma_start3A_347 = tpu.memref_slice %arg18[%dma_start3A_340, %dma_start3A_346] : memref<80x125xi32, #tpu.memory_space<vmem>> -> memref<1x125xi32, #tpu.memory_space<vmem>>
      %dma_start3A_348 = tpu.memref_squeeze %dma_start3A_347 : memref<1x125xi32, #tpu.memory_space<vmem>> -> memref<125xi32, #tpu.memory_space<vmem>>
      %dma_start3A_349 = arith.constant 0 : i32
      %dma_start3A_350 = tpu.memref_slice %arg40[%dma_start3A_349] : memref<51200xf32, #tpu.memory_space<vmem_shared>> -> memref<51200xf32, #tpu.memory_space<vmem_shared>>
      tpu.enqueue_indirect_dma source(%dma_start3A_350 : memref<51200xf32, #tpu.memory_space<vmem_shared>>) target(%dma_start3A_345 : memref<125xf32, #tpu.memory_space<vmem>>) offsets(%dma_start3A_348 : memref<125xi32, #tpu.memory_space<vmem>>) semaphore(%arg43 : memref<!tpu.dma_semaphore, #tpu.memory_space<semaphore_mem>>)
      %dma_start3A_351 = arith.constant 1 : i32
      %dma_start3A_352 = arith.constant 1 : i32
      %dma_start3A_353 = arith.constant 11 : i32
      %dma_start3A_354 = arith.constant 0 : i32
      %dma_start3A_355 = tpu.memref_slice %arg20[%dma_start3A_352, %dma_start3A_353, %dma_start3A_354] : memref<12x12x125xf32, #tpu.memory_space<vmem>> -> memref<1x1x125xf32, #tpu.memory_space<vmem>>
      %dma_start3A_356 = tpu.memref_squeeze %dma_start3A_355 : memref<1x1x125xf32, #tpu.memory_space<vmem>> -> memref<125xf32, #tpu.memory_space<vmem>>
      %dma_start3A_357 = arith.constant 0 : i32
      %dma_start3A_358 = tpu.memref_slice %arg18[%dma_start3A_351, %dma_start3A_357] : memref<80x125xi32, #tpu.memory_space<vmem>> -> memref<1x125xi32, #tpu.memory_space<vmem>>
      %dma_start3A_359 = tpu.memref_squeeze %dma_start3A_358 : memref<1x125xi32, #tpu.memory_space<vmem>> -> memref<125xi32, #tpu.memory_space<vmem>>
      %dma_start3A_360 = arith.constant 0 : i32
      %dma_start3A_361 = tpu.memref_slice %arg41[%dma_start3A_360] : memref<51200xf32, #tpu.memory_space<vmem_shared>> -> memref<51200xf32, #tpu.memory_space<vmem_shared>>
      tpu.enqueue_indirect_dma source(%dma_start3A_361 : memref<51200xf32, #tpu.memory_space<vmem_shared>>) target(%dma_start3A_356 : memref<125xf32, #tpu.memory_space<vmem>>) offsets(%dma_start3A_359 : memref<125xi32, #tpu.memory_space<vmem>>) semaphore(%arg43 : memref<!tpu.dma_semaphore, #tpu.memory_space<semaphore_mem>>)
      %dma_start3A_362 = arith.constant 2 : i32
      %dma_start3A_363 = arith.constant 2 : i32
      %dma_start3A_364 = arith.constant 0 : i32
      %dma_start3A_365 = arith.constant 0 : i32
      %dma_start3A_366 = tpu.memref_slice %arg20[%dma_start3A_363, %dma_start3A_364, %dma_start3A_365] : memref<12x12x125xf32, #tpu.memory_space<vmem>> -> memref<1x1x125xf32, #tpu.memory_space<vmem>>
      %dma_start3A_367 = tpu.memref_squeeze %dma_start3A_366 : memref<1x1x125xf32, #tpu.memory_space<vmem>> -> memref<125xf32, #tpu.memory_space<vmem>>
      %dma_start3A_368 = arith.constant 0 : i32
      %dma_start3A_369 = tpu.memref_slice %arg18[%dma_start3A_362, %dma_start3A_368] : memref<80x125xi32, #tpu.memory_space<vmem>> -> memref<1x125xi32, #tpu.memory_space<vmem>>
      %dma_start3A_370 = tpu.memref_squeeze %dma_start3A_369 : memref<1x125xi32, #tpu.memory_space<vmem>> -> memref<125xi32, #tpu.memory_space<vmem>>
      %dma_start3A_371 = arith.constant 0 : i32
      %dma_start3A_372 = tpu.memref_slice %arg2[%dma_start3A_371] : memref<51200xf32, #tpu.memory_space<hbm>> -> memref<51200xf32, #tpu.memory_space<hbm>>
      tpu.enqueue_indirect_dma source(%dma_start3A_372 : memref<51200xf32, #tpu.memory_space<hbm>>) target(%dma_start3A_367 : memref<125xf32, #tpu.memory_space<vmem>>) offsets(%dma_start3A_370 : memref<125xi32, #tpu.memory_space<vmem>>) semaphore(%arg42 : memref<!tpu.dma_semaphore, #tpu.memory_space<semaphore_mem>>)
      %dma_start3A_373 = arith.constant 2 : i32
      %dma_start3A_374 = arith.constant 2 : i32
      %dma_start3A_375 = arith.constant 1 : i32
      %dma_start3A_376 = arith.constant 0 : i32
      %dma_start3A_377 = tpu.memref_slice %arg20[%dma_start3A_374, %dma_start3A_375, %dma_start3A_376] : memref<12x12x125xf32, #tpu.memory_space<vmem>> -> memref<1x1x125xf32, #tpu.memory_space<vmem>>
      %dma_start3A_378 = tpu.memref_squeeze %dma_start3A_377 : memref<1x1x125xf32, #tpu.memory_space<vmem>> -> memref<125xf32, #tpu.memory_space<vmem>>
      %dma_start3A_379 = arith.constant 0 : i32
      %dma_start3A_380 = tpu.memref_slice %arg18[%dma_start3A_373, %dma_start3A_379] : memref<80x125xi32, #tpu.memory_space<vmem>> -> memref<1x125xi32, #tpu.memory_space<vmem>>
      %dma_start3A_381 = tpu.memref_squeeze %dma_start3A_380 : memref<1x125xi32, #tpu.memory_space<vmem>> -> memref<125xi32, #tpu.memory_space<vmem>>
      %dma_start3A_382 = arith.constant 0 : i32
      %dma_start3A_383 = tpu.memref_slice %arg3[%dma_start3A_382] : memref<51200xf32, #tpu.memory_space<hbm>> -> memref<51200xf32, #tpu.memory_space<hbm>>
      tpu.enqueue_indirect_dma source(%dma_start3A_383 : memref<51200xf32, #tpu.memory_space<hbm>>) target(%dma_start3A_378 : memref<125xf32, #tpu.memory_space<vmem>>) offsets(%dma_start3A_381 : memref<125xi32, #tpu.memory_space<vmem>>) semaphore(%arg42 : memref<!tpu.dma_semaphore, #tpu.memory_space<semaphore_mem>>)
      %dma_start3A_384 = arith.constant 2 : i32
      %dma_start3A_385 = arith.constant 2 : i32
      %dma_start3A_386 = arith.constant 2 : i32
      %dma_start3A_387 = arith.constant 0 : i32
      %dma_start3A_388 = tpu.memref_slice %arg20[%dma_start3A_385, %dma_start3A_386, %dma_start3A_387] : memref<12x12x125xf32, #tpu.memory_space<vmem>> -> memref<1x1x125xf32, #tpu.memory_space<vmem>>
      %dma_start3A_389 = tpu.memref_squeeze %dma_start3A_388 : memref<1x1x125xf32, #tpu.memory_space<vmem>> -> memref<125xf32, #tpu.memory_space<vmem>>
      %dma_start3A_390 = arith.constant 0 : i32
      %dma_start3A_391 = tpu.memref_slice %arg18[%dma_start3A_384, %dma_start3A_390] : memref<80x125xi32, #tpu.memory_space<vmem>> -> memref<1x125xi32, #tpu.memory_space<vmem>>
      %dma_start3A_392 = tpu.memref_squeeze %dma_start3A_391 : memref<1x125xi32, #tpu.memory_space<vmem>> -> memref<125xi32, #tpu.memory_space<vmem>>
      %dma_start3A_393 = arith.constant 0 : i32
      %dma_start3A_394 = tpu.memref_slice %arg4[%dma_start3A_393] : memref<51200xf32, #tpu.memory_space<hbm>> -> memref<51200xf32, #tpu.memory_space<hbm>>
      tpu.enqueue_indirect_dma source(%dma_start3A_394 : memref<51200xf32, #tpu.memory_space<hbm>>) target(%dma_start3A_389 : memref<125xf32, #tpu.memory_space<vmem>>) offsets(%dma_start3A_392 : memref<125xi32, #tpu.memory_space<vmem>>) semaphore(%arg42 : memref<!tpu.dma_semaphore, #tpu.memory_space<semaphore_mem>>)
      %dma_start3A_395 = arith.constant 2 : i32
      %dma_start3A_396 = arith.constant 2 : i32
      %dma_start3A_397 = arith.constant 3 : i32
      %dma_start3A_398 = arith.constant 0 : i32
      %dma_start3A_399 = tpu.memref_slice %arg20[%dma_start3A_396, %dma_start3A_397, %dma_start3A_398] : memref<12x12x125xf32, #tpu.memory_space<vmem>> -> memref<1x1x125xf32, #tpu.memory_space<vmem>>
      %dma_start3A_400 = tpu.memref_squeeze %dma_start3A_399 : memref<1x1x125xf32, #tpu.memory_space<vmem>> -> memref<125xf32, #tpu.memory_space<vmem>>
      %dma_start3A_401 = arith.constant 0 : i32
      %dma_start3A_402 = tpu.memref_slice %arg18[%dma_start3A_395, %dma_start3A_401] : memref<80x125xi32, #tpu.memory_space<vmem>> -> memref<1x125xi32, #tpu.memory_space<vmem>>
      %dma_start3A_403 = tpu.memref_squeeze %dma_start3A_402 : memref<1x125xi32, #tpu.memory_space<vmem>> -> memref<125xi32, #tpu.memory_space<vmem>>
      %dma_start3A_404 = arith.constant 0 : i32
      %dma_start3A_405 = tpu.memref_slice %arg5[%dma_start3A_404] : memref<51200xf32, #tpu.memory_space<hbm>> -> memref<51200xf32, #tpu.memory_space<hbm>>
      tpu.enqueue_indirect_dma source(%dma_start3A_405 : memref<51200xf32, #tpu.memory_space<hbm>>) target(%dma_start3A_400 : memref<125xf32, #tpu.memory_space<vmem>>) offsets(%dma_start3A_403 : memref<125xi32, #tpu.memory_space<vmem>>) semaphore(%arg42 : memref<!tpu.dma_semaphore, #tpu.memory_space<semaphore_mem>>)
      %dma_start3A_406 = arith.constant 2 : i32
      %dma_start3A_407 = arith.constant 2 : i32
      %dma_start3A_408 = arith.constant 4 : i32
      %dma_start3A_409 = arith.constant 0 : i32
      %dma_start3A_410 = tpu.memref_slice %arg20[%dma_start3A_407, %dma_start3A_408, %dma_start3A_409] : memref<12x12x125xf32, #tpu.memory_space<vmem>> -> memref<1x1x125xf32, #tpu.memory_space<vmem>>
      %dma_start3A_411 = tpu.memref_squeeze %dma_start3A_410 : memref<1x1x125xf32, #tpu.memory_space<vmem>> -> memref<125xf32, #tpu.memory_space<vmem>>
      %dma_start3A_412 = arith.constant 0 : i32
      %dma_start3A_413 = tpu.memref_slice %arg18[%dma_start3A_406, %dma_start3A_412] : memref<80x125xi32, #tpu.memory_space<vmem>> -> memref<1x125xi32, #tpu.memory_space<vmem>>
      %dma_start3A_414 = tpu.memref_squeeze %dma_start3A_413 : memref<1x125xi32, #tpu.memory_space<vmem>> -> memref<125xi32, #tpu.memory_space<vmem>>
      %dma_start3A_415 = arith.constant 0 : i32
      %dma_start3A_416 = tpu.memref_slice %arg34[%dma_start3A_415] : memref<51200xf32, #tpu.memory_space<vmem_shared>> -> memref<51200xf32, #tpu.memory_space<vmem_shared>>
      tpu.enqueue_indirect_dma source(%dma_start3A_416 : memref<51200xf32, #tpu.memory_space<vmem_shared>>) target(%dma_start3A_411 : memref<125xf32, #tpu.memory_space<vmem>>) offsets(%dma_start3A_414 : memref<125xi32, #tpu.memory_space<vmem>>) semaphore(%arg43 : memref<!tpu.dma_semaphore, #tpu.memory_space<semaphore_mem>>)
      %dma_start3A_417 = arith.constant 2 : i32
      %dma_start3A_418 = arith.constant 2 : i32
      %dma_start3A_419 = arith.constant 5 : i32
      %dma_start3A_420 = arith.constant 0 : i32
      %dma_start3A_421 = tpu.memref_slice %arg20[%dma_start3A_418, %dma_start3A_419, %dma_start3A_420] : memref<12x12x125xf32, #tpu.memory_space<vmem>> -> memref<1x1x125xf32, #tpu.memory_space<vmem>>
      %dma_start3A_422 = tpu.memref_squeeze %dma_start3A_421 : memref<1x1x125xf32, #tpu.memory_space<vmem>> -> memref<125xf32, #tpu.memory_space<vmem>>
      %dma_start3A_423 = arith.constant 0 : i32
      %dma_start3A_424 = tpu.memref_slice %arg18[%dma_start3A_417, %dma_start3A_423] : memref<80x125xi32, #tpu.memory_space<vmem>> -> memref<1x125xi32, #tpu.memory_space<vmem>>
      %dma_start3A_425 = tpu.memref_squeeze %dma_start3A_424 : memref<1x125xi32, #tpu.memory_space<vmem>> -> memref<125xi32, #tpu.memory_space<vmem>>
      %dma_start3A_426 = arith.constant 0 : i32
      %dma_start3A_427 = tpu.memref_slice %arg35[%dma_start3A_426] : memref<51200xf32, #tpu.memory_space<vmem_shared>> -> memref<51200xf32, #tpu.memory_space<vmem_shared>>
      tpu.enqueue_indirect_dma source(%dma_start3A_427 : memref<51200xf32, #tpu.memory_space<vmem_shared>>) target(%dma_start3A_422 : memref<125xf32, #tpu.memory_space<vmem>>) offsets(%dma_start3A_425 : memref<125xi32, #tpu.memory_space<vmem>>) semaphore(%arg43 : memref<!tpu.dma_semaphore, #tpu.memory_space<semaphore_mem>>)
      %dma_start3A_428 = arith.constant 2 : i32
      %dma_start3A_429 = arith.constant 2 : i32
      %dma_start3A_430 = arith.constant 6 : i32
      %dma_start3A_431 = arith.constant 0 : i32
      %dma_start3A_432 = tpu.memref_slice %arg20[%dma_start3A_429, %dma_start3A_430, %dma_start3A_431] : memref<12x12x125xf32, #tpu.memory_space<vmem>> -> memref<1x1x125xf32, #tpu.memory_space<vmem>>
      %dma_start3A_433 = tpu.memref_squeeze %dma_start3A_432 : memref<1x1x125xf32, #tpu.memory_space<vmem>> -> memref<125xf32, #tpu.memory_space<vmem>>
      %dma_start3A_434 = arith.constant 0 : i32
      %dma_start3A_435 = tpu.memref_slice %arg18[%dma_start3A_428, %dma_start3A_434] : memref<80x125xi32, #tpu.memory_space<vmem>> -> memref<1x125xi32, #tpu.memory_space<vmem>>
      %dma_start3A_436 = tpu.memref_squeeze %dma_start3A_435 : memref<1x125xi32, #tpu.memory_space<vmem>> -> memref<125xi32, #tpu.memory_space<vmem>>
      %dma_start3A_437 = arith.constant 0 : i32
      %dma_start3A_438 = tpu.memref_slice %arg36[%dma_start3A_437] : memref<51200xf32, #tpu.memory_space<vmem_shared>> -> memref<51200xf32, #tpu.memory_space<vmem_shared>>
      tpu.enqueue_indirect_dma source(%dma_start3A_438 : memref<51200xf32, #tpu.memory_space<vmem_shared>>) target(%dma_start3A_433 : memref<125xf32, #tpu.memory_space<vmem>>) offsets(%dma_start3A_436 : memref<125xi32, #tpu.memory_space<vmem>>) semaphore(%arg43 : memref<!tpu.dma_semaphore, #tpu.memory_space<semaphore_mem>>)
      %dma_start3A_439 = arith.constant 2 : i32
      %dma_start3A_440 = arith.constant 2 : i32
      %dma_start3A_441 = arith.constant 7 : i32
      %dma_start3A_442 = arith.constant 0 : i32
      %dma_start3A_443 = tpu.memref_slice %arg20[%dma_start3A_440, %dma_start3A_441, %dma_start3A_442] : memref<12x12x125xf32, #tpu.memory_space<vmem>> -> memref<1x1x125xf32, #tpu.memory_space<vmem>>
      %dma_start3A_444 = tpu.memref_squeeze %dma_start3A_443 : memref<1x1x125xf32, #tpu.memory_space<vmem>> -> memref<125xf32, #tpu.memory_space<vmem>>
      %dma_start3A_445 = arith.constant 0 : i32
      %dma_start3A_446 = tpu.memref_slice %arg18[%dma_start3A_439, %dma_start3A_445] : memref<80x125xi32, #tpu.memory_space<vmem>> -> memref<1x125xi32, #tpu.memory_space<vmem>>
      %dma_start3A_447 = tpu.memref_squeeze %dma_start3A_446 : memref<1x125xi32, #tpu.memory_space<vmem>> -> memref<125xi32, #tpu.memory_space<vmem>>
      %dma_start3A_448 = arith.constant 0 : i32
      %dma_start3A_449 = tpu.memref_slice %arg37[%dma_start3A_448] : memref<51200xf32, #tpu.memory_space<vmem_shared>> -> memref<51200xf32, #tpu.memory_space<vmem_shared>>
      tpu.enqueue_indirect_dma source(%dma_start3A_449 : memref<51200xf32, #tpu.memory_space<vmem_shared>>) target(%dma_start3A_444 : memref<125xf32, #tpu.memory_space<vmem>>) offsets(%dma_start3A_447 : memref<125xi32, #tpu.memory_space<vmem>>) semaphore(%arg43 : memref<!tpu.dma_semaphore, #tpu.memory_space<semaphore_mem>>)
      %dma_start3A_450 = arith.constant 2 : i32
      %dma_start3A_451 = arith.constant 2 : i32
      %dma_start3A_452 = arith.constant 8 : i32
      %dma_start3A_453 = arith.constant 0 : i32
      %dma_start3A_454 = tpu.memref_slice %arg20[%dma_start3A_451, %dma_start3A_452, %dma_start3A_453] : memref<12x12x125xf32, #tpu.memory_space<vmem>> -> memref<1x1x125xf32, #tpu.memory_space<vmem>>
      %dma_start3A_455 = tpu.memref_squeeze %dma_start3A_454 : memref<1x1x125xf32, #tpu.memory_space<vmem>> -> memref<125xf32, #tpu.memory_space<vmem>>
      %dma_start3A_456 = arith.constant 0 : i32
      %dma_start3A_457 = tpu.memref_slice %arg18[%dma_start3A_450, %dma_start3A_456] : memref<80x125xi32, #tpu.memory_space<vmem>> -> memref<1x125xi32, #tpu.memory_space<vmem>>
      %dma_start3A_458 = tpu.memref_squeeze %dma_start3A_457 : memref<1x125xi32, #tpu.memory_space<vmem>> -> memref<125xi32, #tpu.memory_space<vmem>>
      %dma_start3A_459 = arith.constant 0 : i32
      %dma_start3A_460 = tpu.memref_slice %arg38[%dma_start3A_459] : memref<51200xf32, #tpu.memory_space<vmem_shared>> -> memref<51200xf32, #tpu.memory_space<vmem_shared>>
      tpu.enqueue_indirect_dma source(%dma_start3A_460 : memref<51200xf32, #tpu.memory_space<vmem_shared>>) target(%dma_start3A_455 : memref<125xf32, #tpu.memory_space<vmem>>) offsets(%dma_start3A_458 : memref<125xi32, #tpu.memory_space<vmem>>) semaphore(%arg43 : memref<!tpu.dma_semaphore, #tpu.memory_space<semaphore_mem>>)
      %dma_start3A_461 = arith.constant 2 : i32
      %dma_start3A_462 = arith.constant 2 : i32
      %dma_start3A_463 = arith.constant 9 : i32
      %dma_start3A_464 = arith.constant 0 : i32
      %dma_start3A_465 = tpu.memref_slice %arg20[%dma_start3A_462, %dma_start3A_463, %dma_start3A_464] : memref<12x12x125xf32, #tpu.memory_space<vmem>> -> memref<1x1x125xf32, #tpu.memory_space<vmem>>
      %dma_start3A_466 = tpu.memref_squeeze %dma_start3A_465 : memref<1x1x125xf32, #tpu.memory_space<vmem>> -> memref<125xf32, #tpu.memory_space<vmem>>
      %dma_start3A_467 = arith.constant 0 : i32
      %dma_start3A_468 = tpu.memref_slice %arg18[%dma_start3A_461, %dma_start3A_467] : memref<80x125xi32, #tpu.memory_space<vmem>> -> memref<1x125xi32, #tpu.memory_space<vmem>>
      %dma_start3A_469 = tpu.memref_squeeze %dma_start3A_468 : memref<1x125xi32, #tpu.memory_space<vmem>> -> memref<125xi32, #tpu.memory_space<vmem>>
      %dma_start3A_470 = arith.constant 0 : i32
      %dma_start3A_471 = tpu.memref_slice %arg39[%dma_start3A_470] : memref<51200xf32, #tpu.memory_space<vmem_shared>> -> memref<51200xf32, #tpu.memory_space<vmem_shared>>
      tpu.enqueue_indirect_dma source(%dma_start3A_471 : memref<51200xf32, #tpu.memory_space<vmem_shared>>) target(%dma_start3A_466 : memref<125xf32, #tpu.memory_space<vmem>>) offsets(%dma_start3A_469 : memref<125xi32, #tpu.memory_space<vmem>>) semaphore(%arg43 : memref<!tpu.dma_semaphore, #tpu.memory_space<semaphore_mem>>)
      %dma_start3A_472 = arith.constant 2 : i32
      %dma_start3A_473 = arith.constant 2 : i32
      %dma_start3A_474 = arith.constant 10 : i32
      %dma_start3A_475 = arith.constant 0 : i32
      %dma_start3A_476 = tpu.memref_slice %arg20[%dma_start3A_473, %dma_start3A_474, %dma_start3A_475] : memref<12x12x125xf32, #tpu.memory_space<vmem>> -> memref<1x1x125xf32, #tpu.memory_space<vmem>>
      %dma_start3A_477 = tpu.memref_squeeze %dma_start3A_476 : memref<1x1x125xf32, #tpu.memory_space<vmem>> -> memref<125xf32, #tpu.memory_space<vmem>>
      %dma_start3A_478 = arith.constant 0 : i32
      %dma_start3A_479 = tpu.memref_slice %arg18[%dma_start3A_472, %dma_start3A_478] : memref<80x125xi32, #tpu.memory_space<vmem>> -> memref<1x125xi32, #tpu.memory_space<vmem>>
      %dma_start3A_480 = tpu.memref_squeeze %dma_start3A_479 : memref<1x125xi32, #tpu.memory_space<vmem>> -> memref<125xi32, #tpu.memory_space<vmem>>
      %dma_start3A_481 = arith.constant 0 : i32
      %dma_start3A_482 = tpu.memref_slice %arg40[%dma_start3A_481] : memref<51200xf32, #tpu.memory_space<vmem_shared>> -> memref<51200xf32, #tpu.memory_space<vmem_shared>>
      tpu.enqueue_indirect_dma source(%dma_start3A_482 : memref<51200xf32, #tpu.memory_space<vmem_shared>>) target(%dma_start3A_477 : memref<125xf32, #tpu.memory_space<vmem>>) offsets(%dma_start3A_480 : memref<125xi32, #tpu.memory_space<vmem>>) semaphore(%arg43 : memref<!tpu.dma_semaphore, #tpu.memory_space<semaphore_mem>>)
      %dma_start3A_483 = arith.constant 2 : i32
      %dma_start3A_484 = arith.constant 2 : i32
      %dma_start3A_485 = arith.constant 11 : i32
      %dma_start3A_486 = arith.constant 0 : i32
      %dma_start3A_487 = tpu.memref_slice %arg20[%dma_start3A_484, %dma_start3A_485, %dma_start3A_486] : memref<12x12x125xf32, #tpu.memory_space<vmem>> -> memref<1x1x125xf32, #tpu.memory_space<vmem>>
      %dma_start3A_488 = tpu.memref_squeeze %dma_start3A_487 : memref<1x1x125xf32, #tpu.memory_space<vmem>> -> memref<125xf32, #tpu.memory_space<vmem>>
      %dma_start3A_489 = arith.constant 0 : i32
      %dma_start3A_490 = tpu.memref_slice %arg18[%dma_start3A_483, %dma_start3A_489] : memref<80x125xi32, #tpu.memory_space<vmem>> -> memref<1x125xi32, #tpu.memory_space<vmem>>
      %dma_start3A_491 = tpu.memref_squeeze %dma_start3A_490 : memref<1x125xi32, #tpu.memory_space<vmem>> -> memref<125xi32, #tpu.memory_space<vmem>>
      %dma_start3A_492 = arith.constant 0 : i32
      %dma_start3A_493 = tpu.memref_slice %arg41[%dma_start3A_492] : memref<51200xf32, #tpu.memory_space<vmem_shared>> -> memref<51200xf32, #tpu.memory_space<vmem_shared>>
      tpu.enqueue_indirect_dma source(%dma_start3A_493 : memref<51200xf32, #tpu.memory_space<vmem_shared>>) target(%dma_start3A_488 : memref<125xf32, #tpu.memory_space<vmem>>) offsets(%dma_start3A_491 : memref<125xi32, #tpu.memory_space<vmem>>) semaphore(%arg43 : memref<!tpu.dma_semaphore, #tpu.memory_space<semaphore_mem>>)
      %dma_start3A_494 = arith.constant 3 : i32
      %dma_start3A_495 = arith.constant 3 : i32
      %dma_start3A_496 = arith.constant 0 : i32
      %dma_start3A_497 = arith.constant 0 : i32
      %dma_start3A_498 = tpu.memref_slice %arg20[%dma_start3A_495, %dma_start3A_496, %dma_start3A_497] : memref<12x12x125xf32, #tpu.memory_space<vmem>> -> memref<1x1x125xf32, #tpu.memory_space<vmem>>
      %dma_start3A_499 = tpu.memref_squeeze %dma_start3A_498 : memref<1x1x125xf32, #tpu.memory_space<vmem>> -> memref<125xf32, #tpu.memory_space<vmem>>
      %dma_start3A_500 = arith.constant 0 : i32
      %dma_start3A_501 = tpu.memref_slice %arg18[%dma_start3A_494, %dma_start3A_500] : memref<80x125xi32, #tpu.memory_space<vmem>> -> memref<1x125xi32, #tpu.memory_space<vmem>>
      %dma_start3A_502 = tpu.memref_squeeze %dma_start3A_501 : memref<1x125xi32, #tpu.memory_space<vmem>> -> memref<125xi32, #tpu.memory_space<vmem>>
      %dma_start3A_503 = arith.constant 0 : i32
      %dma_start3A_504 = tpu.memref_slice %arg2[%dma_start3A_503] : memref<51200xf32, #tpu.memory_space<hbm>> -> memref<51200xf32, #tpu.memory_space<hbm>>
      tpu.enqueue_indirect_dma source(%dma_start3A_504 : memref<51200xf32, #tpu.memory_space<hbm>>) target(%dma_start3A_499 : memref<125xf32, #tpu.memory_space<vmem>>) offsets(%dma_start3A_502 : memref<125xi32, #tpu.memory_space<vmem>>) semaphore(%arg42 : memref<!tpu.dma_semaphore, #tpu.memory_space<semaphore_mem>>)
      %dma_start3A_505 = arith.constant 3 : i32
      %dma_start3A_506 = arith.constant 3 : i32
      %dma_start3A_507 = arith.constant 1 : i32
      %dma_start3A_508 = arith.constant 0 : i32
      %dma_start3A_509 = tpu.memref_slice %arg20[%dma_start3A_506, %dma_start3A_507, %dma_start3A_508] : memref<12x12x125xf32, #tpu.memory_space<vmem>> -> memref<1x1x125xf32, #tpu.memory_space<vmem>>
      %dma_start3A_510 = tpu.memref_squeeze %dma_start3A_509 : memref<1x1x125xf32, #tpu.memory_space<vmem>> -> memref<125xf32, #tpu.memory_space<vmem>>
      %dma_start3A_511 = arith.constant 0 : i32
      %dma_start3A_512 = tpu.memref_slice %arg18[%dma_start3A_505, %dma_start3A_511] : memref<80x125xi32, #tpu.memory_space<vmem>> -> memref<1x125xi32, #tpu.memory_space<vmem>>
      %dma_start3A_513 = tpu.memref_squeeze %dma_start3A_512 : memref<1x125xi32, #tpu.memory_space<vmem>> -> memref<125xi32, #tpu.memory_space<vmem>>
      %dma_start3A_514 = arith.constant 0 : i32
      %dma_start3A_515 = tpu.memref_slice %arg3[%dma_start3A_514] : memref<51200xf32, #tpu.memory_space<hbm>> -> memref<51200xf32, #tpu.memory_space<hbm>>
      tpu.enqueue_indirect_dma source(%dma_start3A_515 : memref<51200xf32, #tpu.memory_space<hbm>>) target(%dma_start3A_510 : memref<125xf32, #tpu.memory_space<vmem>>) offsets(%dma_start3A_513 : memref<125xi32, #tpu.memory_space<vmem>>) semaphore(%arg42 : memref<!tpu.dma_semaphore, #tpu.memory_space<semaphore_mem>>)
      %dma_start3A_516 = arith.constant 3 : i32
      %dma_start3A_517 = arith.constant 3 : i32
      %dma_start3A_518 = arith.constant 2 : i32
      %dma_start3A_519 = arith.constant 0 : i32
      %dma_start3A_520 = tpu.memref_slice %arg20[%dma_start3A_517, %dma_start3A_518, %dma_start3A_519] : memref<12x12x125xf32, #tpu.memory_space<vmem>> -> memref<1x1x125xf32, #tpu.memory_space<vmem>>
      %dma_start3A_521 = tpu.memref_squeeze %dma_start3A_520 : memref<1x1x125xf32, #tpu.memory_space<vmem>> -> memref<125xf32, #tpu.memory_space<vmem>>
      %dma_start3A_522 = arith.constant 0 : i32
      %dma_start3A_523 = tpu.memref_slice %arg18[%dma_start3A_516, %dma_start3A_522] : memref<80x125xi32, #tpu.memory_space<vmem>> -> memref<1x125xi32, #tpu.memory_space<vmem>>
      %dma_start3A_524 = tpu.memref_squeeze %dma_start3A_523 : memref<1x125xi32, #tpu.memory_space<vmem>> -> memref<125xi32, #tpu.memory_space<vmem>>
      %dma_start3A_525 = arith.constant 0 : i32
      %dma_start3A_526 = tpu.memref_slice %arg4[%dma_start3A_525] : memref<51200xf32, #tpu.memory_space<hbm>> -> memref<51200xf32, #tpu.memory_space<hbm>>
      tpu.enqueue_indirect_dma source(%dma_start3A_526 : memref<51200xf32, #tpu.memory_space<hbm>>) target(%dma_start3A_521 : memref<125xf32, #tpu.memory_space<vmem>>) offsets(%dma_start3A_524 : memref<125xi32, #tpu.memory_space<vmem>>) semaphore(%arg42 : memref<!tpu.dma_semaphore, #tpu.memory_space<semaphore_mem>>)
      %dma_start3A_527 = arith.constant 3 : i32
      %dma_start3A_528 = arith.constant 3 : i32
      %dma_start3A_529 = arith.constant 3 : i32
      %dma_start3A_530 = arith.constant 0 : i32
      %dma_start3A_531 = tpu.memref_slice %arg20[%dma_start3A_528, %dma_start3A_529, %dma_start3A_530] : memref<12x12x125xf32, #tpu.memory_space<vmem>> -> memref<1x1x125xf32, #tpu.memory_space<vmem>>
      %dma_start3A_532 = tpu.memref_squeeze %dma_start3A_531 : memref<1x1x125xf32, #tpu.memory_space<vmem>> -> memref<125xf32, #tpu.memory_space<vmem>>
      %dma_start3A_533 = arith.constant 0 : i32
      %dma_start3A_534 = tpu.memref_slice %arg18[%dma_start3A_527, %dma_start3A_533] : memref<80x125xi32, #tpu.memory_space<vmem>> -> memref<1x125xi32, #tpu.memory_space<vmem>>
      %dma_start3A_535 = tpu.memref_squeeze %dma_start3A_534 : memref<1x125xi32, #tpu.memory_space<vmem>> -> memref<125xi32, #tpu.memory_space<vmem>>
      %dma_start3A_536 = arith.constant 0 : i32
      %dma_start3A_537 = tpu.memref_slice %arg5[%dma_start3A_536] : memref<51200xf32, #tpu.memory_space<hbm>> -> memref<51200xf32, #tpu.memory_space<hbm>>
      tpu.enqueue_indirect_dma source(%dma_start3A_537 : memref<51200xf32, #tpu.memory_space<hbm>>) target(%dma_start3A_532 : memref<125xf32, #tpu.memory_space<vmem>>) offsets(%dma_start3A_535 : memref<125xi32, #tpu.memory_space<vmem>>) semaphore(%arg42 : memref<!tpu.dma_semaphore, #tpu.memory_space<semaphore_mem>>)
      %dma_start3A_538 = arith.constant 3 : i32
      %dma_start3A_539 = arith.constant 3 : i32
      %dma_start3A_540 = arith.constant 4 : i32
      %dma_start3A_541 = arith.constant 0 : i32
      %dma_start3A_542 = tpu.memref_slice %arg20[%dma_start3A_539, %dma_start3A_540, %dma_start3A_541] : memref<12x12x125xf32, #tpu.memory_space<vmem>> -> memref<1x1x125xf32, #tpu.memory_space<vmem>>
      %dma_start3A_543 = tpu.memref_squeeze %dma_start3A_542 : memref<1x1x125xf32, #tpu.memory_space<vmem>> -> memref<125xf32, #tpu.memory_space<vmem>>
      %dma_start3A_544 = arith.constant 0 : i32
      %dma_start3A_545 = tpu.memref_slice %arg18[%dma_start3A_538, %dma_start3A_544] : memref<80x125xi32, #tpu.memory_space<vmem>> -> memref<1x125xi32, #tpu.memory_space<vmem>>
      %dma_start3A_546 = tpu.memref_squeeze %dma_start3A_545 : memref<1x125xi32, #tpu.memory_space<vmem>> -> memref<125xi32, #tpu.memory_space<vmem>>
      %dma_start3A_547 = arith.constant 0 : i32
      %dma_start3A_548 = tpu.memref_slice %arg34[%dma_start3A_547] : memref<51200xf32, #tpu.memory_space<vmem_shared>> -> memref<51200xf32, #tpu.memory_space<vmem_shared>>
      tpu.enqueue_indirect_dma source(%dma_start3A_548 : memref<51200xf32, #tpu.memory_space<vmem_shared>>) target(%dma_start3A_543 : memref<125xf32, #tpu.memory_space<vmem>>) offsets(%dma_start3A_546 : memref<125xi32, #tpu.memory_space<vmem>>) semaphore(%arg43 : memref<!tpu.dma_semaphore, #tpu.memory_space<semaphore_mem>>)
      %dma_start3A_549 = arith.constant 3 : i32
      %dma_start3A_550 = arith.constant 3 : i32
      %dma_start3A_551 = arith.constant 5 : i32
      %dma_start3A_552 = arith.constant 0 : i32
      %dma_start3A_553 = tpu.memref_slice %arg20[%dma_start3A_550, %dma_start3A_551, %dma_start3A_552] : memref<12x12x125xf32, #tpu.memory_space<vmem>> -> memref<1x1x125xf32, #tpu.memory_space<vmem>>
      %dma_start3A_554 = tpu.memref_squeeze %dma_start3A_553 : memref<1x1x125xf32, #tpu.memory_space<vmem>> -> memref<125xf32, #tpu.memory_space<vmem>>
      %dma_start3A_555 = arith.constant 0 : i32
      %dma_start3A_556 = tpu.memref_slice %arg18[%dma_start3A_549, %dma_start3A_555] : memref<80x125xi32, #tpu.memory_space<vmem>> -> memref<1x125xi32, #tpu.memory_space<vmem>>
      %dma_start3A_557 = tpu.memref_squeeze %dma_start3A_556 : memref<1x125xi32, #tpu.memory_space<vmem>> -> memref<125xi32, #tpu.memory_space<vmem>>
      %dma_start3A_558 = arith.constant 0 : i32
      %dma_start3A_559 = tpu.memref_slice %arg35[%dma_start3A_558] : memref<51200xf32, #tpu.memory_space<vmem_shared>> -> memref<51200xf32, #tpu.memory_space<vmem_shared>>
      tpu.enqueue_indirect_dma source(%dma_start3A_559 : memref<51200xf32, #tpu.memory_space<vmem_shared>>) target(%dma_start3A_554 : memref<125xf32, #tpu.memory_space<vmem>>) offsets(%dma_start3A_557 : memref<125xi32, #tpu.memory_space<vmem>>) semaphore(%arg43 : memref<!tpu.dma_semaphore, #tpu.memory_space<semaphore_mem>>)
      %dma_start3A_560 = arith.constant 3 : i32
      %dma_start3A_561 = arith.constant 3 : i32
      %dma_start3A_562 = arith.constant 6 : i32
      %dma_start3A_563 = arith.constant 0 : i32
      %dma_start3A_564 = tpu.memref_slice %arg20[%dma_start3A_561, %dma_start3A_562, %dma_start3A_563] : memref<12x12x125xf32, #tpu.memory_space<vmem>> -> memref<1x1x125xf32, #tpu.memory_space<vmem>>
      %dma_start3A_565 = tpu.memref_squeeze %dma_start3A_564 : memref<1x1x125xf32, #tpu.memory_space<vmem>> -> memref<125xf32, #tpu.memory_space<vmem>>
      %dma_start3A_566 = arith.constant 0 : i32
      %dma_start3A_567 = tpu.memref_slice %arg18[%dma_start3A_560, %dma_start3A_566] : memref<80x125xi32, #tpu.memory_space<vmem>> -> memref<1x125xi32, #tpu.memory_space<vmem>>
      %dma_start3A_568 = tpu.memref_squeeze %dma_start3A_567 : memref<1x125xi32, #tpu.memory_space<vmem>> -> memref<125xi32, #tpu.memory_space<vmem>>
      %dma_start3A_569 = arith.constant 0 : i32
      %dma_start3A_570 = tpu.memref_slice %arg36[%dma_start3A_569] : memref<51200xf32, #tpu.memory_space<vmem_shared>> -> memref<51200xf32, #tpu.memory_space<vmem_shared>>
      tpu.enqueue_indirect_dma source(%dma_start3A_570 : memref<51200xf32, #tpu.memory_space<vmem_shared>>) target(%dma_start3A_565 : memref<125xf32, #tpu.memory_space<vmem>>) offsets(%dma_start3A_568 : memref<125xi32, #tpu.memory_space<vmem>>) semaphore(%arg43 : memref<!tpu.dma_semaphore, #tpu.memory_space<semaphore_mem>>)
      %dma_start3A_571 = arith.constant 3 : i32
      %dma_start3A_572 = arith.constant 3 : i32
      %dma_start3A_573 = arith.constant 7 : i32
      %dma_start3A_574 = arith.constant 0 : i32
      %dma_start3A_575 = tpu.memref_slice %arg20[%dma_start3A_572, %dma_start3A_573, %dma_start3A_574] : memref<12x12x125xf32, #tpu.memory_space<vmem>> -> memref<1x1x125xf32, #tpu.memory_space<vmem>>
      %dma_start3A_576 = tpu.memref_squeeze %dma_start3A_575 : memref<1x1x125xf32, #tpu.memory_space<vmem>> -> memref<125xf32, #tpu.memory_space<vmem>>
      %dma_start3A_577 = arith.constant 0 : i32
      %dma_start3A_578 = tpu.memref_slice %arg18[%dma_start3A_571, %dma_start3A_577] : memref<80x125xi32, #tpu.memory_space<vmem>> -> memref<1x125xi32, #tpu.memory_space<vmem>>
      %dma_start3A_579 = tpu.memref_squeeze %dma_start3A_578 : memref<1x125xi32, #tpu.memory_space<vmem>> -> memref<125xi32, #tpu.memory_space<vmem>>
      %dma_start3A_580 = arith.constant 0 : i32
      %dma_start3A_581 = tpu.memref_slice %arg37[%dma_start3A_580] : memref<51200xf32, #tpu.memory_space<vmem_shared>> -> memref<51200xf32, #tpu.memory_space<vmem_shared>>
      tpu.enqueue_indirect_dma source(%dma_start3A_581 : memref<51200xf32, #tpu.memory_space<vmem_shared>>) target(%dma_start3A_576 : memref<125xf32, #tpu.memory_space<vmem>>) offsets(%dma_start3A_579 : memref<125xi32, #tpu.memory_space<vmem>>) semaphore(%arg43 : memref<!tpu.dma_semaphore, #tpu.memory_space<semaphore_mem>>)
      %dma_start3A_582 = arith.constant 3 : i32
      %dma_start3A_583 = arith.constant 3 : i32
      %dma_start3A_584 = arith.constant 8 : i32
      %dma_start3A_585 = arith.constant 0 : i32
      %dma_start3A_586 = tpu.memref_slice %arg20[%dma_start3A_583, %dma_start3A_584, %dma_start3A_585] : memref<12x12x125xf32, #tpu.memory_space<vmem>> -> memref<1x1x125xf32, #tpu.memory_space<vmem>>
      %dma_start3A_587 = tpu.memref_squeeze %dma_start3A_586 : memref<1x1x125xf32, #tpu.memory_space<vmem>> -> memref<125xf32, #tpu.memory_space<vmem>>
      %dma_start3A_588 = arith.constant 0 : i32
      %dma_start3A_589 = tpu.memref_slice %arg18[%dma_start3A_582, %dma_start3A_588] : memref<80x125xi32, #tpu.memory_space<vmem>> -> memref<1x125xi32, #tpu.memory_space<vmem>>
      %dma_start3A_590 = tpu.memref_squeeze %dma_start3A_589 : memref<1x125xi32, #tpu.memory_space<vmem>> -> memref<125xi32, #tpu.memory_space<vmem>>
      %dma_start3A_591 = arith.constant 0 : i32
      %dma_start3A_592 = tpu.memref_slice %arg38[%dma_start3A_591] : memref<51200xf32, #tpu.memory_space<vmem_shared>> -> memref<51200xf32, #tpu.memory_space<vmem_shared>>
      tpu.enqueue_indirect_dma source(%dma_start3A_592 : memref<51200xf32, #tpu.memory_space<vmem_shared>>) target(%dma_start3A_587 : memref<125xf32, #tpu.memory_space<vmem>>) offsets(%dma_start3A_590 : memref<125xi32, #tpu.memory_space<vmem>>) semaphore(%arg43 : memref<!tpu.dma_semaphore, #tpu.memory_space<semaphore_mem>>)
      %dma_start3A_593 = arith.constant 3 : i32
      %dma_start3A_594 = arith.constant 3 : i32
      %dma_start3A_595 = arith.constant 9 : i32
      %dma_start3A_596 = arith.constant 0 : i32
      %dma_start3A_597 = tpu.memref_slice %arg20[%dma_start3A_594, %dma_start3A_595, %dma_start3A_596] : memref<12x12x125xf32, #tpu.memory_space<vmem>> -> memref<1x1x125xf32, #tpu.memory_space<vmem>>
      %dma_start3A_598 = tpu.memref_squeeze %dma_start3A_597 : memref<1x1x125xf32, #tpu.memory_space<vmem>> -> memref<125xf32, #tpu.memory_space<vmem>>
      %dma_start3A_599 = arith.constant 0 : i32
      %dma_start3A_600 = tpu.memref_slice %arg18[%dma_start3A_593, %dma_start3A_599] : memref<80x125xi32, #tpu.memory_space<vmem>> -> memref<1x125xi32, #tpu.memory_space<vmem>>
      %dma_start3A_601 = tpu.memref_squeeze %dma_start3A_600 : memref<1x125xi32, #tpu.memory_space<vmem>> -> memref<125xi32, #tpu.memory_space<vmem>>
      %dma_start3A_602 = arith.constant 0 : i32
      %dma_start3A_603 = tpu.memref_slice %arg39[%dma_start3A_602] : memref<51200xf32, #tpu.memory_space<vmem_shared>> -> memref<51200xf32, #tpu.memory_space<vmem_shared>>
      tpu.enqueue_indirect_dma source(%dma_start3A_603 : memref<51200xf32, #tpu.memory_space<vmem_shared>>) target(%dma_start3A_598 : memref<125xf32, #tpu.memory_space<vmem>>) offsets(%dma_start3A_601 : memref<125xi32, #tpu.memory_space<vmem>>) semaphore(%arg43 : memref<!tpu.dma_semaphore, #tpu.memory_space<semaphore_mem>>)
      %dma_start3A_604 = arith.constant 3 : i32
      %dma_start3A_605 = arith.constant 3 : i32
      %dma_start3A_606 = arith.constant 10 : i32
      %dma_start3A_607 = arith.constant 0 : i32
      %dma_start3A_608 = tpu.memref_slice %arg20[%dma_start3A_605, %dma_start3A_606, %dma_start3A_607] : memref<12x12x125xf32, #tpu.memory_space<vmem>> -> memref<1x1x125xf32, #tpu.memory_space<vmem>>
      %dma_start3A_609 = tpu.memref_squeeze %dma_start3A_608 : memref<1x1x125xf32, #tpu.memory_space<vmem>> -> memref<125xf32, #tpu.memory_space<vmem>>
      %dma_start3A_610 = arith.constant 0 : i32
      %dma_start3A_611 = tpu.memref_slice %arg18[%dma_start3A_604, %dma_start3A_610] : memref<80x125xi32, #tpu.memory_space<vmem>> -> memref<1x125xi32, #tpu.memory_space<vmem>>
      %dma_start3A_612 = tpu.memref_squeeze %dma_start3A_611 : memref<1x125xi32, #tpu.memory_space<vmem>> -> memref<125xi32, #tpu.memory_space<vmem>>
      %dma_start3A_613 = arith.constant 0 : i32
      %dma_start3A_614 = tpu.memref_slice %arg40[%dma_start3A_613] : memref<51200xf32, #tpu.memory_space<vmem_shared>> -> memref<51200xf32, #tpu.memory_space<vmem_shared>>
      tpu.enqueue_indirect_dma source(%dma_start3A_614 : memref<51200xf32, #tpu.memory_space<vmem_shared>>) target(%dma_start3A_609 : memref<125xf32, #tpu.memory_space<vmem>>) offsets(%dma_start3A_612 : memref<125xi32, #tpu.memory_space<vmem>>) semaphore(%arg43 : memref<!tpu.dma_semaphore, #tpu.memory_space<semaphore_mem>>)
      %dma_start3A_615 = arith.constant 3 : i32
      %dma_start3A_616 = arith.constant 3 : i32
      %dma_start3A_617 = arith.constant 11 : i32
      %dma_start3A_618 = arith.constant 0 : i32
      %dma_start3A_619 = tpu.memref_slice %arg20[%dma_start3A_616, %dma_start3A_617, %dma_start3A_618] : memref<12x12x125xf32, #tpu.memory_space<vmem>> -> memref<1x1x125xf32, #tpu.memory_space<vmem>>
      %dma_start3A_620 = tpu.memref_squeeze %dma_start3A_619 : memref<1x1x125xf32, #tpu.memory_space<vmem>> -> memref<125xf32, #tpu.memory_space<vmem>>
      %dma_start3A_621 = arith.constant 0 : i32
      %dma_start3A_622 = tpu.memref_slice %arg18[%dma_start3A_615, %dma_start3A_621] : memref<80x125xi32, #tpu.memory_space<vmem>> -> memref<1x125xi32, #tpu.memory_space<vmem>>
      %dma_start3A_623 = tpu.memref_squeeze %dma_start3A_622 : memref<1x125xi32, #tpu.memory_space<vmem>> -> memref<125xi32, #tpu.memory_space<vmem>>
      %dma_start3A_624 = arith.constant 0 : i32
      %dma_start3A_625 = tpu.memref_slice %arg41[%dma_start3A_624] : memref<51200xf32, #tpu.memory_space<vmem_shared>> -> memref<51200xf32, #tpu.memory_space<vmem_shared>>
      tpu.enqueue_indirect_dma source(%dma_start3A_625 : memref<51200xf32, #tpu.memory_space<vmem_shared>>) target(%dma_start3A_620 : memref<125xf32, #tpu.memory_space<vmem>>) offsets(%dma_start3A_623 : memref<125xi32, #tpu.memory_space<vmem>>) semaphore(%arg43 : memref<!tpu.dma_semaphore, #tpu.memory_space<semaphore_mem>>)
      %dma_start3A_626 = arith.constant 4 : i32
      %dma_start3A_627 = arith.constant 4 : i32
      %dma_start3A_628 = arith.constant 0 : i32
      %dma_start3A_629 = arith.constant 0 : i32
      %dma_start3A_630 = tpu.memref_slice %arg20[%dma_start3A_627, %dma_start3A_628, %dma_start3A_629] : memref<12x12x125xf32, #tpu.memory_space<vmem>> -> memref<1x1x125xf32, #tpu.memory_space<vmem>>
      %dma_start3A_631 = tpu.memref_squeeze %dma_start3A_630 : memref<1x1x125xf32, #tpu.memory_space<vmem>> -> memref<125xf32, #tpu.memory_space<vmem>>
      %dma_start3A_632 = arith.constant 0 : i32
      %dma_start3A_633 = tpu.memref_slice %arg18[%dma_start3A_626, %dma_start3A_632] : memref<80x125xi32, #tpu.memory_space<vmem>> -> memref<1x125xi32, #tpu.memory_space<vmem>>
      %dma_start3A_634 = tpu.memref_squeeze %dma_start3A_633 : memref<1x125xi32, #tpu.memory_space<vmem>> -> memref<125xi32, #tpu.memory_space<vmem>>
      %dma_start3A_635 = arith.constant 0 : i32
      %dma_start3A_636 = tpu.memref_slice %arg2[%dma_start3A_635] : memref<51200xf32, #tpu.memory_space<hbm>> -> memref<51200xf32, #tpu.memory_space<hbm>>
      tpu.enqueue_indirect_dma source(%dma_start3A_636 : memref<51200xf32, #tpu.memory_space<hbm>>) target(%dma_start3A_631 : memref<125xf32, #tpu.memory_space<vmem>>) offsets(%dma_start3A_634 : memref<125xi32, #tpu.memory_space<vmem>>) semaphore(%arg42 : memref<!tpu.dma_semaphore, #tpu.memory_space<semaphore_mem>>)
      %dma_start3A_637 = arith.constant 4 : i32
      %dma_start3A_638 = arith.constant 4 : i32
      %dma_start3A_639 = arith.constant 1 : i32
      %dma_start3A_640 = arith.constant 0 : i32
      %dma_start3A_641 = tpu.memref_slice %arg20[%dma_start3A_638, %dma_start3A_639, %dma_start3A_640] : memref<12x12x125xf32, #tpu.memory_space<vmem>> -> memref<1x1x125xf32, #tpu.memory_space<vmem>>
      %dma_start3A_642 = tpu.memref_squeeze %dma_start3A_641 : memref<1x1x125xf32, #tpu.memory_space<vmem>> -> memref<125xf32, #tpu.memory_space<vmem>>
      %dma_start3A_643 = arith.constant 0 : i32
      %dma_start3A_644 = tpu.memref_slice %arg18[%dma_start3A_637, %dma_start3A_643] : memref<80x125xi32, #tpu.memory_space<vmem>> -> memref<1x125xi32, #tpu.memory_space<vmem>>
      %dma_start3A_645 = tpu.memref_squeeze %dma_start3A_644 : memref<1x125xi32, #tpu.memory_space<vmem>> -> memref<125xi32, #tpu.memory_space<vmem>>
      %dma_start3A_646 = arith.constant 0 : i32
      %dma_start3A_647 = tpu.memref_slice %arg3[%dma_start3A_646] : memref<51200xf32, #tpu.memory_space<hbm>> -> memref<51200xf32, #tpu.memory_space<hbm>>
      tpu.enqueue_indirect_dma source(%dma_start3A_647 : memref<51200xf32, #tpu.memory_space<hbm>>) target(%dma_start3A_642 : memref<125xf32, #tpu.memory_space<vmem>>) offsets(%dma_start3A_645 : memref<125xi32, #tpu.memory_space<vmem>>) semaphore(%arg42 : memref<!tpu.dma_semaphore, #tpu.memory_space<semaphore_mem>>)
      %dma_start3A_648 = arith.constant 4 : i32
      %dma_start3A_649 = arith.constant 4 : i32
      %dma_start3A_650 = arith.constant 2 : i32
      %dma_start3A_651 = arith.constant 0 : i32
      %dma_start3A_652 = tpu.memref_slice %arg20[%dma_start3A_649, %dma_start3A_650, %dma_start3A_651] : memref<12x12x125xf32, #tpu.memory_space<vmem>> -> memref<1x1x125xf32, #tpu.memory_space<vmem>>
      %dma_start3A_653 = tpu.memref_squeeze %dma_start3A_652 : memref<1x1x125xf32, #tpu.memory_space<vmem>> -> memref<125xf32, #tpu.memory_space<vmem>>
      %dma_start3A_654 = arith.constant 0 : i32
      %dma_start3A_655 = tpu.memref_slice %arg18[%dma_start3A_648, %dma_start3A_654] : memref<80x125xi32, #tpu.memory_space<vmem>> -> memref<1x125xi32, #tpu.memory_space<vmem>>
      %dma_start3A_656 = tpu.memref_squeeze %dma_start3A_655 : memref<1x125xi32, #tpu.memory_space<vmem>> -> memref<125xi32, #tpu.memory_space<vmem>>
      %dma_start3A_657 = arith.constant 0 : i32
      %dma_start3A_658 = tpu.memref_slice %arg4[%dma_start3A_657] : memref<51200xf32, #tpu.memory_space<hbm>> -> memref<51200xf32, #tpu.memory_space<hbm>>
      tpu.enqueue_indirect_dma source(%dma_start3A_658 : memref<51200xf32, #tpu.memory_space<hbm>>) target(%dma_start3A_653 : memref<125xf32, #tpu.memory_space<vmem>>) offsets(%dma_start3A_656 : memref<125xi32, #tpu.memory_space<vmem>>) semaphore(%arg42 : memref<!tpu.dma_semaphore, #tpu.memory_space<semaphore_mem>>)
      %dma_start3A_659 = arith.constant 4 : i32
      %dma_start3A_660 = arith.constant 4 : i32
      %dma_start3A_661 = arith.constant 3 : i32
      %dma_start3A_662 = arith.constant 0 : i32
      %dma_start3A_663 = tpu.memref_slice %arg20[%dma_start3A_660, %dma_start3A_661, %dma_start3A_662] : memref<12x12x125xf32, #tpu.memory_space<vmem>> -> memref<1x1x125xf32, #tpu.memory_space<vmem>>
      %dma_start3A_664 = tpu.memref_squeeze %dma_start3A_663 : memref<1x1x125xf32, #tpu.memory_space<vmem>> -> memref<125xf32, #tpu.memory_space<vmem>>
      %dma_start3A_665 = arith.constant 0 : i32
      %dma_start3A_666 = tpu.memref_slice %arg18[%dma_start3A_659, %dma_start3A_665] : memref<80x125xi32, #tpu.memory_space<vmem>> -> memref<1x125xi32, #tpu.memory_space<vmem>>
      %dma_start3A_667 = tpu.memref_squeeze %dma_start3A_666 : memref<1x125xi32, #tpu.memory_space<vmem>> -> memref<125xi32, #tpu.memory_space<vmem>>
      %dma_start3A_668 = arith.constant 0 : i32
      %dma_start3A_669 = tpu.memref_slice %arg5[%dma_start3A_668] : memref<51200xf32, #tpu.memory_space<hbm>> -> memref<51200xf32, #tpu.memory_space<hbm>>
      tpu.enqueue_indirect_dma source(%dma_start3A_669 : memref<51200xf32, #tpu.memory_space<hbm>>) target(%dma_start3A_664 : memref<125xf32, #tpu.memory_space<vmem>>) offsets(%dma_start3A_667 : memref<125xi32, #tpu.memory_space<vmem>>) semaphore(%arg42 : memref<!tpu.dma_semaphore, #tpu.memory_space<semaphore_mem>>)
      %dma_start3A_670 = arith.constant 4 : i32
      %dma_start3A_671 = arith.constant 4 : i32
      %dma_start3A_672 = arith.constant 4 : i32
      %dma_start3A_673 = arith.constant 0 : i32
      %dma_start3A_674 = tpu.memref_slice %arg20[%dma_start3A_671, %dma_start3A_672, %dma_start3A_673] : memref<12x12x125xf32, #tpu.memory_space<vmem>> -> memref<1x1x125xf32, #tpu.memory_space<vmem>>
      %dma_start3A_675 = tpu.memref_squeeze %dma_start3A_674 : memref<1x1x125xf32, #tpu.memory_space<vmem>> -> memref<125xf32, #tpu.memory_space<vmem>>
      %dma_start3A_676 = arith.constant 0 : i32
      %dma_start3A_677 = tpu.memref_slice %arg18[%dma_start3A_670, %dma_start3A_676] : memref<80x125xi32, #tpu.memory_space<vmem>> -> memref<1x125xi32, #tpu.memory_space<vmem>>
      %dma_start3A_678 = tpu.memref_squeeze %dma_start3A_677 : memref<1x125xi32, #tpu.memory_space<vmem>> -> memref<125xi32, #tpu.memory_space<vmem>>
      %dma_start3A_679 = arith.constant 0 : i32
      %dma_start3A_680 = tpu.memref_slice %arg34[%dma_start3A_679] : memref<51200xf32, #tpu.memory_space<vmem_shared>> -> memref<51200xf32, #tpu.memory_space<vmem_shared>>
      tpu.enqueue_indirect_dma source(%dma_start3A_680 : memref<51200xf32, #tpu.memory_space<vmem_shared>>) target(%dma_start3A_675 : memref<125xf32, #tpu.memory_space<vmem>>) offsets(%dma_start3A_678 : memref<125xi32, #tpu.memory_space<vmem>>) semaphore(%arg43 : memref<!tpu.dma_semaphore, #tpu.memory_space<semaphore_mem>>)
      %dma_start3A_681 = arith.constant 4 : i32
      %dma_start3A_682 = arith.constant 4 : i32
      %dma_start3A_683 = arith.constant 5 : i32
      %dma_start3A_684 = arith.constant 0 : i32
      %dma_start3A_685 = tpu.memref_slice %arg20[%dma_start3A_682, %dma_start3A_683, %dma_start3A_684] : memref<12x12x125xf32, #tpu.memory_space<vmem>> -> memref<1x1x125xf32, #tpu.memory_space<vmem>>
      %dma_start3A_686 = tpu.memref_squeeze %dma_start3A_685 : memref<1x1x125xf32, #tpu.memory_space<vmem>> -> memref<125xf32, #tpu.memory_space<vmem>>
      %dma_start3A_687 = arith.constant 0 : i32
      %dma_start3A_688 = tpu.memref_slice %arg18[%dma_start3A_681, %dma_start3A_687] : memref<80x125xi32, #tpu.memory_space<vmem>> -> memref<1x125xi32, #tpu.memory_space<vmem>>
      %dma_start3A_689 = tpu.memref_squeeze %dma_start3A_688 : memref<1x125xi32, #tpu.memory_space<vmem>> -> memref<125xi32, #tpu.memory_space<vmem>>
      %dma_start3A_690 = arith.constant 0 : i32
      %dma_start3A_691 = tpu.memref_slice %arg35[%dma_start3A_690] : memref<51200xf32, #tpu.memory_space<vmem_shared>> -> memref<51200xf32, #tpu.memory_space<vmem_shared>>
      tpu.enqueue_indirect_dma source(%dma_start3A_691 : memref<51200xf32, #tpu.memory_space<vmem_shared>>) target(%dma_start3A_686 : memref<125xf32, #tpu.memory_space<vmem>>) offsets(%dma_start3A_689 : memref<125xi32, #tpu.memory_space<vmem>>) semaphore(%arg43 : memref<!tpu.dma_semaphore, #tpu.memory_space<semaphore_mem>>)
      %dma_start3A_692 = arith.constant 4 : i32
      %dma_start3A_693 = arith.constant 4 : i32
      %dma_start3A_694 = arith.constant 6 : i32
      %dma_start3A_695 = arith.constant 0 : i32
      %dma_start3A_696 = tpu.memref_slice %arg20[%dma_start3A_693, %dma_start3A_694, %dma_start3A_695] : memref<12x12x125xf32, #tpu.memory_space<vmem>> -> memref<1x1x125xf32, #tpu.memory_space<vmem>>
      %dma_start3A_697 = tpu.memref_squeeze %dma_start3A_696 : memref<1x1x125xf32, #tpu.memory_space<vmem>> -> memref<125xf32, #tpu.memory_space<vmem>>
      %dma_start3A_698 = arith.constant 0 : i32
      %dma_start3A_699 = tpu.memref_slice %arg18[%dma_start3A_692, %dma_start3A_698] : memref<80x125xi32, #tpu.memory_space<vmem>> -> memref<1x125xi32, #tpu.memory_space<vmem>>
      %dma_start3A_700 = tpu.memref_squeeze %dma_start3A_699 : memref<1x125xi32, #tpu.memory_space<vmem>> -> memref<125xi32, #tpu.memory_space<vmem>>
      %dma_start3A_701 = arith.constant 0 : i32
      %dma_start3A_702 = tpu.memref_slice %arg36[%dma_start3A_701] : memref<51200xf32, #tpu.memory_space<vmem_shared>> -> memref<51200xf32, #tpu.memory_space<vmem_shared>>
      tpu.enqueue_indirect_dma source(%dma_start3A_702 : memref<51200xf32, #tpu.memory_space<vmem_shared>>) target(%dma_start3A_697 : memref<125xf32, #tpu.memory_space<vmem>>) offsets(%dma_start3A_700 : memref<125xi32, #tpu.memory_space<vmem>>) semaphore(%arg43 : memref<!tpu.dma_semaphore, #tpu.memory_space<semaphore_mem>>)
      %dma_start3A_703 = arith.constant 4 : i32
      %dma_start3A_704 = arith.constant 4 : i32
      %dma_start3A_705 = arith.constant 7 : i32
      %dma_start3A_706 = arith.constant 0 : i32
      %dma_start3A_707 = tpu.memref_slice %arg20[%dma_start3A_704, %dma_start3A_705, %dma_start3A_706] : memref<12x12x125xf32, #tpu.memory_space<vmem>> -> memref<1x1x125xf32, #tpu.memory_space<vmem>>
      %dma_start3A_708 = tpu.memref_squeeze %dma_start3A_707 : memref<1x1x125xf32, #tpu.memory_space<vmem>> -> memref<125xf32, #tpu.memory_space<vmem>>
      %dma_start3A_709 = arith.constant 0 : i32
      %dma_start3A_710 = tpu.memref_slice %arg18[%dma_start3A_703, %dma_start3A_709] : memref<80x125xi32, #tpu.memory_space<vmem>> -> memref<1x125xi32, #tpu.memory_space<vmem>>
      %dma_start3A_711 = tpu.memref_squeeze %dma_start3A_710 : memref<1x125xi32, #tpu.memory_space<vmem>> -> memref<125xi32, #tpu.memory_space<vmem>>
      %dma_start3A_712 = arith.constant 0 : i32
      %dma_start3A_713 = tpu.memref_slice %arg37[%dma_start3A_712] : memref<51200xf32, #tpu.memory_space<vmem_shared>> -> memref<51200xf32, #tpu.memory_space<vmem_shared>>
      tpu.enqueue_indirect_dma source(%dma_start3A_713 : memref<51200xf32, #tpu.memory_space<vmem_shared>>) target(%dma_start3A_708 : memref<125xf32, #tpu.memory_space<vmem>>) offsets(%dma_start3A_711 : memref<125xi32, #tpu.memory_space<vmem>>) semaphore(%arg43 : memref<!tpu.dma_semaphore, #tpu.memory_space<semaphore_mem>>)
      %dma_start3A_714 = arith.constant 4 : i32
      %dma_start3A_715 = arith.constant 4 : i32
      %dma_start3A_716 = arith.constant 8 : i32
      %dma_start3A_717 = arith.constant 0 : i32
      %dma_start3A_718 = tpu.memref_slice %arg20[%dma_start3A_715, %dma_start3A_716, %dma_start3A_717] : memref<12x12x125xf32, #tpu.memory_space<vmem>> -> memref<1x1x125xf32, #tpu.memory_space<vmem>>
      %dma_start3A_719 = tpu.memref_squeeze %dma_start3A_718 : memref<1x1x125xf32, #tpu.memory_space<vmem>> -> memref<125xf32, #tpu.memory_space<vmem>>
      %dma_start3A_720 = arith.constant 0 : i32
      %dma_start3A_721 = tpu.memref_slice %arg18[%dma_start3A_714, %dma_start3A_720] : memref<80x125xi32, #tpu.memory_space<vmem>> -> memref<1x125xi32, #tpu.memory_space<vmem>>
      %dma_start3A_722 = tpu.memref_squeeze %dma_start3A_721 : memref<1x125xi32, #tpu.memory_space<vmem>> -> memref<125xi32, #tpu.memory_space<vmem>>
      %dma_start3A_723 = arith.constant 0 : i32
      %dma_start3A_724 = tpu.memref_slice %arg38[%dma_start3A_723] : memref<51200xf32, #tpu.memory_space<vmem_shared>> -> memref<51200xf32, #tpu.memory_space<vmem_shared>>
      tpu.enqueue_indirect_dma source(%dma_start3A_724 : memref<51200xf32, #tpu.memory_space<vmem_shared>>) target(%dma_start3A_719 : memref<125xf32, #tpu.memory_space<vmem>>) offsets(%dma_start3A_722 : memref<125xi32, #tpu.memory_space<vmem>>) semaphore(%arg43 : memref<!tpu.dma_semaphore, #tpu.memory_space<semaphore_mem>>)
      %dma_start3A_725 = arith.constant 4 : i32
      %dma_start3A_726 = arith.constant 4 : i32
      %dma_start3A_727 = arith.constant 9 : i32
      %dma_start3A_728 = arith.constant 0 : i32
      %dma_start3A_729 = tpu.memref_slice %arg20[%dma_start3A_726, %dma_start3A_727, %dma_start3A_728] : memref<12x12x125xf32, #tpu.memory_space<vmem>> -> memref<1x1x125xf32, #tpu.memory_space<vmem>>
      %dma_start3A_730 = tpu.memref_squeeze %dma_start3A_729 : memref<1x1x125xf32, #tpu.memory_space<vmem>> -> memref<125xf32, #tpu.memory_space<vmem>>
      %dma_start3A_731 = arith.constant 0 : i32
      %dma_start3A_732 = tpu.memref_slice %arg18[%dma_start3A_725, %dma_start3A_731] : memref<80x125xi32, #tpu.memory_space<vmem>> -> memref<1x125xi32, #tpu.memory_space<vmem>>
      %dma_start3A_733 = tpu.memref_squeeze %dma_start3A_732 : memref<1x125xi32, #tpu.memory_space<vmem>> -> memref<125xi32, #tpu.memory_space<vmem>>
      %dma_start3A_734 = arith.constant 0 : i32
      %dma_start3A_735 = tpu.memref_slice %arg39[%dma_start3A_734] : memref<51200xf32, #tpu.memory_space<vmem_shared>> -> memref<51200xf32, #tpu.memory_space<vmem_shared>>
      tpu.enqueue_indirect_dma source(%dma_start3A_735 : memref<51200xf32, #tpu.memory_space<vmem_shared>>) target(%dma_start3A_730 : memref<125xf32, #tpu.memory_space<vmem>>) offsets(%dma_start3A_733 : memref<125xi32, #tpu.memory_space<vmem>>) semaphore(%arg43 : memref<!tpu.dma_semaphore, #tpu.memory_space<semaphore_mem>>)
      %dma_start3A_736 = arith.constant 4 : i32
      %dma_start3A_737 = arith.constant 4 : i32
      %dma_start3A_738 = arith.constant 10 : i32
      %dma_start3A_739 = arith.constant 0 : i32
      %dma_start3A_740 = tpu.memref_slice %arg20[%dma_start3A_737, %dma_start3A_738, %dma_start3A_739] : memref<12x12x125xf32, #tpu.memory_space<vmem>> -> memref<1x1x125xf32, #tpu.memory_space<vmem>>
      %dma_start3A_741 = tpu.memref_squeeze %dma_start3A_740 : memref<1x1x125xf32, #tpu.memory_space<vmem>> -> memref<125xf32, #tpu.memory_space<vmem>>
      %dma_start3A_742 = arith.constant 0 : i32
      %dma_start3A_743 = tpu.memref_slice %arg18[%dma_start3A_736, %dma_start3A_742] : memref<80x125xi32, #tpu.memory_space<vmem>> -> memref<1x125xi32, #tpu.memory_space<vmem>>
      %dma_start3A_744 = tpu.memref_squeeze %dma_start3A_743 : memref<1x125xi32, #tpu.memory_space<vmem>> -> memref<125xi32, #tpu.memory_space<vmem>>
      %dma_start3A_745 = arith.constant 0 : i32
      %dma_start3A_746 = tpu.memref_slice %arg40[%dma_start3A_745] : memref<51200xf32, #tpu.memory_space<vmem_shared>> -> memref<51200xf32, #tpu.memory_space<vmem_shared>>
      tpu.enqueue_indirect_dma source(%dma_start3A_746 : memref<51200xf32, #tpu.memory_space<vmem_shared>>) target(%dma_start3A_741 : memref<125xf32, #tpu.memory_space<vmem>>) offsets(%dma_start3A_744 : memref<125xi32, #tpu.memory_space<vmem>>) semaphore(%arg43 : memref<!tpu.dma_semaphore, #tpu.memory_space<semaphore_mem>>)
      %dma_start3A_747 = arith.constant 4 : i32
      %dma_start3A_748 = arith.constant 4 : i32
      %dma_start3A_749 = arith.constant 11 : i32
      %dma_start3A_750 = arith.constant 0 : i32
      %dma_start3A_751 = tpu.memref_slice %arg20[%dma_start3A_748, %dma_start3A_749, %dma_start3A_750] : memref<12x12x125xf32, #tpu.memory_space<vmem>> -> memref<1x1x125xf32, #tpu.memory_space<vmem>>
      %dma_start3A_752 = tpu.memref_squeeze %dma_start3A_751 : memref<1x1x125xf32, #tpu.memory_space<vmem>> -> memref<125xf32, #tpu.memory_space<vmem>>
      %dma_start3A_753 = arith.constant 0 : i32
      %dma_start3A_754 = tpu.memref_slice %arg18[%dma_start3A_747, %dma_start3A_753] : memref<80x125xi32, #tpu.memory_space<vmem>> -> memref<1x125xi32, #tpu.memory_space<vmem>>
      %dma_start3A_755 = tpu.memref_squeeze %dma_start3A_754 : memref<1x125xi32, #tpu.memory_space<vmem>> -> memref<125xi32, #tpu.memory_space<vmem>>
      %dma_start3A_756 = arith.constant 0 : i32
      %dma_start3A_757 = tpu.memref_slice %arg41[%dma_start3A_756] : memref<51200xf32, #tpu.memory_space<vmem_shared>> -> memref<51200xf32, #tpu.memory_space<vmem_shared>>
      tpu.enqueue_indirect_dma source(%dma_start3A_757 : memref<51200xf32, #tpu.memory_space<vmem_shared>>) target(%dma_start3A_752 : memref<125xf32, #tpu.memory_space<vmem>>) offsets(%dma_start3A_755 : memref<125xi32, #tpu.memory_space<vmem>>) semaphore(%arg43 : memref<!tpu.dma_semaphore, #tpu.memory_space<semaphore_mem>>)
      %dma_start3A_758 = arith.constant 5 : i32
      %dma_start3A_759 = arith.constant 5 : i32
      %dma_start3A_760 = arith.constant 0 : i32
      %dma_start3A_761 = arith.constant 0 : i32
      %dma_start3A_762 = tpu.memref_slice %arg20[%dma_start3A_759, %dma_start3A_760, %dma_start3A_761] : memref<12x12x125xf32, #tpu.memory_space<vmem>> -> memref<1x1x125xf32, #tpu.memory_space<vmem>>
      %dma_start3A_763 = tpu.memref_squeeze %dma_start3A_762 : memref<1x1x125xf32, #tpu.memory_space<vmem>> -> memref<125xf32, #tpu.memory_space<vmem>>
      %dma_start3A_764 = arith.constant 0 : i32
      %dma_start3A_765 = tpu.memref_slice %arg18[%dma_start3A_758, %dma_start3A_764] : memref<80x125xi32, #tpu.memory_space<vmem>> -> memref<1x125xi32, #tpu.memory_space<vmem>>
      %dma_start3A_766 = tpu.memref_squeeze %dma_start3A_765 : memref<1x125xi32, #tpu.memory_space<vmem>> -> memref<125xi32, #tpu.memory_space<vmem>>
      %dma_start3A_767 = arith.constant 0 : i32
      %dma_start3A_768 = tpu.memref_slice %arg2[%dma_start3A_767] : memref<51200xf32, #tpu.memory_space<hbm>> -> memref<51200xf32, #tpu.memory_space<hbm>>
      tpu.enqueue_indirect_dma source(%dma_start3A_768 : memref<51200xf32, #tpu.memory_space<hbm>>) target(%dma_start3A_763 : memref<125xf32, #tpu.memory_space<vmem>>) offsets(%dma_start3A_766 : memref<125xi32, #tpu.memory_space<vmem>>) semaphore(%arg42 : memref<!tpu.dma_semaphore, #tpu.memory_space<semaphore_mem>>)
      %dma_start3A_769 = arith.constant 5 : i32
      %dma_start3A_770 = arith.constant 5 : i32
      %dma_start3A_771 = arith.constant 1 : i32
      %dma_start3A_772 = arith.constant 0 : i32
      %dma_start3A_773 = tpu.memref_slice %arg20[%dma_start3A_770, %dma_start3A_771, %dma_start3A_772] : memref<12x12x125xf32, #tpu.memory_space<vmem>> -> memref<1x1x125xf32, #tpu.memory_space<vmem>>
      %dma_start3A_774 = tpu.memref_squeeze %dma_start3A_773 : memref<1x1x125xf32, #tpu.memory_space<vmem>> -> memref<125xf32, #tpu.memory_space<vmem>>
      %dma_start3A_775 = arith.constant 0 : i32
      %dma_start3A_776 = tpu.memref_slice %arg18[%dma_start3A_769, %dma_start3A_775] : memref<80x125xi32, #tpu.memory_space<vmem>> -> memref<1x125xi32, #tpu.memory_space<vmem>>
      %dma_start3A_777 = tpu.memref_squeeze %dma_start3A_776 : memref<1x125xi32, #tpu.memory_space<vmem>> -> memref<125xi32, #tpu.memory_space<vmem>>
      %dma_start3A_778 = arith.constant 0 : i32
      %dma_start3A_779 = tpu.memref_slice %arg3[%dma_start3A_778] : memref<51200xf32, #tpu.memory_space<hbm>> -> memref<51200xf32, #tpu.memory_space<hbm>>
      tpu.enqueue_indirect_dma source(%dma_start3A_779 : memref<51200xf32, #tpu.memory_space<hbm>>) target(%dma_start3A_774 : memref<125xf32, #tpu.memory_space<vmem>>) offsets(%dma_start3A_777 : memref<125xi32, #tpu.memory_space<vmem>>) semaphore(%arg42 : memref<!tpu.dma_semaphore, #tpu.memory_space<semaphore_mem>>)
      %dma_start3A_780 = arith.constant 5 : i32
      %dma_start3A_781 = arith.constant 5 : i32
      %dma_start3A_782 = arith.constant 2 : i32
      %dma_start3A_783 = arith.constant 0 : i32
      %dma_start3A_784 = tpu.memref_slice %arg20[%dma_start3A_781, %dma_start3A_782, %dma_start3A_783] : memref<12x12x125xf32, #tpu.memory_space<vmem>> -> memref<1x1x125xf32, #tpu.memory_space<vmem>>
      %dma_start3A_785 = tpu.memref_squeeze %dma_start3A_784 : memref<1x1x125xf32, #tpu.memory_space<vmem>> -> memref<125xf32, #tpu.memory_space<vmem>>
      %dma_start3A_786 = arith.constant 0 : i32
      %dma_start3A_787 = tpu.memref_slice %arg18[%dma_start3A_780, %dma_start3A_786] : memref<80x125xi32, #tpu.memory_space<vmem>> -> memref<1x125xi32, #tpu.memory_space<vmem>>
      %dma_start3A_788 = tpu.memref_squeeze %dma_start3A_787 : memref<1x125xi32, #tpu.memory_space<vmem>> -> memref<125xi32, #tpu.memory_space<vmem>>
      %dma_start3A_789 = arith.constant 0 : i32
      %dma_start3A_790 = tpu.memref_slice %arg4[%dma_start3A_789] : memref<51200xf32, #tpu.memory_space<hbm>> -> memref<51200xf32, #tpu.memory_space<hbm>>
      tpu.enqueue_indirect_dma source(%dma_start3A_790 : memref<51200xf32, #tpu.memory_space<hbm>>) target(%dma_start3A_785 : memref<125xf32, #tpu.memory_space<vmem>>) offsets(%dma_start3A_788 : memref<125xi32, #tpu.memory_space<vmem>>) semaphore(%arg42 : memref<!tpu.dma_semaphore, #tpu.memory_space<semaphore_mem>>)
      %dma_start3A_791 = arith.constant 5 : i32
      %dma_start3A_792 = arith.constant 5 : i32
      %dma_start3A_793 = arith.constant 3 : i32
      %dma_start3A_794 = arith.constant 0 : i32
      %dma_start3A_795 = tpu.memref_slice %arg20[%dma_start3A_792, %dma_start3A_793, %dma_start3A_794] : memref<12x12x125xf32, #tpu.memory_space<vmem>> -> memref<1x1x125xf32, #tpu.memory_space<vmem>>
      %dma_start3A_796 = tpu.memref_squeeze %dma_start3A_795 : memref<1x1x125xf32, #tpu.memory_space<vmem>> -> memref<125xf32, #tpu.memory_space<vmem>>
      %dma_start3A_797 = arith.constant 0 : i32
      %dma_start3A_798 = tpu.memref_slice %arg18[%dma_start3A_791, %dma_start3A_797] : memref<80x125xi32, #tpu.memory_space<vmem>> -> memref<1x125xi32, #tpu.memory_space<vmem>>
      %dma_start3A_799 = tpu.memref_squeeze %dma_start3A_798 : memref<1x125xi32, #tpu.memory_space<vmem>> -> memref<125xi32, #tpu.memory_space<vmem>>
      %dma_start3A_800 = arith.constant 0 : i32
      %dma_start3A_801 = tpu.memref_slice %arg5[%dma_start3A_800] : memref<51200xf32, #tpu.memory_space<hbm>> -> memref<51200xf32, #tpu.memory_space<hbm>>
      tpu.enqueue_indirect_dma source(%dma_start3A_801 : memref<51200xf32, #tpu.memory_space<hbm>>) target(%dma_start3A_796 : memref<125xf32, #tpu.memory_space<vmem>>) offsets(%dma_start3A_799 : memref<125xi32, #tpu.memory_space<vmem>>) semaphore(%arg42 : memref<!tpu.dma_semaphore, #tpu.memory_space<semaphore_mem>>)
      %dma_start3A_802 = arith.constant 5 : i32
      %dma_start3A_803 = arith.constant 5 : i32
      %dma_start3A_804 = arith.constant 4 : i32
      %dma_start3A_805 = arith.constant 0 : i32
      %dma_start3A_806 = tpu.memref_slice %arg20[%dma_start3A_803, %dma_start3A_804, %dma_start3A_805] : memref<12x12x125xf32, #tpu.memory_space<vmem>> -> memref<1x1x125xf32, #tpu.memory_space<vmem>>
      %dma_start3A_807 = tpu.memref_squeeze %dma_start3A_806 : memref<1x1x125xf32, #tpu.memory_space<vmem>> -> memref<125xf32, #tpu.memory_space<vmem>>
      %dma_start3A_808 = arith.constant 0 : i32
      %dma_start3A_809 = tpu.memref_slice %arg18[%dma_start3A_802, %dma_start3A_808] : memref<80x125xi32, #tpu.memory_space<vmem>> -> memref<1x125xi32, #tpu.memory_space<vmem>>
      %dma_start3A_810 = tpu.memref_squeeze %dma_start3A_809 : memref<1x125xi32, #tpu.memory_space<vmem>> -> memref<125xi32, #tpu.memory_space<vmem>>
      %dma_start3A_811 = arith.constant 0 : i32
      %dma_start3A_812 = tpu.memref_slice %arg34[%dma_start3A_811] : memref<51200xf32, #tpu.memory_space<vmem_shared>> -> memref<51200xf32, #tpu.memory_space<vmem_shared>>
      tpu.enqueue_indirect_dma source(%dma_start3A_812 : memref<51200xf32, #tpu.memory_space<vmem_shared>>) target(%dma_start3A_807 : memref<125xf32, #tpu.memory_space<vmem>>) offsets(%dma_start3A_810 : memref<125xi32, #tpu.memory_space<vmem>>) semaphore(%arg43 : memref<!tpu.dma_semaphore, #tpu.memory_space<semaphore_mem>>)
      %dma_start3A_813 = arith.constant 5 : i32
      %dma_start3A_814 = arith.constant 5 : i32
      %dma_start3A_815 = arith.constant 5 : i32
      %dma_start3A_816 = arith.constant 0 : i32
      %dma_start3A_817 = tpu.memref_slice %arg20[%dma_start3A_814, %dma_start3A_815, %dma_start3A_816] : memref<12x12x125xf32, #tpu.memory_space<vmem>> -> memref<1x1x125xf32, #tpu.memory_space<vmem>>
      %dma_start3A_818 = tpu.memref_squeeze %dma_start3A_817 : memref<1x1x125xf32, #tpu.memory_space<vmem>> -> memref<125xf32, #tpu.memory_space<vmem>>
      %dma_start3A_819 = arith.constant 0 : i32
      %dma_start3A_820 = tpu.memref_slice %arg18[%dma_start3A_813, %dma_start3A_819] : memref<80x125xi32, #tpu.memory_space<vmem>> -> memref<1x125xi32, #tpu.memory_space<vmem>>
      %dma_start3A_821 = tpu.memref_squeeze %dma_start3A_820 : memref<1x125xi32, #tpu.memory_space<vmem>> -> memref<125xi32, #tpu.memory_space<vmem>>
      %dma_start3A_822 = arith.constant 0 : i32
      %dma_start3A_823 = tpu.memref_slice %arg35[%dma_start3A_822] : memref<51200xf32, #tpu.memory_space<vmem_shared>> -> memref<51200xf32, #tpu.memory_space<vmem_shared>>
      tpu.enqueue_indirect_dma source(%dma_start3A_823 : memref<51200xf32, #tpu.memory_space<vmem_shared>>) target(%dma_start3A_818 : memref<125xf32, #tpu.memory_space<vmem>>) offsets(%dma_start3A_821 : memref<125xi32, #tpu.memory_space<vmem>>) semaphore(%arg43 : memref<!tpu.dma_semaphore, #tpu.memory_space<semaphore_mem>>)
      %dma_start3A_824 = arith.constant 5 : i32
      %dma_start3A_825 = arith.constant 5 : i32
      %dma_start3A_826 = arith.constant 6 : i32
      %dma_start3A_827 = arith.constant 0 : i32
      %dma_start3A_828 = tpu.memref_slice %arg20[%dma_start3A_825, %dma_start3A_826, %dma_start3A_827] : memref<12x12x125xf32, #tpu.memory_space<vmem>> -> memref<1x1x125xf32, #tpu.memory_space<vmem>>
      %dma_start3A_829 = tpu.memref_squeeze %dma_start3A_828 : memref<1x1x125xf32, #tpu.memory_space<vmem>> -> memref<125xf32, #tpu.memory_space<vmem>>
      %dma_start3A_830 = arith.constant 0 : i32
      %dma_start3A_831 = tpu.memref_slice %arg18[%dma_start3A_824, %dma_start3A_830] : memref<80x125xi32, #tpu.memory_space<vmem>> -> memref<1x125xi32, #tpu.memory_space<vmem>>
      %dma_start3A_832 = tpu.memref_squeeze %dma_start3A_831 : memref<1x125xi32, #tpu.memory_space<vmem>> -> memref<125xi32, #tpu.memory_space<vmem>>
      %dma_start3A_833 = arith.constant 0 : i32
      %dma_start3A_834 = tpu.memref_slice %arg36[%dma_start3A_833] : memref<51200xf32, #tpu.memory_space<vmem_shared>> -> memref<51200xf32, #tpu.memory_space<vmem_shared>>
      tpu.enqueue_indirect_dma source(%dma_start3A_834 : memref<51200xf32, #tpu.memory_space<vmem_shared>>) target(%dma_start3A_829 : memref<125xf32, #tpu.memory_space<vmem>>) offsets(%dma_start3A_832 : memref<125xi32, #tpu.memory_space<vmem>>) semaphore(%arg43 : memref<!tpu.dma_semaphore, #tpu.memory_space<semaphore_mem>>)
      %dma_start3A_835 = arith.constant 5 : i32
      %dma_start3A_836 = arith.constant 5 : i32
      %dma_start3A_837 = arith.constant 7 : i32
      %dma_start3A_838 = arith.constant 0 : i32
      %dma_start3A_839 = tpu.memref_slice %arg20[%dma_start3A_836, %dma_start3A_837, %dma_start3A_838] : memref<12x12x125xf32, #tpu.memory_space<vmem>> -> memref<1x1x125xf32, #tpu.memory_space<vmem>>
      %dma_start3A_840 = tpu.memref_squeeze %dma_start3A_839 : memref<1x1x125xf32, #tpu.memory_space<vmem>> -> memref<125xf32, #tpu.memory_space<vmem>>
      %dma_start3A_841 = arith.constant 0 : i32
      %dma_start3A_842 = tpu.memref_slice %arg18[%dma_start3A_835, %dma_start3A_841] : memref<80x125xi32, #tpu.memory_space<vmem>> -> memref<1x125xi32, #tpu.memory_space<vmem>>
      %dma_start3A_843 = tpu.memref_squeeze %dma_start3A_842 : memref<1x125xi32, #tpu.memory_space<vmem>> -> memref<125xi32, #tpu.memory_space<vmem>>
      %dma_start3A_844 = arith.constant 0 : i32
      %dma_start3A_845 = tpu.memref_slice %arg37[%dma_start3A_844] : memref<51200xf32, #tpu.memory_space<vmem_shared>> -> memref<51200xf32, #tpu.memory_space<vmem_shared>>
      tpu.enqueue_indirect_dma source(%dma_start3A_845 : memref<51200xf32, #tpu.memory_space<vmem_shared>>) target(%dma_start3A_840 : memref<125xf32, #tpu.memory_space<vmem>>) offsets(%dma_start3A_843 : memref<125xi32, #tpu.memory_space<vmem>>) semaphore(%arg43 : memref<!tpu.dma_semaphore, #tpu.memory_space<semaphore_mem>>)
      %dma_start3A_846 = arith.constant 5 : i32
      %dma_start3A_847 = arith.constant 5 : i32
      %dma_start3A_848 = arith.constant 8 : i32
      %dma_start3A_849 = arith.constant 0 : i32
      %dma_start3A_850 = tpu.memref_slice %arg20[%dma_start3A_847, %dma_start3A_848, %dma_start3A_849] : memref<12x12x125xf32, #tpu.memory_space<vmem>> -> memref<1x1x125xf32, #tpu.memory_space<vmem>>
      %dma_start3A_851 = tpu.memref_squeeze %dma_start3A_850 : memref<1x1x125xf32, #tpu.memory_space<vmem>> -> memref<125xf32, #tpu.memory_space<vmem>>
      %dma_start3A_852 = arith.constant 0 : i32
      %dma_start3A_853 = tpu.memref_slice %arg18[%dma_start3A_846, %dma_start3A_852] : memref<80x125xi32, #tpu.memory_space<vmem>> -> memref<1x125xi32, #tpu.memory_space<vmem>>
      %dma_start3A_854 = tpu.memref_squeeze %dma_start3A_853 : memref<1x125xi32, #tpu.memory_space<vmem>> -> memref<125xi32, #tpu.memory_space<vmem>>
      %dma_start3A_855 = arith.constant 0 : i32
      %dma_start3A_856 = tpu.memref_slice %arg38[%dma_start3A_855] : memref<51200xf32, #tpu.memory_space<vmem_shared>> -> memref<51200xf32, #tpu.memory_space<vmem_shared>>
      tpu.enqueue_indirect_dma source(%dma_start3A_856 : memref<51200xf32, #tpu.memory_space<vmem_shared>>) target(%dma_start3A_851 : memref<125xf32, #tpu.memory_space<vmem>>) offsets(%dma_start3A_854 : memref<125xi32, #tpu.memory_space<vmem>>) semaphore(%arg43 : memref<!tpu.dma_semaphore, #tpu.memory_space<semaphore_mem>>)
      %dma_start3A_857 = arith.constant 5 : i32
      %dma_start3A_858 = arith.constant 5 : i32
      %dma_start3A_859 = arith.constant 9 : i32
      %dma_start3A_860 = arith.constant 0 : i32
      %dma_start3A_861 = tpu.memref_slice %arg20[%dma_start3A_858, %dma_start3A_859, %dma_start3A_860] : memref<12x12x125xf32, #tpu.memory_space<vmem>> -> memref<1x1x125xf32, #tpu.memory_space<vmem>>
      %dma_start3A_862 = tpu.memref_squeeze %dma_start3A_861 : memref<1x1x125xf32, #tpu.memory_space<vmem>> -> memref<125xf32, #tpu.memory_space<vmem>>
      %dma_start3A_863 = arith.constant 0 : i32
      %dma_start3A_864 = tpu.memref_slice %arg18[%dma_start3A_857, %dma_start3A_863] : memref<80x125xi32, #tpu.memory_space<vmem>> -> memref<1x125xi32, #tpu.memory_space<vmem>>
      %dma_start3A_865 = tpu.memref_squeeze %dma_start3A_864 : memref<1x125xi32, #tpu.memory_space<vmem>> -> memref<125xi32, #tpu.memory_space<vmem>>
      %dma_start3A_866 = arith.constant 0 : i32
      %dma_start3A_867 = tpu.memref_slice %arg39[%dma_start3A_866] : memref<51200xf32, #tpu.memory_space<vmem_shared>> -> memref<51200xf32, #tpu.memory_space<vmem_shared>>
      tpu.enqueue_indirect_dma source(%dma_start3A_867 : memref<51200xf32, #tpu.memory_space<vmem_shared>>) target(%dma_start3A_862 : memref<125xf32, #tpu.memory_space<vmem>>) offsets(%dma_start3A_865 : memref<125xi32, #tpu.memory_space<vmem>>) semaphore(%arg43 : memref<!tpu.dma_semaphore, #tpu.memory_space<semaphore_mem>>)
      %dma_start3A_868 = arith.constant 5 : i32
      %dma_start3A_869 = arith.constant 5 : i32
      %dma_start3A_870 = arith.constant 10 : i32
      %dma_start3A_871 = arith.constant 0 : i32
      %dma_start3A_872 = tpu.memref_slice %arg20[%dma_start3A_869, %dma_start3A_870, %dma_start3A_871] : memref<12x12x125xf32, #tpu.memory_space<vmem>> -> memref<1x1x125xf32, #tpu.memory_space<vmem>>
      %dma_start3A_873 = tpu.memref_squeeze %dma_start3A_872 : memref<1x1x125xf32, #tpu.memory_space<vmem>> -> memref<125xf32, #tpu.memory_space<vmem>>
      %dma_start3A_874 = arith.constant 0 : i32
      %dma_start3A_875 = tpu.memref_slice %arg18[%dma_start3A_868, %dma_start3A_874] : memref<80x125xi32, #tpu.memory_space<vmem>> -> memref<1x125xi32, #tpu.memory_space<vmem>>
      %dma_start3A_876 = tpu.memref_squeeze %dma_start3A_875 : memref<1x125xi32, #tpu.memory_space<vmem>> -> memref<125xi32, #tpu.memory_space<vmem>>
      %dma_start3A_877 = arith.constant 0 : i32
      %dma_start3A_878 = tpu.memref_slice %arg40[%dma_start3A_877] : memref<51200xf32, #tpu.memory_space<vmem_shared>> -> memref<51200xf32, #tpu.memory_space<vmem_shared>>
      tpu.enqueue_indirect_dma source(%dma_start3A_878 : memref<51200xf32, #tpu.memory_space<vmem_shared>>) target(%dma_start3A_873 : memref<125xf32, #tpu.memory_space<vmem>>) offsets(%dma_start3A_876 : memref<125xi32, #tpu.memory_space<vmem>>) semaphore(%arg43 : memref<!tpu.dma_semaphore, #tpu.memory_space<semaphore_mem>>)
      %dma_start3A_879 = arith.constant 5 : i32
      %dma_start3A_880 = arith.constant 5 : i32
      %dma_start3A_881 = arith.constant 11 : i32
      %dma_start3A_882 = arith.constant 0 : i32
      %dma_start3A_883 = tpu.memref_slice %arg20[%dma_start3A_880, %dma_start3A_881, %dma_start3A_882] : memref<12x12x125xf32, #tpu.memory_space<vmem>> -> memref<1x1x125xf32, #tpu.memory_space<vmem>>
      %dma_start3A_884 = tpu.memref_squeeze %dma_start3A_883 : memref<1x1x125xf32, #tpu.memory_space<vmem>> -> memref<125xf32, #tpu.memory_space<vmem>>
      %dma_start3A_885 = arith.constant 0 : i32
      %dma_start3A_886 = tpu.memref_slice %arg18[%dma_start3A_879, %dma_start3A_885] : memref<80x125xi32, #tpu.memory_space<vmem>> -> memref<1x125xi32, #tpu.memory_space<vmem>>
      %dma_start3A_887 = tpu.memref_squeeze %dma_start3A_886 : memref<1x125xi32, #tpu.memory_space<vmem>> -> memref<125xi32, #tpu.memory_space<vmem>>
      %dma_start3A_888 = arith.constant 0 : i32
      %dma_start3A_889 = tpu.memref_slice %arg41[%dma_start3A_888] : memref<51200xf32, #tpu.memory_space<vmem_shared>> -> memref<51200xf32, #tpu.memory_space<vmem_shared>>
      tpu.enqueue_indirect_dma source(%dma_start3A_889 : memref<51200xf32, #tpu.memory_space<vmem_shared>>) target(%dma_start3A_884 : memref<125xf32, #tpu.memory_space<vmem>>) offsets(%dma_start3A_887 : memref<125xi32, #tpu.memory_space<vmem>>) semaphore(%arg43 : memref<!tpu.dma_semaphore, #tpu.memory_space<semaphore_mem>>)
      %dma_start3A_890 = arith.constant 6 : i32
      %dma_start3A_891 = arith.constant 6 : i32
      %dma_start3A_892 = arith.constant 0 : i32
      %dma_start3A_893 = arith.constant 0 : i32
      %dma_start3A_894 = tpu.memref_slice %arg20[%dma_start3A_891, %dma_start3A_892, %dma_start3A_893] : memref<12x12x125xf32, #tpu.memory_space<vmem>> -> memref<1x1x125xf32, #tpu.memory_space<vmem>>
      %dma_start3A_895 = tpu.memref_squeeze %dma_start3A_894 : memref<1x1x125xf32, #tpu.memory_space<vmem>> -> memref<125xf32, #tpu.memory_space<vmem>>
      %dma_start3A_896 = arith.constant 0 : i32
      %dma_start3A_897 = tpu.memref_slice %arg18[%dma_start3A_890, %dma_start3A_896] : memref<80x125xi32, #tpu.memory_space<vmem>> -> memref<1x125xi32, #tpu.memory_space<vmem>>
      %dma_start3A_898 = tpu.memref_squeeze %dma_start3A_897 : memref<1x125xi32, #tpu.memory_space<vmem>> -> memref<125xi32, #tpu.memory_space<vmem>>
      %dma_start3A_899 = arith.constant 0 : i32
      %dma_start3A_900 = tpu.memref_slice %arg2[%dma_start3A_899] : memref<51200xf32, #tpu.memory_space<hbm>> -> memref<51200xf32, #tpu.memory_space<hbm>>
      tpu.enqueue_indirect_dma source(%dma_start3A_900 : memref<51200xf32, #tpu.memory_space<hbm>>) target(%dma_start3A_895 : memref<125xf32, #tpu.memory_space<vmem>>) offsets(%dma_start3A_898 : memref<125xi32, #tpu.memory_space<vmem>>) semaphore(%arg42 : memref<!tpu.dma_semaphore, #tpu.memory_space<semaphore_mem>>)
      %dma_start3A_901 = arith.constant 6 : i32
      %dma_start3A_902 = arith.constant 6 : i32
      %dma_start3A_903 = arith.constant 1 : i32
      %dma_start3A_904 = arith.constant 0 : i32
      %dma_start3A_905 = tpu.memref_slice %arg20[%dma_start3A_902, %dma_start3A_903, %dma_start3A_904] : memref<12x12x125xf32, #tpu.memory_space<vmem>> -> memref<1x1x125xf32, #tpu.memory_space<vmem>>
      %dma_start3A_906 = tpu.memref_squeeze %dma_start3A_905 : memref<1x1x125xf32, #tpu.memory_space<vmem>> -> memref<125xf32, #tpu.memory_space<vmem>>
      %dma_start3A_907 = arith.constant 0 : i32
      %dma_start3A_908 = tpu.memref_slice %arg18[%dma_start3A_901, %dma_start3A_907] : memref<80x125xi32, #tpu.memory_space<vmem>> -> memref<1x125xi32, #tpu.memory_space<vmem>>
      %dma_start3A_909 = tpu.memref_squeeze %dma_start3A_908 : memref<1x125xi32, #tpu.memory_space<vmem>> -> memref<125xi32, #tpu.memory_space<vmem>>
      %dma_start3A_910 = arith.constant 0 : i32
      %dma_start3A_911 = tpu.memref_slice %arg3[%dma_start3A_910] : memref<51200xf32, #tpu.memory_space<hbm>> -> memref<51200xf32, #tpu.memory_space<hbm>>
      tpu.enqueue_indirect_dma source(%dma_start3A_911 : memref<51200xf32, #tpu.memory_space<hbm>>) target(%dma_start3A_906 : memref<125xf32, #tpu.memory_space<vmem>>) offsets(%dma_start3A_909 : memref<125xi32, #tpu.memory_space<vmem>>) semaphore(%arg42 : memref<!tpu.dma_semaphore, #tpu.memory_space<semaphore_mem>>)
      %dma_start3A_912 = arith.constant 6 : i32
      %dma_start3A_913 = arith.constant 6 : i32
      %dma_start3A_914 = arith.constant 2 : i32
      %dma_start3A_915 = arith.constant 0 : i32
      %dma_start3A_916 = tpu.memref_slice %arg20[%dma_start3A_913, %dma_start3A_914, %dma_start3A_915] : memref<12x12x125xf32, #tpu.memory_space<vmem>> -> memref<1x1x125xf32, #tpu.memory_space<vmem>>
      %dma_start3A_917 = tpu.memref_squeeze %dma_start3A_916 : memref<1x1x125xf32, #tpu.memory_space<vmem>> -> memref<125xf32, #tpu.memory_space<vmem>>
      %dma_start3A_918 = arith.constant 0 : i32
      %dma_start3A_919 = tpu.memref_slice %arg18[%dma_start3A_912, %dma_start3A_918] : memref<80x125xi32, #tpu.memory_space<vmem>> -> memref<1x125xi32, #tpu.memory_space<vmem>>
      %dma_start3A_920 = tpu.memref_squeeze %dma_start3A_919 : memref<1x125xi32, #tpu.memory_space<vmem>> -> memref<125xi32, #tpu.memory_space<vmem>>
      %dma_start3A_921 = arith.constant 0 : i32
      %dma_start3A_922 = tpu.memref_slice %arg4[%dma_start3A_921] : memref<51200xf32, #tpu.memory_space<hbm>> -> memref<51200xf32, #tpu.memory_space<hbm>>
      tpu.enqueue_indirect_dma source(%dma_start3A_922 : memref<51200xf32, #tpu.memory_space<hbm>>) target(%dma_start3A_917 : memref<125xf32, #tpu.memory_space<vmem>>) offsets(%dma_start3A_920 : memref<125xi32, #tpu.memory_space<vmem>>) semaphore(%arg42 : memref<!tpu.dma_semaphore, #tpu.memory_space<semaphore_mem>>)
      %dma_start3A_923 = arith.constant 6 : i32
      %dma_start3A_924 = arith.constant 6 : i32
      %dma_start3A_925 = arith.constant 3 : i32
      %dma_start3A_926 = arith.constant 0 : i32
      %dma_start3A_927 = tpu.memref_slice %arg20[%dma_start3A_924, %dma_start3A_925, %dma_start3A_926] : memref<12x12x125xf32, #tpu.memory_space<vmem>> -> memref<1x1x125xf32, #tpu.memory_space<vmem>>
      %dma_start3A_928 = tpu.memref_squeeze %dma_start3A_927 : memref<1x1x125xf32, #tpu.memory_space<vmem>> -> memref<125xf32, #tpu.memory_space<vmem>>
      %dma_start3A_929 = arith.constant 0 : i32
      %dma_start3A_930 = tpu.memref_slice %arg18[%dma_start3A_923, %dma_start3A_929] : memref<80x125xi32, #tpu.memory_space<vmem>> -> memref<1x125xi32, #tpu.memory_space<vmem>>
      %dma_start3A_931 = tpu.memref_squeeze %dma_start3A_930 : memref<1x125xi32, #tpu.memory_space<vmem>> -> memref<125xi32, #tpu.memory_space<vmem>>
      %dma_start3A_932 = arith.constant 0 : i32
      %dma_start3A_933 = tpu.memref_slice %arg5[%dma_start3A_932] : memref<51200xf32, #tpu.memory_space<hbm>> -> memref<51200xf32, #tpu.memory_space<hbm>>
      tpu.enqueue_indirect_dma source(%dma_start3A_933 : memref<51200xf32, #tpu.memory_space<hbm>>) target(%dma_start3A_928 : memref<125xf32, #tpu.memory_space<vmem>>) offsets(%dma_start3A_931 : memref<125xi32, #tpu.memory_space<vmem>>) semaphore(%arg42 : memref<!tpu.dma_semaphore, #tpu.memory_space<semaphore_mem>>)
      %dma_start3A_934 = arith.constant 6 : i32
      %dma_start3A_935 = arith.constant 6 : i32
      %dma_start3A_936 = arith.constant 4 : i32
      %dma_start3A_937 = arith.constant 0 : i32
      %dma_start3A_938 = tpu.memref_slice %arg20[%dma_start3A_935, %dma_start3A_936, %dma_start3A_937] : memref<12x12x125xf32, #tpu.memory_space<vmem>> -> memref<1x1x125xf32, #tpu.memory_space<vmem>>
      %dma_start3A_939 = tpu.memref_squeeze %dma_start3A_938 : memref<1x1x125xf32, #tpu.memory_space<vmem>> -> memref<125xf32, #tpu.memory_space<vmem>>
      %dma_start3A_940 = arith.constant 0 : i32
      %dma_start3A_941 = tpu.memref_slice %arg18[%dma_start3A_934, %dma_start3A_940] : memref<80x125xi32, #tpu.memory_space<vmem>> -> memref<1x125xi32, #tpu.memory_space<vmem>>
      %dma_start3A_942 = tpu.memref_squeeze %dma_start3A_941 : memref<1x125xi32, #tpu.memory_space<vmem>> -> memref<125xi32, #tpu.memory_space<vmem>>
      %dma_start3A_943 = arith.constant 0 : i32
      %dma_start3A_944 = tpu.memref_slice %arg34[%dma_start3A_943] : memref<51200xf32, #tpu.memory_space<vmem_shared>> -> memref<51200xf32, #tpu.memory_space<vmem_shared>>
      tpu.enqueue_indirect_dma source(%dma_start3A_944 : memref<51200xf32, #tpu.memory_space<vmem_shared>>) target(%dma_start3A_939 : memref<125xf32, #tpu.memory_space<vmem>>) offsets(%dma_start3A_942 : memref<125xi32, #tpu.memory_space<vmem>>) semaphore(%arg43 : memref<!tpu.dma_semaphore, #tpu.memory_space<semaphore_mem>>)
      %dma_start3A_945 = arith.constant 6 : i32
      %dma_start3A_946 = arith.constant 6 : i32
      %dma_start3A_947 = arith.constant 5 : i32
      %dma_start3A_948 = arith.constant 0 : i32
      %dma_start3A_949 = tpu.memref_slice %arg20[%dma_start3A_946, %dma_start3A_947, %dma_start3A_948] : memref<12x12x125xf32, #tpu.memory_space<vmem>> -> memref<1x1x125xf32, #tpu.memory_space<vmem>>
      %dma_start3A_950 = tpu.memref_squeeze %dma_start3A_949 : memref<1x1x125xf32, #tpu.memory_space<vmem>> -> memref<125xf32, #tpu.memory_space<vmem>>
      %dma_start3A_951 = arith.constant 0 : i32
      %dma_start3A_952 = tpu.memref_slice %arg18[%dma_start3A_945, %dma_start3A_951] : memref<80x125xi32, #tpu.memory_space<vmem>> -> memref<1x125xi32, #tpu.memory_space<vmem>>
      %dma_start3A_953 = tpu.memref_squeeze %dma_start3A_952 : memref<1x125xi32, #tpu.memory_space<vmem>> -> memref<125xi32, #tpu.memory_space<vmem>>
      %dma_start3A_954 = arith.constant 0 : i32
      %dma_start3A_955 = tpu.memref_slice %arg35[%dma_start3A_954] : memref<51200xf32, #tpu.memory_space<vmem_shared>> -> memref<51200xf32, #tpu.memory_space<vmem_shared>>
      tpu.enqueue_indirect_dma source(%dma_start3A_955 : memref<51200xf32, #tpu.memory_space<vmem_shared>>) target(%dma_start3A_950 : memref<125xf32, #tpu.memory_space<vmem>>) offsets(%dma_start3A_953 : memref<125xi32, #tpu.memory_space<vmem>>) semaphore(%arg43 : memref<!tpu.dma_semaphore, #tpu.memory_space<semaphore_mem>>)
      %dma_start3A_956 = arith.constant 6 : i32
      %dma_start3A_957 = arith.constant 6 : i32
      %dma_start3A_958 = arith.constant 6 : i32
      %dma_start3A_959 = arith.constant 0 : i32
      %dma_start3A_960 = tpu.memref_slice %arg20[%dma_start3A_957, %dma_start3A_958, %dma_start3A_959] : memref<12x12x125xf32, #tpu.memory_space<vmem>> -> memref<1x1x125xf32, #tpu.memory_space<vmem>>
      %dma_start3A_961 = tpu.memref_squeeze %dma_start3A_960 : memref<1x1x125xf32, #tpu.memory_space<vmem>> -> memref<125xf32, #tpu.memory_space<vmem>>
      %dma_start3A_962 = arith.constant 0 : i32
      %dma_start3A_963 = tpu.memref_slice %arg18[%dma_start3A_956, %dma_start3A_962] : memref<80x125xi32, #tpu.memory_space<vmem>> -> memref<1x125xi32, #tpu.memory_space<vmem>>
      %dma_start3A_964 = tpu.memref_squeeze %dma_start3A_963 : memref<1x125xi32, #tpu.memory_space<vmem>> -> memref<125xi32, #tpu.memory_space<vmem>>
      %dma_start3A_965 = arith.constant 0 : i32
      %dma_start3A_966 = tpu.memref_slice %arg36[%dma_start3A_965] : memref<51200xf32, #tpu.memory_space<vmem_shared>> -> memref<51200xf32, #tpu.memory_space<vmem_shared>>
      tpu.enqueue_indirect_dma source(%dma_start3A_966 : memref<51200xf32, #tpu.memory_space<vmem_shared>>) target(%dma_start3A_961 : memref<125xf32, #tpu.memory_space<vmem>>) offsets(%dma_start3A_964 : memref<125xi32, #tpu.memory_space<vmem>>) semaphore(%arg43 : memref<!tpu.dma_semaphore, #tpu.memory_space<semaphore_mem>>)
      %dma_start3A_967 = arith.constant 6 : i32
      %dma_start3A_968 = arith.constant 6 : i32
      %dma_start3A_969 = arith.constant 7 : i32
      %dma_start3A_970 = arith.constant 0 : i32
      %dma_start3A_971 = tpu.memref_slice %arg20[%dma_start3A_968, %dma_start3A_969, %dma_start3A_970] : memref<12x12x125xf32, #tpu.memory_space<vmem>> -> memref<1x1x125xf32, #tpu.memory_space<vmem>>
      %dma_start3A_972 = tpu.memref_squeeze %dma_start3A_971 : memref<1x1x125xf32, #tpu.memory_space<vmem>> -> memref<125xf32, #tpu.memory_space<vmem>>
      %dma_start3A_973 = arith.constant 0 : i32
      %dma_start3A_974 = tpu.memref_slice %arg18[%dma_start3A_967, %dma_start3A_973] : memref<80x125xi32, #tpu.memory_space<vmem>> -> memref<1x125xi32, #tpu.memory_space<vmem>>
      %dma_start3A_975 = tpu.memref_squeeze %dma_start3A_974 : memref<1x125xi32, #tpu.memory_space<vmem>> -> memref<125xi32, #tpu.memory_space<vmem>>
      %dma_start3A_976 = arith.constant 0 : i32
      %dma_start3A_977 = tpu.memref_slice %arg37[%dma_start3A_976] : memref<51200xf32, #tpu.memory_space<vmem_shared>> -> memref<51200xf32, #tpu.memory_space<vmem_shared>>
      tpu.enqueue_indirect_dma source(%dma_start3A_977 : memref<51200xf32, #tpu.memory_space<vmem_shared>>) target(%dma_start3A_972 : memref<125xf32, #tpu.memory_space<vmem>>) offsets(%dma_start3A_975 : memref<125xi32, #tpu.memory_space<vmem>>) semaphore(%arg43 : memref<!tpu.dma_semaphore, #tpu.memory_space<semaphore_mem>>)
      %dma_start3A_978 = arith.constant 6 : i32
      %dma_start3A_979 = arith.constant 6 : i32
      %dma_start3A_980 = arith.constant 8 : i32
      %dma_start3A_981 = arith.constant 0 : i32
      %dma_start3A_982 = tpu.memref_slice %arg20[%dma_start3A_979, %dma_start3A_980, %dma_start3A_981] : memref<12x12x125xf32, #tpu.memory_space<vmem>> -> memref<1x1x125xf32, #tpu.memory_space<vmem>>
      %dma_start3A_983 = tpu.memref_squeeze %dma_start3A_982 : memref<1x1x125xf32, #tpu.memory_space<vmem>> -> memref<125xf32, #tpu.memory_space<vmem>>
      %dma_start3A_984 = arith.constant 0 : i32
      %dma_start3A_985 = tpu.memref_slice %arg18[%dma_start3A_978, %dma_start3A_984] : memref<80x125xi32, #tpu.memory_space<vmem>> -> memref<1x125xi32, #tpu.memory_space<vmem>>
      %dma_start3A_986 = tpu.memref_squeeze %dma_start3A_985 : memref<1x125xi32, #tpu.memory_space<vmem>> -> memref<125xi32, #tpu.memory_space<vmem>>
      %dma_start3A_987 = arith.constant 0 : i32
      %dma_start3A_988 = tpu.memref_slice %arg38[%dma_start3A_987] : memref<51200xf32, #tpu.memory_space<vmem_shared>> -> memref<51200xf32, #tpu.memory_space<vmem_shared>>
      tpu.enqueue_indirect_dma source(%dma_start3A_988 : memref<51200xf32, #tpu.memory_space<vmem_shared>>) target(%dma_start3A_983 : memref<125xf32, #tpu.memory_space<vmem>>) offsets(%dma_start3A_986 : memref<125xi32, #tpu.memory_space<vmem>>) semaphore(%arg43 : memref<!tpu.dma_semaphore, #tpu.memory_space<semaphore_mem>>)
      %dma_start3A_989 = arith.constant 6 : i32
      %dma_start3A_990 = arith.constant 6 : i32
      %dma_start3A_991 = arith.constant 9 : i32
      %dma_start3A_992 = arith.constant 0 : i32
      %dma_start3A_993 = tpu.memref_slice %arg20[%dma_start3A_990, %dma_start3A_991, %dma_start3A_992] : memref<12x12x125xf32, #tpu.memory_space<vmem>> -> memref<1x1x125xf32, #tpu.memory_space<vmem>>
      %dma_start3A_994 = tpu.memref_squeeze %dma_start3A_993 : memref<1x1x125xf32, #tpu.memory_space<vmem>> -> memref<125xf32, #tpu.memory_space<vmem>>
      %dma_start3A_995 = arith.constant 0 : i32
      %dma_start3A_996 = tpu.memref_slice %arg18[%dma_start3A_989, %dma_start3A_995] : memref<80x125xi32, #tpu.memory_space<vmem>> -> memref<1x125xi32, #tpu.memory_space<vmem>>
      %dma_start3A_997 = tpu.memref_squeeze %dma_start3A_996 : memref<1x125xi32, #tpu.memory_space<vmem>> -> memref<125xi32, #tpu.memory_space<vmem>>
      %dma_start3A_998 = arith.constant 0 : i32
      %dma_start3A_999 = tpu.memref_slice %arg39[%dma_start3A_998] : memref<51200xf32, #tpu.memory_space<vmem_shared>> -> memref<51200xf32, #tpu.memory_space<vmem_shared>>
      tpu.enqueue_indirect_dma source(%dma_start3A_999 : memref<51200xf32, #tpu.memory_space<vmem_shared>>) target(%dma_start3A_994 : memref<125xf32, #tpu.memory_space<vmem>>) offsets(%dma_start3A_997 : memref<125xi32, #tpu.memory_space<vmem>>) semaphore(%arg43 : memref<!tpu.dma_semaphore, #tpu.memory_space<semaphore_mem>>)
      %dma_start3A_1000 = arith.constant 6 : i32
      %dma_start3A_1001 = arith.constant 6 : i32
      %dma_start3A_1002 = arith.constant 10 : i32
      %dma_start3A_1003 = arith.constant 0 : i32
      %dma_start3A_1004 = tpu.memref_slice %arg20[%dma_start3A_1001, %dma_start3A_1002, %dma_start3A_1003] : memref<12x12x125xf32, #tpu.memory_space<vmem>> -> memref<1x1x125xf32, #tpu.memory_space<vmem>>
      %dma_start3A_1005 = tpu.memref_squeeze %dma_start3A_1004 : memref<1x1x125xf32, #tpu.memory_space<vmem>> -> memref<125xf32, #tpu.memory_space<vmem>>
      %dma_start3A_1006 = arith.constant 0 : i32
      %dma_start3A_1007 = tpu.memref_slice %arg18[%dma_start3A_1000, %dma_start3A_1006] : memref<80x125xi32, #tpu.memory_space<vmem>> -> memref<1x125xi32, #tpu.memory_space<vmem>>
      %dma_start3A_1008 = tpu.memref_squeeze %dma_start3A_1007 : memref<1x125xi32, #tpu.memory_space<vmem>> -> memref<125xi32, #tpu.memory_space<vmem>>
      %dma_start3A_1009 = arith.constant 0 : i32
      %dma_start3A_1010 = tpu.memref_slice %arg40[%dma_start3A_1009] : memref<51200xf32, #tpu.memory_space<vmem_shared>> -> memref<51200xf32, #tpu.memory_space<vmem_shared>>
      tpu.enqueue_indirect_dma source(%dma_start3A_1010 : memref<51200xf32, #tpu.memory_space<vmem_shared>>) target(%dma_start3A_1005 : memref<125xf32, #tpu.memory_space<vmem>>) offsets(%dma_start3A_1008 : memref<125xi32, #tpu.memory_space<vmem>>) semaphore(%arg43 : memref<!tpu.dma_semaphore, #tpu.memory_space<semaphore_mem>>)
      %dma_start3A_1011 = arith.constant 6 : i32
      %dma_start3A_1012 = arith.constant 6 : i32
      %dma_start3A_1013 = arith.constant 11 : i32
      %dma_start3A_1014 = arith.constant 0 : i32
      %dma_start3A_1015 = tpu.memref_slice %arg20[%dma_start3A_1012, %dma_start3A_1013, %dma_start3A_1014] : memref<12x12x125xf32, #tpu.memory_space<vmem>> -> memref<1x1x125xf32, #tpu.memory_space<vmem>>
      %dma_start3A_1016 = tpu.memref_squeeze %dma_start3A_1015 : memref<1x1x125xf32, #tpu.memory_space<vmem>> -> memref<125xf32, #tpu.memory_space<vmem>>
      %dma_start3A_1017 = arith.constant 0 : i32
      %dma_start3A_1018 = tpu.memref_slice %arg18[%dma_start3A_1011, %dma_start3A_1017] : memref<80x125xi32, #tpu.memory_space<vmem>> -> memref<1x125xi32, #tpu.memory_space<vmem>>
      %dma_start3A_1019 = tpu.memref_squeeze %dma_start3A_1018 : memref<1x125xi32, #tpu.memory_space<vmem>> -> memref<125xi32, #tpu.memory_space<vmem>>
      %dma_start3A_1020 = arith.constant 0 : i32
      %dma_start3A_1021 = tpu.memref_slice %arg41[%dma_start3A_1020] : memref<51200xf32, #tpu.memory_space<vmem_shared>> -> memref<51200xf32, #tpu.memory_space<vmem_shared>>
      tpu.enqueue_indirect_dma source(%dma_start3A_1021 : memref<51200xf32, #tpu.memory_space<vmem_shared>>) target(%dma_start3A_1016 : memref<125xf32, #tpu.memory_space<vmem>>) offsets(%dma_start3A_1019 : memref<125xi32, #tpu.memory_space<vmem>>) semaphore(%arg43 : memref<!tpu.dma_semaphore, #tpu.memory_space<semaphore_mem>>)
      %dma_start3A_1022 = arith.constant 7 : i32
      %dma_start3A_1023 = arith.constant 7 : i32
      %dma_start3A_1024 = arith.constant 0 : i32
      %dma_start3A_1025 = arith.constant 0 : i32
      %dma_start3A_1026 = tpu.memref_slice %arg20[%dma_start3A_1023, %dma_start3A_1024, %dma_start3A_1025] : memref<12x12x125xf32, #tpu.memory_space<vmem>> -> memref<1x1x125xf32, #tpu.memory_space<vmem>>
      %dma_start3A_1027 = tpu.memref_squeeze %dma_start3A_1026 : memref<1x1x125xf32, #tpu.memory_space<vmem>> -> memref<125xf32, #tpu.memory_space<vmem>>
      %dma_start3A_1028 = arith.constant 0 : i32
      %dma_start3A_1029 = tpu.memref_slice %arg18[%dma_start3A_1022, %dma_start3A_1028] : memref<80x125xi32, #tpu.memory_space<vmem>> -> memref<1x125xi32, #tpu.memory_space<vmem>>
      %dma_start3A_1030 = tpu.memref_squeeze %dma_start3A_1029 : memref<1x125xi32, #tpu.memory_space<vmem>> -> memref<125xi32, #tpu.memory_space<vmem>>
      %dma_start3A_1031 = arith.constant 0 : i32
      %dma_start3A_1032 = tpu.memref_slice %arg2[%dma_start3A_1031] : memref<51200xf32, #tpu.memory_space<hbm>> -> memref<51200xf32, #tpu.memory_space<hbm>>
      tpu.enqueue_indirect_dma source(%dma_start3A_1032 : memref<51200xf32, #tpu.memory_space<hbm>>) target(%dma_start3A_1027 : memref<125xf32, #tpu.memory_space<vmem>>) offsets(%dma_start3A_1030 : memref<125xi32, #tpu.memory_space<vmem>>) semaphore(%arg42 : memref<!tpu.dma_semaphore, #tpu.memory_space<semaphore_mem>>)
      %dma_start3A_1033 = arith.constant 7 : i32
      %dma_start3A_1034 = arith.constant 7 : i32
      %dma_start3A_1035 = arith.constant 1 : i32
      %dma_start3A_1036 = arith.constant 0 : i32
      %dma_start3A_1037 = tpu.memref_slice %arg20[%dma_start3A_1034, %dma_start3A_1035, %dma_start3A_1036] : memref<12x12x125xf32, #tpu.memory_space<vmem>> -> memref<1x1x125xf32, #tpu.memory_space<vmem>>
      %dma_start3A_1038 = tpu.memref_squeeze %dma_start3A_1037 : memref<1x1x125xf32, #tpu.memory_space<vmem>> -> memref<125xf32, #tpu.memory_space<vmem>>
      %dma_start3A_1039 = arith.constant 0 : i32
      %dma_start3A_1040 = tpu.memref_slice %arg18[%dma_start3A_1033, %dma_start3A_1039] : memref<80x125xi32, #tpu.memory_space<vmem>> -> memref<1x125xi32, #tpu.memory_space<vmem>>
      %dma_start3A_1041 = tpu.memref_squeeze %dma_start3A_1040 : memref<1x125xi32, #tpu.memory_space<vmem>> -> memref<125xi32, #tpu.memory_space<vmem>>
      %dma_start3A_1042 = arith.constant 0 : i32
      %dma_start3A_1043 = tpu.memref_slice %arg3[%dma_start3A_1042] : memref<51200xf32, #tpu.memory_space<hbm>> -> memref<51200xf32, #tpu.memory_space<hbm>>
      tpu.enqueue_indirect_dma source(%dma_start3A_1043 : memref<51200xf32, #tpu.memory_space<hbm>>) target(%dma_start3A_1038 : memref<125xf32, #tpu.memory_space<vmem>>) offsets(%dma_start3A_1041 : memref<125xi32, #tpu.memory_space<vmem>>) semaphore(%arg42 : memref<!tpu.dma_semaphore, #tpu.memory_space<semaphore_mem>>)
      %dma_start3A_1044 = arith.constant 7 : i32
      %dma_start3A_1045 = arith.constant 7 : i32
      %dma_start3A_1046 = arith.constant 2 : i32
      %dma_start3A_1047 = arith.constant 0 : i32
      %dma_start3A_1048 = tpu.memref_slice %arg20[%dma_start3A_1045, %dma_start3A_1046, %dma_start3A_1047] : memref<12x12x125xf32, #tpu.memory_space<vmem>> -> memref<1x1x125xf32, #tpu.memory_space<vmem>>
      %dma_start3A_1049 = tpu.memref_squeeze %dma_start3A_1048 : memref<1x1x125xf32, #tpu.memory_space<vmem>> -> memref<125xf32, #tpu.memory_space<vmem>>
      %dma_start3A_1050 = arith.constant 0 : i32
      %dma_start3A_1051 = tpu.memref_slice %arg18[%dma_start3A_1044, %dma_start3A_1050] : memref<80x125xi32, #tpu.memory_space<vmem>> -> memref<1x125xi32, #tpu.memory_space<vmem>>
      %dma_start3A_1052 = tpu.memref_squeeze %dma_start3A_1051 : memref<1x125xi32, #tpu.memory_space<vmem>> -> memref<125xi32, #tpu.memory_space<vmem>>
      %dma_start3A_1053 = arith.constant 0 : i32
      %dma_start3A_1054 = tpu.memref_slice %arg4[%dma_start3A_1053] : memref<51200xf32, #tpu.memory_space<hbm>> -> memref<51200xf32, #tpu.memory_space<hbm>>
      tpu.enqueue_indirect_dma source(%dma_start3A_1054 : memref<51200xf32, #tpu.memory_space<hbm>>) target(%dma_start3A_1049 : memref<125xf32, #tpu.memory_space<vmem>>) offsets(%dma_start3A_1052 : memref<125xi32, #tpu.memory_space<vmem>>) semaphore(%arg42 : memref<!tpu.dma_semaphore, #tpu.memory_space<semaphore_mem>>)
      %dma_start3A_1055 = arith.constant 7 : i32
      %dma_start3A_1056 = arith.constant 7 : i32
      %dma_start3A_1057 = arith.constant 3 : i32
      %dma_start3A_1058 = arith.constant 0 : i32
      %dma_start3A_1059 = tpu.memref_slice %arg20[%dma_start3A_1056, %dma_start3A_1057, %dma_start3A_1058] : memref<12x12x125xf32, #tpu.memory_space<vmem>> -> memref<1x1x125xf32, #tpu.memory_space<vmem>>
      %dma_start3A_1060 = tpu.memref_squeeze %dma_start3A_1059 : memref<1x1x125xf32, #tpu.memory_space<vmem>> -> memref<125xf32, #tpu.memory_space<vmem>>
      %dma_start3A_1061 = arith.constant 0 : i32
      %dma_start3A_1062 = tpu.memref_slice %arg18[%dma_start3A_1055, %dma_start3A_1061] : memref<80x125xi32, #tpu.memory_space<vmem>> -> memref<1x125xi32, #tpu.memory_space<vmem>>
      %dma_start3A_1063 = tpu.memref_squeeze %dma_start3A_1062 : memref<1x125xi32, #tpu.memory_space<vmem>> -> memref<125xi32, #tpu.memory_space<vmem>>
      %dma_start3A_1064 = arith.constant 0 : i32
      %dma_start3A_1065 = tpu.memref_slice %arg5[%dma_start3A_1064] : memref<51200xf32, #tpu.memory_space<hbm>> -> memref<51200xf32, #tpu.memory_space<hbm>>
      tpu.enqueue_indirect_dma source(%dma_start3A_1065 : memref<51200xf32, #tpu.memory_space<hbm>>) target(%dma_start3A_1060 : memref<125xf32, #tpu.memory_space<vmem>>) offsets(%dma_start3A_1063 : memref<125xi32, #tpu.memory_space<vmem>>) semaphore(%arg42 : memref<!tpu.dma_semaphore, #tpu.memory_space<semaphore_mem>>)
      %dma_start3A_1066 = arith.constant 7 : i32
      %dma_start3A_1067 = arith.constant 7 : i32
      %dma_start3A_1068 = arith.constant 4 : i32
      %dma_start3A_1069 = arith.constant 0 : i32
      %dma_start3A_1070 = tpu.memref_slice %arg20[%dma_start3A_1067, %dma_start3A_1068, %dma_start3A_1069] : memref<12x12x125xf32, #tpu.memory_space<vmem>> -> memref<1x1x125xf32, #tpu.memory_space<vmem>>
      %dma_start3A_1071 = tpu.memref_squeeze %dma_start3A_1070 : memref<1x1x125xf32, #tpu.memory_space<vmem>> -> memref<125xf32, #tpu.memory_space<vmem>>
      %dma_start3A_1072 = arith.constant 0 : i32
      %dma_start3A_1073 = tpu.memref_slice %arg18[%dma_start3A_1066, %dma_start3A_1072] : memref<80x125xi32, #tpu.memory_space<vmem>> -> memref<1x125xi32, #tpu.memory_space<vmem>>
      %dma_start3A_1074 = tpu.memref_squeeze %dma_start3A_1073 : memref<1x125xi32, #tpu.memory_space<vmem>> -> memref<125xi32, #tpu.memory_space<vmem>>
      %dma_start3A_1075 = arith.constant 0 : i32
      %dma_start3A_1076 = tpu.memref_slice %arg34[%dma_start3A_1075] : memref<51200xf32, #tpu.memory_space<vmem_shared>> -> memref<51200xf32, #tpu.memory_space<vmem_shared>>
      tpu.enqueue_indirect_dma source(%dma_start3A_1076 : memref<51200xf32, #tpu.memory_space<vmem_shared>>) target(%dma_start3A_1071 : memref<125xf32, #tpu.memory_space<vmem>>) offsets(%dma_start3A_1074 : memref<125xi32, #tpu.memory_space<vmem>>) semaphore(%arg43 : memref<!tpu.dma_semaphore, #tpu.memory_space<semaphore_mem>>)
      %dma_start3A_1077 = arith.constant 7 : i32
      %dma_start3A_1078 = arith.constant 7 : i32
      %dma_start3A_1079 = arith.constant 5 : i32
      %dma_start3A_1080 = arith.constant 0 : i32
      %dma_start3A_1081 = tpu.memref_slice %arg20[%dma_start3A_1078, %dma_start3A_1079, %dma_start3A_1080] : memref<12x12x125xf32, #tpu.memory_space<vmem>> -> memref<1x1x125xf32, #tpu.memory_space<vmem>>
      %dma_start3A_1082 = tpu.memref_squeeze %dma_start3A_1081 : memref<1x1x125xf32, #tpu.memory_space<vmem>> -> memref<125xf32, #tpu.memory_space<vmem>>
      %dma_start3A_1083 = arith.constant 0 : i32
      %dma_start3A_1084 = tpu.memref_slice %arg18[%dma_start3A_1077, %dma_start3A_1083] : memref<80x125xi32, #tpu.memory_space<vmem>> -> memref<1x125xi32, #tpu.memory_space<vmem>>
      %dma_start3A_1085 = tpu.memref_squeeze %dma_start3A_1084 : memref<1x125xi32, #tpu.memory_space<vmem>> -> memref<125xi32, #tpu.memory_space<vmem>>
      %dma_start3A_1086 = arith.constant 0 : i32
      %dma_start3A_1087 = tpu.memref_slice %arg35[%dma_start3A_1086] : memref<51200xf32, #tpu.memory_space<vmem_shared>> -> memref<51200xf32, #tpu.memory_space<vmem_shared>>
      tpu.enqueue_indirect_dma source(%dma_start3A_1087 : memref<51200xf32, #tpu.memory_space<vmem_shared>>) target(%dma_start3A_1082 : memref<125xf32, #tpu.memory_space<vmem>>) offsets(%dma_start3A_1085 : memref<125xi32, #tpu.memory_space<vmem>>) semaphore(%arg43 : memref<!tpu.dma_semaphore, #tpu.memory_space<semaphore_mem>>)
      %dma_start3A_1088 = arith.constant 7 : i32
      %dma_start3A_1089 = arith.constant 7 : i32
      %dma_start3A_1090 = arith.constant 6 : i32
      %dma_start3A_1091 = arith.constant 0 : i32
      %dma_start3A_1092 = tpu.memref_slice %arg20[%dma_start3A_1089, %dma_start3A_1090, %dma_start3A_1091] : memref<12x12x125xf32, #tpu.memory_space<vmem>> -> memref<1x1x125xf32, #tpu.memory_space<vmem>>
      %dma_start3A_1093 = tpu.memref_squeeze %dma_start3A_1092 : memref<1x1x125xf32, #tpu.memory_space<vmem>> -> memref<125xf32, #tpu.memory_space<vmem>>
      %dma_start3A_1094 = arith.constant 0 : i32
      %dma_start3A_1095 = tpu.memref_slice %arg18[%dma_start3A_1088, %dma_start3A_1094] : memref<80x125xi32, #tpu.memory_space<vmem>> -> memref<1x125xi32, #tpu.memory_space<vmem>>
      %dma_start3A_1096 = tpu.memref_squeeze %dma_start3A_1095 : memref<1x125xi32, #tpu.memory_space<vmem>> -> memref<125xi32, #tpu.memory_space<vmem>>
      %dma_start3A_1097 = arith.constant 0 : i32
      %dma_start3A_1098 = tpu.memref_slice %arg36[%dma_start3A_1097] : memref<51200xf32, #tpu.memory_space<vmem_shared>> -> memref<51200xf32, #tpu.memory_space<vmem_shared>>
      tpu.enqueue_indirect_dma source(%dma_start3A_1098 : memref<51200xf32, #tpu.memory_space<vmem_shared>>) target(%dma_start3A_1093 : memref<125xf32, #tpu.memory_space<vmem>>) offsets(%dma_start3A_1096 : memref<125xi32, #tpu.memory_space<vmem>>) semaphore(%arg43 : memref<!tpu.dma_semaphore, #tpu.memory_space<semaphore_mem>>)
      %dma_start3A_1099 = arith.constant 7 : i32
      %dma_start3A_1100 = arith.constant 7 : i32
      %dma_start3A_1101 = arith.constant 7 : i32
      %dma_start3A_1102 = arith.constant 0 : i32
      %dma_start3A_1103 = tpu.memref_slice %arg20[%dma_start3A_1100, %dma_start3A_1101, %dma_start3A_1102] : memref<12x12x125xf32, #tpu.memory_space<vmem>> -> memref<1x1x125xf32, #tpu.memory_space<vmem>>
      %dma_start3A_1104 = tpu.memref_squeeze %dma_start3A_1103 : memref<1x1x125xf32, #tpu.memory_space<vmem>> -> memref<125xf32, #tpu.memory_space<vmem>>
      %dma_start3A_1105 = arith.constant 0 : i32
      %dma_start3A_1106 = tpu.memref_slice %arg18[%dma_start3A_1099, %dma_start3A_1105] : memref<80x125xi32, #tpu.memory_space<vmem>> -> memref<1x125xi32, #tpu.memory_space<vmem>>
      %dma_start3A_1107 = tpu.memref_squeeze %dma_start3A_1106 : memref<1x125xi32, #tpu.memory_space<vmem>> -> memref<125xi32, #tpu.memory_space<vmem>>
      %dma_start3A_1108 = arith.constant 0 : i32
      %dma_start3A_1109 = tpu.memref_slice %arg37[%dma_start3A_1108] : memref<51200xf32, #tpu.memory_space<vmem_shared>> -> memref<51200xf32, #tpu.memory_space<vmem_shared>>
      tpu.enqueue_indirect_dma source(%dma_start3A_1109 : memref<51200xf32, #tpu.memory_space<vmem_shared>>) target(%dma_start3A_1104 : memref<125xf32, #tpu.memory_space<vmem>>) offsets(%dma_start3A_1107 : memref<125xi32, #tpu.memory_space<vmem>>) semaphore(%arg43 : memref<!tpu.dma_semaphore, #tpu.memory_space<semaphore_mem>>)
      %dma_start3A_1110 = arith.constant 7 : i32
      %dma_start3A_1111 = arith.constant 7 : i32
      %dma_start3A_1112 = arith.constant 8 : i32
      %dma_start3A_1113 = arith.constant 0 : i32
      %dma_start3A_1114 = tpu.memref_slice %arg20[%dma_start3A_1111, %dma_start3A_1112, %dma_start3A_1113] : memref<12x12x125xf32, #tpu.memory_space<vmem>> -> memref<1x1x125xf32, #tpu.memory_space<vmem>>
      %dma_start3A_1115 = tpu.memref_squeeze %dma_start3A_1114 : memref<1x1x125xf32, #tpu.memory_space<vmem>> -> memref<125xf32, #tpu.memory_space<vmem>>
      %dma_start3A_1116 = arith.constant 0 : i32
      %dma_start3A_1117 = tpu.memref_slice %arg18[%dma_start3A_1110, %dma_start3A_1116] : memref<80x125xi32, #tpu.memory_space<vmem>> -> memref<1x125xi32, #tpu.memory_space<vmem>>
      %dma_start3A_1118 = tpu.memref_squeeze %dma_start3A_1117 : memref<1x125xi32, #tpu.memory_space<vmem>> -> memref<125xi32, #tpu.memory_space<vmem>>
      %dma_start3A_1119 = arith.constant 0 : i32
      %dma_start3A_1120 = tpu.memref_slice %arg38[%dma_start3A_1119] : memref<51200xf32, #tpu.memory_space<vmem_shared>> -> memref<51200xf32, #tpu.memory_space<vmem_shared>>
      tpu.enqueue_indirect_dma source(%dma_start3A_1120 : memref<51200xf32, #tpu.memory_space<vmem_shared>>) target(%dma_start3A_1115 : memref<125xf32, #tpu.memory_space<vmem>>) offsets(%dma_start3A_1118 : memref<125xi32, #tpu.memory_space<vmem>>) semaphore(%arg43 : memref<!tpu.dma_semaphore, #tpu.memory_space<semaphore_mem>>)
      %dma_start3A_1121 = arith.constant 7 : i32
      %dma_start3A_1122 = arith.constant 7 : i32
      %dma_start3A_1123 = arith.constant 9 : i32
      %dma_start3A_1124 = arith.constant 0 : i32
      %dma_start3A_1125 = tpu.memref_slice %arg20[%dma_start3A_1122, %dma_start3A_1123, %dma_start3A_1124] : memref<12x12x125xf32, #tpu.memory_space<vmem>> -> memref<1x1x125xf32, #tpu.memory_space<vmem>>
      %dma_start3A_1126 = tpu.memref_squeeze %dma_start3A_1125 : memref<1x1x125xf32, #tpu.memory_space<vmem>> -> memref<125xf32, #tpu.memory_space<vmem>>
      %dma_start3A_1127 = arith.constant 0 : i32
      %dma_start3A_1128 = tpu.memref_slice %arg18[%dma_start3A_1121, %dma_start3A_1127] : memref<80x125xi32, #tpu.memory_space<vmem>> -> memref<1x125xi32, #tpu.memory_space<vmem>>
      %dma_start3A_1129 = tpu.memref_squeeze %dma_start3A_1128 : memref<1x125xi32, #tpu.memory_space<vmem>> -> memref<125xi32, #tpu.memory_space<vmem>>
      %dma_start3A_1130 = arith.constant 0 : i32
      %dma_start3A_1131 = tpu.memref_slice %arg39[%dma_start3A_1130] : memref<51200xf32, #tpu.memory_space<vmem_shared>> -> memref<51200xf32, #tpu.memory_space<vmem_shared>>
      tpu.enqueue_indirect_dma source(%dma_start3A_1131 : memref<51200xf32, #tpu.memory_space<vmem_shared>>) target(%dma_start3A_1126 : memref<125xf32, #tpu.memory_space<vmem>>) offsets(%dma_start3A_1129 : memref<125xi32, #tpu.memory_space<vmem>>) semaphore(%arg43 : memref<!tpu.dma_semaphore, #tpu.memory_space<semaphore_mem>>)
      %dma_start3A_1132 = arith.constant 7 : i32
      %dma_start3A_1133 = arith.constant 7 : i32
      %dma_start3A_1134 = arith.constant 10 : i32
      %dma_start3A_1135 = arith.constant 0 : i32
      %dma_start3A_1136 = tpu.memref_slice %arg20[%dma_start3A_1133, %dma_start3A_1134, %dma_start3A_1135] : memref<12x12x125xf32, #tpu.memory_space<vmem>> -> memref<1x1x125xf32, #tpu.memory_space<vmem>>
      %dma_start3A_1137 = tpu.memref_squeeze %dma_start3A_1136 : memref<1x1x125xf32, #tpu.memory_space<vmem>> -> memref<125xf32, #tpu.memory_space<vmem>>
      %dma_start3A_1138 = arith.constant 0 : i32
      %dma_start3A_1139 = tpu.memref_slice %arg18[%dma_start3A_1132, %dma_start3A_1138] : memref<80x125xi32, #tpu.memory_space<vmem>> -> memref<1x125xi32, #tpu.memory_space<vmem>>
      %dma_start3A_1140 = tpu.memref_squeeze %dma_start3A_1139 : memref<1x125xi32, #tpu.memory_space<vmem>> -> memref<125xi32, #tpu.memory_space<vmem>>
      %dma_start3A_1141 = arith.constant 0 : i32
      %dma_start3A_1142 = tpu.memref_slice %arg40[%dma_start3A_1141] : memref<51200xf32, #tpu.memory_space<vmem_shared>> -> memref<51200xf32, #tpu.memory_space<vmem_shared>>
      tpu.enqueue_indirect_dma source(%dma_start3A_1142 : memref<51200xf32, #tpu.memory_space<vmem_shared>>) target(%dma_start3A_1137 : memref<125xf32, #tpu.memory_space<vmem>>) offsets(%dma_start3A_1140 : memref<125xi32, #tpu.memory_space<vmem>>) semaphore(%arg43 : memref<!tpu.dma_semaphore, #tpu.memory_space<semaphore_mem>>)
      %dma_start3A_1143 = arith.constant 7 : i32
      %dma_start3A_1144 = arith.constant 7 : i32
      %dma_start3A_1145 = arith.constant 11 : i32
      %dma_start3A_1146 = arith.constant 0 : i32
      %dma_start3A_1147 = tpu.memref_slice %arg20[%dma_start3A_1144, %dma_start3A_1145, %dma_start3A_1146] : memref<12x12x125xf32, #tpu.memory_space<vmem>> -> memref<1x1x125xf32, #tpu.memory_space<vmem>>
      %dma_start3A_1148 = tpu.memref_squeeze %dma_start3A_1147 : memref<1x1x125xf32, #tpu.memory_space<vmem>> -> memref<125xf32, #tpu.memory_space<vmem>>
      %dma_start3A_1149 = arith.constant 0 : i32
      %dma_start3A_1150 = tpu.memref_slice %arg18[%dma_start3A_1143, %dma_start3A_1149] : memref<80x125xi32, #tpu.memory_space<vmem>> -> memref<1x125xi32, #tpu.memory_space<vmem>>
      %dma_start3A_1151 = tpu.memref_squeeze %dma_start3A_1150 : memref<1x125xi32, #tpu.memory_space<vmem>> -> memref<125xi32, #tpu.memory_space<vmem>>
      %dma_start3A_1152 = arith.constant 0 : i32
      %dma_start3A_1153 = tpu.memref_slice %arg41[%dma_start3A_1152] : memref<51200xf32, #tpu.memory_space<vmem_shared>> -> memref<51200xf32, #tpu.memory_space<vmem_shared>>
      tpu.enqueue_indirect_dma source(%dma_start3A_1153 : memref<51200xf32, #tpu.memory_space<vmem_shared>>) target(%dma_start3A_1148 : memref<125xf32, #tpu.memory_space<vmem>>) offsets(%dma_start3A_1151 : memref<125xi32, #tpu.memory_space<vmem>>) semaphore(%arg43 : memref<!tpu.dma_semaphore, #tpu.memory_space<semaphore_mem>>)
      %dma_start3A_1154 = arith.constant 8 : i32
      %dma_start3A_1155 = arith.constant 8 : i32
      %dma_start3A_1156 = arith.constant 0 : i32
      %dma_start3A_1157 = arith.constant 0 : i32
      %dma_start3A_1158 = tpu.memref_slice %arg20[%dma_start3A_1155, %dma_start3A_1156, %dma_start3A_1157] : memref<12x12x125xf32, #tpu.memory_space<vmem>> -> memref<1x1x125xf32, #tpu.memory_space<vmem>>
      %dma_start3A_1159 = tpu.memref_squeeze %dma_start3A_1158 : memref<1x1x125xf32, #tpu.memory_space<vmem>> -> memref<125xf32, #tpu.memory_space<vmem>>
      %dma_start3A_1160 = arith.constant 0 : i32
      %dma_start3A_1161 = tpu.memref_slice %arg18[%dma_start3A_1154, %dma_start3A_1160] : memref<80x125xi32, #tpu.memory_space<vmem>> -> memref<1x125xi32, #tpu.memory_space<vmem>>
      %dma_start3A_1162 = tpu.memref_squeeze %dma_start3A_1161 : memref<1x125xi32, #tpu.memory_space<vmem>> -> memref<125xi32, #tpu.memory_space<vmem>>
      %dma_start3A_1163 = arith.constant 0 : i32
      %dma_start3A_1164 = tpu.memref_slice %arg2[%dma_start3A_1163] : memref<51200xf32, #tpu.memory_space<hbm>> -> memref<51200xf32, #tpu.memory_space<hbm>>
      tpu.enqueue_indirect_dma source(%dma_start3A_1164 : memref<51200xf32, #tpu.memory_space<hbm>>) target(%dma_start3A_1159 : memref<125xf32, #tpu.memory_space<vmem>>) offsets(%dma_start3A_1162 : memref<125xi32, #tpu.memory_space<vmem>>) semaphore(%arg42 : memref<!tpu.dma_semaphore, #tpu.memory_space<semaphore_mem>>)
      %dma_start3A_1165 = arith.constant 8 : i32
      %dma_start3A_1166 = arith.constant 8 : i32
      %dma_start3A_1167 = arith.constant 1 : i32
      %dma_start3A_1168 = arith.constant 0 : i32
      %dma_start3A_1169 = tpu.memref_slice %arg20[%dma_start3A_1166, %dma_start3A_1167, %dma_start3A_1168] : memref<12x12x125xf32, #tpu.memory_space<vmem>> -> memref<1x1x125xf32, #tpu.memory_space<vmem>>
      %dma_start3A_1170 = tpu.memref_squeeze %dma_start3A_1169 : memref<1x1x125xf32, #tpu.memory_space<vmem>> -> memref<125xf32, #tpu.memory_space<vmem>>
      %dma_start3A_1171 = arith.constant 0 : i32
      %dma_start3A_1172 = tpu.memref_slice %arg18[%dma_start3A_1165, %dma_start3A_1171] : memref<80x125xi32, #tpu.memory_space<vmem>> -> memref<1x125xi32, #tpu.memory_space<vmem>>
      %dma_start3A_1173 = tpu.memref_squeeze %dma_start3A_1172 : memref<1x125xi32, #tpu.memory_space<vmem>> -> memref<125xi32, #tpu.memory_space<vmem>>
      %dma_start3A_1174 = arith.constant 0 : i32
      %dma_start3A_1175 = tpu.memref_slice %arg3[%dma_start3A_1174] : memref<51200xf32, #tpu.memory_space<hbm>> -> memref<51200xf32, #tpu.memory_space<hbm>>
      tpu.enqueue_indirect_dma source(%dma_start3A_1175 : memref<51200xf32, #tpu.memory_space<hbm>>) target(%dma_start3A_1170 : memref<125xf32, #tpu.memory_space<vmem>>) offsets(%dma_start3A_1173 : memref<125xi32, #tpu.memory_space<vmem>>) semaphore(%arg42 : memref<!tpu.dma_semaphore, #tpu.memory_space<semaphore_mem>>)
      %dma_start3A_1176 = arith.constant 8 : i32
      %dma_start3A_1177 = arith.constant 8 : i32
      %dma_start3A_1178 = arith.constant 2 : i32
      %dma_start3A_1179 = arith.constant 0 : i32
      %dma_start3A_1180 = tpu.memref_slice %arg20[%dma_start3A_1177, %dma_start3A_1178, %dma_start3A_1179] : memref<12x12x125xf32, #tpu.memory_space<vmem>> -> memref<1x1x125xf32, #tpu.memory_space<vmem>>
      %dma_start3A_1181 = tpu.memref_squeeze %dma_start3A_1180 : memref<1x1x125xf32, #tpu.memory_space<vmem>> -> memref<125xf32, #tpu.memory_space<vmem>>
      %dma_start3A_1182 = arith.constant 0 : i32
      %dma_start3A_1183 = tpu.memref_slice %arg18[%dma_start3A_1176, %dma_start3A_1182] : memref<80x125xi32, #tpu.memory_space<vmem>> -> memref<1x125xi32, #tpu.memory_space<vmem>>
      %dma_start3A_1184 = tpu.memref_squeeze %dma_start3A_1183 : memref<1x125xi32, #tpu.memory_space<vmem>> -> memref<125xi32, #tpu.memory_space<vmem>>
      %dma_start3A_1185 = arith.constant 0 : i32
      %dma_start3A_1186 = tpu.memref_slice %arg4[%dma_start3A_1185] : memref<51200xf32, #tpu.memory_space<hbm>> -> memref<51200xf32, #tpu.memory_space<hbm>>
      tpu.enqueue_indirect_dma source(%dma_start3A_1186 : memref<51200xf32, #tpu.memory_space<hbm>>) target(%dma_start3A_1181 : memref<125xf32, #tpu.memory_space<vmem>>) offsets(%dma_start3A_1184 : memref<125xi32, #tpu.memory_space<vmem>>) semaphore(%arg42 : memref<!tpu.dma_semaphore, #tpu.memory_space<semaphore_mem>>)
      %dma_start3A_1187 = arith.constant 8 : i32
      %dma_start3A_1188 = arith.constant 8 : i32
      %dma_start3A_1189 = arith.constant 3 : i32
      %dma_start3A_1190 = arith.constant 0 : i32
      %dma_start3A_1191 = tpu.memref_slice %arg20[%dma_start3A_1188, %dma_start3A_1189, %dma_start3A_1190] : memref<12x12x125xf32, #tpu.memory_space<vmem>> -> memref<1x1x125xf32, #tpu.memory_space<vmem>>
      %dma_start3A_1192 = tpu.memref_squeeze %dma_start3A_1191 : memref<1x1x125xf32, #tpu.memory_space<vmem>> -> memref<125xf32, #tpu.memory_space<vmem>>
      %dma_start3A_1193 = arith.constant 0 : i32
      %dma_start3A_1194 = tpu.memref_slice %arg18[%dma_start3A_1187, %dma_start3A_1193] : memref<80x125xi32, #tpu.memory_space<vmem>> -> memref<1x125xi32, #tpu.memory_space<vmem>>
      %dma_start3A_1195 = tpu.memref_squeeze %dma_start3A_1194 : memref<1x125xi32, #tpu.memory_space<vmem>> -> memref<125xi32, #tpu.memory_space<vmem>>
      %dma_start3A_1196 = arith.constant 0 : i32
      %dma_start3A_1197 = tpu.memref_slice %arg5[%dma_start3A_1196] : memref<51200xf32, #tpu.memory_space<hbm>> -> memref<51200xf32, #tpu.memory_space<hbm>>
      tpu.enqueue_indirect_dma source(%dma_start3A_1197 : memref<51200xf32, #tpu.memory_space<hbm>>) target(%dma_start3A_1192 : memref<125xf32, #tpu.memory_space<vmem>>) offsets(%dma_start3A_1195 : memref<125xi32, #tpu.memory_space<vmem>>) semaphore(%arg42 : memref<!tpu.dma_semaphore, #tpu.memory_space<semaphore_mem>>)
      %dma_start3A_1198 = arith.constant 8 : i32
      %dma_start3A_1199 = arith.constant 8 : i32
      %dma_start3A_1200 = arith.constant 4 : i32
      %dma_start3A_1201 = arith.constant 0 : i32
      %dma_start3A_1202 = tpu.memref_slice %arg20[%dma_start3A_1199, %dma_start3A_1200, %dma_start3A_1201] : memref<12x12x125xf32, #tpu.memory_space<vmem>> -> memref<1x1x125xf32, #tpu.memory_space<vmem>>
      %dma_start3A_1203 = tpu.memref_squeeze %dma_start3A_1202 : memref<1x1x125xf32, #tpu.memory_space<vmem>> -> memref<125xf32, #tpu.memory_space<vmem>>
      %dma_start3A_1204 = arith.constant 0 : i32
      %dma_start3A_1205 = tpu.memref_slice %arg18[%dma_start3A_1198, %dma_start3A_1204] : memref<80x125xi32, #tpu.memory_space<vmem>> -> memref<1x125xi32, #tpu.memory_space<vmem>>
      %dma_start3A_1206 = tpu.memref_squeeze %dma_start3A_1205 : memref<1x125xi32, #tpu.memory_space<vmem>> -> memref<125xi32, #tpu.memory_space<vmem>>
      %dma_start3A_1207 = arith.constant 0 : i32
      %dma_start3A_1208 = tpu.memref_slice %arg34[%dma_start3A_1207] : memref<51200xf32, #tpu.memory_space<vmem_shared>> -> memref<51200xf32, #tpu.memory_space<vmem_shared>>
      tpu.enqueue_indirect_dma source(%dma_start3A_1208 : memref<51200xf32, #tpu.memory_space<vmem_shared>>) target(%dma_start3A_1203 : memref<125xf32, #tpu.memory_space<vmem>>) offsets(%dma_start3A_1206 : memref<125xi32, #tpu.memory_space<vmem>>) semaphore(%arg43 : memref<!tpu.dma_semaphore, #tpu.memory_space<semaphore_mem>>)
      %dma_start3A_1209 = arith.constant 8 : i32
      %dma_start3A_1210 = arith.constant 8 : i32
      %dma_start3A_1211 = arith.constant 5 : i32
      %dma_start3A_1212 = arith.constant 0 : i32
      %dma_start3A_1213 = tpu.memref_slice %arg20[%dma_start3A_1210, %dma_start3A_1211, %dma_start3A_1212] : memref<12x12x125xf32, #tpu.memory_space<vmem>> -> memref<1x1x125xf32, #tpu.memory_space<vmem>>
      %dma_start3A_1214 = tpu.memref_squeeze %dma_start3A_1213 : memref<1x1x125xf32, #tpu.memory_space<vmem>> -> memref<125xf32, #tpu.memory_space<vmem>>
      %dma_start3A_1215 = arith.constant 0 : i32
      %dma_start3A_1216 = tpu.memref_slice %arg18[%dma_start3A_1209, %dma_start3A_1215] : memref<80x125xi32, #tpu.memory_space<vmem>> -> memref<1x125xi32, #tpu.memory_space<vmem>>
      %dma_start3A_1217 = tpu.memref_squeeze %dma_start3A_1216 : memref<1x125xi32, #tpu.memory_space<vmem>> -> memref<125xi32, #tpu.memory_space<vmem>>
      %dma_start3A_1218 = arith.constant 0 : i32
      %dma_start3A_1219 = tpu.memref_slice %arg35[%dma_start3A_1218] : memref<51200xf32, #tpu.memory_space<vmem_shared>> -> memref<51200xf32, #tpu.memory_space<vmem_shared>>
      tpu.enqueue_indirect_dma source(%dma_start3A_1219 : memref<51200xf32, #tpu.memory_space<vmem_shared>>) target(%dma_start3A_1214 : memref<125xf32, #tpu.memory_space<vmem>>) offsets(%dma_start3A_1217 : memref<125xi32, #tpu.memory_space<vmem>>) semaphore(%arg43 : memref<!tpu.dma_semaphore, #tpu.memory_space<semaphore_mem>>)
      %dma_start3A_1220 = arith.constant 8 : i32
      %dma_start3A_1221 = arith.constant 8 : i32
      %dma_start3A_1222 = arith.constant 6 : i32
      %dma_start3A_1223 = arith.constant 0 : i32
      %dma_start3A_1224 = tpu.memref_slice %arg20[%dma_start3A_1221, %dma_start3A_1222, %dma_start3A_1223] : memref<12x12x125xf32, #tpu.memory_space<vmem>> -> memref<1x1x125xf32, #tpu.memory_space<vmem>>
      %dma_start3A_1225 = tpu.memref_squeeze %dma_start3A_1224 : memref<1x1x125xf32, #tpu.memory_space<vmem>> -> memref<125xf32, #tpu.memory_space<vmem>>
      %dma_start3A_1226 = arith.constant 0 : i32
      %dma_start3A_1227 = tpu.memref_slice %arg18[%dma_start3A_1220, %dma_start3A_1226] : memref<80x125xi32, #tpu.memory_space<vmem>> -> memref<1x125xi32, #tpu.memory_space<vmem>>
      %dma_start3A_1228 = tpu.memref_squeeze %dma_start3A_1227 : memref<1x125xi32, #tpu.memory_space<vmem>> -> memref<125xi32, #tpu.memory_space<vmem>>
      %dma_start3A_1229 = arith.constant 0 : i32
      %dma_start3A_1230 = tpu.memref_slice %arg36[%dma_start3A_1229] : memref<51200xf32, #tpu.memory_space<vmem_shared>> -> memref<51200xf32, #tpu.memory_space<vmem_shared>>
      tpu.enqueue_indirect_dma source(%dma_start3A_1230 : memref<51200xf32, #tpu.memory_space<vmem_shared>>) target(%dma_start3A_1225 : memref<125xf32, #tpu.memory_space<vmem>>) offsets(%dma_start3A_1228 : memref<125xi32, #tpu.memory_space<vmem>>) semaphore(%arg43 : memref<!tpu.dma_semaphore, #tpu.memory_space<semaphore_mem>>)
      %dma_start3A_1231 = arith.constant 8 : i32
      %dma_start3A_1232 = arith.constant 8 : i32
      %dma_start3A_1233 = arith.constant 7 : i32
      %dma_start3A_1234 = arith.constant 0 : i32
      %dma_start3A_1235 = tpu.memref_slice %arg20[%dma_start3A_1232, %dma_start3A_1233, %dma_start3A_1234] : memref<12x12x125xf32, #tpu.memory_space<vmem>> -> memref<1x1x125xf32, #tpu.memory_space<vmem>>
      %dma_start3A_1236 = tpu.memref_squeeze %dma_start3A_1235 : memref<1x1x125xf32, #tpu.memory_space<vmem>> -> memref<125xf32, #tpu.memory_space<vmem>>
      %dma_start3A_1237 = arith.constant 0 : i32
      %dma_start3A_1238 = tpu.memref_slice %arg18[%dma_start3A_1231, %dma_start3A_1237] : memref<80x125xi32, #tpu.memory_space<vmem>> -> memref<1x125xi32, #tpu.memory_space<vmem>>
      %dma_start3A_1239 = tpu.memref_squeeze %dma_start3A_1238 : memref<1x125xi32, #tpu.memory_space<vmem>> -> memref<125xi32, #tpu.memory_space<vmem>>
      %dma_start3A_1240 = arith.constant 0 : i32
      %dma_start3A_1241 = tpu.memref_slice %arg37[%dma_start3A_1240] : memref<51200xf32, #tpu.memory_space<vmem_shared>> -> memref<51200xf32, #tpu.memory_space<vmem_shared>>
      tpu.enqueue_indirect_dma source(%dma_start3A_1241 : memref<51200xf32, #tpu.memory_space<vmem_shared>>) target(%dma_start3A_1236 : memref<125xf32, #tpu.memory_space<vmem>>) offsets(%dma_start3A_1239 : memref<125xi32, #tpu.memory_space<vmem>>) semaphore(%arg43 : memref<!tpu.dma_semaphore, #tpu.memory_space<semaphore_mem>>)
      %dma_start3A_1242 = arith.constant 8 : i32
      %dma_start3A_1243 = arith.constant 8 : i32
      %dma_start3A_1244 = arith.constant 8 : i32
      %dma_start3A_1245 = arith.constant 0 : i32
      %dma_start3A_1246 = tpu.memref_slice %arg20[%dma_start3A_1243, %dma_start3A_1244, %dma_start3A_1245] : memref<12x12x125xf32, #tpu.memory_space<vmem>> -> memref<1x1x125xf32, #tpu.memory_space<vmem>>
      %dma_start3A_1247 = tpu.memref_squeeze %dma_start3A_1246 : memref<1x1x125xf32, #tpu.memory_space<vmem>> -> memref<125xf32, #tpu.memory_space<vmem>>
      %dma_start3A_1248 = arith.constant 0 : i32
      %dma_start3A_1249 = tpu.memref_slice %arg18[%dma_start3A_1242, %dma_start3A_1248] : memref<80x125xi32, #tpu.memory_space<vmem>> -> memref<1x125xi32, #tpu.memory_space<vmem>>
      %dma_start3A_1250 = tpu.memref_squeeze %dma_start3A_1249 : memref<1x125xi32, #tpu.memory_space<vmem>> -> memref<125xi32, #tpu.memory_space<vmem>>
      %dma_start3A_1251 = arith.constant 0 : i32
      %dma_start3A_1252 = tpu.memref_slice %arg38[%dma_start3A_1251] : memref<51200xf32, #tpu.memory_space<vmem_shared>> -> memref<51200xf32, #tpu.memory_space<vmem_shared>>
      tpu.enqueue_indirect_dma source(%dma_start3A_1252 : memref<51200xf32, #tpu.memory_space<vmem_shared>>) target(%dma_start3A_1247 : memref<125xf32, #tpu.memory_space<vmem>>) offsets(%dma_start3A_1250 : memref<125xi32, #tpu.memory_space<vmem>>) semaphore(%arg43 : memref<!tpu.dma_semaphore, #tpu.memory_space<semaphore_mem>>)
      %dma_start3A_1253 = arith.constant 8 : i32
      %dma_start3A_1254 = arith.constant 8 : i32
      %dma_start3A_1255 = arith.constant 9 : i32
      %dma_start3A_1256 = arith.constant 0 : i32
      %dma_start3A_1257 = tpu.memref_slice %arg20[%dma_start3A_1254, %dma_start3A_1255, %dma_start3A_1256] : memref<12x12x125xf32, #tpu.memory_space<vmem>> -> memref<1x1x125xf32, #tpu.memory_space<vmem>>
      %dma_start3A_1258 = tpu.memref_squeeze %dma_start3A_1257 : memref<1x1x125xf32, #tpu.memory_space<vmem>> -> memref<125xf32, #tpu.memory_space<vmem>>
      %dma_start3A_1259 = arith.constant 0 : i32
      %dma_start3A_1260 = tpu.memref_slice %arg18[%dma_start3A_1253, %dma_start3A_1259] : memref<80x125xi32, #tpu.memory_space<vmem>> -> memref<1x125xi32, #tpu.memory_space<vmem>>
      %dma_start3A_1261 = tpu.memref_squeeze %dma_start3A_1260 : memref<1x125xi32, #tpu.memory_space<vmem>> -> memref<125xi32, #tpu.memory_space<vmem>>
      %dma_start3A_1262 = arith.constant 0 : i32
      %dma_start3A_1263 = tpu.memref_slice %arg39[%dma_start3A_1262] : memref<51200xf32, #tpu.memory_space<vmem_shared>> -> memref<51200xf32, #tpu.memory_space<vmem_shared>>
      tpu.enqueue_indirect_dma source(%dma_start3A_1263 : memref<51200xf32, #tpu.memory_space<vmem_shared>>) target(%dma_start3A_1258 : memref<125xf32, #tpu.memory_space<vmem>>) offsets(%dma_start3A_1261 : memref<125xi32, #tpu.memory_space<vmem>>) semaphore(%arg43 : memref<!tpu.dma_semaphore, #tpu.memory_space<semaphore_mem>>)
      %dma_start3A_1264 = arith.constant 8 : i32
      %dma_start3A_1265 = arith.constant 8 : i32
      %dma_start3A_1266 = arith.constant 10 : i32
      %dma_start3A_1267 = arith.constant 0 : i32
      %dma_start3A_1268 = tpu.memref_slice %arg20[%dma_start3A_1265, %dma_start3A_1266, %dma_start3A_1267] : memref<12x12x125xf32, #tpu.memory_space<vmem>> -> memref<1x1x125xf32, #tpu.memory_space<vmem>>
      %dma_start3A_1269 = tpu.memref_squeeze %dma_start3A_1268 : memref<1x1x125xf32, #tpu.memory_space<vmem>> -> memref<125xf32, #tpu.memory_space<vmem>>
      %dma_start3A_1270 = arith.constant 0 : i32
      %dma_start3A_1271 = tpu.memref_slice %arg18[%dma_start3A_1264, %dma_start3A_1270] : memref<80x125xi32, #tpu.memory_space<vmem>> -> memref<1x125xi32, #tpu.memory_space<vmem>>
      %dma_start3A_1272 = tpu.memref_squeeze %dma_start3A_1271 : memref<1x125xi32, #tpu.memory_space<vmem>> -> memref<125xi32, #tpu.memory_space<vmem>>
      %dma_start3A_1273 = arith.constant 0 : i32
      %dma_start3A_1274 = tpu.memref_slice %arg40[%dma_start3A_1273] : memref<51200xf32, #tpu.memory_space<vmem_shared>> -> memref<51200xf32, #tpu.memory_space<vmem_shared>>
      tpu.enqueue_indirect_dma source(%dma_start3A_1274 : memref<51200xf32, #tpu.memory_space<vmem_shared>>) target(%dma_start3A_1269 : memref<125xf32, #tpu.memory_space<vmem>>) offsets(%dma_start3A_1272 : memref<125xi32, #tpu.memory_space<vmem>>) semaphore(%arg43 : memref<!tpu.dma_semaphore, #tpu.memory_space<semaphore_mem>>)
      %dma_start3A_1275 = arith.constant 8 : i32
      %dma_start3A_1276 = arith.constant 8 : i32
      %dma_start3A_1277 = arith.constant 11 : i32
      %dma_start3A_1278 = arith.constant 0 : i32
      %dma_start3A_1279 = tpu.memref_slice %arg20[%dma_start3A_1276, %dma_start3A_1277, %dma_start3A_1278] : memref<12x12x125xf32, #tpu.memory_space<vmem>> -> memref<1x1x125xf32, #tpu.memory_space<vmem>>
      %dma_start3A_1280 = tpu.memref_squeeze %dma_start3A_1279 : memref<1x1x125xf32, #tpu.memory_space<vmem>> -> memref<125xf32, #tpu.memory_space<vmem>>
      %dma_start3A_1281 = arith.constant 0 : i32
      %dma_start3A_1282 = tpu.memref_slice %arg18[%dma_start3A_1275, %dma_start3A_1281] : memref<80x125xi32, #tpu.memory_space<vmem>> -> memref<1x125xi32, #tpu.memory_space<vmem>>
      %dma_start3A_1283 = tpu.memref_squeeze %dma_start3A_1282 : memref<1x125xi32, #tpu.memory_space<vmem>> -> memref<125xi32, #tpu.memory_space<vmem>>
      %dma_start3A_1284 = arith.constant 0 : i32
      %dma_start3A_1285 = tpu.memref_slice %arg41[%dma_start3A_1284] : memref<51200xf32, #tpu.memory_space<vmem_shared>> -> memref<51200xf32, #tpu.memory_space<vmem_shared>>
      tpu.enqueue_indirect_dma source(%dma_start3A_1285 : memref<51200xf32, #tpu.memory_space<vmem_shared>>) target(%dma_start3A_1280 : memref<125xf32, #tpu.memory_space<vmem>>) offsets(%dma_start3A_1283 : memref<125xi32, #tpu.memory_space<vmem>>) semaphore(%arg43 : memref<!tpu.dma_semaphore, #tpu.memory_space<semaphore_mem>>)
      %dma_start3A_1286 = arith.constant 9 : i32
      %dma_start3A_1287 = arith.constant 9 : i32
      %dma_start3A_1288 = arith.constant 0 : i32
      %dma_start3A_1289 = arith.constant 0 : i32
      %dma_start3A_1290 = tpu.memref_slice %arg20[%dma_start3A_1287, %dma_start3A_1288, %dma_start3A_1289] : memref<12x12x125xf32, #tpu.memory_space<vmem>> -> memref<1x1x125xf32, #tpu.memory_space<vmem>>
      %dma_start3A_1291 = tpu.memref_squeeze %dma_start3A_1290 : memref<1x1x125xf32, #tpu.memory_space<vmem>> -> memref<125xf32, #tpu.memory_space<vmem>>
      %dma_start3A_1292 = arith.constant 0 : i32
      %dma_start3A_1293 = tpu.memref_slice %arg18[%dma_start3A_1286, %dma_start3A_1292] : memref<80x125xi32, #tpu.memory_space<vmem>> -> memref<1x125xi32, #tpu.memory_space<vmem>>
      %dma_start3A_1294 = tpu.memref_squeeze %dma_start3A_1293 : memref<1x125xi32, #tpu.memory_space<vmem>> -> memref<125xi32, #tpu.memory_space<vmem>>
      %dma_start3A_1295 = arith.constant 0 : i32
      %dma_start3A_1296 = tpu.memref_slice %arg2[%dma_start3A_1295] : memref<51200xf32, #tpu.memory_space<hbm>> -> memref<51200xf32, #tpu.memory_space<hbm>>
      tpu.enqueue_indirect_dma source(%dma_start3A_1296 : memref<51200xf32, #tpu.memory_space<hbm>>) target(%dma_start3A_1291 : memref<125xf32, #tpu.memory_space<vmem>>) offsets(%dma_start3A_1294 : memref<125xi32, #tpu.memory_space<vmem>>) semaphore(%arg42 : memref<!tpu.dma_semaphore, #tpu.memory_space<semaphore_mem>>)
      %dma_start3A_1297 = arith.constant 9 : i32
      %dma_start3A_1298 = arith.constant 9 : i32
      %dma_start3A_1299 = arith.constant 1 : i32
      %dma_start3A_1300 = arith.constant 0 : i32
      %dma_start3A_1301 = tpu.memref_slice %arg20[%dma_start3A_1298, %dma_start3A_1299, %dma_start3A_1300] : memref<12x12x125xf32, #tpu.memory_space<vmem>> -> memref<1x1x125xf32, #tpu.memory_space<vmem>>
      %dma_start3A_1302 = tpu.memref_squeeze %dma_start3A_1301 : memref<1x1x125xf32, #tpu.memory_space<vmem>> -> memref<125xf32, #tpu.memory_space<vmem>>
      %dma_start3A_1303 = arith.constant 0 : i32
      %dma_start3A_1304 = tpu.memref_slice %arg18[%dma_start3A_1297, %dma_start3A_1303] : memref<80x125xi32, #tpu.memory_space<vmem>> -> memref<1x125xi32, #tpu.memory_space<vmem>>
      %dma_start3A_1305 = tpu.memref_squeeze %dma_start3A_1304 : memref<1x125xi32, #tpu.memory_space<vmem>> -> memref<125xi32, #tpu.memory_space<vmem>>
      %dma_start3A_1306 = arith.constant 0 : i32
      %dma_start3A_1307 = tpu.memref_slice %arg3[%dma_start3A_1306] : memref<51200xf32, #tpu.memory_space<hbm>> -> memref<51200xf32, #tpu.memory_space<hbm>>
      tpu.enqueue_indirect_dma source(%dma_start3A_1307 : memref<51200xf32, #tpu.memory_space<hbm>>) target(%dma_start3A_1302 : memref<125xf32, #tpu.memory_space<vmem>>) offsets(%dma_start3A_1305 : memref<125xi32, #tpu.memory_space<vmem>>) semaphore(%arg42 : memref<!tpu.dma_semaphore, #tpu.memory_space<semaphore_mem>>)
      %dma_start3A_1308 = arith.constant 9 : i32
      %dma_start3A_1309 = arith.constant 9 : i32
      %dma_start3A_1310 = arith.constant 2 : i32
      %dma_start3A_1311 = arith.constant 0 : i32
      %dma_start3A_1312 = tpu.memref_slice %arg20[%dma_start3A_1309, %dma_start3A_1310, %dma_start3A_1311] : memref<12x12x125xf32, #tpu.memory_space<vmem>> -> memref<1x1x125xf32, #tpu.memory_space<vmem>>
      %dma_start3A_1313 = tpu.memref_squeeze %dma_start3A_1312 : memref<1x1x125xf32, #tpu.memory_space<vmem>> -> memref<125xf32, #tpu.memory_space<vmem>>
      %dma_start3A_1314 = arith.constant 0 : i32
      %dma_start3A_1315 = tpu.memref_slice %arg18[%dma_start3A_1308, %dma_start3A_1314] : memref<80x125xi32, #tpu.memory_space<vmem>> -> memref<1x125xi32, #tpu.memory_space<vmem>>
      %dma_start3A_1316 = tpu.memref_squeeze %dma_start3A_1315 : memref<1x125xi32, #tpu.memory_space<vmem>> -> memref<125xi32, #tpu.memory_space<vmem>>
      %dma_start3A_1317 = arith.constant 0 : i32
      %dma_start3A_1318 = tpu.memref_slice %arg4[%dma_start3A_1317] : memref<51200xf32, #tpu.memory_space<hbm>> -> memref<51200xf32, #tpu.memory_space<hbm>>
      tpu.enqueue_indirect_dma source(%dma_start3A_1318 : memref<51200xf32, #tpu.memory_space<hbm>>) target(%dma_start3A_1313 : memref<125xf32, #tpu.memory_space<vmem>>) offsets(%dma_start3A_1316 : memref<125xi32, #tpu.memory_space<vmem>>) semaphore(%arg42 : memref<!tpu.dma_semaphore, #tpu.memory_space<semaphore_mem>>)
      %dma_start3A_1319 = arith.constant 9 : i32
      %dma_start3A_1320 = arith.constant 9 : i32
      %dma_start3A_1321 = arith.constant 3 : i32
      %dma_start3A_1322 = arith.constant 0 : i32
      %dma_start3A_1323 = tpu.memref_slice %arg20[%dma_start3A_1320, %dma_start3A_1321, %dma_start3A_1322] : memref<12x12x125xf32, #tpu.memory_space<vmem>> -> memref<1x1x125xf32, #tpu.memory_space<vmem>>
      %dma_start3A_1324 = tpu.memref_squeeze %dma_start3A_1323 : memref<1x1x125xf32, #tpu.memory_space<vmem>> -> memref<125xf32, #tpu.memory_space<vmem>>
      %dma_start3A_1325 = arith.constant 0 : i32
      %dma_start3A_1326 = tpu.memref_slice %arg18[%dma_start3A_1319, %dma_start3A_1325] : memref<80x125xi32, #tpu.memory_space<vmem>> -> memref<1x125xi32, #tpu.memory_space<vmem>>
      %dma_start3A_1327 = tpu.memref_squeeze %dma_start3A_1326 : memref<1x125xi32, #tpu.memory_space<vmem>> -> memref<125xi32, #tpu.memory_space<vmem>>
      %dma_start3A_1328 = arith.constant 0 : i32
      %dma_start3A_1329 = tpu.memref_slice %arg5[%dma_start3A_1328] : memref<51200xf32, #tpu.memory_space<hbm>> -> memref<51200xf32, #tpu.memory_space<hbm>>
      tpu.enqueue_indirect_dma source(%dma_start3A_1329 : memref<51200xf32, #tpu.memory_space<hbm>>) target(%dma_start3A_1324 : memref<125xf32, #tpu.memory_space<vmem>>) offsets(%dma_start3A_1327 : memref<125xi32, #tpu.memory_space<vmem>>) semaphore(%arg42 : memref<!tpu.dma_semaphore, #tpu.memory_space<semaphore_mem>>)
      %dma_start3A_1330 = arith.constant 9 : i32
      %dma_start3A_1331 = arith.constant 9 : i32
      %dma_start3A_1332 = arith.constant 4 : i32
      %dma_start3A_1333 = arith.constant 0 : i32
      %dma_start3A_1334 = tpu.memref_slice %arg20[%dma_start3A_1331, %dma_start3A_1332, %dma_start3A_1333] : memref<12x12x125xf32, #tpu.memory_space<vmem>> -> memref<1x1x125xf32, #tpu.memory_space<vmem>>
      %dma_start3A_1335 = tpu.memref_squeeze %dma_start3A_1334 : memref<1x1x125xf32, #tpu.memory_space<vmem>> -> memref<125xf32, #tpu.memory_space<vmem>>
      %dma_start3A_1336 = arith.constant 0 : i32
      %dma_start3A_1337 = tpu.memref_slice %arg18[%dma_start3A_1330, %dma_start3A_1336] : memref<80x125xi32, #tpu.memory_space<vmem>> -> memref<1x125xi32, #tpu.memory_space<vmem>>
      %dma_start3A_1338 = tpu.memref_squeeze %dma_start3A_1337 : memref<1x125xi32, #tpu.memory_space<vmem>> -> memref<125xi32, #tpu.memory_space<vmem>>
      %dma_start3A_1339 = arith.constant 0 : i32
      %dma_start3A_1340 = tpu.memref_slice %arg34[%dma_start3A_1339] : memref<51200xf32, #tpu.memory_space<vmem_shared>> -> memref<51200xf32, #tpu.memory_space<vmem_shared>>
      tpu.enqueue_indirect_dma source(%dma_start3A_1340 : memref<51200xf32, #tpu.memory_space<vmem_shared>>) target(%dma_start3A_1335 : memref<125xf32, #tpu.memory_space<vmem>>) offsets(%dma_start3A_1338 : memref<125xi32, #tpu.memory_space<vmem>>) semaphore(%arg43 : memref<!tpu.dma_semaphore, #tpu.memory_space<semaphore_mem>>)
      %dma_start3A_1341 = arith.constant 9 : i32
      %dma_start3A_1342 = arith.constant 9 : i32
      %dma_start3A_1343 = arith.constant 5 : i32
      %dma_start3A_1344 = arith.constant 0 : i32
      %dma_start3A_1345 = tpu.memref_slice %arg20[%dma_start3A_1342, %dma_start3A_1343, %dma_start3A_1344] : memref<12x12x125xf32, #tpu.memory_space<vmem>> -> memref<1x1x125xf32, #tpu.memory_space<vmem>>
      %dma_start3A_1346 = tpu.memref_squeeze %dma_start3A_1345 : memref<1x1x125xf32, #tpu.memory_space<vmem>> -> memref<125xf32, #tpu.memory_space<vmem>>
      %dma_start3A_1347 = arith.constant 0 : i32
      %dma_start3A_1348 = tpu.memref_slice %arg18[%dma_start3A_1341, %dma_start3A_1347] : memref<80x125xi32, #tpu.memory_space<vmem>> -> memref<1x125xi32, #tpu.memory_space<vmem>>
      %dma_start3A_1349 = tpu.memref_squeeze %dma_start3A_1348 : memref<1x125xi32, #tpu.memory_space<vmem>> -> memref<125xi32, #tpu.memory_space<vmem>>
      %dma_start3A_1350 = arith.constant 0 : i32
      %dma_start3A_1351 = tpu.memref_slice %arg35[%dma_start3A_1350] : memref<51200xf32, #tpu.memory_space<vmem_shared>> -> memref<51200xf32, #tpu.memory_space<vmem_shared>>
      tpu.enqueue_indirect_dma source(%dma_start3A_1351 : memref<51200xf32, #tpu.memory_space<vmem_shared>>) target(%dma_start3A_1346 : memref<125xf32, #tpu.memory_space<vmem>>) offsets(%dma_start3A_1349 : memref<125xi32, #tpu.memory_space<vmem>>) semaphore(%arg43 : memref<!tpu.dma_semaphore, #tpu.memory_space<semaphore_mem>>)
      %dma_start3A_1352 = arith.constant 9 : i32
      %dma_start3A_1353 = arith.constant 9 : i32
      %dma_start3A_1354 = arith.constant 6 : i32
      %dma_start3A_1355 = arith.constant 0 : i32
      %dma_start3A_1356 = tpu.memref_slice %arg20[%dma_start3A_1353, %dma_start3A_1354, %dma_start3A_1355] : memref<12x12x125xf32, #tpu.memory_space<vmem>> -> memref<1x1x125xf32, #tpu.memory_space<vmem>>
      %dma_start3A_1357 = tpu.memref_squeeze %dma_start3A_1356 : memref<1x1x125xf32, #tpu.memory_space<vmem>> -> memref<125xf32, #tpu.memory_space<vmem>>
      %dma_start3A_1358 = arith.constant 0 : i32
      %dma_start3A_1359 = tpu.memref_slice %arg18[%dma_start3A_1352, %dma_start3A_1358] : memref<80x125xi32, #tpu.memory_space<vmem>> -> memref<1x125xi32, #tpu.memory_space<vmem>>
      %dma_start3A_1360 = tpu.memref_squeeze %dma_start3A_1359 : memref<1x125xi32, #tpu.memory_space<vmem>> -> memref<125xi32, #tpu.memory_space<vmem>>
      %dma_start3A_1361 = arith.constant 0 : i32
      %dma_start3A_1362 = tpu.memref_slice %arg36[%dma_start3A_1361] : memref<51200xf32, #tpu.memory_space<vmem_shared>> -> memref<51200xf32, #tpu.memory_space<vmem_shared>>
      tpu.enqueue_indirect_dma source(%dma_start3A_1362 : memref<51200xf32, #tpu.memory_space<vmem_shared>>) target(%dma_start3A_1357 : memref<125xf32, #tpu.memory_space<vmem>>) offsets(%dma_start3A_1360 : memref<125xi32, #tpu.memory_space<vmem>>) semaphore(%arg43 : memref<!tpu.dma_semaphore, #tpu.memory_space<semaphore_mem>>)
      %dma_start3A_1363 = arith.constant 9 : i32
      %dma_start3A_1364 = arith.constant 9 : i32
      %dma_start3A_1365 = arith.constant 7 : i32
      %dma_start3A_1366 = arith.constant 0 : i32
      %dma_start3A_1367 = tpu.memref_slice %arg20[%dma_start3A_1364, %dma_start3A_1365, %dma_start3A_1366] : memref<12x12x125xf32, #tpu.memory_space<vmem>> -> memref<1x1x125xf32, #tpu.memory_space<vmem>>
      %dma_start3A_1368 = tpu.memref_squeeze %dma_start3A_1367 : memref<1x1x125xf32, #tpu.memory_space<vmem>> -> memref<125xf32, #tpu.memory_space<vmem>>
      %dma_start3A_1369 = arith.constant 0 : i32
      %dma_start3A_1370 = tpu.memref_slice %arg18[%dma_start3A_1363, %dma_start3A_1369] : memref<80x125xi32, #tpu.memory_space<vmem>> -> memref<1x125xi32, #tpu.memory_space<vmem>>
      %dma_start3A_1371 = tpu.memref_squeeze %dma_start3A_1370 : memref<1x125xi32, #tpu.memory_space<vmem>> -> memref<125xi32, #tpu.memory_space<vmem>>
      %dma_start3A_1372 = arith.constant 0 : i32
      %dma_start3A_1373 = tpu.memref_slice %arg37[%dma_start3A_1372] : memref<51200xf32, #tpu.memory_space<vmem_shared>> -> memref<51200xf32, #tpu.memory_space<vmem_shared>>
      tpu.enqueue_indirect_dma source(%dma_start3A_1373 : memref<51200xf32, #tpu.memory_space<vmem_shared>>) target(%dma_start3A_1368 : memref<125xf32, #tpu.memory_space<vmem>>) offsets(%dma_start3A_1371 : memref<125xi32, #tpu.memory_space<vmem>>) semaphore(%arg43 : memref<!tpu.dma_semaphore, #tpu.memory_space<semaphore_mem>>)
      %dma_start3A_1374 = arith.constant 9 : i32
      %dma_start3A_1375 = arith.constant 9 : i32
      %dma_start3A_1376 = arith.constant 8 : i32
      %dma_start3A_1377 = arith.constant 0 : i32
      %dma_start3A_1378 = tpu.memref_slice %arg20[%dma_start3A_1375, %dma_start3A_1376, %dma_start3A_1377] : memref<12x12x125xf32, #tpu.memory_space<vmem>> -> memref<1x1x125xf32, #tpu.memory_space<vmem>>
      %dma_start3A_1379 = tpu.memref_squeeze %dma_start3A_1378 : memref<1x1x125xf32, #tpu.memory_space<vmem>> -> memref<125xf32, #tpu.memory_space<vmem>>
      %dma_start3A_1380 = arith.constant 0 : i32
      %dma_start3A_1381 = tpu.memref_slice %arg18[%dma_start3A_1374, %dma_start3A_1380] : memref<80x125xi32, #tpu.memory_space<vmem>> -> memref<1x125xi32, #tpu.memory_space<vmem>>
      %dma_start3A_1382 = tpu.memref_squeeze %dma_start3A_1381 : memref<1x125xi32, #tpu.memory_space<vmem>> -> memref<125xi32, #tpu.memory_space<vmem>>
      %dma_start3A_1383 = arith.constant 0 : i32
      %dma_start3A_1384 = tpu.memref_slice %arg38[%dma_start3A_1383] : memref<51200xf32, #tpu.memory_space<vmem_shared>> -> memref<51200xf32, #tpu.memory_space<vmem_shared>>
      tpu.enqueue_indirect_dma source(%dma_start3A_1384 : memref<51200xf32, #tpu.memory_space<vmem_shared>>) target(%dma_start3A_1379 : memref<125xf32, #tpu.memory_space<vmem>>) offsets(%dma_start3A_1382 : memref<125xi32, #tpu.memory_space<vmem>>) semaphore(%arg43 : memref<!tpu.dma_semaphore, #tpu.memory_space<semaphore_mem>>)
      %dma_start3A_1385 = arith.constant 9 : i32
      %dma_start3A_1386 = arith.constant 9 : i32
      %dma_start3A_1387 = arith.constant 9 : i32
      %dma_start3A_1388 = arith.constant 0 : i32
      %dma_start3A_1389 = tpu.memref_slice %arg20[%dma_start3A_1386, %dma_start3A_1387, %dma_start3A_1388] : memref<12x12x125xf32, #tpu.memory_space<vmem>> -> memref<1x1x125xf32, #tpu.memory_space<vmem>>
      %dma_start3A_1390 = tpu.memref_squeeze %dma_start3A_1389 : memref<1x1x125xf32, #tpu.memory_space<vmem>> -> memref<125xf32, #tpu.memory_space<vmem>>
      %dma_start3A_1391 = arith.constant 0 : i32
      %dma_start3A_1392 = tpu.memref_slice %arg18[%dma_start3A_1385, %dma_start3A_1391] : memref<80x125xi32, #tpu.memory_space<vmem>> -> memref<1x125xi32, #tpu.memory_space<vmem>>
      %dma_start3A_1393 = tpu.memref_squeeze %dma_start3A_1392 : memref<1x125xi32, #tpu.memory_space<vmem>> -> memref<125xi32, #tpu.memory_space<vmem>>
      %dma_start3A_1394 = arith.constant 0 : i32
      %dma_start3A_1395 = tpu.memref_slice %arg39[%dma_start3A_1394] : memref<51200xf32, #tpu.memory_space<vmem_shared>> -> memref<51200xf32, #tpu.memory_space<vmem_shared>>
      tpu.enqueue_indirect_dma source(%dma_start3A_1395 : memref<51200xf32, #tpu.memory_space<vmem_shared>>) target(%dma_start3A_1390 : memref<125xf32, #tpu.memory_space<vmem>>) offsets(%dma_start3A_1393 : memref<125xi32, #tpu.memory_space<vmem>>) semaphore(%arg43 : memref<!tpu.dma_semaphore, #tpu.memory_space<semaphore_mem>>)
      %dma_start3A_1396 = arith.constant 9 : i32
      %dma_start3A_1397 = arith.constant 9 : i32
      %dma_start3A_1398 = arith.constant 10 : i32
      %dma_start3A_1399 = arith.constant 0 : i32
      %dma_start3A_1400 = tpu.memref_slice %arg20[%dma_start3A_1397, %dma_start3A_1398, %dma_start3A_1399] : memref<12x12x125xf32, #tpu.memory_space<vmem>> -> memref<1x1x125xf32, #tpu.memory_space<vmem>>
      %dma_start3A_1401 = tpu.memref_squeeze %dma_start3A_1400 : memref<1x1x125xf32, #tpu.memory_space<vmem>> -> memref<125xf32, #tpu.memory_space<vmem>>
      %dma_start3A_1402 = arith.constant 0 : i32
      %dma_start3A_1403 = tpu.memref_slice %arg18[%dma_start3A_1396, %dma_start3A_1402] : memref<80x125xi32, #tpu.memory_space<vmem>> -> memref<1x125xi32, #tpu.memory_space<vmem>>
      %dma_start3A_1404 = tpu.memref_squeeze %dma_start3A_1403 : memref<1x125xi32, #tpu.memory_space<vmem>> -> memref<125xi32, #tpu.memory_space<vmem>>
      %dma_start3A_1405 = arith.constant 0 : i32
      %dma_start3A_1406 = tpu.memref_slice %arg40[%dma_start3A_1405] : memref<51200xf32, #tpu.memory_space<vmem_shared>> -> memref<51200xf32, #tpu.memory_space<vmem_shared>>
      tpu.enqueue_indirect_dma source(%dma_start3A_1406 : memref<51200xf32, #tpu.memory_space<vmem_shared>>) target(%dma_start3A_1401 : memref<125xf32, #tpu.memory_space<vmem>>) offsets(%dma_start3A_1404 : memref<125xi32, #tpu.memory_space<vmem>>) semaphore(%arg43 : memref<!tpu.dma_semaphore, #tpu.memory_space<semaphore_mem>>)
      %dma_start3A_1407 = arith.constant 9 : i32
      %dma_start3A_1408 = arith.constant 9 : i32
      %dma_start3A_1409 = arith.constant 11 : i32
      %dma_start3A_1410 = arith.constant 0 : i32
      %dma_start3A_1411 = tpu.memref_slice %arg20[%dma_start3A_1408, %dma_start3A_1409, %dma_start3A_1410] : memref<12x12x125xf32, #tpu.memory_space<vmem>> -> memref<1x1x125xf32, #tpu.memory_space<vmem>>
      %dma_start3A_1412 = tpu.memref_squeeze %dma_start3A_1411 : memref<1x1x125xf32, #tpu.memory_space<vmem>> -> memref<125xf32, #tpu.memory_space<vmem>>
      %dma_start3A_1413 = arith.constant 0 : i32
      %dma_start3A_1414 = tpu.memref_slice %arg18[%dma_start3A_1407, %dma_start3A_1413] : memref<80x125xi32, #tpu.memory_space<vmem>> -> memref<1x125xi32, #tpu.memory_space<vmem>>
      %dma_start3A_1415 = tpu.memref_squeeze %dma_start3A_1414 : memref<1x125xi32, #tpu.memory_space<vmem>> -> memref<125xi32, #tpu.memory_space<vmem>>
      %dma_start3A_1416 = arith.constant 0 : i32
      %dma_start3A_1417 = tpu.memref_slice %arg41[%dma_start3A_1416] : memref<51200xf32, #tpu.memory_space<vmem_shared>> -> memref<51200xf32, #tpu.memory_space<vmem_shared>>
      tpu.enqueue_indirect_dma source(%dma_start3A_1417 : memref<51200xf32, #tpu.memory_space<vmem_shared>>) target(%dma_start3A_1412 : memref<125xf32, #tpu.memory_space<vmem>>) offsets(%dma_start3A_1415 : memref<125xi32, #tpu.memory_space<vmem>>) semaphore(%arg43 : memref<!tpu.dma_semaphore, #tpu.memory_space<semaphore_mem>>)
      %dma_start3A_1418 = arith.constant 10 : i32
      %dma_start3A_1419 = arith.constant 10 : i32
      %dma_start3A_1420 = arith.constant 0 : i32
      %dma_start3A_1421 = arith.constant 0 : i32
      %dma_start3A_1422 = tpu.memref_slice %arg20[%dma_start3A_1419, %dma_start3A_1420, %dma_start3A_1421] : memref<12x12x125xf32, #tpu.memory_space<vmem>> -> memref<1x1x125xf32, #tpu.memory_space<vmem>>
      %dma_start3A_1423 = tpu.memref_squeeze %dma_start3A_1422 : memref<1x1x125xf32, #tpu.memory_space<vmem>> -> memref<125xf32, #tpu.memory_space<vmem>>
      %dma_start3A_1424 = arith.constant 0 : i32
      %dma_start3A_1425 = tpu.memref_slice %arg18[%dma_start3A_1418, %dma_start3A_1424] : memref<80x125xi32, #tpu.memory_space<vmem>> -> memref<1x125xi32, #tpu.memory_space<vmem>>
      %dma_start3A_1426 = tpu.memref_squeeze %dma_start3A_1425 : memref<1x125xi32, #tpu.memory_space<vmem>> -> memref<125xi32, #tpu.memory_space<vmem>>
      %dma_start3A_1427 = arith.constant 0 : i32
      %dma_start3A_1428 = tpu.memref_slice %arg2[%dma_start3A_1427] : memref<51200xf32, #tpu.memory_space<hbm>> -> memref<51200xf32, #tpu.memory_space<hbm>>
      tpu.enqueue_indirect_dma source(%dma_start3A_1428 : memref<51200xf32, #tpu.memory_space<hbm>>) target(%dma_start3A_1423 : memref<125xf32, #tpu.memory_space<vmem>>) offsets(%dma_start3A_1426 : memref<125xi32, #tpu.memory_space<vmem>>) semaphore(%arg42 : memref<!tpu.dma_semaphore, #tpu.memory_space<semaphore_mem>>)
      %dma_start3A_1429 = arith.constant 10 : i32
      %dma_start3A_1430 = arith.constant 10 : i32
      %dma_start3A_1431 = arith.constant 1 : i32
      %dma_start3A_1432 = arith.constant 0 : i32
      %dma_start3A_1433 = tpu.memref_slice %arg20[%dma_start3A_1430, %dma_start3A_1431, %dma_start3A_1432] : memref<12x12x125xf32, #tpu.memory_space<vmem>> -> memref<1x1x125xf32, #tpu.memory_space<vmem>>
      %dma_start3A_1434 = tpu.memref_squeeze %dma_start3A_1433 : memref<1x1x125xf32, #tpu.memory_space<vmem>> -> memref<125xf32, #tpu.memory_space<vmem>>
      %dma_start3A_1435 = arith.constant 0 : i32
      %dma_start3A_1436 = tpu.memref_slice %arg18[%dma_start3A_1429, %dma_start3A_1435] : memref<80x125xi32, #tpu.memory_space<vmem>> -> memref<1x125xi32, #tpu.memory_space<vmem>>
      %dma_start3A_1437 = tpu.memref_squeeze %dma_start3A_1436 : memref<1x125xi32, #tpu.memory_space<vmem>> -> memref<125xi32, #tpu.memory_space<vmem>>
      %dma_start3A_1438 = arith.constant 0 : i32
      %dma_start3A_1439 = tpu.memref_slice %arg3[%dma_start3A_1438] : memref<51200xf32, #tpu.memory_space<hbm>> -> memref<51200xf32, #tpu.memory_space<hbm>>
      tpu.enqueue_indirect_dma source(%dma_start3A_1439 : memref<51200xf32, #tpu.memory_space<hbm>>) target(%dma_start3A_1434 : memref<125xf32, #tpu.memory_space<vmem>>) offsets(%dma_start3A_1437 : memref<125xi32, #tpu.memory_space<vmem>>) semaphore(%arg42 : memref<!tpu.dma_semaphore, #tpu.memory_space<semaphore_mem>>)
      %dma_start3A_1440 = arith.constant 10 : i32
      %dma_start3A_1441 = arith.constant 10 : i32
      %dma_start3A_1442 = arith.constant 2 : i32
      %dma_start3A_1443 = arith.constant 0 : i32
      %dma_start3A_1444 = tpu.memref_slice %arg20[%dma_start3A_1441, %dma_start3A_1442, %dma_start3A_1443] : memref<12x12x125xf32, #tpu.memory_space<vmem>> -> memref<1x1x125xf32, #tpu.memory_space<vmem>>
      %dma_start3A_1445 = tpu.memref_squeeze %dma_start3A_1444 : memref<1x1x125xf32, #tpu.memory_space<vmem>> -> memref<125xf32, #tpu.memory_space<vmem>>
      %dma_start3A_1446 = arith.constant 0 : i32
      %dma_start3A_1447 = tpu.memref_slice %arg18[%dma_start3A_1440, %dma_start3A_1446] : memref<80x125xi32, #tpu.memory_space<vmem>> -> memref<1x125xi32, #tpu.memory_space<vmem>>
      %dma_start3A_1448 = tpu.memref_squeeze %dma_start3A_1447 : memref<1x125xi32, #tpu.memory_space<vmem>> -> memref<125xi32, #tpu.memory_space<vmem>>
      %dma_start3A_1449 = arith.constant 0 : i32
      %dma_start3A_1450 = tpu.memref_slice %arg4[%dma_start3A_1449] : memref<51200xf32, #tpu.memory_space<hbm>> -> memref<51200xf32, #tpu.memory_space<hbm>>
      tpu.enqueue_indirect_dma source(%dma_start3A_1450 : memref<51200xf32, #tpu.memory_space<hbm>>) target(%dma_start3A_1445 : memref<125xf32, #tpu.memory_space<vmem>>) offsets(%dma_start3A_1448 : memref<125xi32, #tpu.memory_space<vmem>>) semaphore(%arg42 : memref<!tpu.dma_semaphore, #tpu.memory_space<semaphore_mem>>)
      %dma_start3A_1451 = arith.constant 10 : i32
      %dma_start3A_1452 = arith.constant 10 : i32
      %dma_start3A_1453 = arith.constant 3 : i32
      %dma_start3A_1454 = arith.constant 0 : i32
      %dma_start3A_1455 = tpu.memref_slice %arg20[%dma_start3A_1452, %dma_start3A_1453, %dma_start3A_1454] : memref<12x12x125xf32, #tpu.memory_space<vmem>> -> memref<1x1x125xf32, #tpu.memory_space<vmem>>
      %dma_start3A_1456 = tpu.memref_squeeze %dma_start3A_1455 : memref<1x1x125xf32, #tpu.memory_space<vmem>> -> memref<125xf32, #tpu.memory_space<vmem>>
      %dma_start3A_1457 = arith.constant 0 : i32
      %dma_start3A_1458 = tpu.memref_slice %arg18[%dma_start3A_1451, %dma_start3A_1457] : memref<80x125xi32, #tpu.memory_space<vmem>> -> memref<1x125xi32, #tpu.memory_space<vmem>>
      %dma_start3A_1459 = tpu.memref_squeeze %dma_start3A_1458 : memref<1x125xi32, #tpu.memory_space<vmem>> -> memref<125xi32, #tpu.memory_space<vmem>>
      %dma_start3A_1460 = arith.constant 0 : i32
      %dma_start3A_1461 = tpu.memref_slice %arg5[%dma_start3A_1460] : memref<51200xf32, #tpu.memory_space<hbm>> -> memref<51200xf32, #tpu.memory_space<hbm>>
      tpu.enqueue_indirect_dma source(%dma_start3A_1461 : memref<51200xf32, #tpu.memory_space<hbm>>) target(%dma_start3A_1456 : memref<125xf32, #tpu.memory_space<vmem>>) offsets(%dma_start3A_1459 : memref<125xi32, #tpu.memory_space<vmem>>) semaphore(%arg42 : memref<!tpu.dma_semaphore, #tpu.memory_space<semaphore_mem>>)
      %dma_start3A_1462 = arith.constant 10 : i32
      %dma_start3A_1463 = arith.constant 10 : i32
      %dma_start3A_1464 = arith.constant 4 : i32
      %dma_start3A_1465 = arith.constant 0 : i32
      %dma_start3A_1466 = tpu.memref_slice %arg20[%dma_start3A_1463, %dma_start3A_1464, %dma_start3A_1465] : memref<12x12x125xf32, #tpu.memory_space<vmem>> -> memref<1x1x125xf32, #tpu.memory_space<vmem>>
      %dma_start3A_1467 = tpu.memref_squeeze %dma_start3A_1466 : memref<1x1x125xf32, #tpu.memory_space<vmem>> -> memref<125xf32, #tpu.memory_space<vmem>>
      %dma_start3A_1468 = arith.constant 0 : i32
      %dma_start3A_1469 = tpu.memref_slice %arg18[%dma_start3A_1462, %dma_start3A_1468] : memref<80x125xi32, #tpu.memory_space<vmem>> -> memref<1x125xi32, #tpu.memory_space<vmem>>
      %dma_start3A_1470 = tpu.memref_squeeze %dma_start3A_1469 : memref<1x125xi32, #tpu.memory_space<vmem>> -> memref<125xi32, #tpu.memory_space<vmem>>
      %dma_start3A_1471 = arith.constant 0 : i32
      %dma_start3A_1472 = tpu.memref_slice %arg34[%dma_start3A_1471] : memref<51200xf32, #tpu.memory_space<vmem_shared>> -> memref<51200xf32, #tpu.memory_space<vmem_shared>>
      tpu.enqueue_indirect_dma source(%dma_start3A_1472 : memref<51200xf32, #tpu.memory_space<vmem_shared>>) target(%dma_start3A_1467 : memref<125xf32, #tpu.memory_space<vmem>>) offsets(%dma_start3A_1470 : memref<125xi32, #tpu.memory_space<vmem>>) semaphore(%arg43 : memref<!tpu.dma_semaphore, #tpu.memory_space<semaphore_mem>>)
      %dma_start3A_1473 = arith.constant 10 : i32
      %dma_start3A_1474 = arith.constant 10 : i32
      %dma_start3A_1475 = arith.constant 5 : i32
      %dma_start3A_1476 = arith.constant 0 : i32
      %dma_start3A_1477 = tpu.memref_slice %arg20[%dma_start3A_1474, %dma_start3A_1475, %dma_start3A_1476] : memref<12x12x125xf32, #tpu.memory_space<vmem>> -> memref<1x1x125xf32, #tpu.memory_space<vmem>>
      %dma_start3A_1478 = tpu.memref_squeeze %dma_start3A_1477 : memref<1x1x125xf32, #tpu.memory_space<vmem>> -> memref<125xf32, #tpu.memory_space<vmem>>
      %dma_start3A_1479 = arith.constant 0 : i32
      %dma_start3A_1480 = tpu.memref_slice %arg18[%dma_start3A_1473, %dma_start3A_1479] : memref<80x125xi32, #tpu.memory_space<vmem>> -> memref<1x125xi32, #tpu.memory_space<vmem>>
      %dma_start3A_1481 = tpu.memref_squeeze %dma_start3A_1480 : memref<1x125xi32, #tpu.memory_space<vmem>> -> memref<125xi32, #tpu.memory_space<vmem>>
      %dma_start3A_1482 = arith.constant 0 : i32
      %dma_start3A_1483 = tpu.memref_slice %arg35[%dma_start3A_1482] : memref<51200xf32, #tpu.memory_space<vmem_shared>> -> memref<51200xf32, #tpu.memory_space<vmem_shared>>
      tpu.enqueue_indirect_dma source(%dma_start3A_1483 : memref<51200xf32, #tpu.memory_space<vmem_shared>>) target(%dma_start3A_1478 : memref<125xf32, #tpu.memory_space<vmem>>) offsets(%dma_start3A_1481 : memref<125xi32, #tpu.memory_space<vmem>>) semaphore(%arg43 : memref<!tpu.dma_semaphore, #tpu.memory_space<semaphore_mem>>)
      %dma_start3A_1484 = arith.constant 10 : i32
      %dma_start3A_1485 = arith.constant 10 : i32
      %dma_start3A_1486 = arith.constant 6 : i32
      %dma_start3A_1487 = arith.constant 0 : i32
      %dma_start3A_1488 = tpu.memref_slice %arg20[%dma_start3A_1485, %dma_start3A_1486, %dma_start3A_1487] : memref<12x12x125xf32, #tpu.memory_space<vmem>> -> memref<1x1x125xf32, #tpu.memory_space<vmem>>
      %dma_start3A_1489 = tpu.memref_squeeze %dma_start3A_1488 : memref<1x1x125xf32, #tpu.memory_space<vmem>> -> memref<125xf32, #tpu.memory_space<vmem>>
      %dma_start3A_1490 = arith.constant 0 : i32
      %dma_start3A_1491 = tpu.memref_slice %arg18[%dma_start3A_1484, %dma_start3A_1490] : memref<80x125xi32, #tpu.memory_space<vmem>> -> memref<1x125xi32, #tpu.memory_space<vmem>>
      %dma_start3A_1492 = tpu.memref_squeeze %dma_start3A_1491 : memref<1x125xi32, #tpu.memory_space<vmem>> -> memref<125xi32, #tpu.memory_space<vmem>>
      %dma_start3A_1493 = arith.constant 0 : i32
      %dma_start3A_1494 = tpu.memref_slice %arg36[%dma_start3A_1493] : memref<51200xf32, #tpu.memory_space<vmem_shared>> -> memref<51200xf32, #tpu.memory_space<vmem_shared>>
      tpu.enqueue_indirect_dma source(%dma_start3A_1494 : memref<51200xf32, #tpu.memory_space<vmem_shared>>) target(%dma_start3A_1489 : memref<125xf32, #tpu.memory_space<vmem>>) offsets(%dma_start3A_1492 : memref<125xi32, #tpu.memory_space<vmem>>) semaphore(%arg43 : memref<!tpu.dma_semaphore, #tpu.memory_space<semaphore_mem>>)
      %dma_start3A_1495 = arith.constant 10 : i32
      %dma_start3A_1496 = arith.constant 10 : i32
      %dma_start3A_1497 = arith.constant 7 : i32
      %dma_start3A_1498 = arith.constant 0 : i32
      %dma_start3A_1499 = tpu.memref_slice %arg20[%dma_start3A_1496, %dma_start3A_1497, %dma_start3A_1498] : memref<12x12x125xf32, #tpu.memory_space<vmem>> -> memref<1x1x125xf32, #tpu.memory_space<vmem>>
      %dma_start3A_1500 = tpu.memref_squeeze %dma_start3A_1499 : memref<1x1x125xf32, #tpu.memory_space<vmem>> -> memref<125xf32, #tpu.memory_space<vmem>>
      %dma_start3A_1501 = arith.constant 0 : i32
      %dma_start3A_1502 = tpu.memref_slice %arg18[%dma_start3A_1495, %dma_start3A_1501] : memref<80x125xi32, #tpu.memory_space<vmem>> -> memref<1x125xi32, #tpu.memory_space<vmem>>
      %dma_start3A_1503 = tpu.memref_squeeze %dma_start3A_1502 : memref<1x125xi32, #tpu.memory_space<vmem>> -> memref<125xi32, #tpu.memory_space<vmem>>
      %dma_start3A_1504 = arith.constant 0 : i32
      %dma_start3A_1505 = tpu.memref_slice %arg37[%dma_start3A_1504] : memref<51200xf32, #tpu.memory_space<vmem_shared>> -> memref<51200xf32, #tpu.memory_space<vmem_shared>>
      tpu.enqueue_indirect_dma source(%dma_start3A_1505 : memref<51200xf32, #tpu.memory_space<vmem_shared>>) target(%dma_start3A_1500 : memref<125xf32, #tpu.memory_space<vmem>>) offsets(%dma_start3A_1503 : memref<125xi32, #tpu.memory_space<vmem>>) semaphore(%arg43 : memref<!tpu.dma_semaphore, #tpu.memory_space<semaphore_mem>>)
      %dma_start3A_1506 = arith.constant 10 : i32
      %dma_start3A_1507 = arith.constant 10 : i32
      %dma_start3A_1508 = arith.constant 8 : i32
      %dma_start3A_1509 = arith.constant 0 : i32
      %dma_start3A_1510 = tpu.memref_slice %arg20[%dma_start3A_1507, %dma_start3A_1508, %dma_start3A_1509] : memref<12x12x125xf32, #tpu.memory_space<vmem>> -> memref<1x1x125xf32, #tpu.memory_space<vmem>>
      %dma_start3A_1511 = tpu.memref_squeeze %dma_start3A_1510 : memref<1x1x125xf32, #tpu.memory_space<vmem>> -> memref<125xf32, #tpu.memory_space<vmem>>
      %dma_start3A_1512 = arith.constant 0 : i32
      %dma_start3A_1513 = tpu.memref_slice %arg18[%dma_start3A_1506, %dma_start3A_1512] : memref<80x125xi32, #tpu.memory_space<vmem>> -> memref<1x125xi32, #tpu.memory_space<vmem>>
      %dma_start3A_1514 = tpu.memref_squeeze %dma_start3A_1513 : memref<1x125xi32, #tpu.memory_space<vmem>> -> memref<125xi32, #tpu.memory_space<vmem>>
      %dma_start3A_1515 = arith.constant 0 : i32
      %dma_start3A_1516 = tpu.memref_slice %arg38[%dma_start3A_1515] : memref<51200xf32, #tpu.memory_space<vmem_shared>> -> memref<51200xf32, #tpu.memory_space<vmem_shared>>
      tpu.enqueue_indirect_dma source(%dma_start3A_1516 : memref<51200xf32, #tpu.memory_space<vmem_shared>>) target(%dma_start3A_1511 : memref<125xf32, #tpu.memory_space<vmem>>) offsets(%dma_start3A_1514 : memref<125xi32, #tpu.memory_space<vmem>>) semaphore(%arg43 : memref<!tpu.dma_semaphore, #tpu.memory_space<semaphore_mem>>)
      %dma_start3A_1517 = arith.constant 10 : i32
      %dma_start3A_1518 = arith.constant 10 : i32
      %dma_start3A_1519 = arith.constant 9 : i32
      %dma_start3A_1520 = arith.constant 0 : i32
      %dma_start3A_1521 = tpu.memref_slice %arg20[%dma_start3A_1518, %dma_start3A_1519, %dma_start3A_1520] : memref<12x12x125xf32, #tpu.memory_space<vmem>> -> memref<1x1x125xf32, #tpu.memory_space<vmem>>
      %dma_start3A_1522 = tpu.memref_squeeze %dma_start3A_1521 : memref<1x1x125xf32, #tpu.memory_space<vmem>> -> memref<125xf32, #tpu.memory_space<vmem>>
      %dma_start3A_1523 = arith.constant 0 : i32
      %dma_start3A_1524 = tpu.memref_slice %arg18[%dma_start3A_1517, %dma_start3A_1523] : memref<80x125xi32, #tpu.memory_space<vmem>> -> memref<1x125xi32, #tpu.memory_space<vmem>>
      %dma_start3A_1525 = tpu.memref_squeeze %dma_start3A_1524 : memref<1x125xi32, #tpu.memory_space<vmem>> -> memref<125xi32, #tpu.memory_space<vmem>>
      %dma_start3A_1526 = arith.constant 0 : i32
      %dma_start3A_1527 = tpu.memref_slice %arg39[%dma_start3A_1526] : memref<51200xf32, #tpu.memory_space<vmem_shared>> -> memref<51200xf32, #tpu.memory_space<vmem_shared>>
      tpu.enqueue_indirect_dma source(%dma_start3A_1527 : memref<51200xf32, #tpu.memory_space<vmem_shared>>) target(%dma_start3A_1522 : memref<125xf32, #tpu.memory_space<vmem>>) offsets(%dma_start3A_1525 : memref<125xi32, #tpu.memory_space<vmem>>) semaphore(%arg43 : memref<!tpu.dma_semaphore, #tpu.memory_space<semaphore_mem>>)
      %dma_start3A_1528 = arith.constant 10 : i32
      %dma_start3A_1529 = arith.constant 10 : i32
      %dma_start3A_1530 = arith.constant 10 : i32
      %dma_start3A_1531 = arith.constant 0 : i32
      %dma_start3A_1532 = tpu.memref_slice %arg20[%dma_start3A_1529, %dma_start3A_1530, %dma_start3A_1531] : memref<12x12x125xf32, #tpu.memory_space<vmem>> -> memref<1x1x125xf32, #tpu.memory_space<vmem>>
      %dma_start3A_1533 = tpu.memref_squeeze %dma_start3A_1532 : memref<1x1x125xf32, #tpu.memory_space<vmem>> -> memref<125xf32, #tpu.memory_space<vmem>>
      %dma_start3A_1534 = arith.constant 0 : i32
      %dma_start3A_1535 = tpu.memref_slice %arg18[%dma_start3A_1528, %dma_start3A_1534] : memref<80x125xi32, #tpu.memory_space<vmem>> -> memref<1x125xi32, #tpu.memory_space<vmem>>
      %dma_start3A_1536 = tpu.memref_squeeze %dma_start3A_1535 : memref<1x125xi32, #tpu.memory_space<vmem>> -> memref<125xi32, #tpu.memory_space<vmem>>
      %dma_start3A_1537 = arith.constant 0 : i32
      %dma_start3A_1538 = tpu.memref_slice %arg40[%dma_start3A_1537] : memref<51200xf32, #tpu.memory_space<vmem_shared>> -> memref<51200xf32, #tpu.memory_space<vmem_shared>>
      tpu.enqueue_indirect_dma source(%dma_start3A_1538 : memref<51200xf32, #tpu.memory_space<vmem_shared>>) target(%dma_start3A_1533 : memref<125xf32, #tpu.memory_space<vmem>>) offsets(%dma_start3A_1536 : memref<125xi32, #tpu.memory_space<vmem>>) semaphore(%arg43 : memref<!tpu.dma_semaphore, #tpu.memory_space<semaphore_mem>>)
      %dma_start3A_1539 = arith.constant 10 : i32
      %dma_start3A_1540 = arith.constant 10 : i32
      %dma_start3A_1541 = arith.constant 11 : i32
      %dma_start3A_1542 = arith.constant 0 : i32
      %dma_start3A_1543 = tpu.memref_slice %arg20[%dma_start3A_1540, %dma_start3A_1541, %dma_start3A_1542] : memref<12x12x125xf32, #tpu.memory_space<vmem>> -> memref<1x1x125xf32, #tpu.memory_space<vmem>>
      %dma_start3A_1544 = tpu.memref_squeeze %dma_start3A_1543 : memref<1x1x125xf32, #tpu.memory_space<vmem>> -> memref<125xf32, #tpu.memory_space<vmem>>
      %dma_start3A_1545 = arith.constant 0 : i32
      %dma_start3A_1546 = tpu.memref_slice %arg18[%dma_start3A_1539, %dma_start3A_1545] : memref<80x125xi32, #tpu.memory_space<vmem>> -> memref<1x125xi32, #tpu.memory_space<vmem>>
      %dma_start3A_1547 = tpu.memref_squeeze %dma_start3A_1546 : memref<1x125xi32, #tpu.memory_space<vmem>> -> memref<125xi32, #tpu.memory_space<vmem>>
      %dma_start3A_1548 = arith.constant 0 : i32
      %dma_start3A_1549 = tpu.memref_slice %arg41[%dma_start3A_1548] : memref<51200xf32, #tpu.memory_space<vmem_shared>> -> memref<51200xf32, #tpu.memory_space<vmem_shared>>
      tpu.enqueue_indirect_dma source(%dma_start3A_1549 : memref<51200xf32, #tpu.memory_space<vmem_shared>>) target(%dma_start3A_1544 : memref<125xf32, #tpu.memory_space<vmem>>) offsets(%dma_start3A_1547 : memref<125xi32, #tpu.memory_space<vmem>>) semaphore(%arg43 : memref<!tpu.dma_semaphore, #tpu.memory_space<semaphore_mem>>)
      %scan3A_1550 = arith.constant 0 : i32
      %scan3A_1551 = arith.constant 80 : i32
      %scan3A_1552 = arith.addi %scan3A_1550, %scan3A_1551 : i32
      %scan3A_1553 = arith.constant 1 : i32
      scf.for %scan3A_1562 = %scan3A_1550 to %scan3A_1552 step %scan3A_1553  : i32 {
        %gt3A = arith.constant 0 : i32
        %gt3A_1563 = arith.cmpi sgt, %scan3A_1562, %gt3A : i32
        %convert_element_type3A = arith.extui %gt3A_1563 : i1 to i32
        %cond3A = arith.constant 0 : i32
        %cond3A_1564 = arith.cmpi ne, %convert_element_type3A, %cond3A : i32
        scf.if %cond3A_1564 {
          %dma_wait3A_1719 = arith.constant 0 : i32
          %dma_wait3A_1720 = tpu.memref_slice %arg21[%dma_wait3A_1719] : memref<1500xf32, #tpu.memory_space<vmem>> -> memref<1500xf32, #tpu.memory_space<vmem>>
          %dma_wait3A_1721 = arith.constant 0 : i32
          %dma_wait3A_1722 = tpu.memref_slice %arg16[%dma_wait3A_1721] : memref<51200xf32, #tpu.memory_space<hbm>> -> memref<1500xf32, #tpu.memory_space<hbm>>
          %dma_wait3A_1723 = arith.constant 0 : i32
          %dma_wait3A_1724 = tpu.memref_slice %arg21[%dma_wait3A_1723] : memref<1500xf32, #tpu.memory_space<vmem>> -> memref<1500xf32, #tpu.memory_space<vmem>>
          %dma_wait3A_1725 = arith.constant 0 : i32
          %dma_wait3A_1726 = tpu.memref_slice %arg16[%dma_wait3A_1725] : memref<51200xf32, #tpu.memory_space<hbm>> -> memref<1500xf32, #tpu.memory_space<hbm>>
          tpu.wait_dma2 semaphore(%arg44 : memref<!tpu.dma_semaphore, #tpu.memory_space<semaphore_mem>>) src(%dma_wait3A_1726 : memref<1500xf32, #tpu.memory_space<hbm>>) dst(%dma_wait3A_1724 : memref<1500xf32, #tpu.memory_space<vmem>>)
        } else {
        }
        %add3A_1565 = arith.constant 12 : i32
        %add3A_1566 = arith.addi %scan3A_1562, %add3A_1565 : i32
        %sub3A = arith.constant 1 : i32
        %sub3A_1567 = arith.subi %add3A_1566, %sub3A : i32
        %lt3A = arith.constant 80 : i32
        %lt3A_1568 = arith.cmpi slt, %sub3A_1567, %lt3A : i32
        %convert_element_type3A_1569 = arith.extui %lt3A_1568 : i1 to i32
        %cond3A_1570 = arith.constant 0 : i32
        %cond3A_1571 = arith.cmpi ne, %convert_element_type3A_1569, %cond3A_1570 : i32
        scf.if %cond3A_1571 {
          %add3A_1719 = arith.constant 12 : i32
          %add3A_1720 = arith.addi %scan3A_1562, %add3A_1719 : i32
          %sub3A_1721 = arith.constant 1 : i32
          %sub3A_1722 = arith.subi %add3A_1720, %sub3A_1721 : i32
          %add3A_1723 = arith.constant 12 : i32
          %add3A_1724 = arith.addi %scan3A_1562, %add3A_1723 : i32
          %sub3A_1725 = arith.constant 1 : i32
          %sub3A_1726 = arith.subi %add3A_1724, %sub3A_1725 : i32
          %rem3A_1727 = arith.constant 12 : i32
          %rem3A_1728 = arith.remsi %sub3A_1726, %rem3A_1727 : i32
          %dma_start3A_1729 = arith.constant 0 : i32
          %dma_start3A_1730 = arith.constant 0 : i32
          %dma_start3A_1731 = tpu.memref_slice %arg20[%rem3A_1728, %dma_start3A_1729, %dma_start3A_1730] : memref<12x12x125xf32, #tpu.memory_space<vmem>> -> memref<1x1x125xf32, #tpu.memory_space<vmem>>
          %dma_start3A_1732 = tpu.memref_squeeze %dma_start3A_1731 : memref<1x1x125xf32, #tpu.memory_space<vmem>> -> memref<125xf32, #tpu.memory_space<vmem>>
          %dma_start3A_1733 = arith.constant 0 : i32
          %dma_start3A_1734 = tpu.memref_slice %arg18[%sub3A_1722, %dma_start3A_1733] : memref<80x125xi32, #tpu.memory_space<vmem>> -> memref<1x125xi32, #tpu.memory_space<vmem>>
          %dma_start3A_1735 = tpu.memref_squeeze %dma_start3A_1734 : memref<1x125xi32, #tpu.memory_space<vmem>> -> memref<125xi32, #tpu.memory_space<vmem>>
          %dma_start3A_1736 = arith.constant 0 : i32
          %dma_start3A_1737 = tpu.memref_slice %arg2[%dma_start3A_1736] : memref<51200xf32, #tpu.memory_space<hbm>> -> memref<51200xf32, #tpu.memory_space<hbm>>
          tpu.enqueue_indirect_dma source(%dma_start3A_1737 : memref<51200xf32, #tpu.memory_space<hbm>>) target(%dma_start3A_1732 : memref<125xf32, #tpu.memory_space<vmem>>) offsets(%dma_start3A_1735 : memref<125xi32, #tpu.memory_space<vmem>>) semaphore(%arg42 : memref<!tpu.dma_semaphore, #tpu.memory_space<semaphore_mem>>)
          %add3A_1738 = arith.constant 12 : i32
          %add3A_1739 = arith.addi %scan3A_1562, %add3A_1738 : i32
          %sub3A_1740 = arith.constant 1 : i32
          %sub3A_1741 = arith.subi %add3A_1739, %sub3A_1740 : i32
          %add3A_1742 = arith.constant 12 : i32
          %add3A_1743 = arith.addi %scan3A_1562, %add3A_1742 : i32
          %sub3A_1744 = arith.constant 1 : i32
          %sub3A_1745 = arith.subi %add3A_1743, %sub3A_1744 : i32
          %rem3A_1746 = arith.constant 12 : i32
          %rem3A_1747 = arith.remsi %sub3A_1745, %rem3A_1746 : i32
          %dma_start3A_1748 = arith.constant 1 : i32
          %dma_start3A_1749 = arith.constant 0 : i32
          %dma_start3A_1750 = tpu.memref_slice %arg20[%rem3A_1747, %dma_start3A_1748, %dma_start3A_1749] : memref<12x12x125xf32, #tpu.memory_space<vmem>> -> memref<1x1x125xf32, #tpu.memory_space<vmem>>
          %dma_start3A_1751 = tpu.memref_squeeze %dma_start3A_1750 : memref<1x1x125xf32, #tpu.memory_space<vmem>> -> memref<125xf32, #tpu.memory_space<vmem>>
          %dma_start3A_1752 = arith.constant 0 : i32
          %dma_start3A_1753 = tpu.memref_slice %arg18[%sub3A_1741, %dma_start3A_1752] : memref<80x125xi32, #tpu.memory_space<vmem>> -> memref<1x125xi32, #tpu.memory_space<vmem>>
          %dma_start3A_1754 = tpu.memref_squeeze %dma_start3A_1753 : memref<1x125xi32, #tpu.memory_space<vmem>> -> memref<125xi32, #tpu.memory_space<vmem>>
          %dma_start3A_1755 = arith.constant 0 : i32
          %dma_start3A_1756 = tpu.memref_slice %arg3[%dma_start3A_1755] : memref<51200xf32, #tpu.memory_space<hbm>> -> memref<51200xf32, #tpu.memory_space<hbm>>
          tpu.enqueue_indirect_dma source(%dma_start3A_1756 : memref<51200xf32, #tpu.memory_space<hbm>>) target(%dma_start3A_1751 : memref<125xf32, #tpu.memory_space<vmem>>) offsets(%dma_start3A_1754 : memref<125xi32, #tpu.memory_space<vmem>>) semaphore(%arg42 : memref<!tpu.dma_semaphore, #tpu.memory_space<semaphore_mem>>)
          %add3A_1757 = arith.constant 12 : i32
          %add3A_1758 = arith.addi %scan3A_1562, %add3A_1757 : i32
          %sub3A_1759 = arith.constant 1 : i32
          %sub3A_1760 = arith.subi %add3A_1758, %sub3A_1759 : i32
          %add3A_1761 = arith.constant 12 : i32
          %add3A_1762 = arith.addi %scan3A_1562, %add3A_1761 : i32
          %sub3A_1763 = arith.constant 1 : i32
          %sub3A_1764 = arith.subi %add3A_1762, %sub3A_1763 : i32
          %rem3A_1765 = arith.constant 12 : i32
          %rem3A_1766 = arith.remsi %sub3A_1764, %rem3A_1765 : i32
          %dma_start3A_1767 = arith.constant 2 : i32
          %dma_start3A_1768 = arith.constant 0 : i32
          %dma_start3A_1769 = tpu.memref_slice %arg20[%rem3A_1766, %dma_start3A_1767, %dma_start3A_1768] : memref<12x12x125xf32, #tpu.memory_space<vmem>> -> memref<1x1x125xf32, #tpu.memory_space<vmem>>
          %dma_start3A_1770 = tpu.memref_squeeze %dma_start3A_1769 : memref<1x1x125xf32, #tpu.memory_space<vmem>> -> memref<125xf32, #tpu.memory_space<vmem>>
          %dma_start3A_1771 = arith.constant 0 : i32
          %dma_start3A_1772 = tpu.memref_slice %arg18[%sub3A_1760, %dma_start3A_1771] : memref<80x125xi32, #tpu.memory_space<vmem>> -> memref<1x125xi32, #tpu.memory_space<vmem>>
          %dma_start3A_1773 = tpu.memref_squeeze %dma_start3A_1772 : memref<1x125xi32, #tpu.memory_space<vmem>> -> memref<125xi32, #tpu.memory_space<vmem>>
          %dma_start3A_1774 = arith.constant 0 : i32
          %dma_start3A_1775 = tpu.memref_slice %arg4[%dma_start3A_1774] : memref<51200xf32, #tpu.memory_space<hbm>> -> memref<51200xf32, #tpu.memory_space<hbm>>
          tpu.enqueue_indirect_dma source(%dma_start3A_1775 : memref<51200xf32, #tpu.memory_space<hbm>>) target(%dma_start3A_1770 : memref<125xf32, #tpu.memory_space<vmem>>) offsets(%dma_start3A_1773 : memref<125xi32, #tpu.memory_space<vmem>>) semaphore(%arg42 : memref<!tpu.dma_semaphore, #tpu.memory_space<semaphore_mem>>)
          %add3A_1776 = arith.constant 12 : i32
          %add3A_1777 = arith.addi %scan3A_1562, %add3A_1776 : i32
          %sub3A_1778 = arith.constant 1 : i32
          %sub3A_1779 = arith.subi %add3A_1777, %sub3A_1778 : i32
          %add3A_1780 = arith.constant 12 : i32
          %add3A_1781 = arith.addi %scan3A_1562, %add3A_1780 : i32
          %sub3A_1782 = arith.constant 1 : i32
          %sub3A_1783 = arith.subi %add3A_1781, %sub3A_1782 : i32
          %rem3A_1784 = arith.constant 12 : i32
          %rem3A_1785 = arith.remsi %sub3A_1783, %rem3A_1784 : i32
          %dma_start3A_1786 = arith.constant 3 : i32
          %dma_start3A_1787 = arith.constant 0 : i32
          %dma_start3A_1788 = tpu.memref_slice %arg20[%rem3A_1785, %dma_start3A_1786, %dma_start3A_1787] : memref<12x12x125xf32, #tpu.memory_space<vmem>> -> memref<1x1x125xf32, #tpu.memory_space<vmem>>
          %dma_start3A_1789 = tpu.memref_squeeze %dma_start3A_1788 : memref<1x1x125xf32, #tpu.memory_space<vmem>> -> memref<125xf32, #tpu.memory_space<vmem>>
          %dma_start3A_1790 = arith.constant 0 : i32
          %dma_start3A_1791 = tpu.memref_slice %arg18[%sub3A_1779, %dma_start3A_1790] : memref<80x125xi32, #tpu.memory_space<vmem>> -> memref<1x125xi32, #tpu.memory_space<vmem>>
          %dma_start3A_1792 = tpu.memref_squeeze %dma_start3A_1791 : memref<1x125xi32, #tpu.memory_space<vmem>> -> memref<125xi32, #tpu.memory_space<vmem>>
          %dma_start3A_1793 = arith.constant 0 : i32
          %dma_start3A_1794 = tpu.memref_slice %arg5[%dma_start3A_1793] : memref<51200xf32, #tpu.memory_space<hbm>> -> memref<51200xf32, #tpu.memory_space<hbm>>
          tpu.enqueue_indirect_dma source(%dma_start3A_1794 : memref<51200xf32, #tpu.memory_space<hbm>>) target(%dma_start3A_1789 : memref<125xf32, #tpu.memory_space<vmem>>) offsets(%dma_start3A_1792 : memref<125xi32, #tpu.memory_space<vmem>>) semaphore(%arg42 : memref<!tpu.dma_semaphore, #tpu.memory_space<semaphore_mem>>)
          %add3A_1795 = arith.constant 12 : i32
          %add3A_1796 = arith.addi %scan3A_1562, %add3A_1795 : i32
          %sub3A_1797 = arith.constant 1 : i32
          %sub3A_1798 = arith.subi %add3A_1796, %sub3A_1797 : i32
          %add3A_1799 = arith.constant 12 : i32
          %add3A_1800 = arith.addi %scan3A_1562, %add3A_1799 : i32
          %sub3A_1801 = arith.constant 1 : i32
          %sub3A_1802 = arith.subi %add3A_1800, %sub3A_1801 : i32
          %rem3A_1803 = arith.constant 12 : i32
          %rem3A_1804 = arith.remsi %sub3A_1802, %rem3A_1803 : i32
          %dma_start3A_1805 = arith.constant 4 : i32
          %dma_start3A_1806 = arith.constant 0 : i32
          %dma_start3A_1807 = tpu.memref_slice %arg20[%rem3A_1804, %dma_start3A_1805, %dma_start3A_1806] : memref<12x12x125xf32, #tpu.memory_space<vmem>> -> memref<1x1x125xf32, #tpu.memory_space<vmem>>
          %dma_start3A_1808 = tpu.memref_squeeze %dma_start3A_1807 : memref<1x1x125xf32, #tpu.memory_space<vmem>> -> memref<125xf32, #tpu.memory_space<vmem>>
          %dma_start3A_1809 = arith.constant 0 : i32
          %dma_start3A_1810 = tpu.memref_slice %arg18[%sub3A_1798, %dma_start3A_1809] : memref<80x125xi32, #tpu.memory_space<vmem>> -> memref<1x125xi32, #tpu.memory_space<vmem>>
          %dma_start3A_1811 = tpu.memref_squeeze %dma_start3A_1810 : memref<1x125xi32, #tpu.memory_space<vmem>> -> memref<125xi32, #tpu.memory_space<vmem>>
          %dma_start3A_1812 = arith.constant 0 : i32
          %dma_start3A_1813 = tpu.memref_slice %arg34[%dma_start3A_1812] : memref<51200xf32, #tpu.memory_space<vmem_shared>> -> memref<51200xf32, #tpu.memory_space<vmem_shared>>
          tpu.enqueue_indirect_dma source(%dma_start3A_1813 : memref<51200xf32, #tpu.memory_space<vmem_shared>>) target(%dma_start3A_1808 : memref<125xf32, #tpu.memory_space<vmem>>) offsets(%dma_start3A_1811 : memref<125xi32, #tpu.memory_space<vmem>>) semaphore(%arg43 : memref<!tpu.dma_semaphore, #tpu.memory_space<semaphore_mem>>)
          %add3A_1814 = arith.constant 12 : i32
          %add3A_1815 = arith.addi %scan3A_1562, %add3A_1814 : i32
          %sub3A_1816 = arith.constant 1 : i32
          %sub3A_1817 = arith.subi %add3A_1815, %sub3A_1816 : i32
          %add3A_1818 = arith.constant 12 : i32
          %add3A_1819 = arith.addi %scan3A_1562, %add3A_1818 : i32
          %sub3A_1820 = arith.constant 1 : i32
          %sub3A_1821 = arith.subi %add3A_1819, %sub3A_1820 : i32
          %rem3A_1822 = arith.constant 12 : i32
          %rem3A_1823 = arith.remsi %sub3A_1821, %rem3A_1822 : i32
          %dma_start3A_1824 = arith.constant 5 : i32
          %dma_start3A_1825 = arith.constant 0 : i32
          %dma_start3A_1826 = tpu.memref_slice %arg20[%rem3A_1823, %dma_start3A_1824, %dma_start3A_1825] : memref<12x12x125xf32, #tpu.memory_space<vmem>> -> memref<1x1x125xf32, #tpu.memory_space<vmem>>
          %dma_start3A_1827 = tpu.memref_squeeze %dma_start3A_1826 : memref<1x1x125xf32, #tpu.memory_space<vmem>> -> memref<125xf32, #tpu.memory_space<vmem>>
          %dma_start3A_1828 = arith.constant 0 : i32
          %dma_start3A_1829 = tpu.memref_slice %arg18[%sub3A_1817, %dma_start3A_1828] : memref<80x125xi32, #tpu.memory_space<vmem>> -> memref<1x125xi32, #tpu.memory_space<vmem>>
          %dma_start3A_1830 = tpu.memref_squeeze %dma_start3A_1829 : memref<1x125xi32, #tpu.memory_space<vmem>> -> memref<125xi32, #tpu.memory_space<vmem>>
          %dma_start3A_1831 = arith.constant 0 : i32
          %dma_start3A_1832 = tpu.memref_slice %arg35[%dma_start3A_1831] : memref<51200xf32, #tpu.memory_space<vmem_shared>> -> memref<51200xf32, #tpu.memory_space<vmem_shared>>
          tpu.enqueue_indirect_dma source(%dma_start3A_1832 : memref<51200xf32, #tpu.memory_space<vmem_shared>>) target(%dma_start3A_1827 : memref<125xf32, #tpu.memory_space<vmem>>) offsets(%dma_start3A_1830 : memref<125xi32, #tpu.memory_space<vmem>>) semaphore(%arg43 : memref<!tpu.dma_semaphore, #tpu.memory_space<semaphore_mem>>)
          %add3A_1833 = arith.constant 12 : i32
          %add3A_1834 = arith.addi %scan3A_1562, %add3A_1833 : i32
          %sub3A_1835 = arith.constant 1 : i32
          %sub3A_1836 = arith.subi %add3A_1834, %sub3A_1835 : i32
          %add3A_1837 = arith.constant 12 : i32
          %add3A_1838 = arith.addi %scan3A_1562, %add3A_1837 : i32
          %sub3A_1839 = arith.constant 1 : i32
          %sub3A_1840 = arith.subi %add3A_1838, %sub3A_1839 : i32
          %rem3A_1841 = arith.constant 12 : i32
          %rem3A_1842 = arith.remsi %sub3A_1840, %rem3A_1841 : i32
          %dma_start3A_1843 = arith.constant 6 : i32
          %dma_start3A_1844 = arith.constant 0 : i32
          %dma_start3A_1845 = tpu.memref_slice %arg20[%rem3A_1842, %dma_start3A_1843, %dma_start3A_1844] : memref<12x12x125xf32, #tpu.memory_space<vmem>> -> memref<1x1x125xf32, #tpu.memory_space<vmem>>
          %dma_start3A_1846 = tpu.memref_squeeze %dma_start3A_1845 : memref<1x1x125xf32, #tpu.memory_space<vmem>> -> memref<125xf32, #tpu.memory_space<vmem>>
          %dma_start3A_1847 = arith.constant 0 : i32
          %dma_start3A_1848 = tpu.memref_slice %arg18[%sub3A_1836, %dma_start3A_1847] : memref<80x125xi32, #tpu.memory_space<vmem>> -> memref<1x125xi32, #tpu.memory_space<vmem>>
          %dma_start3A_1849 = tpu.memref_squeeze %dma_start3A_1848 : memref<1x125xi32, #tpu.memory_space<vmem>> -> memref<125xi32, #tpu.memory_space<vmem>>
          %dma_start3A_1850 = arith.constant 0 : i32
          %dma_start3A_1851 = tpu.memref_slice %arg36[%dma_start3A_1850] : memref<51200xf32, #tpu.memory_space<vmem_shared>> -> memref<51200xf32, #tpu.memory_space<vmem_shared>>
          tpu.enqueue_indirect_dma source(%dma_start3A_1851 : memref<51200xf32, #tpu.memory_space<vmem_shared>>) target(%dma_start3A_1846 : memref<125xf32, #tpu.memory_space<vmem>>) offsets(%dma_start3A_1849 : memref<125xi32, #tpu.memory_space<vmem>>) semaphore(%arg43 : memref<!tpu.dma_semaphore, #tpu.memory_space<semaphore_mem>>)
          %add3A_1852 = arith.constant 12 : i32
          %add3A_1853 = arith.addi %scan3A_1562, %add3A_1852 : i32
          %sub3A_1854 = arith.constant 1 : i32
          %sub3A_1855 = arith.subi %add3A_1853, %sub3A_1854 : i32
          %add3A_1856 = arith.constant 12 : i32
          %add3A_1857 = arith.addi %scan3A_1562, %add3A_1856 : i32
          %sub3A_1858 = arith.constant 1 : i32
          %sub3A_1859 = arith.subi %add3A_1857, %sub3A_1858 : i32
          %rem3A_1860 = arith.constant 12 : i32
          %rem3A_1861 = arith.remsi %sub3A_1859, %rem3A_1860 : i32
          %dma_start3A_1862 = arith.constant 7 : i32
          %dma_start3A_1863 = arith.constant 0 : i32
          %dma_start3A_1864 = tpu.memref_slice %arg20[%rem3A_1861, %dma_start3A_1862, %dma_start3A_1863] : memref<12x12x125xf32, #tpu.memory_space<vmem>> -> memref<1x1x125xf32, #tpu.memory_space<vmem>>
          %dma_start3A_1865 = tpu.memref_squeeze %dma_start3A_1864 : memref<1x1x125xf32, #tpu.memory_space<vmem>> -> memref<125xf32, #tpu.memory_space<vmem>>
          %dma_start3A_1866 = arith.constant 0 : i32
          %dma_start3A_1867 = tpu.memref_slice %arg18[%sub3A_1855, %dma_start3A_1866] : memref<80x125xi32, #tpu.memory_space<vmem>> -> memref<1x125xi32, #tpu.memory_space<vmem>>
          %dma_start3A_1868 = tpu.memref_squeeze %dma_start3A_1867 : memref<1x125xi32, #tpu.memory_space<vmem>> -> memref<125xi32, #tpu.memory_space<vmem>>
          %dma_start3A_1869 = arith.constant 0 : i32
          %dma_start3A_1870 = tpu.memref_slice %arg37[%dma_start3A_1869] : memref<51200xf32, #tpu.memory_space<vmem_shared>> -> memref<51200xf32, #tpu.memory_space<vmem_shared>>
          tpu.enqueue_indirect_dma source(%dma_start3A_1870 : memref<51200xf32, #tpu.memory_space<vmem_shared>>) target(%dma_start3A_1865 : memref<125xf32, #tpu.memory_space<vmem>>) offsets(%dma_start3A_1868 : memref<125xi32, #tpu.memory_space<vmem>>) semaphore(%arg43 : memref<!tpu.dma_semaphore, #tpu.memory_space<semaphore_mem>>)
          %add3A_1871 = arith.constant 12 : i32
          %add3A_1872 = arith.addi %scan3A_1562, %add3A_1871 : i32
          %sub3A_1873 = arith.constant 1 : i32
          %sub3A_1874 = arith.subi %add3A_1872, %sub3A_1873 : i32
          %add3A_1875 = arith.constant 12 : i32
          %add3A_1876 = arith.addi %scan3A_1562, %add3A_1875 : i32
          %sub3A_1877 = arith.constant 1 : i32
          %sub3A_1878 = arith.subi %add3A_1876, %sub3A_1877 : i32
          %rem3A_1879 = arith.constant 12 : i32
          %rem3A_1880 = arith.remsi %sub3A_1878, %rem3A_1879 : i32
          %dma_start3A_1881 = arith.constant 8 : i32
          %dma_start3A_1882 = arith.constant 0 : i32
          %dma_start3A_1883 = tpu.memref_slice %arg20[%rem3A_1880, %dma_start3A_1881, %dma_start3A_1882] : memref<12x12x125xf32, #tpu.memory_space<vmem>> -> memref<1x1x125xf32, #tpu.memory_space<vmem>>
          %dma_start3A_1884 = tpu.memref_squeeze %dma_start3A_1883 : memref<1x1x125xf32, #tpu.memory_space<vmem>> -> memref<125xf32, #tpu.memory_space<vmem>>
          %dma_start3A_1885 = arith.constant 0 : i32
          %dma_start3A_1886 = tpu.memref_slice %arg18[%sub3A_1874, %dma_start3A_1885] : memref<80x125xi32, #tpu.memory_space<vmem>> -> memref<1x125xi32, #tpu.memory_space<vmem>>
          %dma_start3A_1887 = tpu.memref_squeeze %dma_start3A_1886 : memref<1x125xi32, #tpu.memory_space<vmem>> -> memref<125xi32, #tpu.memory_space<vmem>>
          %dma_start3A_1888 = arith.constant 0 : i32
          %dma_start3A_1889 = tpu.memref_slice %arg38[%dma_start3A_1888] : memref<51200xf32, #tpu.memory_space<vmem_shared>> -> memref<51200xf32, #tpu.memory_space<vmem_shared>>
          tpu.enqueue_indirect_dma source(%dma_start3A_1889 : memref<51200xf32, #tpu.memory_space<vmem_shared>>) target(%dma_start3A_1884 : memref<125xf32, #tpu.memory_space<vmem>>) offsets(%dma_start3A_1887 : memref<125xi32, #tpu.memory_space<vmem>>) semaphore(%arg43 : memref<!tpu.dma_semaphore, #tpu.memory_space<semaphore_mem>>)
          %add3A_1890 = arith.constant 12 : i32
          %add3A_1891 = arith.addi %scan3A_1562, %add3A_1890 : i32
          %sub3A_1892 = arith.constant 1 : i32
          %sub3A_1893 = arith.subi %add3A_1891, %sub3A_1892 : i32
          %add3A_1894 = arith.constant 12 : i32
          %add3A_1895 = arith.addi %scan3A_1562, %add3A_1894 : i32
          %sub3A_1896 = arith.constant 1 : i32
          %sub3A_1897 = arith.subi %add3A_1895, %sub3A_1896 : i32
          %rem3A_1898 = arith.constant 12 : i32
          %rem3A_1899 = arith.remsi %sub3A_1897, %rem3A_1898 : i32
          %dma_start3A_1900 = arith.constant 9 : i32
          %dma_start3A_1901 = arith.constant 0 : i32
          %dma_start3A_1902 = tpu.memref_slice %arg20[%rem3A_1899, %dma_start3A_1900, %dma_start3A_1901] : memref<12x12x125xf32, #tpu.memory_space<vmem>> -> memref<1x1x125xf32, #tpu.memory_space<vmem>>
          %dma_start3A_1903 = tpu.memref_squeeze %dma_start3A_1902 : memref<1x1x125xf32, #tpu.memory_space<vmem>> -> memref<125xf32, #tpu.memory_space<vmem>>
          %dma_start3A_1904 = arith.constant 0 : i32
          %dma_start3A_1905 = tpu.memref_slice %arg18[%sub3A_1893, %dma_start3A_1904] : memref<80x125xi32, #tpu.memory_space<vmem>> -> memref<1x125xi32, #tpu.memory_space<vmem>>
          %dma_start3A_1906 = tpu.memref_squeeze %dma_start3A_1905 : memref<1x125xi32, #tpu.memory_space<vmem>> -> memref<125xi32, #tpu.memory_space<vmem>>
          %dma_start3A_1907 = arith.constant 0 : i32
          %dma_start3A_1908 = tpu.memref_slice %arg39[%dma_start3A_1907] : memref<51200xf32, #tpu.memory_space<vmem_shared>> -> memref<51200xf32, #tpu.memory_space<vmem_shared>>
          tpu.enqueue_indirect_dma source(%dma_start3A_1908 : memref<51200xf32, #tpu.memory_space<vmem_shared>>) target(%dma_start3A_1903 : memref<125xf32, #tpu.memory_space<vmem>>) offsets(%dma_start3A_1906 : memref<125xi32, #tpu.memory_space<vmem>>) semaphore(%arg43 : memref<!tpu.dma_semaphore, #tpu.memory_space<semaphore_mem>>)
          %add3A_1909 = arith.constant 12 : i32
          %add3A_1910 = arith.addi %scan3A_1562, %add3A_1909 : i32
          %sub3A_1911 = arith.constant 1 : i32
          %sub3A_1912 = arith.subi %add3A_1910, %sub3A_1911 : i32
          %add3A_1913 = arith.constant 12 : i32
          %add3A_1914 = arith.addi %scan3A_1562, %add3A_1913 : i32
          %sub3A_1915 = arith.constant 1 : i32
          %sub3A_1916 = arith.subi %add3A_1914, %sub3A_1915 : i32
          %rem3A_1917 = arith.constant 12 : i32
          %rem3A_1918 = arith.remsi %sub3A_1916, %rem3A_1917 : i32
          %dma_start3A_1919 = arith.constant 10 : i32
          %dma_start3A_1920 = arith.constant 0 : i32
          %dma_start3A_1921 = tpu.memref_slice %arg20[%rem3A_1918, %dma_start3A_1919, %dma_start3A_1920] : memref<12x12x125xf32, #tpu.memory_space<vmem>> -> memref<1x1x125xf32, #tpu.memory_space<vmem>>
          %dma_start3A_1922 = tpu.memref_squeeze %dma_start3A_1921 : memref<1x1x125xf32, #tpu.memory_space<vmem>> -> memref<125xf32, #tpu.memory_space<vmem>>
          %dma_start3A_1923 = arith.constant 0 : i32
          %dma_start3A_1924 = tpu.memref_slice %arg18[%sub3A_1912, %dma_start3A_1923] : memref<80x125xi32, #tpu.memory_space<vmem>> -> memref<1x125xi32, #tpu.memory_space<vmem>>
          %dma_start3A_1925 = tpu.memref_squeeze %dma_start3A_1924 : memref<1x125xi32, #tpu.memory_space<vmem>> -> memref<125xi32, #tpu.memory_space<vmem>>
          %dma_start3A_1926 = arith.constant 0 : i32
          %dma_start3A_1927 = tpu.memref_slice %arg40[%dma_start3A_1926] : memref<51200xf32, #tpu.memory_space<vmem_shared>> -> memref<51200xf32, #tpu.memory_space<vmem_shared>>
          tpu.enqueue_indirect_dma source(%dma_start3A_1927 : memref<51200xf32, #tpu.memory_space<vmem_shared>>) target(%dma_start3A_1922 : memref<125xf32, #tpu.memory_space<vmem>>) offsets(%dma_start3A_1925 : memref<125xi32, #tpu.memory_space<vmem>>) semaphore(%arg43 : memref<!tpu.dma_semaphore, #tpu.memory_space<semaphore_mem>>)
          %add3A_1928 = arith.constant 12 : i32
          %add3A_1929 = arith.addi %scan3A_1562, %add3A_1928 : i32
          %sub3A_1930 = arith.constant 1 : i32
          %sub3A_1931 = arith.subi %add3A_1929, %sub3A_1930 : i32
          %add3A_1932 = arith.constant 12 : i32
          %add3A_1933 = arith.addi %scan3A_1562, %add3A_1932 : i32
          %sub3A_1934 = arith.constant 1 : i32
          %sub3A_1935 = arith.subi %add3A_1933, %sub3A_1934 : i32
          %rem3A_1936 = arith.constant 12 : i32
          %rem3A_1937 = arith.remsi %sub3A_1935, %rem3A_1936 : i32
          %dma_start3A_1938 = arith.constant 11 : i32
          %dma_start3A_1939 = arith.constant 0 : i32
          %dma_start3A_1940 = tpu.memref_slice %arg20[%rem3A_1937, %dma_start3A_1938, %dma_start3A_1939] : memref<12x12x125xf32, #tpu.memory_space<vmem>> -> memref<1x1x125xf32, #tpu.memory_space<vmem>>
          %dma_start3A_1941 = tpu.memref_squeeze %dma_start3A_1940 : memref<1x1x125xf32, #tpu.memory_space<vmem>> -> memref<125xf32, #tpu.memory_space<vmem>>
          %dma_start3A_1942 = arith.constant 0 : i32
          %dma_start3A_1943 = tpu.memref_slice %arg18[%sub3A_1931, %dma_start3A_1942] : memref<80x125xi32, #tpu.memory_space<vmem>> -> memref<1x125xi32, #tpu.memory_space<vmem>>
          %dma_start3A_1944 = tpu.memref_squeeze %dma_start3A_1943 : memref<1x125xi32, #tpu.memory_space<vmem>> -> memref<125xi32, #tpu.memory_space<vmem>>
          %dma_start3A_1945 = arith.constant 0 : i32
          %dma_start3A_1946 = tpu.memref_slice %arg41[%dma_start3A_1945] : memref<51200xf32, #tpu.memory_space<vmem_shared>> -> memref<51200xf32, #tpu.memory_space<vmem_shared>>
          tpu.enqueue_indirect_dma source(%dma_start3A_1946 : memref<51200xf32, #tpu.memory_space<vmem_shared>>) target(%dma_start3A_1941 : memref<125xf32, #tpu.memory_space<vmem>>) offsets(%dma_start3A_1944 : memref<125xi32, #tpu.memory_space<vmem>>) semaphore(%arg43 : memref<!tpu.dma_semaphore, #tpu.memory_space<semaphore_mem>>)
        } else {
        }
        %dma_wait3A_1572 = arith.constant 0 : i32
        %dma_wait3A_1573 = tpu.memref_slice %arg21[%dma_wait3A_1572] : memref<1500xf32, #tpu.memory_space<vmem>> -> memref<500xf32, #tpu.memory_space<vmem>>
        %dma_wait3A_1574 = arith.constant 0 : i32
        %dma_wait3A_1575 = tpu.memref_slice %arg16[%dma_wait3A_1574] : memref<51200xf32, #tpu.memory_space<hbm>> -> memref<500xf32, #tpu.memory_space<hbm>>
        %dma_wait3A_1576 = arith.constant 0 : i32
        %dma_wait3A_1577 = tpu.memref_slice %arg21[%dma_wait3A_1576] : memref<1500xf32, #tpu.memory_space<vmem>> -> memref<500xf32, #tpu.memory_space<vmem>>
        %dma_wait3A_1578 = arith.constant 0 : i32
        %dma_wait3A_1579 = tpu.memref_slice %arg16[%dma_wait3A_1578] : memref<51200xf32, #tpu.memory_space<hbm>> -> memref<500xf32, #tpu.memory_space<hbm>>
        tpu.wait_dma2 semaphore(%arg42 : memref<!tpu.dma_semaphore, #tpu.memory_space<semaphore_mem>>) src(%dma_wait3A_1579 : memref<500xf32, #tpu.memory_space<hbm>>) dst(%dma_wait3A_1577 : memref<500xf32, #tpu.memory_space<vmem>>)
        %dma_wait3A_1580 = arith.constant 0 : i32
        %dma_wait3A_1581 = tpu.memref_slice %arg21[%dma_wait3A_1580] : memref<1500xf32, #tpu.memory_space<vmem>> -> memref<1000xf32, #tpu.memory_space<vmem>>
        %dma_wait3A_1582 = arith.constant 0 : i32
        %dma_wait3A_1583 = tpu.memref_slice %arg16[%dma_wait3A_1582] : memref<51200xf32, #tpu.memory_space<hbm>> -> memref<1000xf32, #tpu.memory_space<hbm>>
        %dma_wait3A_1584 = arith.constant 0 : i32
        %dma_wait3A_1585 = tpu.memref_slice %arg21[%dma_wait3A_1584] : memref<1500xf32, #tpu.memory_space<vmem>> -> memref<1000xf32, #tpu.memory_space<vmem>>
        %dma_wait3A_1586 = arith.constant 0 : i32
        %dma_wait3A_1587 = tpu.memref_slice %arg16[%dma_wait3A_1586] : memref<51200xf32, #tpu.memory_space<hbm>> -> memref<1000xf32, #tpu.memory_space<hbm>>
        tpu.wait_dma2 semaphore(%arg43 : memref<!tpu.dma_semaphore, #tpu.memory_space<semaphore_mem>>) src(%dma_wait3A_1587 : memref<1000xf32, #tpu.memory_space<hbm>>) dst(%dma_wait3A_1585 : memref<1000xf32, #tpu.memory_space<vmem>>)
        %rem3A = arith.constant 12 : i32
        %rem3A_1588 = arith.remsi %scan3A_1562, %rem3A : i32
        %dma_start3A_1589 = arith.constant 0 : i32
        %dma_start3A_1590 = arith.constant 0 : i32
        %dma_start3A_1591 = tpu.memref_slice %arg20[%rem3A_1588, %dma_start3A_1589, %dma_start3A_1590] : memref<12x12x125xf32, #tpu.memory_space<vmem>> -> memref<1x1x125xf32, #tpu.memory_space<vmem>>
        %dma_start3A_1592 = tpu.memref_squeeze %dma_start3A_1591 : memref<1x1x125xf32, #tpu.memory_space<vmem>> -> memref<125xf32, #tpu.memory_space<vmem>>
        %dma_start3A_1593 = arith.constant 0 : i32
        %dma_start3A_1594 = tpu.memref_slice %arg19[%scan3A_1562, %dma_start3A_1593] : memref<80x125xi32, #tpu.memory_space<vmem>> -> memref<1x125xi32, #tpu.memory_space<vmem>>
        %dma_start3A_1595 = tpu.memref_squeeze %dma_start3A_1594 : memref<1x125xi32, #tpu.memory_space<vmem>> -> memref<125xi32, #tpu.memory_space<vmem>>
        %dma_start3A_1596 = arith.constant 0 : i32
        %dma_start3A_1597 = tpu.memref_slice %arg22[%dma_start3A_1596] : memref<51200xf32, #tpu.memory_space<vmem_shared>> -> memref<51200xf32, #tpu.memory_space<vmem_shared>>
        tpu.enqueue_indirect_dma source(%dma_start3A_1592 : memref<125xf32, #tpu.memory_space<vmem>>) target(%dma_start3A_1597 : memref<51200xf32, #tpu.memory_space<vmem_shared>>) offsets(%dma_start3A_1595 : memref<125xi32, #tpu.memory_space<vmem>>) semaphore(%arg44 : memref<!tpu.dma_semaphore, #tpu.memory_space<semaphore_mem>>) {add = true}
        %rem3A_1598 = arith.constant 12 : i32
        %rem3A_1599 = arith.remsi %scan3A_1562, %rem3A_1598 : i32
        %dma_start3A_1600 = arith.constant 1 : i32
        %dma_start3A_1601 = arith.constant 0 : i32
        %dma_start3A_1602 = tpu.memref_slice %arg20[%rem3A_1599, %dma_start3A_1600, %dma_start3A_1601] : memref<12x12x125xf32, #tpu.memory_space<vmem>> -> memref<1x1x125xf32, #tpu.memory_space<vmem>>
        %dma_start3A_1603 = tpu.memref_squeeze %dma_start3A_1602 : memref<1x1x125xf32, #tpu.memory_space<vmem>> -> memref<125xf32, #tpu.memory_space<vmem>>
        %dma_start3A_1604 = arith.constant 0 : i32
        %dma_start3A_1605 = tpu.memref_slice %arg19[%scan3A_1562, %dma_start3A_1604] : memref<80x125xi32, #tpu.memory_space<vmem>> -> memref<1x125xi32, #tpu.memory_space<vmem>>
        %dma_start3A_1606 = tpu.memref_squeeze %dma_start3A_1605 : memref<1x125xi32, #tpu.memory_space<vmem>> -> memref<125xi32, #tpu.memory_space<vmem>>
        %dma_start3A_1607 = arith.constant 0 : i32
        %dma_start3A_1608 = tpu.memref_slice %arg23[%dma_start3A_1607] : memref<51200xf32, #tpu.memory_space<vmem_shared>> -> memref<51200xf32, #tpu.memory_space<vmem_shared>>
        tpu.enqueue_indirect_dma source(%dma_start3A_1603 : memref<125xf32, #tpu.memory_space<vmem>>) target(%dma_start3A_1608 : memref<51200xf32, #tpu.memory_space<vmem_shared>>) offsets(%dma_start3A_1606 : memref<125xi32, #tpu.memory_space<vmem>>) semaphore(%arg44 : memref<!tpu.dma_semaphore, #tpu.memory_space<semaphore_mem>>) {add = true}
        %rem3A_1609 = arith.constant 12 : i32
        %rem3A_1610 = arith.remsi %scan3A_1562, %rem3A_1609 : i32
        %dma_start3A_1611 = arith.constant 2 : i32
        %dma_start3A_1612 = arith.constant 0 : i32
        %dma_start3A_1613 = tpu.memref_slice %arg20[%rem3A_1610, %dma_start3A_1611, %dma_start3A_1612] : memref<12x12x125xf32, #tpu.memory_space<vmem>> -> memref<1x1x125xf32, #tpu.memory_space<vmem>>
        %dma_start3A_1614 = tpu.memref_squeeze %dma_start3A_1613 : memref<1x1x125xf32, #tpu.memory_space<vmem>> -> memref<125xf32, #tpu.memory_space<vmem>>
        %dma_start3A_1615 = arith.constant 0 : i32
        %dma_start3A_1616 = tpu.memref_slice %arg19[%scan3A_1562, %dma_start3A_1615] : memref<80x125xi32, #tpu.memory_space<vmem>> -> memref<1x125xi32, #tpu.memory_space<vmem>>
        %dma_start3A_1617 = tpu.memref_squeeze %dma_start3A_1616 : memref<1x125xi32, #tpu.memory_space<vmem>> -> memref<125xi32, #tpu.memory_space<vmem>>
        %dma_start3A_1618 = arith.constant 0 : i32
        %dma_start3A_1619 = tpu.memref_slice %arg24[%dma_start3A_1618] : memref<51200xf32, #tpu.memory_space<vmem_shared>> -> memref<51200xf32, #tpu.memory_space<vmem_shared>>
        tpu.enqueue_indirect_dma source(%dma_start3A_1614 : memref<125xf32, #tpu.memory_space<vmem>>) target(%dma_start3A_1619 : memref<51200xf32, #tpu.memory_space<vmem_shared>>) offsets(%dma_start3A_1617 : memref<125xi32, #tpu.memory_space<vmem>>) semaphore(%arg44 : memref<!tpu.dma_semaphore, #tpu.memory_space<semaphore_mem>>) {add = true}
        %rem3A_1620 = arith.constant 12 : i32
        %rem3A_1621 = arith.remsi %scan3A_1562, %rem3A_1620 : i32
        %dma_start3A_1622 = arith.constant 3 : i32
        %dma_start3A_1623 = arith.constant 0 : i32
        %dma_start3A_1624 = tpu.memref_slice %arg20[%rem3A_1621, %dma_start3A_1622, %dma_start3A_1623] : memref<12x12x125xf32, #tpu.memory_space<vmem>> -> memref<1x1x125xf32, #tpu.memory_space<vmem>>
        %dma_start3A_1625 = tpu.memref_squeeze %dma_start3A_1624 : memref<1x1x125xf32, #tpu.memory_space<vmem>> -> memref<125xf32, #tpu.memory_space<vmem>>
        %dma_start3A_1626 = arith.constant 0 : i32
        %dma_start3A_1627 = tpu.memref_slice %arg19[%scan3A_1562, %dma_start3A_1626] : memref<80x125xi32, #tpu.memory_space<vmem>> -> memref<1x125xi32, #tpu.memory_space<vmem>>
        %dma_start3A_1628 = tpu.memref_squeeze %dma_start3A_1627 : memref<1x125xi32, #tpu.memory_space<vmem>> -> memref<125xi32, #tpu.memory_space<vmem>>
        %dma_start3A_1629 = arith.constant 0 : i32
        %dma_start3A_1630 = tpu.memref_slice %arg25[%dma_start3A_1629] : memref<51200xf32, #tpu.memory_space<vmem_shared>> -> memref<51200xf32, #tpu.memory_space<vmem_shared>>
        tpu.enqueue_indirect_dma source(%dma_start3A_1625 : memref<125xf32, #tpu.memory_space<vmem>>) target(%dma_start3A_1630 : memref<51200xf32, #tpu.memory_space<vmem_shared>>) offsets(%dma_start3A_1628 : memref<125xi32, #tpu.memory_space<vmem>>) semaphore(%arg44 : memref<!tpu.dma_semaphore, #tpu.memory_space<semaphore_mem>>) {add = true}
        %rem3A_1631 = arith.constant 12 : i32
        %rem3A_1632 = arith.remsi %scan3A_1562, %rem3A_1631 : i32
        %dma_start3A_1633 = arith.constant 4 : i32
        %dma_start3A_1634 = arith.constant 0 : i32
        %dma_start3A_1635 = tpu.memref_slice %arg20[%rem3A_1632, %dma_start3A_1633, %dma_start3A_1634] : memref<12x12x125xf32, #tpu.memory_space<vmem>> -> memref<1x1x125xf32, #tpu.memory_space<vmem>>
        %dma_start3A_1636 = tpu.memref_squeeze %dma_start3A_1635 : memref<1x1x125xf32, #tpu.memory_space<vmem>> -> memref<125xf32, #tpu.memory_space<vmem>>
        %dma_start3A_1637 = arith.constant 0 : i32
        %dma_start3A_1638 = tpu.memref_slice %arg19[%scan3A_1562, %dma_start3A_1637] : memref<80x125xi32, #tpu.memory_space<vmem>> -> memref<1x125xi32, #tpu.memory_space<vmem>>
        %dma_start3A_1639 = tpu.memref_squeeze %dma_start3A_1638 : memref<1x125xi32, #tpu.memory_space<vmem>> -> memref<125xi32, #tpu.memory_space<vmem>>
        %dma_start3A_1640 = arith.constant 0 : i32
        %dma_start3A_1641 = tpu.memref_slice %arg26[%dma_start3A_1640] : memref<51200xf32, #tpu.memory_space<vmem_shared>> -> memref<51200xf32, #tpu.memory_space<vmem_shared>>
        tpu.enqueue_indirect_dma source(%dma_start3A_1636 : memref<125xf32, #tpu.memory_space<vmem>>) target(%dma_start3A_1641 : memref<51200xf32, #tpu.memory_space<vmem_shared>>) offsets(%dma_start3A_1639 : memref<125xi32, #tpu.memory_space<vmem>>) semaphore(%arg44 : memref<!tpu.dma_semaphore, #tpu.memory_space<semaphore_mem>>) {add = true}
        %rem3A_1642 = arith.constant 12 : i32
        %rem3A_1643 = arith.remsi %scan3A_1562, %rem3A_1642 : i32
        %dma_start3A_1644 = arith.constant 5 : i32
        %dma_start3A_1645 = arith.constant 0 : i32
        %dma_start3A_1646 = tpu.memref_slice %arg20[%rem3A_1643, %dma_start3A_1644, %dma_start3A_1645] : memref<12x12x125xf32, #tpu.memory_space<vmem>> -> memref<1x1x125xf32, #tpu.memory_space<vmem>>
        %dma_start3A_1647 = tpu.memref_squeeze %dma_start3A_1646 : memref<1x1x125xf32, #tpu.memory_space<vmem>> -> memref<125xf32, #tpu.memory_space<vmem>>
        %dma_start3A_1648 = arith.constant 0 : i32
        %dma_start3A_1649 = tpu.memref_slice %arg19[%scan3A_1562, %dma_start3A_1648] : memref<80x125xi32, #tpu.memory_space<vmem>> -> memref<1x125xi32, #tpu.memory_space<vmem>>
        %dma_start3A_1650 = tpu.memref_squeeze %dma_start3A_1649 : memref<1x125xi32, #tpu.memory_space<vmem>> -> memref<125xi32, #tpu.memory_space<vmem>>
        %dma_start3A_1651 = arith.constant 0 : i32
        %dma_start3A_1652 = tpu.memref_slice %arg27[%dma_start3A_1651] : memref<51200xf32, #tpu.memory_space<vmem_shared>> -> memref<51200xf32, #tpu.memory_space<vmem_shared>>
        tpu.enqueue_indirect_dma source(%dma_start3A_1647 : memref<125xf32, #tpu.memory_space<vmem>>) target(%dma_start3A_1652 : memref<51200xf32, #tpu.memory_space<vmem_shared>>) offsets(%dma_start3A_1650 : memref<125xi32, #tpu.memory_space<vmem>>) semaphore(%arg44 : memref<!tpu.dma_semaphore, #tpu.memory_space<semaphore_mem>>) {add = true}
        %rem3A_1653 = arith.constant 12 : i32
        %rem3A_1654 = arith.remsi %scan3A_1562, %rem3A_1653 : i32
        %dma_start3A_1655 = arith.constant 6 : i32
        %dma_start3A_1656 = arith.constant 0 : i32
        %dma_start3A_1657 = tpu.memref_slice %arg20[%rem3A_1654, %dma_start3A_1655, %dma_start3A_1656] : memref<12x12x125xf32, #tpu.memory_space<vmem>> -> memref<1x1x125xf32, #tpu.memory_space<vmem>>
        %dma_start3A_1658 = tpu.memref_squeeze %dma_start3A_1657 : memref<1x1x125xf32, #tpu.memory_space<vmem>> -> memref<125xf32, #tpu.memory_space<vmem>>
        %dma_start3A_1659 = arith.constant 0 : i32
        %dma_start3A_1660 = tpu.memref_slice %arg19[%scan3A_1562, %dma_start3A_1659] : memref<80x125xi32, #tpu.memory_space<vmem>> -> memref<1x125xi32, #tpu.memory_space<vmem>>
        %dma_start3A_1661 = tpu.memref_squeeze %dma_start3A_1660 : memref<1x125xi32, #tpu.memory_space<vmem>> -> memref<125xi32, #tpu.memory_space<vmem>>
        %dma_start3A_1662 = arith.constant 0 : i32
        %dma_start3A_1663 = tpu.memref_slice %arg28[%dma_start3A_1662] : memref<51200xf32, #tpu.memory_space<vmem_shared>> -> memref<51200xf32, #tpu.memory_space<vmem_shared>>
        tpu.enqueue_indirect_dma source(%dma_start3A_1658 : memref<125xf32, #tpu.memory_space<vmem>>) target(%dma_start3A_1663 : memref<51200xf32, #tpu.memory_space<vmem_shared>>) offsets(%dma_start3A_1661 : memref<125xi32, #tpu.memory_space<vmem>>) semaphore(%arg44 : memref<!tpu.dma_semaphore, #tpu.memory_space<semaphore_mem>>) {add = true}
        %rem3A_1664 = arith.constant 12 : i32
        %rem3A_1665 = arith.remsi %scan3A_1562, %rem3A_1664 : i32
        %dma_start3A_1666 = arith.constant 7 : i32
        %dma_start3A_1667 = arith.constant 0 : i32
        %dma_start3A_1668 = tpu.memref_slice %arg20[%rem3A_1665, %dma_start3A_1666, %dma_start3A_1667] : memref<12x12x125xf32, #tpu.memory_space<vmem>> -> memref<1x1x125xf32, #tpu.memory_space<vmem>>
        %dma_start3A_1669 = tpu.memref_squeeze %dma_start3A_1668 : memref<1x1x125xf32, #tpu.memory_space<vmem>> -> memref<125xf32, #tpu.memory_space<vmem>>
        %dma_start3A_1670 = arith.constant 0 : i32
        %dma_start3A_1671 = tpu.memref_slice %arg19[%scan3A_1562, %dma_start3A_1670] : memref<80x125xi32, #tpu.memory_space<vmem>> -> memref<1x125xi32, #tpu.memory_space<vmem>>
        %dma_start3A_1672 = tpu.memref_squeeze %dma_start3A_1671 : memref<1x125xi32, #tpu.memory_space<vmem>> -> memref<125xi32, #tpu.memory_space<vmem>>
        %dma_start3A_1673 = arith.constant 0 : i32
        %dma_start3A_1674 = tpu.memref_slice %arg29[%dma_start3A_1673] : memref<51200xf32, #tpu.memory_space<vmem_shared>> -> memref<51200xf32, #tpu.memory_space<vmem_shared>>
        tpu.enqueue_indirect_dma source(%dma_start3A_1669 : memref<125xf32, #tpu.memory_space<vmem>>) target(%dma_start3A_1674 : memref<51200xf32, #tpu.memory_space<vmem_shared>>) offsets(%dma_start3A_1672 : memref<125xi32, #tpu.memory_space<vmem>>) semaphore(%arg44 : memref<!tpu.dma_semaphore, #tpu.memory_space<semaphore_mem>>) {add = true}
        %rem3A_1675 = arith.constant 12 : i32
        %rem3A_1676 = arith.remsi %scan3A_1562, %rem3A_1675 : i32
        %dma_start3A_1677 = arith.constant 8 : i32
        %dma_start3A_1678 = arith.constant 0 : i32
        %dma_start3A_1679 = tpu.memref_slice %arg20[%rem3A_1676, %dma_start3A_1677, %dma_start3A_1678] : memref<12x12x125xf32, #tpu.memory_space<vmem>> -> memref<1x1x125xf32, #tpu.memory_space<vmem>>
        %dma_start3A_1680 = tpu.memref_squeeze %dma_start3A_1679 : memref<1x1x125xf32, #tpu.memory_space<vmem>> -> memref<125xf32, #tpu.memory_space<vmem>>
        %dma_start3A_1681 = arith.constant 0 : i32
        %dma_start3A_1682 = tpu.memref_slice %arg19[%scan3A_1562, %dma_start3A_1681] : memref<80x125xi32, #tpu.memory_space<vmem>> -> memref<1x125xi32, #tpu.memory_space<vmem>>
        %dma_start3A_1683 = tpu.memref_squeeze %dma_start3A_1682 : memref<1x125xi32, #tpu.memory_space<vmem>> -> memref<125xi32, #tpu.memory_space<vmem>>
        %dma_start3A_1684 = arith.constant 0 : i32
        %dma_start3A_1685 = tpu.memref_slice %arg30[%dma_start3A_1684] : memref<51200xf32, #tpu.memory_space<vmem_shared>> -> memref<51200xf32, #tpu.memory_space<vmem_shared>>
        tpu.enqueue_indirect_dma source(%dma_start3A_1680 : memref<125xf32, #tpu.memory_space<vmem>>) target(%dma_start3A_1685 : memref<51200xf32, #tpu.memory_space<vmem_shared>>) offsets(%dma_start3A_1683 : memref<125xi32, #tpu.memory_space<vmem>>) semaphore(%arg44 : memref<!tpu.dma_semaphore, #tpu.memory_space<semaphore_mem>>) {add = true}
        %rem3A_1686 = arith.constant 12 : i32
        %rem3A_1687 = arith.remsi %scan3A_1562, %rem3A_1686 : i32
        %dma_start3A_1688 = arith.constant 9 : i32
        %dma_start3A_1689 = arith.constant 0 : i32
        %dma_start3A_1690 = tpu.memref_slice %arg20[%rem3A_1687, %dma_start3A_1688, %dma_start3A_1689] : memref<12x12x125xf32, #tpu.memory_space<vmem>> -> memref<1x1x125xf32, #tpu.memory_space<vmem>>
        %dma_start3A_1691 = tpu.memref_squeeze %dma_start3A_1690 : memref<1x1x125xf32, #tpu.memory_space<vmem>> -> memref<125xf32, #tpu.memory_space<vmem>>
        %dma_start3A_1692 = arith.constant 0 : i32
        %dma_start3A_1693 = tpu.memref_slice %arg19[%scan3A_1562, %dma_start3A_1692] : memref<80x125xi32, #tpu.memory_space<vmem>> -> memref<1x125xi32, #tpu.memory_space<vmem>>
        %dma_start3A_1694 = tpu.memref_squeeze %dma_start3A_1693 : memref<1x125xi32, #tpu.memory_space<vmem>> -> memref<125xi32, #tpu.memory_space<vmem>>
        %dma_start3A_1695 = arith.constant 0 : i32
        %dma_start3A_1696 = tpu.memref_slice %arg31[%dma_start3A_1695] : memref<51200xf32, #tpu.memory_space<vmem_shared>> -> memref<51200xf32, #tpu.memory_space<vmem_shared>>
        tpu.enqueue_indirect_dma source(%dma_start3A_1691 : memref<125xf32, #tpu.memory_space<vmem>>) target(%dma_start3A_1696 : memref<51200xf32, #tpu.memory_space<vmem_shared>>) offsets(%dma_start3A_1694 : memref<125xi32, #tpu.memory_space<vmem>>) semaphore(%arg44 : memref<!tpu.dma_semaphore, #tpu.memory_space<semaphore_mem>>) {add = true}
        %rem3A_1697 = arith.constant 12 : i32
        %rem3A_1698 = arith.remsi %scan3A_1562, %rem3A_1697 : i32
        %dma_start3A_1699 = arith.constant 10 : i32
        %dma_start3A_1700 = arith.constant 0 : i32
        %dma_start3A_1701 = tpu.memref_slice %arg20[%rem3A_1698, %dma_start3A_1699, %dma_start3A_1700] : memref<12x12x125xf32, #tpu.memory_space<vmem>> -> memref<1x1x125xf32, #tpu.memory_space<vmem>>
        %dma_start3A_1702 = tpu.memref_squeeze %dma_start3A_1701 : memref<1x1x125xf32, #tpu.memory_space<vmem>> -> memref<125xf32, #tpu.memory_space<vmem>>
        %dma_start3A_1703 = arith.constant 0 : i32
        %dma_start3A_1704 = tpu.memref_slice %arg19[%scan3A_1562, %dma_start3A_1703] : memref<80x125xi32, #tpu.memory_space<vmem>> -> memref<1x125xi32, #tpu.memory_space<vmem>>
        %dma_start3A_1705 = tpu.memref_squeeze %dma_start3A_1704 : memref<1x125xi32, #tpu.memory_space<vmem>> -> memref<125xi32, #tpu.memory_space<vmem>>
        %dma_start3A_1706 = arith.constant 0 : i32
        %dma_start3A_1707 = tpu.memref_slice %arg32[%dma_start3A_1706] : memref<51200xf32, #tpu.memory_space<vmem_shared>> -> memref<51200xf32, #tpu.memory_space<vmem_shared>>
        tpu.enqueue_indirect_dma source(%dma_start3A_1702 : memref<125xf32, #tpu.memory_space<vmem>>) target(%dma_start3A_1707 : memref<51200xf32, #tpu.memory_space<vmem_shared>>) offsets(%dma_start3A_1705 : memref<125xi32, #tpu.memory_space<vmem>>) semaphore(%arg44 : memref<!tpu.dma_semaphore, #tpu.memory_space<semaphore_mem>>) {add = true}
        %rem3A_1708 = arith.constant 12 : i32
        %rem3A_1709 = arith.remsi %scan3A_1562, %rem3A_1708 : i32
        %dma_start3A_1710 = arith.constant 11 : i32
        %dma_start3A_1711 = arith.constant 0 : i32
        %dma_start3A_1712 = tpu.memref_slice %arg20[%rem3A_1709, %dma_start3A_1710, %dma_start3A_1711] : memref<12x12x125xf32, #tpu.memory_space<vmem>> -> memref<1x1x125xf32, #tpu.memory_space<vmem>>
        %dma_start3A_1713 = tpu.memref_squeeze %dma_start3A_1712 : memref<1x1x125xf32, #tpu.memory_space<vmem>> -> memref<125xf32, #tpu.memory_space<vmem>>
        %dma_start3A_1714 = arith.constant 0 : i32
        %dma_start3A_1715 = tpu.memref_slice %arg19[%scan3A_1562, %dma_start3A_1714] : memref<80x125xi32, #tpu.memory_space<vmem>> -> memref<1x125xi32, #tpu.memory_space<vmem>>
        %dma_start3A_1716 = tpu.memref_squeeze %dma_start3A_1715 : memref<1x125xi32, #tpu.memory_space<vmem>> -> memref<125xi32, #tpu.memory_space<vmem>>
        %dma_start3A_1717 = arith.constant 0 : i32
        %dma_start3A_1718 = tpu.memref_slice %arg33[%dma_start3A_1717] : memref<51200xf32, #tpu.memory_space<vmem_shared>> -> memref<51200xf32, #tpu.memory_space<vmem_shared>>
        tpu.enqueue_indirect_dma source(%dma_start3A_1713 : memref<125xf32, #tpu.memory_space<vmem>>) target(%dma_start3A_1718 : memref<51200xf32, #tpu.memory_space<vmem_shared>>) offsets(%dma_start3A_1716 : memref<125xi32, #tpu.memory_space<vmem>>) semaphore(%arg44 : memref<!tpu.dma_semaphore, #tpu.memory_space<semaphore_mem>>) {add = true}
      }
      %scan3A_1554 = arith.constant 80 : i32
      %dma_wait3A = arith.constant 0 : i32
      %dma_wait3A_1555 = tpu.memref_slice %arg21[%dma_wait3A] : memref<1500xf32, #tpu.memory_space<vmem>> -> memref<1500xf32, #tpu.memory_space<vmem>>
      %dma_wait3A_1556 = arith.constant 0 : i32
      %dma_wait3A_1557 = tpu.memref_slice %arg16[%dma_wait3A_1556] : memref<51200xf32, #tpu.memory_space<hbm>> -> memref<1500xf32, #tpu.memory_space<hbm>>
      %dma_wait3A_1558 = arith.constant 0 : i32
      %dma_wait3A_1559 = tpu.memref_slice %arg21[%dma_wait3A_1558] : memref<1500xf32, #tpu.memory_space<vmem>> -> memref<1500xf32, #tpu.memory_space<vmem>>
      %dma_wait3A_1560 = arith.constant 0 : i32
      %dma_wait3A_1561 = tpu.memref_slice %arg16[%dma_wait3A_1560] : memref<51200xf32, #tpu.memory_space<hbm>> -> memref<1500xf32, #tpu.memory_space<hbm>>
      tpu.wait_dma2 semaphore(%arg44 : memref<!tpu.dma_semaphore, #tpu.memory_space<semaphore_mem>>) src(%dma_wait3A_1561 : memref<1500xf32, #tpu.memory_space<hbm>>) dst(%dma_wait3A_1559 : memref<1500xf32, #tpu.memory_space<vmem>>)
    }
    %scan3A_9 = arith.constant 5 : i32
    %barrier3A_10 = arith.constant 0 : index
    tpu.barrier barrier_id(%barrier3A_10)
    %mul3A_11 = arith.constant 12 : i32
    %mul3A_12 = arith.muli %arg0, %mul3A_11 : i32
    %add3A_13 = arith.constant 0 : i32
    %add3A_14 = arith.addi %mul3A_12, %add3A_13 : i32
    %mul3A_15 = arith.constant 51200 : i32
    %mul3A_16 = arith.muli %add3A_14, %mul3A_15 : i32
    %add3A_17 = arith.addi %mul3A_16, %mul3A_4 : i32
    "tpu.region"() ({
      %run_scoped3A = tpu.sem_alloc : memref<!tpu.dma_semaphore, #tpu.memory_space<semaphore_mem>>
      %dma_start3A = tpu.memref_slice %arg17[%add3A_17] : memref<1228800xf32, #tpu.memory_space<hbm>> -> memref<3200xf32, #tpu.memory_space<hbm>>
      %dma_start3A_95 = tpu.memref_slice %arg22[%mul3A_4] : memref<51200xf32, #tpu.memory_space<vmem_shared>> -> memref<3200xf32, #tpu.memory_space<vmem_shared>>
      tpu.enqueue_dma source(%dma_start3A_95 : memref<3200xf32, #tpu.memory_space<vmem_shared>>) target(%dma_start3A : memref<3200xf32, #tpu.memory_space<hbm>>) target_semaphore(%run_scoped3A : memref<!tpu.dma_semaphore, #tpu.memory_space<semaphore_mem>>)
      %dma_wait3A = tpu.memref_slice %arg17[%add3A_17] : memref<1228800xf32, #tpu.memory_space<hbm>> -> memref<3200xf32, #tpu.memory_space<hbm>>
      %dma_wait3A_96 = tpu.memref_slice %arg22[%mul3A_4] : memref<51200xf32, #tpu.memory_space<vmem_shared>> -> memref<3200xf32, #tpu.memory_space<vmem_shared>>
      tpu.wait_dma2 semaphore(%run_scoped3A : memref<!tpu.dma_semaphore, #tpu.memory_space<semaphore_mem>>) src(%dma_wait3A_96 : memref<3200xf32, #tpu.memory_space<vmem_shared>>) dst(%dma_wait3A : memref<3200xf32, #tpu.memory_space<hbm>>)
      tpu.yield
    }) : () -> ()
    %mul3A_18 = arith.constant 12 : i32
    %mul3A_19 = arith.muli %arg0, %mul3A_18 : i32
    %add3A_20 = arith.constant 1 : i32
    %add3A_21 = arith.addi %mul3A_19, %add3A_20 : i32
    %mul3A_22 = arith.constant 51200 : i32
    %mul3A_23 = arith.muli %add3A_21, %mul3A_22 : i32
    %add3A_24 = arith.addi %mul3A_23, %mul3A_4 : i32
    "tpu.region"() ({
      %run_scoped3A = tpu.sem_alloc : memref<!tpu.dma_semaphore, #tpu.memory_space<semaphore_mem>>
      %dma_start3A = tpu.memref_slice %arg17[%add3A_24] : memref<1228800xf32, #tpu.memory_space<hbm>> -> memref<3200xf32, #tpu.memory_space<hbm>>
      %dma_start3A_95 = tpu.memref_slice %arg23[%mul3A_4] : memref<51200xf32, #tpu.memory_space<vmem_shared>> -> memref<3200xf32, #tpu.memory_space<vmem_shared>>
      tpu.enqueue_dma source(%dma_start3A_95 : memref<3200xf32, #tpu.memory_space<vmem_shared>>) target(%dma_start3A : memref<3200xf32, #tpu.memory_space<hbm>>) target_semaphore(%run_scoped3A : memref<!tpu.dma_semaphore, #tpu.memory_space<semaphore_mem>>)
      %dma_wait3A = tpu.memref_slice %arg17[%add3A_24] : memref<1228800xf32, #tpu.memory_space<hbm>> -> memref<3200xf32, #tpu.memory_space<hbm>>
      %dma_wait3A_96 = tpu.memref_slice %arg23[%mul3A_4] : memref<51200xf32, #tpu.memory_space<vmem_shared>> -> memref<3200xf32, #tpu.memory_space<vmem_shared>>
      tpu.wait_dma2 semaphore(%run_scoped3A : memref<!tpu.dma_semaphore, #tpu.memory_space<semaphore_mem>>) src(%dma_wait3A_96 : memref<3200xf32, #tpu.memory_space<vmem_shared>>) dst(%dma_wait3A : memref<3200xf32, #tpu.memory_space<hbm>>)
      tpu.yield
    }) : () -> ()
    %mul3A_25 = arith.constant 12 : i32
    %mul3A_26 = arith.muli %arg0, %mul3A_25 : i32
    %add3A_27 = arith.constant 2 : i32
    %add3A_28 = arith.addi %mul3A_26, %add3A_27 : i32
    %mul3A_29 = arith.constant 51200 : i32
    %mul3A_30 = arith.muli %add3A_28, %mul3A_29 : i32
    %add3A_31 = arith.addi %mul3A_30, %mul3A_4 : i32
    "tpu.region"() ({
      %run_scoped3A = tpu.sem_alloc : memref<!tpu.dma_semaphore, #tpu.memory_space<semaphore_mem>>
      %dma_start3A = tpu.memref_slice %arg17[%add3A_31] : memref<1228800xf32, #tpu.memory_space<hbm>> -> memref<3200xf32, #tpu.memory_space<hbm>>
      %dma_start3A_95 = tpu.memref_slice %arg24[%mul3A_4] : memref<51200xf32, #tpu.memory_space<vmem_shared>> -> memref<3200xf32, #tpu.memory_space<vmem_shared>>
      tpu.enqueue_dma source(%dma_start3A_95 : memref<3200xf32, #tpu.memory_space<vmem_shared>>) target(%dma_start3A : memref<3200xf32, #tpu.memory_space<hbm>>) target_semaphore(%run_scoped3A : memref<!tpu.dma_semaphore, #tpu.memory_space<semaphore_mem>>)
      %dma_wait3A = tpu.memref_slice %arg17[%add3A_31] : memref<1228800xf32, #tpu.memory_space<hbm>> -> memref<3200xf32, #tpu.memory_space<hbm>>
      %dma_wait3A_96 = tpu.memref_slice %arg24[%mul3A_4] : memref<51200xf32, #tpu.memory_space<vmem_shared>> -> memref<3200xf32, #tpu.memory_space<vmem_shared>>
      tpu.wait_dma2 semaphore(%run_scoped3A : memref<!tpu.dma_semaphore, #tpu.memory_space<semaphore_mem>>) src(%dma_wait3A_96 : memref<3200xf32, #tpu.memory_space<vmem_shared>>) dst(%dma_wait3A : memref<3200xf32, #tpu.memory_space<hbm>>)
      tpu.yield
    }) : () -> ()
    %mul3A_32 = arith.constant 12 : i32
    %mul3A_33 = arith.muli %arg0, %mul3A_32 : i32
    %add3A_34 = arith.constant 3 : i32
    %add3A_35 = arith.addi %mul3A_33, %add3A_34 : i32
    %mul3A_36 = arith.constant 51200 : i32
    %mul3A_37 = arith.muli %add3A_35, %mul3A_36 : i32
    %add3A_38 = arith.addi %mul3A_37, %mul3A_4 : i32
    "tpu.region"() ({
      %run_scoped3A = tpu.sem_alloc : memref<!tpu.dma_semaphore, #tpu.memory_space<semaphore_mem>>
      %dma_start3A = tpu.memref_slice %arg17[%add3A_38] : memref<1228800xf32, #tpu.memory_space<hbm>> -> memref<3200xf32, #tpu.memory_space<hbm>>
      %dma_start3A_95 = tpu.memref_slice %arg25[%mul3A_4] : memref<51200xf32, #tpu.memory_space<vmem_shared>> -> memref<3200xf32, #tpu.memory_space<vmem_shared>>
      tpu.enqueue_dma source(%dma_start3A_95 : memref<3200xf32, #tpu.memory_space<vmem_shared>>) target(%dma_start3A : memref<3200xf32, #tpu.memory_space<hbm>>) target_semaphore(%run_scoped3A : memref<!tpu.dma_semaphore, #tpu.memory_space<semaphore_mem>>)
      %dma_wait3A = tpu.memref_slice %arg17[%add3A_38] : memref<1228800xf32, #tpu.memory_space<hbm>> -> memref<3200xf32, #tpu.memory_space<hbm>>
      %dma_wait3A_96 = tpu.memref_slice %arg25[%mul3A_4] : memref<51200xf32, #tpu.memory_space<vmem_shared>> -> memref<3200xf32, #tpu.memory_space<vmem_shared>>
      tpu.wait_dma2 semaphore(%run_scoped3A : memref<!tpu.dma_semaphore, #tpu.memory_space<semaphore_mem>>) src(%dma_wait3A_96 : memref<3200xf32, #tpu.memory_space<vmem_shared>>) dst(%dma_wait3A : memref<3200xf32, #tpu.memory_space<hbm>>)
      tpu.yield
    }) : () -> ()
    %mul3A_39 = arith.constant 12 : i32
    %mul3A_40 = arith.muli %arg0, %mul3A_39 : i32
    %add3A_41 = arith.constant 4 : i32
    %add3A_42 = arith.addi %mul3A_40, %add3A_41 : i32
    %mul3A_43 = arith.constant 51200 : i32
    %mul3A_44 = arith.muli %add3A_42, %mul3A_43 : i32
    %add3A_45 = arith.addi %mul3A_44, %mul3A_4 : i32
    "tpu.region"() ({
      %run_scoped3A = tpu.sem_alloc : memref<!tpu.dma_semaphore, #tpu.memory_space<semaphore_mem>>
      %dma_start3A = tpu.memref_slice %arg17[%add3A_45] : memref<1228800xf32, #tpu.memory_space<hbm>> -> memref<3200xf32, #tpu.memory_space<hbm>>
      %dma_start3A_95 = tpu.memref_slice %arg26[%mul3A_4] : memref<51200xf32, #tpu.memory_space<vmem_shared>> -> memref<3200xf32, #tpu.memory_space<vmem_shared>>
      tpu.enqueue_dma source(%dma_start3A_95 : memref<3200xf32, #tpu.memory_space<vmem_shared>>) target(%dma_start3A : memref<3200xf32, #tpu.memory_space<hbm>>) target_semaphore(%run_scoped3A : memref<!tpu.dma_semaphore, #tpu.memory_space<semaphore_mem>>)
      %dma_wait3A = tpu.memref_slice %arg17[%add3A_45] : memref<1228800xf32, #tpu.memory_space<hbm>> -> memref<3200xf32, #tpu.memory_space<hbm>>
      %dma_wait3A_96 = tpu.memref_slice %arg26[%mul3A_4] : memref<51200xf32, #tpu.memory_space<vmem_shared>> -> memref<3200xf32, #tpu.memory_space<vmem_shared>>
      tpu.wait_dma2 semaphore(%run_scoped3A : memref<!tpu.dma_semaphore, #tpu.memory_space<semaphore_mem>>) src(%dma_wait3A_96 : memref<3200xf32, #tpu.memory_space<vmem_shared>>) dst(%dma_wait3A : memref<3200xf32, #tpu.memory_space<hbm>>)
      tpu.yield
    }) : () -> ()
    %mul3A_46 = arith.constant 12 : i32
    %mul3A_47 = arith.muli %arg0, %mul3A_46 : i32
    %add3A_48 = arith.constant 5 : i32
    %add3A_49 = arith.addi %mul3A_47, %add3A_48 : i32
    %mul3A_50 = arith.constant 51200 : i32
    %mul3A_51 = arith.muli %add3A_49, %mul3A_50 : i32
    %add3A_52 = arith.addi %mul3A_51, %mul3A_4 : i32
    "tpu.region"() ({
      %run_scoped3A = tpu.sem_alloc : memref<!tpu.dma_semaphore, #tpu.memory_space<semaphore_mem>>
      %dma_start3A = tpu.memref_slice %arg17[%add3A_52] : memref<1228800xf32, #tpu.memory_space<hbm>> -> memref<3200xf32, #tpu.memory_space<hbm>>
      %dma_start3A_95 = tpu.memref_slice %arg27[%mul3A_4] : memref<51200xf32, #tpu.memory_space<vmem_shared>> -> memref<3200xf32, #tpu.memory_space<vmem_shared>>
      tpu.enqueue_dma source(%dma_start3A_95 : memref<3200xf32, #tpu.memory_space<vmem_shared>>) target(%dma_start3A : memref<3200xf32, #tpu.memory_space<hbm>>) target_semaphore(%run_scoped3A : memref<!tpu.dma_semaphore, #tpu.memory_space<semaphore_mem>>)
      %dma_wait3A = tpu.memref_slice %arg17[%add3A_52] : memref<1228800xf32, #tpu.memory_space<hbm>> -> memref<3200xf32, #tpu.memory_space<hbm>>
      %dma_wait3A_96 = tpu.memref_slice %arg27[%mul3A_4] : memref<51200xf32, #tpu.memory_space<vmem_shared>> -> memref<3200xf32, #tpu.memory_space<vmem_shared>>
      tpu.wait_dma2 semaphore(%run_scoped3A : memref<!tpu.dma_semaphore, #tpu.memory_space<semaphore_mem>>) src(%dma_wait3A_96 : memref<3200xf32, #tpu.memory_space<vmem_shared>>) dst(%dma_wait3A : memref<3200xf32, #tpu.memory_space<hbm>>)
      tpu.yield
    }) : () -> ()
    %mul3A_53 = arith.constant 12 : i32
    %mul3A_54 = arith.muli %arg0, %mul3A_53 : i32
    %add3A_55 = arith.constant 6 : i32
    %add3A_56 = arith.addi %mul3A_54, %add3A_55 : i32
    %mul3A_57 = arith.constant 51200 : i32
    %mul3A_58 = arith.muli %add3A_56, %mul3A_57 : i32
    %add3A_59 = arith.addi %mul3A_58, %mul3A_4 : i32
    "tpu.region"() ({
      %run_scoped3A = tpu.sem_alloc : memref<!tpu.dma_semaphore, #tpu.memory_space<semaphore_mem>>
      %dma_start3A = tpu.memref_slice %arg17[%add3A_59] : memref<1228800xf32, #tpu.memory_space<hbm>> -> memref<3200xf32, #tpu.memory_space<hbm>>
      %dma_start3A_95 = tpu.memref_slice %arg28[%mul3A_4] : memref<51200xf32, #tpu.memory_space<vmem_shared>> -> memref<3200xf32, #tpu.memory_space<vmem_shared>>
      tpu.enqueue_dma source(%dma_start3A_95 : memref<3200xf32, #tpu.memory_space<vmem_shared>>) target(%dma_start3A : memref<3200xf32, #tpu.memory_space<hbm>>) target_semaphore(%run_scoped3A : memref<!tpu.dma_semaphore, #tpu.memory_space<semaphore_mem>>)
      %dma_wait3A = tpu.memref_slice %arg17[%add3A_59] : memref<1228800xf32, #tpu.memory_space<hbm>> -> memref<3200xf32, #tpu.memory_space<hbm>>
      %dma_wait3A_96 = tpu.memref_slice %arg28[%mul3A_4] : memref<51200xf32, #tpu.memory_space<vmem_shared>> -> memref<3200xf32, #tpu.memory_space<vmem_shared>>
      tpu.wait_dma2 semaphore(%run_scoped3A : memref<!tpu.dma_semaphore, #tpu.memory_space<semaphore_mem>>) src(%dma_wait3A_96 : memref<3200xf32, #tpu.memory_space<vmem_shared>>) dst(%dma_wait3A : memref<3200xf32, #tpu.memory_space<hbm>>)
      tpu.yield
    }) : () -> ()
    %mul3A_60 = arith.constant 12 : i32
    %mul3A_61 = arith.muli %arg0, %mul3A_60 : i32
    %add3A_62 = arith.constant 7 : i32
    %add3A_63 = arith.addi %mul3A_61, %add3A_62 : i32
    %mul3A_64 = arith.constant 51200 : i32
    %mul3A_65 = arith.muli %add3A_63, %mul3A_64 : i32
    %add3A_66 = arith.addi %mul3A_65, %mul3A_4 : i32
    "tpu.region"() ({
      %run_scoped3A = tpu.sem_alloc : memref<!tpu.dma_semaphore, #tpu.memory_space<semaphore_mem>>
      %dma_start3A = tpu.memref_slice %arg17[%add3A_66] : memref<1228800xf32, #tpu.memory_space<hbm>> -> memref<3200xf32, #tpu.memory_space<hbm>>
      %dma_start3A_95 = tpu.memref_slice %arg29[%mul3A_4] : memref<51200xf32, #tpu.memory_space<vmem_shared>> -> memref<3200xf32, #tpu.memory_space<vmem_shared>>
      tpu.enqueue_dma source(%dma_start3A_95 : memref<3200xf32, #tpu.memory_space<vmem_shared>>) target(%dma_start3A : memref<3200xf32, #tpu.memory_space<hbm>>) target_semaphore(%run_scoped3A : memref<!tpu.dma_semaphore, #tpu.memory_space<semaphore_mem>>)
      %dma_wait3A = tpu.memref_slice %arg17[%add3A_66] : memref<1228800xf32, #tpu.memory_space<hbm>> -> memref<3200xf32, #tpu.memory_space<hbm>>
      %dma_wait3A_96 = tpu.memref_slice %arg29[%mul3A_4] : memref<51200xf32, #tpu.memory_space<vmem_shared>> -> memref<3200xf32, #tpu.memory_space<vmem_shared>>
      tpu.wait_dma2 semaphore(%run_scoped3A : memref<!tpu.dma_semaphore, #tpu.memory_space<semaphore_mem>>) src(%dma_wait3A_96 : memref<3200xf32, #tpu.memory_space<vmem_shared>>) dst(%dma_wait3A : memref<3200xf32, #tpu.memory_space<hbm>>)
      tpu.yield
    }) : () -> ()
    %mul3A_67 = arith.constant 12 : i32
    %mul3A_68 = arith.muli %arg0, %mul3A_67 : i32
    %add3A_69 = arith.constant 8 : i32
    %add3A_70 = arith.addi %mul3A_68, %add3A_69 : i32
    %mul3A_71 = arith.constant 51200 : i32
    %mul3A_72 = arith.muli %add3A_70, %mul3A_71 : i32
    %add3A_73 = arith.addi %mul3A_72, %mul3A_4 : i32
    "tpu.region"() ({
      %run_scoped3A = tpu.sem_alloc : memref<!tpu.dma_semaphore, #tpu.memory_space<semaphore_mem>>
      %dma_start3A = tpu.memref_slice %arg17[%add3A_73] : memref<1228800xf32, #tpu.memory_space<hbm>> -> memref<3200xf32, #tpu.memory_space<hbm>>
      %dma_start3A_95 = tpu.memref_slice %arg30[%mul3A_4] : memref<51200xf32, #tpu.memory_space<vmem_shared>> -> memref<3200xf32, #tpu.memory_space<vmem_shared>>
      tpu.enqueue_dma source(%dma_start3A_95 : memref<3200xf32, #tpu.memory_space<vmem_shared>>) target(%dma_start3A : memref<3200xf32, #tpu.memory_space<hbm>>) target_semaphore(%run_scoped3A : memref<!tpu.dma_semaphore, #tpu.memory_space<semaphore_mem>>)
      %dma_wait3A = tpu.memref_slice %arg17[%add3A_73] : memref<1228800xf32, #tpu.memory_space<hbm>> -> memref<3200xf32, #tpu.memory_space<hbm>>
      %dma_wait3A_96 = tpu.memref_slice %arg30[%mul3A_4] : memref<51200xf32, #tpu.memory_space<vmem_shared>> -> memref<3200xf32, #tpu.memory_space<vmem_shared>>
      tpu.wait_dma2 semaphore(%run_scoped3A : memref<!tpu.dma_semaphore, #tpu.memory_space<semaphore_mem>>) src(%dma_wait3A_96 : memref<3200xf32, #tpu.memory_space<vmem_shared>>) dst(%dma_wait3A : memref<3200xf32, #tpu.memory_space<hbm>>)
      tpu.yield
    }) : () -> ()
    %mul3A_74 = arith.constant 12 : i32
    %mul3A_75 = arith.muli %arg0, %mul3A_74 : i32
    %add3A_76 = arith.constant 9 : i32
    %add3A_77 = arith.addi %mul3A_75, %add3A_76 : i32
    %mul3A_78 = arith.constant 51200 : i32
    %mul3A_79 = arith.muli %add3A_77, %mul3A_78 : i32
    %add3A_80 = arith.addi %mul3A_79, %mul3A_4 : i32
    "tpu.region"() ({
      %run_scoped3A = tpu.sem_alloc : memref<!tpu.dma_semaphore, #tpu.memory_space<semaphore_mem>>
      %dma_start3A = tpu.memref_slice %arg17[%add3A_80] : memref<1228800xf32, #tpu.memory_space<hbm>> -> memref<3200xf32, #tpu.memory_space<hbm>>
      %dma_start3A_95 = tpu.memref_slice %arg31[%mul3A_4] : memref<51200xf32, #tpu.memory_space<vmem_shared>> -> memref<3200xf32, #tpu.memory_space<vmem_shared>>
      tpu.enqueue_dma source(%dma_start3A_95 : memref<3200xf32, #tpu.memory_space<vmem_shared>>) target(%dma_start3A : memref<3200xf32, #tpu.memory_space<hbm>>) target_semaphore(%run_scoped3A : memref<!tpu.dma_semaphore, #tpu.memory_space<semaphore_mem>>)
      %dma_wait3A = tpu.memref_slice %arg17[%add3A_80] : memref<1228800xf32, #tpu.memory_space<hbm>> -> memref<3200xf32, #tpu.memory_space<hbm>>
      %dma_wait3A_96 = tpu.memref_slice %arg31[%mul3A_4] : memref<51200xf32, #tpu.memory_space<vmem_shared>> -> memref<3200xf32, #tpu.memory_space<vmem_shared>>
      tpu.wait_dma2 semaphore(%run_scoped3A : memref<!tpu.dma_semaphore, #tpu.memory_space<semaphore_mem>>) src(%dma_wait3A_96 : memref<3200xf32, #tpu.memory_space<vmem_shared>>) dst(%dma_wait3A : memref<3200xf32, #tpu.memory_space<hbm>>)
      tpu.yield
    }) : () -> ()
    %mul3A_81 = arith.constant 12 : i32
    %mul3A_82 = arith.muli %arg0, %mul3A_81 : i32
    %add3A_83 = arith.constant 10 : i32
    %add3A_84 = arith.addi %mul3A_82, %add3A_83 : i32
    %mul3A_85 = arith.constant 51200 : i32
    %mul3A_86 = arith.muli %add3A_84, %mul3A_85 : i32
    %add3A_87 = arith.addi %mul3A_86, %mul3A_4 : i32
    "tpu.region"() ({
      %run_scoped3A = tpu.sem_alloc : memref<!tpu.dma_semaphore, #tpu.memory_space<semaphore_mem>>
      %dma_start3A = tpu.memref_slice %arg17[%add3A_87] : memref<1228800xf32, #tpu.memory_space<hbm>> -> memref<3200xf32, #tpu.memory_space<hbm>>
      %dma_start3A_95 = tpu.memref_slice %arg32[%mul3A_4] : memref<51200xf32, #tpu.memory_space<vmem_shared>> -> memref<3200xf32, #tpu.memory_space<vmem_shared>>
      tpu.enqueue_dma source(%dma_start3A_95 : memref<3200xf32, #tpu.memory_space<vmem_shared>>) target(%dma_start3A : memref<3200xf32, #tpu.memory_space<hbm>>) target_semaphore(%run_scoped3A : memref<!tpu.dma_semaphore, #tpu.memory_space<semaphore_mem>>)
      %dma_wait3A = tpu.memref_slice %arg17[%add3A_87] : memref<1228800xf32, #tpu.memory_space<hbm>> -> memref<3200xf32, #tpu.memory_space<hbm>>
      %dma_wait3A_96 = tpu.memref_slice %arg32[%mul3A_4] : memref<51200xf32, #tpu.memory_space<vmem_shared>> -> memref<3200xf32, #tpu.memory_space<vmem_shared>>
      tpu.wait_dma2 semaphore(%run_scoped3A : memref<!tpu.dma_semaphore, #tpu.memory_space<semaphore_mem>>) src(%dma_wait3A_96 : memref<3200xf32, #tpu.memory_space<vmem_shared>>) dst(%dma_wait3A : memref<3200xf32, #tpu.memory_space<hbm>>)
      tpu.yield
    }) : () -> ()
    %mul3A_88 = arith.constant 12 : i32
    %mul3A_89 = arith.muli %arg0, %mul3A_88 : i32
    %add3A_90 = arith.constant 11 : i32
    %add3A_91 = arith.addi %mul3A_89, %add3A_90 : i32
    %mul3A_92 = arith.constant 51200 : i32
    %mul3A_93 = arith.muli %add3A_91, %mul3A_92 : i32
    %add3A_94 = arith.addi %mul3A_93, %mul3A_4 : i32
    "tpu.region"() ({
      %run_scoped3A = tpu.sem_alloc : memref<!tpu.dma_semaphore, #tpu.memory_space<semaphore_mem>>
      %dma_start3A = tpu.memref_slice %arg17[%add3A_94] : memref<1228800xf32, #tpu.memory_space<hbm>> -> memref<3200xf32, #tpu.memory_space<hbm>>
      %dma_start3A_95 = tpu.memref_slice %arg33[%mul3A_4] : memref<51200xf32, #tpu.memory_space<vmem_shared>> -> memref<3200xf32, #tpu.memory_space<vmem_shared>>
      tpu.enqueue_dma source(%dma_start3A_95 : memref<3200xf32, #tpu.memory_space<vmem_shared>>) target(%dma_start3A : memref<3200xf32, #tpu.memory_space<hbm>>) target_semaphore(%run_scoped3A : memref<!tpu.dma_semaphore, #tpu.memory_space<semaphore_mem>>)
      %dma_wait3A = tpu.memref_slice %arg17[%add3A_94] : memref<1228800xf32, #tpu.memory_space<hbm>> -> memref<3200xf32, #tpu.memory_space<hbm>>
      %dma_wait3A_96 = tpu.memref_slice %arg33[%mul3A_4] : memref<51200xf32, #tpu.memory_space<vmem_shared>> -> memref<3200xf32, #tpu.memory_space<vmem_shared>>
      tpu.wait_dma2 semaphore(%run_scoped3A : memref<!tpu.dma_semaphore, #tpu.memory_space<semaphore_mem>>) src(%dma_wait3A_96 : memref<3200xf32, #tpu.memory_space<vmem_shared>>) dst(%dma_wait3A : memref<3200xf32, #tpu.memory_space<hbm>>)
      tpu.yield
    }) : () -> ()
    return
  }
}

#map = affine_map<(d0, d1) -> (0)>
#map1 = affine_map<(d0, d1) -> (0, 0)>
module attributes {stable_mosaic.version = 14 : i64} {
  func.func @scal_agg(%arg0: i32, %arg1: i32, %arg2: memref<51200xf32, #tpu.memory_space<hbm>>, %arg3: memref<12800x125xi32, #tpu.memory_space<hbm>>, %arg4: memref<12800x125xi32, #tpu.memory_space<hbm>>, %arg5: memref<51200xf32, #tpu.memory_space<hbm>>, %arg6: memref<102400xf32, #tpu.memory_space<hbm>>, %arg7: memref<80x125xi32, #tpu.memory_space<vmem>>, %arg8: memref<80x125xi32, #tpu.memory_space<vmem>>, %arg9: memref<8x125xf32, #tpu.memory_space<vmem>>, %arg10: memref<125xf32, #tpu.memory_space<vmem>>, %arg11: memref<51200xf32, #tpu.memory_space<vmem_shared>>, %arg12: memref<51200xf32, #tpu.memory_space<vmem_shared>>, %arg13: memref<!tpu.dma_semaphore, #tpu.memory_space<semaphore_mem>>, %arg14: memref<!tpu.dma_semaphore, #tpu.memory_space<semaphore_mem>>) attributes {dimension_semantics = [#tpu.dimension_semantics<core_parallel>, #tpu.dimension_semantics<subcore_parallel>], iteration_bounds = array<i64: 2, 16>, scalar_prefetch = 0 : i64, scratch_operands = 8 : i64, tpu.core_type = #tpu.core_type<sc_vector_subcore>, window_params = [{transform_indices = #map}, {transform_indices = #map1}, {transform_indices = #map1}, {transform_indices = #map}, {transform_indices = #map}]} {
    %mul3A = arith.constant 16 : i32
    %mul3A_0 = arith.muli %arg0, %mul3A : i32
    %add3A = arith.addi %mul3A_0, %arg1 : i32
    %mul3A_1 = arith.constant 400 : i32
    %mul3A_2 = arith.muli %add3A, %mul3A_1 : i32
    %mul3A_3 = arith.constant 3200 : i32
    %mul3A_4 = arith.muli %arg1, %mul3A_3 : i32
    "tpu.region"() ({
      %run_scoped3A = tpu.sem_alloc : memref<!tpu.dma_semaphore, #tpu.memory_space<semaphore_mem>>
      %dma_start3A = tpu.memref_slice %arg11[%mul3A_4] : memref<51200xf32, #tpu.memory_space<vmem_shared>> -> memref<3200xf32, #tpu.memory_space<vmem_shared>>
      %dma_start3A_14 = tpu.memref_slice %arg5[%mul3A_4] : memref<51200xf32, #tpu.memory_space<hbm>> -> memref<3200xf32, #tpu.memory_space<hbm>>
      tpu.enqueue_dma source(%dma_start3A_14 : memref<3200xf32, #tpu.memory_space<hbm>>) target(%dma_start3A : memref<3200xf32, #tpu.memory_space<vmem_shared>>) target_semaphore(%run_scoped3A : memref<!tpu.dma_semaphore, #tpu.memory_space<semaphore_mem>>)
      %dma_wait3A = tpu.memref_slice %arg11[%mul3A_4] : memref<51200xf32, #tpu.memory_space<vmem_shared>> -> memref<3200xf32, #tpu.memory_space<vmem_shared>>
      %dma_wait3A_15 = tpu.memref_slice %arg5[%mul3A_4] : memref<51200xf32, #tpu.memory_space<hbm>> -> memref<3200xf32, #tpu.memory_space<hbm>>
      tpu.wait_dma2 semaphore(%run_scoped3A : memref<!tpu.dma_semaphore, #tpu.memory_space<semaphore_mem>>) src(%dma_wait3A_15 : memref<3200xf32, #tpu.memory_space<hbm>>) dst(%dma_wait3A : memref<3200xf32, #tpu.memory_space<vmem_shared>>)
      tpu.yield
    }) : () -> ()
    "tpu.region"() ({
      %run_scoped3A = tpu.sem_alloc : memref<!tpu.dma_semaphore, #tpu.memory_space<semaphore_mem>>
      %dma_start3A = tpu.memref_slice %arg12[%mul3A_4] : memref<51200xf32, #tpu.memory_space<vmem_shared>> -> memref<3200xf32, #tpu.memory_space<vmem_shared>>
      %dma_start3A_14 = tpu.memref_slice %arg2[%mul3A_4] : memref<51200xf32, #tpu.memory_space<hbm>> -> memref<3200xf32, #tpu.memory_space<hbm>>
      tpu.enqueue_dma source(%dma_start3A_14 : memref<3200xf32, #tpu.memory_space<hbm>>) target(%dma_start3A : memref<3200xf32, #tpu.memory_space<vmem_shared>>) target_semaphore(%run_scoped3A : memref<!tpu.dma_semaphore, #tpu.memory_space<semaphore_mem>>)
      %dma_wait3A = tpu.memref_slice %arg12[%mul3A_4] : memref<51200xf32, #tpu.memory_space<vmem_shared>> -> memref<3200xf32, #tpu.memory_space<vmem_shared>>
      %dma_wait3A_15 = tpu.memref_slice %arg2[%mul3A_4] : memref<51200xf32, #tpu.memory_space<hbm>> -> memref<3200xf32, #tpu.memory_space<hbm>>
      tpu.wait_dma2 semaphore(%run_scoped3A : memref<!tpu.dma_semaphore, #tpu.memory_space<semaphore_mem>>) src(%dma_wait3A_15 : memref<3200xf32, #tpu.memory_space<hbm>>) dst(%dma_wait3A : memref<3200xf32, #tpu.memory_space<vmem_shared>>)
      tpu.yield
    }) : () -> ()
    %barrier3A = arith.constant 0 : index
    tpu.barrier barrier_id(%barrier3A)
    %scan3A = arith.constant 0 : i32
    %scan3A_5 = arith.constant 0 : i32
    %scan3A_6 = arith.constant 5 : i32
    %scan3A_7 = arith.addi %scan3A_5, %scan3A_6 : i32
    %scan3A_8 = arith.constant 1 : i32
    scf.for %scan3A_14 = %scan3A_5 to %scan3A_7 step %scan3A_8  : i32 {
      %mul3A_15 = arith.constant 80 : i32
      %mul3A_16 = arith.muli %scan3A_14, %mul3A_15 : i32
      %add3A_17 = arith.addi %mul3A_2, %mul3A_16 : i32
      "tpu.region"() ({
        %run_scoped3A = tpu.sem_alloc : memref<!tpu.dma_semaphore, #tpu.memory_space<semaphore_mem>>
        %dma_start3A_99 = arith.constant 0 : i32
        %dma_start3A_100 = tpu.memref_slice %arg3[%add3A_17, %dma_start3A_99] : memref<12800x125xi32, #tpu.memory_space<hbm>> -> memref<80x125xi32, #tpu.memory_space<hbm>>
        %dma_start3A_101 = arith.constant 0 : i32
        %dma_start3A_102 = tpu.memref_slice %arg3[%add3A_17, %dma_start3A_101] : memref<12800x125xi32, #tpu.memory_space<hbm>> -> memref<80x125xi32, #tpu.memory_space<hbm>>
        tpu.enqueue_dma source(%dma_start3A_102 : memref<80x125xi32, #tpu.memory_space<hbm>>) target(%arg7 : memref<80x125xi32, #tpu.memory_space<vmem>>) target_semaphore(%run_scoped3A : memref<!tpu.dma_semaphore, #tpu.memory_space<semaphore_mem>>)
        %dma_wait3A_103 = arith.constant 0 : i32
        %dma_wait3A_104 = tpu.memref_slice %arg3[%add3A_17, %dma_wait3A_103] : memref<12800x125xi32, #tpu.memory_space<hbm>> -> memref<80x125xi32, #tpu.memory_space<hbm>>
        %dma_wait3A_105 = arith.constant 0 : i32
        %dma_wait3A_106 = tpu.memref_slice %arg3[%add3A_17, %dma_wait3A_105] : memref<12800x125xi32, #tpu.memory_space<hbm>> -> memref<80x125xi32, #tpu.memory_space<hbm>>
        tpu.wait_dma2 semaphore(%run_scoped3A : memref<!tpu.dma_semaphore, #tpu.memory_space<semaphore_mem>>) src(%dma_wait3A_106 : memref<80x125xi32, #tpu.memory_space<hbm>>) dst(%arg7 : memref<80x125xi32, #tpu.memory_space<vmem>>)
        tpu.yield
      }) : () -> ()
      "tpu.region"() ({
        %run_scoped3A = tpu.sem_alloc : memref<!tpu.dma_semaphore, #tpu.memory_space<semaphore_mem>>
        %dma_start3A_99 = arith.constant 0 : i32
        %dma_start3A_100 = tpu.memref_slice %arg4[%add3A_17, %dma_start3A_99] : memref<12800x125xi32, #tpu.memory_space<hbm>> -> memref<80x125xi32, #tpu.memory_space<hbm>>
        %dma_start3A_101 = arith.constant 0 : i32
        %dma_start3A_102 = tpu.memref_slice %arg4[%add3A_17, %dma_start3A_101] : memref<12800x125xi32, #tpu.memory_space<hbm>> -> memref<80x125xi32, #tpu.memory_space<hbm>>
        tpu.enqueue_dma source(%dma_start3A_102 : memref<80x125xi32, #tpu.memory_space<hbm>>) target(%arg8 : memref<80x125xi32, #tpu.memory_space<vmem>>) target_semaphore(%run_scoped3A : memref<!tpu.dma_semaphore, #tpu.memory_space<semaphore_mem>>)
        %dma_wait3A_103 = arith.constant 0 : i32
        %dma_wait3A_104 = tpu.memref_slice %arg4[%add3A_17, %dma_wait3A_103] : memref<12800x125xi32, #tpu.memory_space<hbm>> -> memref<80x125xi32, #tpu.memory_space<hbm>>
        %dma_wait3A_105 = arith.constant 0 : i32
        %dma_wait3A_106 = tpu.memref_slice %arg4[%add3A_17, %dma_wait3A_105] : memref<12800x125xi32, #tpu.memory_space<hbm>> -> memref<80x125xi32, #tpu.memory_space<hbm>>
        tpu.wait_dma2 semaphore(%run_scoped3A : memref<!tpu.dma_semaphore, #tpu.memory_space<semaphore_mem>>) src(%dma_wait3A_106 : memref<80x125xi32, #tpu.memory_space<hbm>>) dst(%arg8 : memref<80x125xi32, #tpu.memory_space<vmem>>)
        tpu.yield
      }) : () -> ()
      %dma_start3A = arith.constant 0 : i32
      %dma_start3A_18 = arith.constant 0 : i32
      %dma_start3A_19 = arith.constant 0 : i32
      %dma_start3A_20 = tpu.memref_slice %arg9[%dma_start3A_18, %dma_start3A_19] : memref<8x125xf32, #tpu.memory_space<vmem>> -> memref<1x125xf32, #tpu.memory_space<vmem>>
      %dma_start3A_21 = tpu.memref_squeeze %dma_start3A_20 : memref<1x125xf32, #tpu.memory_space<vmem>> -> memref<125xf32, #tpu.memory_space<vmem>>
      %dma_start3A_22 = arith.constant 0 : i32
      %dma_start3A_23 = tpu.memref_slice %arg7[%dma_start3A, %dma_start3A_22] : memref<80x125xi32, #tpu.memory_space<vmem>> -> memref<1x125xi32, #tpu.memory_space<vmem>>
      %dma_start3A_24 = tpu.memref_squeeze %dma_start3A_23 : memref<1x125xi32, #tpu.memory_space<vmem>> -> memref<125xi32, #tpu.memory_space<vmem>>
      %dma_start3A_25 = arith.constant 0 : i32
      %dma_start3A_26 = tpu.memref_slice %arg12[%dma_start3A_25] : memref<51200xf32, #tpu.memory_space<vmem_shared>> -> memref<51200xf32, #tpu.memory_space<vmem_shared>>
      tpu.enqueue_indirect_dma source(%dma_start3A_26 : memref<51200xf32, #tpu.memory_space<vmem_shared>>) target(%dma_start3A_21 : memref<125xf32, #tpu.memory_space<vmem>>) offsets(%dma_start3A_24 : memref<125xi32, #tpu.memory_space<vmem>>) semaphore(%arg13 : memref<!tpu.dma_semaphore, #tpu.memory_space<semaphore_mem>>)
      %dma_start3A_27 = arith.constant 1 : i32
      %dma_start3A_28 = arith.constant 1 : i32
      %dma_start3A_29 = arith.constant 0 : i32
      %dma_start3A_30 = tpu.memref_slice %arg9[%dma_start3A_28, %dma_start3A_29] : memref<8x125xf32, #tpu.memory_space<vmem>> -> memref<1x125xf32, #tpu.memory_space<vmem>>
      %dma_start3A_31 = tpu.memref_squeeze %dma_start3A_30 : memref<1x125xf32, #tpu.memory_space<vmem>> -> memref<125xf32, #tpu.memory_space<vmem>>
      %dma_start3A_32 = arith.constant 0 : i32
      %dma_start3A_33 = tpu.memref_slice %arg7[%dma_start3A_27, %dma_start3A_32] : memref<80x125xi32, #tpu.memory_space<vmem>> -> memref<1x125xi32, #tpu.memory_space<vmem>>
      %dma_start3A_34 = tpu.memref_squeeze %dma_start3A_33 : memref<1x125xi32, #tpu.memory_space<vmem>> -> memref<125xi32, #tpu.memory_space<vmem>>
      %dma_start3A_35 = arith.constant 0 : i32
      %dma_start3A_36 = tpu.memref_slice %arg12[%dma_start3A_35] : memref<51200xf32, #tpu.memory_space<vmem_shared>> -> memref<51200xf32, #tpu.memory_space<vmem_shared>>
      tpu.enqueue_indirect_dma source(%dma_start3A_36 : memref<51200xf32, #tpu.memory_space<vmem_shared>>) target(%dma_start3A_31 : memref<125xf32, #tpu.memory_space<vmem>>) offsets(%dma_start3A_34 : memref<125xi32, #tpu.memory_space<vmem>>) semaphore(%arg13 : memref<!tpu.dma_semaphore, #tpu.memory_space<semaphore_mem>>)
      %dma_start3A_37 = arith.constant 2 : i32
      %dma_start3A_38 = arith.constant 2 : i32
      %dma_start3A_39 = arith.constant 0 : i32
      %dma_start3A_40 = tpu.memref_slice %arg9[%dma_start3A_38, %dma_start3A_39] : memref<8x125xf32, #tpu.memory_space<vmem>> -> memref<1x125xf32, #tpu.memory_space<vmem>>
      %dma_start3A_41 = tpu.memref_squeeze %dma_start3A_40 : memref<1x125xf32, #tpu.memory_space<vmem>> -> memref<125xf32, #tpu.memory_space<vmem>>
      %dma_start3A_42 = arith.constant 0 : i32
      %dma_start3A_43 = tpu.memref_slice %arg7[%dma_start3A_37, %dma_start3A_42] : memref<80x125xi32, #tpu.memory_space<vmem>> -> memref<1x125xi32, #tpu.memory_space<vmem>>
      %dma_start3A_44 = tpu.memref_squeeze %dma_start3A_43 : memref<1x125xi32, #tpu.memory_space<vmem>> -> memref<125xi32, #tpu.memory_space<vmem>>
      %dma_start3A_45 = arith.constant 0 : i32
      %dma_start3A_46 = tpu.memref_slice %arg12[%dma_start3A_45] : memref<51200xf32, #tpu.memory_space<vmem_shared>> -> memref<51200xf32, #tpu.memory_space<vmem_shared>>
      tpu.enqueue_indirect_dma source(%dma_start3A_46 : memref<51200xf32, #tpu.memory_space<vmem_shared>>) target(%dma_start3A_41 : memref<125xf32, #tpu.memory_space<vmem>>) offsets(%dma_start3A_44 : memref<125xi32, #tpu.memory_space<vmem>>) semaphore(%arg13 : memref<!tpu.dma_semaphore, #tpu.memory_space<semaphore_mem>>)
      %dma_start3A_47 = arith.constant 3 : i32
      %dma_start3A_48 = arith.constant 3 : i32
      %dma_start3A_49 = arith.constant 0 : i32
      %dma_start3A_50 = tpu.memref_slice %arg9[%dma_start3A_48, %dma_start3A_49] : memref<8x125xf32, #tpu.memory_space<vmem>> -> memref<1x125xf32, #tpu.memory_space<vmem>>
      %dma_start3A_51 = tpu.memref_squeeze %dma_start3A_50 : memref<1x125xf32, #tpu.memory_space<vmem>> -> memref<125xf32, #tpu.memory_space<vmem>>
      %dma_start3A_52 = arith.constant 0 : i32
      %dma_start3A_53 = tpu.memref_slice %arg7[%dma_start3A_47, %dma_start3A_52] : memref<80x125xi32, #tpu.memory_space<vmem>> -> memref<1x125xi32, #tpu.memory_space<vmem>>
      %dma_start3A_54 = tpu.memref_squeeze %dma_start3A_53 : memref<1x125xi32, #tpu.memory_space<vmem>> -> memref<125xi32, #tpu.memory_space<vmem>>
      %dma_start3A_55 = arith.constant 0 : i32
      %dma_start3A_56 = tpu.memref_slice %arg12[%dma_start3A_55] : memref<51200xf32, #tpu.memory_space<vmem_shared>> -> memref<51200xf32, #tpu.memory_space<vmem_shared>>
      tpu.enqueue_indirect_dma source(%dma_start3A_56 : memref<51200xf32, #tpu.memory_space<vmem_shared>>) target(%dma_start3A_51 : memref<125xf32, #tpu.memory_space<vmem>>) offsets(%dma_start3A_54 : memref<125xi32, #tpu.memory_space<vmem>>) semaphore(%arg13 : memref<!tpu.dma_semaphore, #tpu.memory_space<semaphore_mem>>)
      %dma_start3A_57 = arith.constant 4 : i32
      %dma_start3A_58 = arith.constant 4 : i32
      %dma_start3A_59 = arith.constant 0 : i32
      %dma_start3A_60 = tpu.memref_slice %arg9[%dma_start3A_58, %dma_start3A_59] : memref<8x125xf32, #tpu.memory_space<vmem>> -> memref<1x125xf32, #tpu.memory_space<vmem>>
      %dma_start3A_61 = tpu.memref_squeeze %dma_start3A_60 : memref<1x125xf32, #tpu.memory_space<vmem>> -> memref<125xf32, #tpu.memory_space<vmem>>
      %dma_start3A_62 = arith.constant 0 : i32
      %dma_start3A_63 = tpu.memref_slice %arg7[%dma_start3A_57, %dma_start3A_62] : memref<80x125xi32, #tpu.memory_space<vmem>> -> memref<1x125xi32, #tpu.memory_space<vmem>>
      %dma_start3A_64 = tpu.memref_squeeze %dma_start3A_63 : memref<1x125xi32, #tpu.memory_space<vmem>> -> memref<125xi32, #tpu.memory_space<vmem>>
      %dma_start3A_65 = arith.constant 0 : i32
      %dma_start3A_66 = tpu.memref_slice %arg12[%dma_start3A_65] : memref<51200xf32, #tpu.memory_space<vmem_shared>> -> memref<51200xf32, #tpu.memory_space<vmem_shared>>
      tpu.enqueue_indirect_dma source(%dma_start3A_66 : memref<51200xf32, #tpu.memory_space<vmem_shared>>) target(%dma_start3A_61 : memref<125xf32, #tpu.memory_space<vmem>>) offsets(%dma_start3A_64 : memref<125xi32, #tpu.memory_space<vmem>>) semaphore(%arg13 : memref<!tpu.dma_semaphore, #tpu.memory_space<semaphore_mem>>)
      %dma_start3A_67 = arith.constant 5 : i32
      %dma_start3A_68 = arith.constant 5 : i32
      %dma_start3A_69 = arith.constant 0 : i32
      %dma_start3A_70 = tpu.memref_slice %arg9[%dma_start3A_68, %dma_start3A_69] : memref<8x125xf32, #tpu.memory_space<vmem>> -> memref<1x125xf32, #tpu.memory_space<vmem>>
      %dma_start3A_71 = tpu.memref_squeeze %dma_start3A_70 : memref<1x125xf32, #tpu.memory_space<vmem>> -> memref<125xf32, #tpu.memory_space<vmem>>
      %dma_start3A_72 = arith.constant 0 : i32
      %dma_start3A_73 = tpu.memref_slice %arg7[%dma_start3A_67, %dma_start3A_72] : memref<80x125xi32, #tpu.memory_space<vmem>> -> memref<1x125xi32, #tpu.memory_space<vmem>>
      %dma_start3A_74 = tpu.memref_squeeze %dma_start3A_73 : memref<1x125xi32, #tpu.memory_space<vmem>> -> memref<125xi32, #tpu.memory_space<vmem>>
      %dma_start3A_75 = arith.constant 0 : i32
      %dma_start3A_76 = tpu.memref_slice %arg12[%dma_start3A_75] : memref<51200xf32, #tpu.memory_space<vmem_shared>> -> memref<51200xf32, #tpu.memory_space<vmem_shared>>
      tpu.enqueue_indirect_dma source(%dma_start3A_76 : memref<51200xf32, #tpu.memory_space<vmem_shared>>) target(%dma_start3A_71 : memref<125xf32, #tpu.memory_space<vmem>>) offsets(%dma_start3A_74 : memref<125xi32, #tpu.memory_space<vmem>>) semaphore(%arg13 : memref<!tpu.dma_semaphore, #tpu.memory_space<semaphore_mem>>)
      %dma_start3A_77 = arith.constant 6 : i32
      %dma_start3A_78 = arith.constant 6 : i32
      %dma_start3A_79 = arith.constant 0 : i32
      %dma_start3A_80 = tpu.memref_slice %arg9[%dma_start3A_78, %dma_start3A_79] : memref<8x125xf32, #tpu.memory_space<vmem>> -> memref<1x125xf32, #tpu.memory_space<vmem>>
      %dma_start3A_81 = tpu.memref_squeeze %dma_start3A_80 : memref<1x125xf32, #tpu.memory_space<vmem>> -> memref<125xf32, #tpu.memory_space<vmem>>
      %dma_start3A_82 = arith.constant 0 : i32
      %dma_start3A_83 = tpu.memref_slice %arg7[%dma_start3A_77, %dma_start3A_82] : memref<80x125xi32, #tpu.memory_space<vmem>> -> memref<1x125xi32, #tpu.memory_space<vmem>>
      %dma_start3A_84 = tpu.memref_squeeze %dma_start3A_83 : memref<1x125xi32, #tpu.memory_space<vmem>> -> memref<125xi32, #tpu.memory_space<vmem>>
      %dma_start3A_85 = arith.constant 0 : i32
      %dma_start3A_86 = tpu.memref_slice %arg12[%dma_start3A_85] : memref<51200xf32, #tpu.memory_space<vmem_shared>> -> memref<51200xf32, #tpu.memory_space<vmem_shared>>
      tpu.enqueue_indirect_dma source(%dma_start3A_86 : memref<51200xf32, #tpu.memory_space<vmem_shared>>) target(%dma_start3A_81 : memref<125xf32, #tpu.memory_space<vmem>>) offsets(%dma_start3A_84 : memref<125xi32, #tpu.memory_space<vmem>>) semaphore(%arg13 : memref<!tpu.dma_semaphore, #tpu.memory_space<semaphore_mem>>)
      %scan3A_87 = arith.constant 0 : i32
      %scan3A_88 = arith.constant 80 : i32
      %scan3A_89 = arith.addi %scan3A_87, %scan3A_88 : i32
      %scan3A_90 = arith.constant 1 : i32
      scf.for %scan3A_99 = %scan3A_87 to %scan3A_89 step %scan3A_90  : i32 {
        %gt3A = arith.constant 0 : i32
        %gt3A_100 = arith.cmpi sgt, %scan3A_99, %gt3A : i32
        %convert_element_type3A = arith.extui %gt3A_100 : i1 to i32
        %cond3A = arith.constant 0 : i32
        %cond3A_101 = arith.cmpi ne, %convert_element_type3A, %cond3A : i32
        scf.if %cond3A_101 {
          %dma_wait3A_126 = arith.constant 0 : i32
          %dma_wait3A_127 = tpu.memref_slice %arg10[%dma_wait3A_126] : memref<125xf32, #tpu.memory_space<vmem>> -> memref<125xf32, #tpu.memory_space<vmem>>
          %dma_wait3A_128 = arith.constant 0 : i32
          %dma_wait3A_129 = tpu.memref_slice %arg5[%dma_wait3A_128] : memref<51200xf32, #tpu.memory_space<hbm>> -> memref<125xf32, #tpu.memory_space<hbm>>
          %dma_wait3A_130 = arith.constant 0 : i32
          %dma_wait3A_131 = tpu.memref_slice %arg10[%dma_wait3A_130] : memref<125xf32, #tpu.memory_space<vmem>> -> memref<125xf32, #tpu.memory_space<vmem>>
          %dma_wait3A_132 = arith.constant 0 : i32
          %dma_wait3A_133 = tpu.memref_slice %arg5[%dma_wait3A_132] : memref<51200xf32, #tpu.memory_space<hbm>> -> memref<125xf32, #tpu.memory_space<hbm>>
          tpu.wait_dma2 semaphore(%arg14 : memref<!tpu.dma_semaphore, #tpu.memory_space<semaphore_mem>>) src(%dma_wait3A_133 : memref<125xf32, #tpu.memory_space<hbm>>) dst(%dma_wait3A_131 : memref<125xf32, #tpu.memory_space<vmem>>)
        } else {
        }
        %add3A_102 = arith.constant 8 : i32
        %add3A_103 = arith.addi %scan3A_99, %add3A_102 : i32
        %sub3A = arith.constant 1 : i32
        %sub3A_104 = arith.subi %add3A_103, %sub3A : i32
        %lt3A = arith.constant 80 : i32
        %lt3A_105 = arith.cmpi slt, %sub3A_104, %lt3A : i32
        %convert_element_type3A_106 = arith.extui %lt3A_105 : i1 to i32
        %cond3A_107 = arith.constant 0 : i32
        %cond3A_108 = arith.cmpi ne, %convert_element_type3A_106, %cond3A_107 : i32
        scf.if %cond3A_108 {
          %add3A_126 = arith.constant 8 : i32
          %add3A_127 = arith.addi %scan3A_99, %add3A_126 : i32
          %sub3A_128 = arith.constant 1 : i32
          %sub3A_129 = arith.subi %add3A_127, %sub3A_128 : i32
          %add3A_130 = arith.constant 8 : i32
          %add3A_131 = arith.addi %scan3A_99, %add3A_130 : i32
          %sub3A_132 = arith.constant 1 : i32
          %sub3A_133 = arith.subi %add3A_131, %sub3A_132 : i32
          %rem3A_134 = arith.constant 8 : i32
          %rem3A_135 = arith.remsi %sub3A_133, %rem3A_134 : i32
          %dma_start3A_136 = arith.constant 0 : i32
          %dma_start3A_137 = tpu.memref_slice %arg9[%rem3A_135, %dma_start3A_136] : memref<8x125xf32, #tpu.memory_space<vmem>> -> memref<1x125xf32, #tpu.memory_space<vmem>>
          %dma_start3A_138 = tpu.memref_squeeze %dma_start3A_137 : memref<1x125xf32, #tpu.memory_space<vmem>> -> memref<125xf32, #tpu.memory_space<vmem>>
          %dma_start3A_139 = arith.constant 0 : i32
          %dma_start3A_140 = tpu.memref_slice %arg7[%sub3A_129, %dma_start3A_139] : memref<80x125xi32, #tpu.memory_space<vmem>> -> memref<1x125xi32, #tpu.memory_space<vmem>>
          %dma_start3A_141 = tpu.memref_squeeze %dma_start3A_140 : memref<1x125xi32, #tpu.memory_space<vmem>> -> memref<125xi32, #tpu.memory_space<vmem>>
          %dma_start3A_142 = arith.constant 0 : i32
          %dma_start3A_143 = tpu.memref_slice %arg12[%dma_start3A_142] : memref<51200xf32, #tpu.memory_space<vmem_shared>> -> memref<51200xf32, #tpu.memory_space<vmem_shared>>
          tpu.enqueue_indirect_dma source(%dma_start3A_143 : memref<51200xf32, #tpu.memory_space<vmem_shared>>) target(%dma_start3A_138 : memref<125xf32, #tpu.memory_space<vmem>>) offsets(%dma_start3A_141 : memref<125xi32, #tpu.memory_space<vmem>>) semaphore(%arg13 : memref<!tpu.dma_semaphore, #tpu.memory_space<semaphore_mem>>)
        } else {
        }
        %dma_wait3A_109 = arith.constant 0 : i32
        %dma_wait3A_110 = tpu.memref_slice %arg10[%dma_wait3A_109] : memref<125xf32, #tpu.memory_space<vmem>> -> memref<125xf32, #tpu.memory_space<vmem>>
        %dma_wait3A_111 = arith.constant 0 : i32
        %dma_wait3A_112 = tpu.memref_slice %arg5[%dma_wait3A_111] : memref<51200xf32, #tpu.memory_space<hbm>> -> memref<125xf32, #tpu.memory_space<hbm>>
        %dma_wait3A_113 = arith.constant 0 : i32
        %dma_wait3A_114 = tpu.memref_slice %arg10[%dma_wait3A_113] : memref<125xf32, #tpu.memory_space<vmem>> -> memref<125xf32, #tpu.memory_space<vmem>>
        %dma_wait3A_115 = arith.constant 0 : i32
        %dma_wait3A_116 = tpu.memref_slice %arg5[%dma_wait3A_115] : memref<51200xf32, #tpu.memory_space<hbm>> -> memref<125xf32, #tpu.memory_space<hbm>>
        tpu.wait_dma2 semaphore(%arg13 : memref<!tpu.dma_semaphore, #tpu.memory_space<semaphore_mem>>) src(%dma_wait3A_116 : memref<125xf32, #tpu.memory_space<hbm>>) dst(%dma_wait3A_114 : memref<125xf32, #tpu.memory_space<vmem>>)
        %rem3A = arith.constant 8 : i32
        %rem3A_117 = arith.remsi %scan3A_99, %rem3A : i32
        %dma_start3A_118 = arith.constant 0 : i32
        %dma_start3A_119 = tpu.memref_slice %arg9[%rem3A_117, %dma_start3A_118] : memref<8x125xf32, #tpu.memory_space<vmem>> -> memref<1x125xf32, #tpu.memory_space<vmem>>
        %dma_start3A_120 = tpu.memref_squeeze %dma_start3A_119 : memref<1x125xf32, #tpu.memory_space<vmem>> -> memref<125xf32, #tpu.memory_space<vmem>>
        %dma_start3A_121 = arith.constant 0 : i32
        %dma_start3A_122 = tpu.memref_slice %arg8[%scan3A_99, %dma_start3A_121] : memref<80x125xi32, #tpu.memory_space<vmem>> -> memref<1x125xi32, #tpu.memory_space<vmem>>
        %dma_start3A_123 = tpu.memref_squeeze %dma_start3A_122 : memref<1x125xi32, #tpu.memory_space<vmem>> -> memref<125xi32, #tpu.memory_space<vmem>>
        %dma_start3A_124 = arith.constant 0 : i32
        %dma_start3A_125 = tpu.memref_slice %arg11[%dma_start3A_124] : memref<51200xf32, #tpu.memory_space<vmem_shared>> -> memref<51200xf32, #tpu.memory_space<vmem_shared>>
        tpu.enqueue_indirect_dma source(%dma_start3A_120 : memref<125xf32, #tpu.memory_space<vmem>>) target(%dma_start3A_125 : memref<51200xf32, #tpu.memory_space<vmem_shared>>) offsets(%dma_start3A_123 : memref<125xi32, #tpu.memory_space<vmem>>) semaphore(%arg14 : memref<!tpu.dma_semaphore, #tpu.memory_space<semaphore_mem>>) {add = true}
      }
      %scan3A_91 = arith.constant 80 : i32
      %dma_wait3A = arith.constant 0 : i32
      %dma_wait3A_92 = tpu.memref_slice %arg10[%dma_wait3A] : memref<125xf32, #tpu.memory_space<vmem>> -> memref<125xf32, #tpu.memory_space<vmem>>
      %dma_wait3A_93 = arith.constant 0 : i32
      %dma_wait3A_94 = tpu.memref_slice %arg5[%dma_wait3A_93] : memref<51200xf32, #tpu.memory_space<hbm>> -> memref<125xf32, #tpu.memory_space<hbm>>
      %dma_wait3A_95 = arith.constant 0 : i32
      %dma_wait3A_96 = tpu.memref_slice %arg10[%dma_wait3A_95] : memref<125xf32, #tpu.memory_space<vmem>> -> memref<125xf32, #tpu.memory_space<vmem>>
      %dma_wait3A_97 = arith.constant 0 : i32
      %dma_wait3A_98 = tpu.memref_slice %arg5[%dma_wait3A_97] : memref<51200xf32, #tpu.memory_space<hbm>> -> memref<125xf32, #tpu.memory_space<hbm>>
      tpu.wait_dma2 semaphore(%arg14 : memref<!tpu.dma_semaphore, #tpu.memory_space<semaphore_mem>>) src(%dma_wait3A_98 : memref<125xf32, #tpu.memory_space<hbm>>) dst(%dma_wait3A_96 : memref<125xf32, #tpu.memory_space<vmem>>)
    }
    %scan3A_9 = arith.constant 5 : i32
    %barrier3A_10 = arith.constant 0 : index
    tpu.barrier barrier_id(%barrier3A_10)
    %mul3A_11 = arith.constant 51200 : i32
    %mul3A_12 = arith.muli %arg0, %mul3A_11 : i32
    %add3A_13 = arith.addi %mul3A_12, %mul3A_4 : i32
    "tpu.region"() ({
      %run_scoped3A = tpu.sem_alloc : memref<!tpu.dma_semaphore, #tpu.memory_space<semaphore_mem>>
      %dma_start3A = tpu.memref_slice %arg6[%add3A_13] : memref<102400xf32, #tpu.memory_space<hbm>> -> memref<3200xf32, #tpu.memory_space<hbm>>
      %dma_start3A_14 = tpu.memref_slice %arg11[%mul3A_4] : memref<51200xf32, #tpu.memory_space<vmem_shared>> -> memref<3200xf32, #tpu.memory_space<vmem_shared>>
      tpu.enqueue_dma source(%dma_start3A_14 : memref<3200xf32, #tpu.memory_space<vmem_shared>>) target(%dma_start3A : memref<3200xf32, #tpu.memory_space<hbm>>) target_semaphore(%run_scoped3A : memref<!tpu.dma_semaphore, #tpu.memory_space<semaphore_mem>>)
      %dma_wait3A = tpu.memref_slice %arg6[%add3A_13] : memref<102400xf32, #tpu.memory_space<hbm>> -> memref<3200xf32, #tpu.memory_space<hbm>>
      %dma_wait3A_15 = tpu.memref_slice %arg11[%mul3A_4] : memref<51200xf32, #tpu.memory_space<vmem_shared>> -> memref<3200xf32, #tpu.memory_space<vmem_shared>>
      tpu.wait_dma2 semaphore(%run_scoped3A : memref<!tpu.dma_semaphore, #tpu.memory_space<semaphore_mem>>) src(%dma_wait3A_15 : memref<3200xf32, #tpu.memory_space<vmem_shared>>) dst(%dma_wait3A : memref<3200xf32, #tpu.memory_space<hbm>>)
      tpu.yield
    }) : () -> ()
    return
  }
}

#map = affine_map<(d0, d1) -> (0, 0)>
#map1 = affine_map<(d0, d1) -> (0)>
module attributes {stable_mosaic.version = 14 : i64} {
  func.func @deg_kernel(%arg0: i32, %arg1: i32, %arg2: memref<12800x125xi32, #tpu.memory_space<hbm>>, %arg3: memref<51200xf32, #tpu.memory_space<hbm>>, %arg4: memref<102400xf32, #tpu.memory_space<hbm>>, %arg5: memref<80x125xi32, #tpu.memory_space<vmem>>, %arg6: memref<128xf32, #tpu.memory_space<vmem>>, %arg7: memref<125xf32, #tpu.memory_space<vmem>>, %arg8: memref<51200xf32, #tpu.memory_space<vmem_shared>>, %arg9: memref<!tpu.dma_semaphore, #tpu.memory_space<semaphore_mem>>) attributes {dimension_semantics = [#tpu.dimension_semantics<core_parallel>, #tpu.dimension_semantics<subcore_parallel>], iteration_bounds = array<i64: 2, 16>, scalar_prefetch = 0 : i64, scratch_operands = 5 : i64, tpu.core_type = #tpu.core_type<sc_vector_subcore>, window_params = [{transform_indices = #map}, {transform_indices = #map1}, {transform_indices = #map1}]} {
    %mul3A = arith.constant 16 : i32
    %mul3A_0 = arith.muli %arg0, %mul3A : i32
    %add3A = arith.addi %mul3A_0, %arg1 : i32
    %mul3A_1 = arith.constant 400 : i32
    %mul3A_2 = arith.muli %add3A, %mul3A_1 : i32
    %mul3A_3 = arith.constant 3200 : i32
    %mul3A_4 = arith.muli %arg1, %mul3A_3 : i32
    "tpu.region"() ({
      %run_scoped3A = tpu.sem_alloc : memref<!tpu.dma_semaphore, #tpu.memory_space<semaphore_mem>>
      %dma_start3A = tpu.memref_slice %arg8[%mul3A_4] : memref<51200xf32, #tpu.memory_space<vmem_shared>> -> memref<3200xf32, #tpu.memory_space<vmem_shared>>
      %dma_start3A_60 = tpu.memref_slice %arg3[%mul3A_4] : memref<51200xf32, #tpu.memory_space<hbm>> -> memref<3200xf32, #tpu.memory_space<hbm>>
      tpu.enqueue_dma source(%dma_start3A_60 : memref<3200xf32, #tpu.memory_space<hbm>>) target(%dma_start3A : memref<3200xf32, #tpu.memory_space<vmem_shared>>) target_semaphore(%run_scoped3A : memref<!tpu.dma_semaphore, #tpu.memory_space<semaphore_mem>>)
      %dma_wait3A = tpu.memref_slice %arg8[%mul3A_4] : memref<51200xf32, #tpu.memory_space<vmem_shared>> -> memref<3200xf32, #tpu.memory_space<vmem_shared>>
      %dma_wait3A_61 = tpu.memref_slice %arg3[%mul3A_4] : memref<51200xf32, #tpu.memory_space<hbm>> -> memref<3200xf32, #tpu.memory_space<hbm>>
      tpu.wait_dma2 semaphore(%run_scoped3A : memref<!tpu.dma_semaphore, #tpu.memory_space<semaphore_mem>>) src(%dma_wait3A_61 : memref<3200xf32, #tpu.memory_space<hbm>>) dst(%dma_wait3A : memref<3200xf32, #tpu.memory_space<vmem_shared>>)
      tpu.yield
    }) : () -> ()
    %broadcast_in_dim3A = arith.constant 1.000000e+00 : f32
    %broadcast_in_dim3A_5 = vector.broadcast %broadcast_in_dim3A : f32 to vector<16xf32>
    %swap3A = arith.constant 0 : index
    %swap3A_6 = tpu.vector_load %arg6[%swap3A] {strides = array<i32>} : memref<128xf32, #tpu.memory_space<vmem>>, vector<16xf32>,
    %swap3A_7 = vector.shape_cast %swap3A_6 : vector<16xf32> to vector<16xf32>
    %swap3A_8 = vector.shape_cast %broadcast_in_dim3A_5 : vector<16xf32> to vector<16xf32>
    tpu.vector_store %arg6[%swap3A], %swap3A_8 {strides = array<i32>} : memref<128xf32, #tpu.memory_space<vmem>>, vector<16xf32>,
    %broadcast_in_dim3A_9 = arith.constant 1.000000e+00 : f32
    %broadcast_in_dim3A_10 = vector.broadcast %broadcast_in_dim3A_9 : f32 to vector<16xf32>
    %swap3A_11 = arith.constant 16 : index
    %swap3A_12 = tpu.vector_load %arg6[%swap3A_11] {strides = array<i32>} : memref<128xf32, #tpu.memory_space<vmem>>, vector<16xf32>,
    %swap3A_13 = vector.shape_cast %swap3A_12 : vector<16xf32> to vector<16xf32>
    %swap3A_14 = vector.shape_cast %broadcast_in_dim3A_10 : vector<16xf32> to vector<16xf32>
    tpu.vector_store %arg6[%swap3A_11], %swap3A_14 {strides = array<i32>} : memref<128xf32, #tpu.memory_space<vmem>>, vector<16xf32>,
    %broadcast_in_dim3A_15 = arith.constant 1.000000e+00 : f32
    %broadcast_in_dim3A_16 = vector.broadcast %broadcast_in_dim3A_15 : f32 to vector<16xf32>
    %swap3A_17 = arith.constant 32 : index
    %swap3A_18 = tpu.vector_load %arg6[%swap3A_17] {strides = array<i32>} : memref<128xf32, #tpu.memory_space<vmem>>, vector<16xf32>,
    %swap3A_19 = vector.shape_cast %swap3A_18 : vector<16xf32> to vector<16xf32>
    %swap3A_20 = vector.shape_cast %broadcast_in_dim3A_16 : vector<16xf32> to vector<16xf32>
    tpu.vector_store %arg6[%swap3A_17], %swap3A_20 {strides = array<i32>} : memref<128xf32, #tpu.memory_space<vmem>>, vector<16xf32>,
    %broadcast_in_dim3A_21 = arith.constant 1.000000e+00 : f32
    %broadcast_in_dim3A_22 = vector.broadcast %broadcast_in_dim3A_21 : f32 to vector<16xf32>
    %swap3A_23 = arith.constant 48 : index
    %swap3A_24 = tpu.vector_load %arg6[%swap3A_23] {strides = array<i32>} : memref<128xf32, #tpu.memory_space<vmem>>, vector<16xf32>,
    %swap3A_25 = vector.shape_cast %swap3A_24 : vector<16xf32> to vector<16xf32>
    %swap3A_26 = vector.shape_cast %broadcast_in_dim3A_22 : vector<16xf32> to vector<16xf32>
    tpu.vector_store %arg6[%swap3A_23], %swap3A_26 {strides = array<i32>} : memref<128xf32, #tpu.memory_space<vmem>>, vector<16xf32>,
    %broadcast_in_dim3A_27 = arith.constant 1.000000e+00 : f32
    %broadcast_in_dim3A_28 = vector.broadcast %broadcast_in_dim3A_27 : f32 to vector<16xf32>
    %swap3A_29 = arith.constant 64 : index
    %swap3A_30 = tpu.vector_load %arg6[%swap3A_29] {strides = array<i32>} : memref<128xf32, #tpu.memory_space<vmem>>, vector<16xf32>,
    %swap3A_31 = vector.shape_cast %swap3A_30 : vector<16xf32> to vector<16xf32>
    %swap3A_32 = vector.shape_cast %broadcast_in_dim3A_28 : vector<16xf32> to vector<16xf32>
    tpu.vector_store %arg6[%swap3A_29], %swap3A_32 {strides = array<i32>} : memref<128xf32, #tpu.memory_space<vmem>>, vector<16xf32>,
    %broadcast_in_dim3A_33 = arith.constant 1.000000e+00 : f32
    %broadcast_in_dim3A_34 = vector.broadcast %broadcast_in_dim3A_33 : f32 to vector<16xf32>
    %swap3A_35 = arith.constant 80 : index
    %swap3A_36 = tpu.vector_load %arg6[%swap3A_35] {strides = array<i32>} : memref<128xf32, #tpu.memory_space<vmem>>, vector<16xf32>,
    %swap3A_37 = vector.shape_cast %swap3A_36 : vector<16xf32> to vector<16xf32>
    %swap3A_38 = vector.shape_cast %broadcast_in_dim3A_34 : vector<16xf32> to vector<16xf32>
    tpu.vector_store %arg6[%swap3A_35], %swap3A_38 {strides = array<i32>} : memref<128xf32, #tpu.memory_space<vmem>>, vector<16xf32>,
    %broadcast_in_dim3A_39 = arith.constant 1.000000e+00 : f32
    %broadcast_in_dim3A_40 = vector.broadcast %broadcast_in_dim3A_39 : f32 to vector<16xf32>
    %swap3A_41 = arith.constant 96 : index
    %swap3A_42 = tpu.vector_load %arg6[%swap3A_41] {strides = array<i32>} : memref<128xf32, #tpu.memory_space<vmem>>, vector<16xf32>,
    %swap3A_43 = vector.shape_cast %swap3A_42 : vector<16xf32> to vector<16xf32>
    %swap3A_44 = vector.shape_cast %broadcast_in_dim3A_40 : vector<16xf32> to vector<16xf32>
    tpu.vector_store %arg6[%swap3A_41], %swap3A_44 {strides = array<i32>} : memref<128xf32, #tpu.memory_space<vmem>>, vector<16xf32>,
    %broadcast_in_dim3A_45 = arith.constant 1.000000e+00 : f32
    %broadcast_in_dim3A_46 = vector.broadcast %broadcast_in_dim3A_45 : f32 to vector<16xf32>
    %swap3A_47 = arith.constant 112 : index
    %swap3A_48 = tpu.vector_load %arg6[%swap3A_47] {strides = array<i32>} : memref<128xf32, #tpu.memory_space<vmem>>, vector<16xf32>,
    %swap3A_49 = vector.shape_cast %swap3A_48 : vector<16xf32> to vector<16xf32>
    %swap3A_50 = vector.shape_cast %broadcast_in_dim3A_46 : vector<16xf32> to vector<16xf32>
    tpu.vector_store %arg6[%swap3A_47], %swap3A_50 {strides = array<i32>} : memref<128xf32, #tpu.memory_space<vmem>>, vector<16xf32>,
    %barrier3A = arith.constant 0 : index
    tpu.barrier barrier_id(%barrier3A)
    %scan3A = arith.constant 0 : i32
    %scan3A_51 = arith.constant 0 : i32
    %scan3A_52 = arith.constant 5 : i32
    %scan3A_53 = arith.addi %scan3A_51, %scan3A_52 : i32
    %scan3A_54 = arith.constant 1 : i32
    scf.for %scan3A_60 = %scan3A_51 to %scan3A_53 step %scan3A_54  : i32 {
      %mul3A_61 = arith.constant 80 : i32
      %mul3A_62 = arith.muli %scan3A_60, %mul3A_61 : i32
      %add3A_63 = arith.addi %mul3A_2, %mul3A_62 : i32
      "tpu.region"() ({
        %run_scoped3A = tpu.sem_alloc : memref<!tpu.dma_semaphore, #tpu.memory_space<semaphore_mem>>
        %dma_start3A = arith.constant 0 : i32
        %dma_start3A_76 = tpu.memref_slice %arg2[%add3A_63, %dma_start3A] : memref<12800x125xi32, #tpu.memory_space<hbm>> -> memref<80x125xi32, #tpu.memory_space<hbm>>
        %dma_start3A_77 = arith.constant 0 : i32
        %dma_start3A_78 = tpu.memref_slice %arg2[%add3A_63, %dma_start3A_77] : memref<12800x125xi32, #tpu.memory_space<hbm>> -> memref<80x125xi32, #tpu.memory_space<hbm>>
        tpu.enqueue_dma source(%dma_start3A_78 : memref<80x125xi32, #tpu.memory_space<hbm>>) target(%arg5 : memref<80x125xi32, #tpu.memory_space<vmem>>) target_semaphore(%run_scoped3A : memref<!tpu.dma_semaphore, #tpu.memory_space<semaphore_mem>>)
        %dma_wait3A_79 = arith.constant 0 : i32
        %dma_wait3A_80 = tpu.memref_slice %arg2[%add3A_63, %dma_wait3A_79] : memref<12800x125xi32, #tpu.memory_space<hbm>> -> memref<80x125xi32, #tpu.memory_space<hbm>>
        %dma_wait3A_81 = arith.constant 0 : i32
        %dma_wait3A_82 = tpu.memref_slice %arg2[%add3A_63, %dma_wait3A_81] : memref<12800x125xi32, #tpu.memory_space<hbm>> -> memref<80x125xi32, #tpu.memory_space<hbm>>
        tpu.wait_dma2 semaphore(%run_scoped3A : memref<!tpu.dma_semaphore, #tpu.memory_space<semaphore_mem>>) src(%dma_wait3A_82 : memref<80x125xi32, #tpu.memory_space<hbm>>) dst(%arg5 : memref<80x125xi32, #tpu.memory_space<vmem>>)
        tpu.yield
      }) : () -> ()
      %scan3A_64 = arith.constant 0 : i32
      %scan3A_65 = arith.constant 80 : i32
      %scan3A_66 = arith.addi %scan3A_64, %scan3A_65 : i32
      %scan3A_67 = arith.constant 1 : i32
      scf.for %scan3A_76 = %scan3A_64 to %scan3A_66 step %scan3A_67  : i32 {
        %ge3A = arith.constant 8 : i32
        %ge3A_77 = arith.cmpi sge, %scan3A_76, %ge3A : i32
        %convert_element_type3A = arith.extui %ge3A_77 : i1 to i32
        %cond3A = arith.constant 0 : i32
        %cond3A_78 = arith.cmpi ne, %convert_element_type3A, %cond3A : i32
        scf.if %cond3A_78 {
          %dma_wait3A_85 = arith.constant 0 : i32
          %dma_wait3A_86 = tpu.memref_slice %arg7[%dma_wait3A_85] : memref<125xf32, #tpu.memory_space<vmem>> -> memref<125xf32, #tpu.memory_space<vmem>>
          %dma_wait3A_87 = arith.constant 0 : i32
          %dma_wait3A_88 = tpu.memref_slice %arg3[%dma_wait3A_87] : memref<51200xf32, #tpu.memory_space<hbm>> -> memref<125xf32, #tpu.memory_space<hbm>>
          %dma_wait3A_89 = arith.constant 0 : i32
          %dma_wait3A_90 = tpu.memref_slice %arg7[%dma_wait3A_89] : memref<125xf32, #tpu.memory_space<vmem>> -> memref<125xf32, #tpu.memory_space<vmem>>
          %dma_wait3A_91 = arith.constant 0 : i32
          %dma_wait3A_92 = tpu.memref_slice %arg3[%dma_wait3A_91] : memref<51200xf32, #tpu.memory_space<hbm>> -> memref<125xf32, #tpu.memory_space<hbm>>
          tpu.wait_dma2 semaphore(%arg9 : memref<!tpu.dma_semaphore, #tpu.memory_space<semaphore_mem>>) src(%dma_wait3A_92 : memref<125xf32, #tpu.memory_space<hbm>>) dst(%dma_wait3A_90 : memref<125xf32, #tpu.memory_space<vmem>>)
        } else {
        }
        %dma_start3A = arith.constant 0 : i32
        %dma_start3A_79 = tpu.memref_slice %arg6[%dma_start3A] : memref<128xf32, #tpu.memory_space<vmem>> -> memref<125xf32, #tpu.memory_space<vmem>>
        %dma_start3A_80 = arith.constant 0 : i32
        %dma_start3A_81 = tpu.memref_slice %arg5[%scan3A_76, %dma_start3A_80] : memref<80x125xi32, #tpu.memory_space<vmem>> -> memref<1x125xi32, #tpu.memory_space<vmem>>
        %dma_start3A_82 = tpu.memref_squeeze %dma_start3A_81 : memref<1x125xi32, #tpu.memory_space<vmem>> -> memref<125xi32, #tpu.memory_space<vmem>>
        %dma_start3A_83 = arith.constant 0 : i32
        %dma_start3A_84 = tpu.memref_slice %arg8[%dma_start3A_83] : memref<51200xf32, #tpu.memory_space<vmem_shared>> -> memref<51200xf32, #tpu.memory_space<vmem_shared>>
        tpu.enqueue_indirect_dma source(%dma_start3A_79 : memref<125xf32, #tpu.memory_space<vmem>>) target(%dma_start3A_84 : memref<51200xf32, #tpu.memory_space<vmem_shared>>) offsets(%dma_start3A_82 : memref<125xi32, #tpu.memory_space<vmem>>) semaphore(%arg9 : memref<!tpu.dma_semaphore, #tpu.memory_space<semaphore_mem>>) {add = true}
      }
      %scan3A_68 = arith.constant 80 : i32
      %dma_wait3A = arith.constant 0 : i32
      %dma_wait3A_69 = tpu.memref_slice %arg7[%dma_wait3A] : memref<125xf32, #tpu.memory_space<vmem>> -> memref<1000xf32, #tpu.memory_space<vmem>>
      %dma_wait3A_70 = arith.constant 0 : i32
      %dma_wait3A_71 = tpu.memref_slice %arg3[%dma_wait3A_70] : memref<51200xf32, #tpu.memory_space<hbm>> -> memref<1000xf32, #tpu.memory_space<hbm>>
      %dma_wait3A_72 = arith.constant 0 : i32
      %dma_wait3A_73 = tpu.memref_slice %arg7[%dma_wait3A_72] : memref<125xf32, #tpu.memory_space<vmem>> -> memref<1000xf32, #tpu.memory_space<vmem>>
      %dma_wait3A_74 = arith.constant 0 : i32
      %dma_wait3A_75 = tpu.memref_slice %arg3[%dma_wait3A_74] : memref<51200xf32, #tpu.memory_space<hbm>> -> memref<1000xf32, #tpu.memory_space<hbm>>
      tpu.wait_dma2 semaphore(%arg9 : memref<!tpu.dma_semaphore, #tpu.memory_space<semaphore_mem>>) src(%dma_wait3A_75 : memref<1000xf32, #tpu.memory_space<hbm>>) dst(%dma_wait3A_73 : memref<1000xf32, #tpu.memory_space<vmem>>)
    }
    %scan3A_55 = arith.constant 5 : i32
    %barrier3A_56 = arith.constant 0 : index
    tpu.barrier barrier_id(%barrier3A_56)
    %mul3A_57 = arith.constant 51200 : i32
    %mul3A_58 = arith.muli %arg0, %mul3A_57 : i32
    %add3A_59 = arith.addi %mul3A_58, %mul3A_4 : i32
    "tpu.region"() ({
      %run_scoped3A = tpu.sem_alloc : memref<!tpu.dma_semaphore, #tpu.memory_space<semaphore_mem>>
      %dma_start3A = tpu.memref_slice %arg4[%add3A_59] : memref<102400xf32, #tpu.memory_space<hbm>> -> memref<3200xf32, #tpu.memory_space<hbm>>
      %dma_start3A_60 = tpu.memref_slice %arg8[%mul3A_4] : memref<51200xf32, #tpu.memory_space<vmem_shared>> -> memref<3200xf32, #tpu.memory_space<vmem_shared>>
      tpu.enqueue_dma source(%dma_start3A_60 : memref<3200xf32, #tpu.memory_space<vmem_shared>>) target(%dma_start3A : memref<3200xf32, #tpu.memory_space<hbm>>) target_semaphore(%run_scoped3A : memref<!tpu.dma_semaphore, #tpu.memory_space<semaphore_mem>>)
      %dma_wait3A = tpu.memref_slice %arg4[%add3A_59] : memref<102400xf32, #tpu.memory_space<hbm>> -> memref<3200xf32, #tpu.memory_space<hbm>>
      %dma_wait3A_61 = tpu.memref_slice %arg8[%mul3A_4] : memref<51200xf32, #tpu.memory_space<vmem_shared>> -> memref<3200xf32, #tpu.memory_space<vmem_shared>>
      tpu.wait_dma2 semaphore(%run_scoped3A : memref<!tpu.dma_semaphore, #tpu.memory_space<semaphore_mem>>) src(%dma_wait3A_61 : memref<3200xf32, #tpu.memory_space<vmem_shared>>) dst(%dma_wait3A : memref<3200xf32, #tpu.memory_space<hbm>>)
      tpu.yield
    }) : () -> ()
    return
  }
}

module attributes {stable_mosaic.version = 14 : i64} {
  func.func @_prep_body(%arg0: i32, %arg1: memref<2x12800xf32, #tpu.memory_space<vmem>>, %arg2: memref<12x12800xf32, #tpu.memory_space<vmem>>, %arg3: memref<1x12800xf32, #tpu.memory_space<vmem>>, %arg4: memref<12x12800xf32, #tpu.memory_space<vmem>>) attributes {dimension_semantics = [#tpu.dimension_semantics<arbitrary>], iteration_bounds = array<i64: 4>, scalar_prefetch = 0 : i64, scratch_operands = 0 : i64, tpu.core_type = #tpu.core_type<tc>, window_params = [{transform_indices = @transform_0, window_bounds = array<i64: 2, 12800>}, {transform_indices = @transform_1, window_bounds = array<i64: 12, 12800>}, {transform_indices = @transform_2, window_bounds = array<i64: 1, 12800>}, {transform_indices = @transform_3, window_bounds = array<i64: 12, 12800>}]} {
    %get3A = arith.constant 0 : index
    %get3A_0 = arith.constant 0 : index
    %get3A_1 = vector.load %arg1[%get3A, %get3A_0] : memref<2x12800xf32, #tpu.memory_space<vmem>>, vector<1x12800xf32>
    %get3A_2 = arith.constant 1 : index
    %get3A_3 = arith.constant 0 : index
    %get3A_4 = vector.load %arg1[%get3A_2, %get3A_3] : memref<2x12800xf32, #tpu.memory_space<vmem>>, vector<1x12800xf32>
    %add3A = arith.addf %get3A_1, %get3A_4 : vector<1x12800xf32>
    %add3A_5 = arith.constant 1.000000e+00 : f32
    %add3A_6 = vector.broadcast %add3A_5 : f32 to vector<1x12800xf32>
    %add3A_7 = arith.addf %add3A, %add3A_6 : vector<1x12800xf32>
    %rsqrt3A = math.rsqrt %add3A_7 : vector<1x12800xf32>
    %swap3A = arith.constant 0 : index
    %swap3A_8 = arith.constant 0 : index
    %swap3A_9 = vector.load %arg3[%swap3A, %swap3A_8] : memref<1x12800xf32, #tpu.memory_space<vmem>>, vector<1x12800xf32>
    tpu.vector_store %arg3[%swap3A, %swap3A_8], %rsqrt3A {strides = array<i32>} : memref<1x12800xf32, #tpu.memory_space<vmem>>, vector<1x12800xf32>,
    %get3A_10 = arith.constant 0 : index
    %get3A_11 = arith.constant 0 : index
    %get3A_12 = vector.load %arg2[%get3A_10, %get3A_11] : memref<12x12800xf32, #tpu.memory_space<vmem>>, vector<12x12800xf32>
    %mul3A = vector.broadcast %rsqrt3A : vector<1x12800xf32> to vector<12x12800xf32>
    %mul3A_13 = arith.mulf %mul3A, %get3A_12 : vector<12x12800xf32>
    %swap3A_14 = arith.constant 0 : index
    %swap3A_15 = arith.constant 0 : index
    %swap3A_16 = vector.load %arg4[%swap3A_14, %swap3A_15] : memref<12x12800xf32, #tpu.memory_space<vmem>>, vector<12x12800xf32>
    tpu.vector_store %arg4[%swap3A_14, %swap3A_15], %mul3A_13 {strides = array<i32>} : memref<12x12800xf32, #tpu.memory_space<vmem>>, vector<12x12800xf32>,
    return
  }
  func.func @transform_0(%arg0: i32) -> (i32, i32) {
    %c0_i32 = arith.constant 0 : i32
    %c0_i32_0 = arith.constant 0 : i32
    return %c0_i32, %arg0 : i32, i32
  }
  func.func @transform_1(%arg0: i32) -> (i32, i32) {
    %c0_i32 = arith.constant 0 : i32
    %c0_i32_0 = arith.constant 0 : i32
    return %c0_i32, %arg0 : i32, i32
  }
  func.func @transform_2(%arg0: i32) -> (i32, i32) {
    %c0_i32 = arith.constant 0 : i32
    %c0_i32_0 = arith.constant 0 : i32
    return %c0_i32, %arg0 : i32, i32
  }
  func.func @transform_3(%arg0: i32) -> (i32, i32) {
    %c0_i32 = arith.constant 0 : i32
    %c0_i32_0 = arith.constant 0 : i32
    return %c0_i32, %arg0 : i32, i32
  }
}

module attributes {stable_mosaic.version = 14 : i64} {
  func.func @_gru_body(%arg0: i32, %arg1: memref<24x12800xf32, #tpu.memory_space<vmem>>, %arg2: memref<12x12800xf32, #tpu.memory_space<vmem>>, %arg3: memref<1x12800xf32, #tpu.memory_space<vmem>>, %arg4: memref<32x1xf32, #tpu.memory_space<vmem>>, %arg5: memref<32x1xf32, #tpu.memory_space<vmem>>, %arg6: memref<96x32xf32, #tpu.memory_space<vmem>>, %arg7: memref<96x32xf32, #tpu.memory_space<vmem>>, %arg8: memref<96x1xf32, #tpu.memory_space<vmem>>, %arg9: memref<96x1xf32, #tpu.memory_space<vmem>>, %arg10: memref<1x32xf32, #tpu.memory_space<vmem>>, %arg11: memref<1x12800xf32, #tpu.memory_space<vmem>>) attributes {dimension_semantics = [#tpu.dimension_semantics<arbitrary>], iteration_bounds = array<i64: 4>, scalar_prefetch = 0 : i64, scratch_operands = 0 : i64, tpu.core_type = #tpu.core_type<tc>, window_params = [{transform_indices = @transform_0, window_bounds = array<i64: 24, 12800>}, {transform_indices = @transform_1, window_bounds = array<i64: 12, 12800>}, {transform_indices = @transform_2, window_bounds = array<i64: 1, 12800>}, {pipeline_mode = #tpu.pipeline_mode<synchronous>, transform_indices = @transform_3, window_bounds = array<i64: 32, 1>}, {pipeline_mode = #tpu.pipeline_mode<synchronous>, transform_indices = @transform_4, window_bounds = array<i64: 32, 1>}, {pipeline_mode = #tpu.pipeline_mode<synchronous>, transform_indices = @transform_5, window_bounds = array<i64: 96, 32>}, {pipeline_mode = #tpu.pipeline_mode<synchronous>, transform_indices = @transform_6, window_bounds = array<i64: 96, 32>}, {pipeline_mode = #tpu.pipeline_mode<synchronous>, transform_indices = @transform_7, window_bounds = array<i64: 96, 1>}, {pipeline_mode = #tpu.pipeline_mode<synchronous>, transform_indices = @transform_8, window_bounds = array<i64: 96, 1>}, {pipeline_mode = #tpu.pipeline_mode<synchronous>, transform_indices = @transform_9, window_bounds = array<i64: 1, 32>}, {transform_indices = @transform_10, window_bounds = array<i64: 1, 12800>}]} {
    %get3A = arith.constant 0 : index
    %get3A_0 = arith.constant 0 : index
    %get3A_1 = vector.load %arg3[%get3A, %get3A_0] : memref<1x12800xf32, #tpu.memory_space<vmem>>, vector<1x12800xf32>
    %get3A_2 = arith.constant 0 : index
    %get3A_3 = arith.constant 0 : index
    %get3A_4 = vector.load %arg1[%get3A_2, %get3A_3] : memref<24x12800xf32, #tpu.memory_space<vmem>>, vector<12x12800xf32>
    %get3A_5 = arith.constant 12 : index
    %get3A_6 = arith.constant 0 : index
    %get3A_7 = vector.load %arg1[%get3A_5, %get3A_6] : memref<24x12800xf32, #tpu.memory_space<vmem>>, vector<12x12800xf32>
    %add3A = arith.addf %get3A_4, %get3A_7 : vector<12x12800xf32>
    %get3A_8 = arith.constant 0 : index
    %get3A_9 = arith.constant 0 : index
    %get3A_10 = vector.load %arg2[%get3A_8, %get3A_9] : memref<12x12800xf32, #tpu.memory_space<vmem>>, vector<12x12800xf32>
    %add3A_11 = arith.addf %add3A, %get3A_10 : vector<12x12800xf32>
    %mul3A = vector.broadcast %get3A_1 : vector<1x12800xf32> to vector<12x12800xf32>
    %mul3A_12 = arith.mulf %mul3A, %add3A_11 : vector<12x12800xf32>
    %broadcast_in_dim3A = arith.constant 0.000000e+00 : f32
    %broadcast_in_dim3A_13 = vector.broadcast %broadcast_in_dim3A : f32 to vector<32x12800xf32>
    %get3A_14 = arith.constant 0 : index
    %get3A_15 = arith.constant 0 : index
    %get3A_16 = vector.load %arg4[%get3A_14, %get3A_15] : memref<32x1xf32, #tpu.memory_space<vmem>>, vector<32x1xf32>
    %slice3A = vector.extract_strided_slice %mul3A_12 {offsets = [0, 0], sizes = [1, 12800], strides = [1, 1]} : vector<12x12800xf32> to vector<1x12800xf32>
    %mul3A_17 = vector.broadcast %get3A_16 : vector<32x1xf32> to vector<32x12800xf32>
    %mul3A_18 = vector.broadcast %slice3A : vector<1x12800xf32> to vector<32x12800xf32>
    %mul3A_19 = arith.mulf %mul3A_17, %mul3A_18 : vector<32x12800xf32>
    %get3A_20 = arith.constant 0 : index
    %get3A_21 = arith.constant 0 : index
    %get3A_22 = vector.load %arg5[%get3A_20, %get3A_21] : memref<32x1xf32, #tpu.memory_space<vmem>>, vector<32x1xf32>
    %add3A_23 = vector.broadcast %get3A_22 : vector<32x1xf32> to vector<32x12800xf32>
    %add3A_24 = arith.addf %mul3A_19, %add3A_23 : vector<32x12800xf32>
    %max3A = arith.constant 0.000000e+00 : f32
    %max3A_25 = vector.broadcast %max3A : f32 to vector<32x12800xf32>
    %max3A_26 = arith.maximumf %add3A_24, %max3A_25 : vector<32x12800xf32>
    %get3A_27 = arith.constant 0 : index
    %get3A_28 = arith.constant 0 : index
    %get3A_29 = vector.load %arg6[%get3A_27, %get3A_28] : memref<96x32xf32, #tpu.memory_space<vmem>>, vector<96x32xf32>
    %dot_general3A = arith.constant dense<0.000000e+00> : vector<96x12800xf32>
    %dot_general3A_30 = tpu.matmul %get3A_29, %max3A_26, %dot_general3A {dimension_numbers = #tpu.dot_dimension_numbers<[1], [0], [0], [1], [0, 0, 1, 1], [], []>, transpose_lhs_hint = false} : vector<96x32xf32>, vector<32x12800xf32>, vector<96x12800xf32> -> vector<96x12800xf32>
    %get3A_31 = arith.constant 0 : index
    %get3A_32 = arith.constant 0 : index
    %get3A_33 = vector.load %arg8[%get3A_31, %get3A_32] : memref<96x1xf32, #tpu.memory_space<vmem>>, vector<96x1xf32>
    %add3A_34 = vector.broadcast %get3A_33 : vector<96x1xf32> to vector<96x12800xf32>
    %add3A_35 = arith.addf %dot_general3A_30, %add3A_34 : vector<96x12800xf32>
    %get3A_36 = arith.constant 0 : index
    %get3A_37 = arith.constant 0 : index
    %get3A_38 = vector.load %arg7[%get3A_36, %get3A_37] : memref<96x32xf32, #tpu.memory_space<vmem>>, vector<96x32xf32>
    %dot_general3A_39 = arith.constant dense<0.000000e+00> : vector<96x12800xf32>
    %dot_general3A_40 = tpu.matmul %get3A_38, %broadcast_in_dim3A_13, %dot_general3A_39 {dimension_numbers = #tpu.dot_dimension_numbers<[1], [0], [0], [1], [0, 0, 1, 1], [], []>, transpose_lhs_hint = false} : vector<96x32xf32>, vector<32x12800xf32>, vector<96x12800xf32> -> vector<96x12800xf32>
    %get3A_41 = arith.constant 0 : index
    %get3A_42 = arith.constant 0 : index
    %get3A_43 = vector.load %arg9[%get3A_41, %get3A_42] : memref<96x1xf32, #tpu.memory_space<vmem>>, vector<96x1xf32>
    %add3A_44 = vector.broadcast %get3A_43 : vector<96x1xf32> to vector<96x12800xf32>
    %add3A_45 = arith.addf %dot_general3A_40, %add3A_44 : vector<96x12800xf32>
    %slice3A_46 = vector.extract_strided_slice %add3A_35 {offsets = [0, 0], sizes = [32, 12800], strides = [1, 1]} : vector<96x12800xf32> to vector<32x12800xf32>
    %slice3A_47 = vector.extract_strided_slice %add3A_45 {offsets = [0, 0], sizes = [32, 12800], strides = [1, 1]} : vector<96x12800xf32> to vector<32x12800xf32>
    %add3A_48 = arith.addf %slice3A_46, %slice3A_47 : vector<32x12800xf32>
    %logistic3A = arith.negf %add3A_48 : vector<32x12800xf32>
    %logistic3A_49 = math.exp %logistic3A : vector<32x12800xf32>
    %logistic3A_50 = arith.constant 1.000000e+00 : f32
    %logistic3A_51 = vector.broadcast %logistic3A_50 : f32 to vector<32x12800xf32>
    %logistic3A_52 = arith.addf %logistic3A_51, %logistic3A_49 : vector<32x12800xf32>
    %logistic3A_53 = arith.divf %logistic3A_51, %logistic3A_52 : vector<32x12800xf32>
    %slice3A_54 = vector.extract_strided_slice %add3A_35 {offsets = [32, 0], sizes = [32, 12800], strides = [1, 1]} : vector<96x12800xf32> to vector<32x12800xf32>
    %slice3A_55 = vector.extract_strided_slice %add3A_45 {offsets = [32, 0], sizes = [32, 12800], strides = [1, 1]} : vector<96x12800xf32> to vector<32x12800xf32>
    %add3A_56 = arith.addf %slice3A_54, %slice3A_55 : vector<32x12800xf32>
    %logistic3A_57 = arith.negf %add3A_56 : vector<32x12800xf32>
    %logistic3A_58 = math.exp %logistic3A_57 : vector<32x12800xf32>
    %logistic3A_59 = arith.constant 1.000000e+00 : f32
    %logistic3A_60 = vector.broadcast %logistic3A_59 : f32 to vector<32x12800xf32>
    %logistic3A_61 = arith.addf %logistic3A_60, %logistic3A_58 : vector<32x12800xf32>
    %logistic3A_62 = arith.divf %logistic3A_60, %logistic3A_61 : vector<32x12800xf32>
    %slice3A_63 = vector.extract_strided_slice %add3A_35 {offsets = [64, 0], sizes = [32, 12800], strides = [1, 1]} : vector<96x12800xf32> to vector<32x12800xf32>
    %slice3A_64 = vector.extract_strided_slice %add3A_45 {offsets = [64, 0], sizes = [32, 12800], strides = [1, 1]} : vector<96x12800xf32> to vector<32x12800xf32>
    %mul3A_65 = arith.mulf %logistic3A_53, %slice3A_64 : vector<32x12800xf32>
    %add3A_66 = arith.addf %slice3A_63, %mul3A_65 : vector<32x12800xf32>
    %tanh3A = math.tanh %add3A_66 : vector<32x12800xf32>
    %sub3A = arith.constant 1.000000e+00 : f32
    %sub3A_67 = vector.broadcast %sub3A : f32 to vector<32x12800xf32>
    %sub3A_68 = arith.subf %sub3A_67, %logistic3A_62 : vector<32x12800xf32>
    %mul3A_69 = arith.mulf %sub3A_68, %tanh3A : vector<32x12800xf32>
    %mul3A_70 = arith.mulf %logistic3A_62, %broadcast_in_dim3A_13 : vector<32x12800xf32>
    %add3A_71 = arith.addf %mul3A_69, %mul3A_70 : vector<32x12800xf32>
    %get3A_72 = arith.constant 0 : index
    %get3A_73 = arith.constant 0 : index
    %get3A_74 = vector.load %arg4[%get3A_72, %get3A_73] : memref<32x1xf32, #tpu.memory_space<vmem>>, vector<32x1xf32>
    %slice3A_75 = vector.extract_strided_slice %mul3A_12 {offsets = [1, 0], sizes = [1, 12800], strides = [1, 1]} : vector<12x12800xf32> to vector<1x12800xf32>
    %mul3A_76 = vector.broadcast %get3A_74 : vector<32x1xf32> to vector<32x12800xf32>
    %mul3A_77 = vector.broadcast %slice3A_75 : vector<1x12800xf32> to vector<32x12800xf32>
    %mul3A_78 = arith.mulf %mul3A_76, %mul3A_77 : vector<32x12800xf32>
    %get3A_79 = arith.constant 0 : index
    %get3A_80 = arith.constant 0 : index
    %get3A_81 = vector.load %arg5[%get3A_79, %get3A_80] : memref<32x1xf32, #tpu.memory_space<vmem>>, vector<32x1xf32>
    %add3A_82 = vector.broadcast %get3A_81 : vector<32x1xf32> to vector<32x12800xf32>
    %add3A_83 = arith.addf %mul3A_78, %add3A_82 : vector<32x12800xf32>
    %max3A_84 = arith.constant 0.000000e+00 : f32
    %max3A_85 = vector.broadcast %max3A_84 : f32 to vector<32x12800xf32>
    %max3A_86 = arith.maximumf %add3A_83, %max3A_85 : vector<32x12800xf32>
    %get3A_87 = arith.constant 0 : index
    %get3A_88 = arith.constant 0 : index
    %get3A_89 = vector.load %arg6[%get3A_87, %get3A_88] : memref<96x32xf32, #tpu.memory_space<vmem>>, vector<96x32xf32>
    %dot_general3A_90 = arith.constant dense<0.000000e+00> : vector<96x12800xf32>
    %dot_general3A_91 = tpu.matmul %get3A_89, %max3A_86, %dot_general3A_90 {dimension_numbers = #tpu.dot_dimension_numbers<[1], [0], [0], [1], [0, 0, 1, 1], [], []>, transpose_lhs_hint = false} : vector<96x32xf32>, vector<32x12800xf32>, vector<96x12800xf32> -> vector<96x12800xf32>
    %get3A_92 = arith.constant 0 : index
    %get3A_93 = arith.constant 0 : index
    %get3A_94 = vector.load %arg8[%get3A_92, %get3A_93] : memref<96x1xf32, #tpu.memory_space<vmem>>, vector<96x1xf32>
    %add3A_95 = vector.broadcast %get3A_94 : vector<96x1xf32> to vector<96x12800xf32>
    %add3A_96 = arith.addf %dot_general3A_91, %add3A_95 : vector<96x12800xf32>
    %get3A_97 = arith.constant 0 : index
    %get3A_98 = arith.constant 0 : index
    %get3A_99 = vector.load %arg7[%get3A_97, %get3A_98] : memref<96x32xf32, #tpu.memory_space<vmem>>, vector<96x32xf32>
    %dot_general3A_100 = arith.constant dense<0.000000e+00> : vector<96x12800xf32>
    %dot_general3A_101 = tpu.matmul %get3A_99, %add3A_71, %dot_general3A_100 {dimension_numbers = #tpu.dot_dimension_numbers<[1], [0], [0], [1], [0, 0, 1, 1], [], []>, transpose_lhs_hint = false} : vector<96x32xf32>, vector<32x12800xf32>, vector<96x12800xf32> -> vector<96x12800xf32>
    %get3A_102 = arith.constant 0 : index
    %get3A_103 = arith.constant 0 : index
    %get3A_104 = vector.load %arg9[%get3A_102, %get3A_103] : memref<96x1xf32, #tpu.memory_space<vmem>>, vector<96x1xf32>
    %add3A_105 = vector.broadcast %get3A_104 : vector<96x1xf32> to vector<96x12800xf32>
    %add3A_106 = arith.addf %dot_general3A_101, %add3A_105 : vector<96x12800xf32>
    %slice3A_107 = vector.extract_strided_slice %add3A_96 {offsets = [0, 0], sizes = [32, 12800], strides = [1, 1]} : vector<96x12800xf32> to vector<32x12800xf32>
    %slice3A_108 = vector.extract_strided_slice %add3A_106 {offsets = [0, 0], sizes = [32, 12800], strides = [1, 1]} : vector<96x12800xf32> to vector<32x12800xf32>
    %add3A_109 = arith.addf %slice3A_107, %slice3A_108 : vector<32x12800xf32>
    %logistic3A_110 = arith.negf %add3A_109 : vector<32x12800xf32>
    %logistic3A_111 = math.exp %logistic3A_110 : vector<32x12800xf32>
    %logistic3A_112 = arith.constant 1.000000e+00 : f32
    %logistic3A_113 = vector.broadcast %logistic3A_112 : f32 to vector<32x12800xf32>
    %logistic3A_114 = arith.addf %logistic3A_113, %logistic3A_111 : vector<32x12800xf32>
    %logistic3A_115 = arith.divf %logistic3A_113, %logistic3A_114 : vector<32x12800xf32>
    %slice3A_116 = vector.extract_strided_slice %add3A_96 {offsets = [32, 0], sizes = [32, 12800], strides = [1, 1]} : vector<96x12800xf32> to vector<32x12800xf32>
    %slice3A_117 = vector.extract_strided_slice %add3A_106 {offsets = [32, 0], sizes = [32, 12800], strides = [1, 1]} : vector<96x12800xf32> to vector<32x12800xf32>
    %add3A_118 = arith.addf %slice3A_116, %slice3A_117 : vector<32x12800xf32>
    %logistic3A_119 = arith.negf %add3A_118 : vector<32x12800xf32>
    %logistic3A_120 = math.exp %logistic3A_119 : vector<32x12800xf32>
    %logistic3A_121 = arith.constant 1.000000e+00 : f32
    %logistic3A_122 = vector.broadcast %logistic3A_121 : f32 to vector<32x12800xf32>
    %logistic3A_123 = arith.addf %logistic3A_122, %logistic3A_120 : vector<32x12800xf32>
    %logistic3A_124 = arith.divf %logistic3A_122, %logistic3A_123 : vector<32x12800xf32>
    %slice3A_125 = vector.extract_strided_slice %add3A_96 {offsets = [64, 0], sizes = [32, 12800], strides = [1, 1]} : vector<96x12800xf32> to vector<32x12800xf32>
    %slice3A_126 = vector.extract_strided_slice %add3A_106 {offsets = [64, 0], sizes = [32, 12800], strides = [1, 1]} : vector<96x12800xf32> to vector<32x12800xf32>
    %mul3A_127 = arith.mulf %logistic3A_115, %slice3A_126 : vector<32x12800xf32>
    %add3A_128 = arith.addf %slice3A_125, %mul3A_127 : vector<32x12800xf32>
    %tanh3A_129 = math.tanh %add3A_128 : vector<32x12800xf32>
    %sub3A_130 = arith.constant 1.000000e+00 : f32
    %sub3A_131 = vector.broadcast %sub3A_130 : f32 to vector<32x12800xf32>
    %sub3A_132 = arith.subf %sub3A_131, %logistic3A_124 : vector<32x12800xf32>
    %mul3A_133 = arith.mulf %sub3A_132, %tanh3A_129 : vector<32x12800xf32>
    %mul3A_134 = arith.mulf %logistic3A_124, %add3A_71 : vector<32x12800xf32>
    %add3A_135 = arith.addf %mul3A_133, %mul3A_134 : vector<32x12800xf32>
    %get3A_136 = arith.constant 0 : index
    %get3A_137 = arith.constant 0 : index
    %get3A_138 = vector.load %arg4[%get3A_136, %get3A_137] : memref<32x1xf32, #tpu.memory_space<vmem>>, vector<32x1xf32>
    %slice3A_139 = vector.extract_strided_slice %mul3A_12 {offsets = [2, 0], sizes = [1, 12800], strides = [1, 1]} : vector<12x12800xf32> to vector<1x12800xf32>
    %mul3A_140 = vector.broadcast %get3A_138 : vector<32x1xf32> to vector<32x12800xf32>
    %mul3A_141 = vector.broadcast %slice3A_139 : vector<1x12800xf32> to vector<32x12800xf32>
    %mul3A_142 = arith.mulf %mul3A_140, %mul3A_141 : vector<32x12800xf32>
    %get3A_143 = arith.constant 0 : index
    %get3A_144 = arith.constant 0 : index
    %get3A_145 = vector.load %arg5[%get3A_143, %get3A_144] : memref<32x1xf32, #tpu.memory_space<vmem>>, vector<32x1xf32>
    %add3A_146 = vector.broadcast %get3A_145 : vector<32x1xf32> to vector<32x12800xf32>
    %add3A_147 = arith.addf %mul3A_142, %add3A_146 : vector<32x12800xf32>
    %max3A_148 = arith.constant 0.000000e+00 : f32
    %max3A_149 = vector.broadcast %max3A_148 : f32 to vector<32x12800xf32>
    %max3A_150 = arith.maximumf %add3A_147, %max3A_149 : vector<32x12800xf32>
    %get3A_151 = arith.constant 0 : index
    %get3A_152 = arith.constant 0 : index
    %get3A_153 = vector.load %arg6[%get3A_151, %get3A_152] : memref<96x32xf32, #tpu.memory_space<vmem>>, vector<96x32xf32>
    %dot_general3A_154 = arith.constant dense<0.000000e+00> : vector<96x12800xf32>
    %dot_general3A_155 = tpu.matmul %get3A_153, %max3A_150, %dot_general3A_154 {dimension_numbers = #tpu.dot_dimension_numbers<[1], [0], [0], [1], [0, 0, 1, 1], [], []>, transpose_lhs_hint = false} : vector<96x32xf32>, vector<32x12800xf32>, vector<96x12800xf32> -> vector<96x12800xf32>
    %get3A_156 = arith.constant 0 : index
    %get3A_157 = arith.constant 0 : index
    %get3A_158 = vector.load %arg8[%get3A_156, %get3A_157] : memref<96x1xf32, #tpu.memory_space<vmem>>, vector<96x1xf32>
    %add3A_159 = vector.broadcast %get3A_158 : vector<96x1xf32> to vector<96x12800xf32>
    %add3A_160 = arith.addf %dot_general3A_155, %add3A_159 : vector<96x12800xf32>
    %get3A_161 = arith.constant 0 : index
    %get3A_162 = arith.constant 0 : index
    %get3A_163 = vector.load %arg7[%get3A_161, %get3A_162] : memref<96x32xf32, #tpu.memory_space<vmem>>, vector<96x32xf32>
    %dot_general3A_164 = arith.constant dense<0.000000e+00> : vector<96x12800xf32>
    %dot_general3A_165 = tpu.matmul %get3A_163, %add3A_135, %dot_general3A_164 {dimension_numbers = #tpu.dot_dimension_numbers<[1], [0], [0], [1], [0, 0, 1, 1], [], []>, transpose_lhs_hint = false} : vector<96x32xf32>, vector<32x12800xf32>, vector<96x12800xf32> -> vector<96x12800xf32>
    %get3A_166 = arith.constant 0 : index
    %get3A_167 = arith.constant 0 : index
    %get3A_168 = vector.load %arg9[%get3A_166, %get3A_167] : memref<96x1xf32, #tpu.memory_space<vmem>>, vector<96x1xf32>
    %add3A_169 = vector.broadcast %get3A_168 : vector<96x1xf32> to vector<96x12800xf32>
    %add3A_170 = arith.addf %dot_general3A_165, %add3A_169 : vector<96x12800xf32>
    %slice3A_171 = vector.extract_strided_slice %add3A_160 {offsets = [0, 0], sizes = [32, 12800], strides = [1, 1]} : vector<96x12800xf32> to vector<32x12800xf32>
    %slice3A_172 = vector.extract_strided_slice %add3A_170 {offsets = [0, 0], sizes = [32, 12800], strides = [1, 1]} : vector<96x12800xf32> to vector<32x12800xf32>
    %add3A_173 = arith.addf %slice3A_171, %slice3A_172 : vector<32x12800xf32>
    %logistic3A_174 = arith.negf %add3A_173 : vector<32x12800xf32>
    %logistic3A_175 = math.exp %logistic3A_174 : vector<32x12800xf32>
    %logistic3A_176 = arith.constant 1.000000e+00 : f32
    %logistic3A_177 = vector.broadcast %logistic3A_176 : f32 to vector<32x12800xf32>
    %logistic3A_178 = arith.addf %logistic3A_177, %logistic3A_175 : vector<32x12800xf32>
    %logistic3A_179 = arith.divf %logistic3A_177, %logistic3A_178 : vector<32x12800xf32>
    %slice3A_180 = vector.extract_strided_slice %add3A_160 {offsets = [32, 0], sizes = [32, 12800], strides = [1, 1]} : vector<96x12800xf32> to vector<32x12800xf32>
    %slice3A_181 = vector.extract_strided_slice %add3A_170 {offsets = [32, 0], sizes = [32, 12800], strides = [1, 1]} : vector<96x12800xf32> to vector<32x12800xf32>
    %add3A_182 = arith.addf %slice3A_180, %slice3A_181 : vector<32x12800xf32>
    %logistic3A_183 = arith.negf %add3A_182 : vector<32x12800xf32>
    %logistic3A_184 = math.exp %logistic3A_183 : vector<32x12800xf32>
    %logistic3A_185 = arith.constant 1.000000e+00 : f32
    %logistic3A_186 = vector.broadcast %logistic3A_185 : f32 to vector<32x12800xf32>
    %logistic3A_187 = arith.addf %logistic3A_186, %logistic3A_184 : vector<32x12800xf32>
    %logistic3A_188 = arith.divf %logistic3A_186, %logistic3A_187 : vector<32x12800xf32>
    %slice3A_189 = vector.extract_strided_slice %add3A_160 {offsets = [64, 0], sizes = [32, 12800], strides = [1, 1]} : vector<96x12800xf32> to vector<32x12800xf32>
    %slice3A_190 = vector.extract_strided_slice %add3A_170 {offsets = [64, 0], sizes = [32, 12800], strides = [1, 1]} : vector<96x12800xf32> to vector<32x12800xf32>
    %mul3A_191 = arith.mulf %logistic3A_179, %slice3A_190 : vector<32x12800xf32>
    %add3A_192 = arith.addf %slice3A_189, %mul3A_191 : vector<32x12800xf32>
    %tanh3A_193 = math.tanh %add3A_192 : vector<32x12800xf32>
    %sub3A_194 = arith.constant 1.000000e+00 : f32
    %sub3A_195 = vector.broadcast %sub3A_194 : f32 to vector<32x12800xf32>
    %sub3A_196 = arith.subf %sub3A_195, %logistic3A_188 : vector<32x12800xf32>
    %mul3A_197 = arith.mulf %sub3A_196, %tanh3A_193 : vector<32x12800xf32>
    %mul3A_198 = arith.mulf %logistic3A_188, %add3A_135 : vector<32x12800xf32>
    %add3A_199 = arith.addf %mul3A_197, %mul3A_198 : vector<32x12800xf32>
    %get3A_200 = arith.constant 0 : index
    %get3A_201 = arith.constant 0 : index
    %get3A_202 = vector.load %arg4[%get3A_200, %get3A_201] : memref<32x1xf32, #tpu.memory_space<vmem>>, vector<32x1xf32>
    %slice3A_203 = vector.extract_strided_slice %mul3A_12 {offsets = [3, 0], sizes = [1, 12800], strides = [1, 1]} : vector<12x12800xf32> to vector<1x12800xf32>
    %mul3A_204 = vector.broadcast %get3A_202 : vector<32x1xf32> to vector<32x12800xf32>
    %mul3A_205 = vector.broadcast %slice3A_203 : vector<1x12800xf32> to vector<32x12800xf32>
    %mul3A_206 = arith.mulf %mul3A_204, %mul3A_205 : vector<32x12800xf32>
    %get3A_207 = arith.constant 0 : index
    %get3A_208 = arith.constant 0 : index
    %get3A_209 = vector.load %arg5[%get3A_207, %get3A_208] : memref<32x1xf32, #tpu.memory_space<vmem>>, vector<32x1xf32>
    %add3A_210 = vector.broadcast %get3A_209 : vector<32x1xf32> to vector<32x12800xf32>
    %add3A_211 = arith.addf %mul3A_206, %add3A_210 : vector<32x12800xf32>
    %max3A_212 = arith.constant 0.000000e+00 : f32
    %max3A_213 = vector.broadcast %max3A_212 : f32 to vector<32x12800xf32>
    %max3A_214 = arith.maximumf %add3A_211, %max3A_213 : vector<32x12800xf32>
    %get3A_215 = arith.constant 0 : index
    %get3A_216 = arith.constant 0 : index
    %get3A_217 = vector.load %arg6[%get3A_215, %get3A_216] : memref<96x32xf32, #tpu.memory_space<vmem>>, vector<96x32xf32>
    %dot_general3A_218 = arith.constant dense<0.000000e+00> : vector<96x12800xf32>
    %dot_general3A_219 = tpu.matmul %get3A_217, %max3A_214, %dot_general3A_218 {dimension_numbers = #tpu.dot_dimension_numbers<[1], [0], [0], [1], [0, 0, 1, 1], [], []>, transpose_lhs_hint = false} : vector<96x32xf32>, vector<32x12800xf32>, vector<96x12800xf32> -> vector<96x12800xf32>
    %get3A_220 = arith.constant 0 : index
    %get3A_221 = arith.constant 0 : index
    %get3A_222 = vector.load %arg8[%get3A_220, %get3A_221] : memref<96x1xf32, #tpu.memory_space<vmem>>, vector<96x1xf32>
    %add3A_223 = vector.broadcast %get3A_222 : vector<96x1xf32> to vector<96x12800xf32>
    %add3A_224 = arith.addf %dot_general3A_219, %add3A_223 : vector<96x12800xf32>
    %get3A_225 = arith.constant 0 : index
    %get3A_226 = arith.constant 0 : index
    %get3A_227 = vector.load %arg7[%get3A_225, %get3A_226] : memref<96x32xf32, #tpu.memory_space<vmem>>, vector<96x32xf32>
    %dot_general3A_228 = arith.constant dense<0.000000e+00> : vector<96x12800xf32>
    %dot_general3A_229 = tpu.matmul %get3A_227, %add3A_199, %dot_general3A_228 {dimension_numbers = #tpu.dot_dimension_numbers<[1], [0], [0], [1], [0, 0, 1, 1], [], []>, transpose_lhs_hint = false} : vector<96x32xf32>, vector<32x12800xf32>, vector<96x12800xf32> -> vector<96x12800xf32>
    %get3A_230 = arith.constant 0 : index
    %get3A_231 = arith.constant 0 : index
    %get3A_232 = vector.load %arg9[%get3A_230, %get3A_231] : memref<96x1xf32, #tpu.memory_space<vmem>>, vector<96x1xf32>
    %add3A_233 = vector.broadcast %get3A_232 : vector<96x1xf32> to vector<96x12800xf32>
    %add3A_234 = arith.addf %dot_general3A_229, %add3A_233 : vector<96x12800xf32>
    %slice3A_235 = vector.extract_strided_slice %add3A_224 {offsets = [0, 0], sizes = [32, 12800], strides = [1, 1]} : vector<96x12800xf32> to vector<32x12800xf32>
    %slice3A_236 = vector.extract_strided_slice %add3A_234 {offsets = [0, 0], sizes = [32, 12800], strides = [1, 1]} : vector<96x12800xf32> to vector<32x12800xf32>
    %add3A_237 = arith.addf %slice3A_235, %slice3A_236 : vector<32x12800xf32>
    %logistic3A_238 = arith.negf %add3A_237 : vector<32x12800xf32>
    %logistic3A_239 = math.exp %logistic3A_238 : vector<32x12800xf32>
    %logistic3A_240 = arith.constant 1.000000e+00 : f32
    %logistic3A_241 = vector.broadcast %logistic3A_240 : f32 to vector<32x12800xf32>
    %logistic3A_242 = arith.addf %logistic3A_241, %logistic3A_239 : vector<32x12800xf32>
    %logistic3A_243 = arith.divf %logistic3A_241, %logistic3A_242 : vector<32x12800xf32>
    %slice3A_244 = vector.extract_strided_slice %add3A_224 {offsets = [32, 0], sizes = [32, 12800], strides = [1, 1]} : vector<96x12800xf32> to vector<32x12800xf32>
    %slice3A_245 = vector.extract_strided_slice %add3A_234 {offsets = [32, 0], sizes = [32, 12800], strides = [1, 1]} : vector<96x12800xf32> to vector<32x12800xf32>
    %add3A_246 = arith.addf %slice3A_244, %slice3A_245 : vector<32x12800xf32>
    %logistic3A_247 = arith.negf %add3A_246 : vector<32x12800xf32>
    %logistic3A_248 = math.exp %logistic3A_247 : vector<32x12800xf32>
    %logistic3A_249 = arith.constant 1.000000e+00 : f32
    %logistic3A_250 = vector.broadcast %logistic3A_249 : f32 to vector<32x12800xf32>
    %logistic3A_251 = arith.addf %logistic3A_250, %logistic3A_248 : vector<32x12800xf32>
    %logistic3A_252 = arith.divf %logistic3A_250, %logistic3A_251 : vector<32x12800xf32>
    %slice3A_253 = vector.extract_strided_slice %add3A_224 {offsets = [64, 0], sizes = [32, 12800], strides = [1, 1]} : vector<96x12800xf32> to vector<32x12800xf32>
    %slice3A_254 = vector.extract_strided_slice %add3A_234 {offsets = [64, 0], sizes = [32, 12800], strides = [1, 1]} : vector<96x12800xf32> to vector<32x12800xf32>
    %mul3A_255 = arith.mulf %logistic3A_243, %slice3A_254 : vector<32x12800xf32>
    %add3A_256 = arith.addf %slice3A_253, %mul3A_255 : vector<32x12800xf32>
    %tanh3A_257 = math.tanh %add3A_256 : vector<32x12800xf32>
    %sub3A_258 = arith.constant 1.000000e+00 : f32
    %sub3A_259 = vector.broadcast %sub3A_258 : f32 to vector<32x12800xf32>
    %sub3A_260 = arith.subf %sub3A_259, %logistic3A_252 : vector<32x12800xf32>
    %mul3A_261 = arith.mulf %sub3A_260, %tanh3A_257 : vector<32x12800xf32>
    %mul3A_262 = arith.mulf %logistic3A_252, %add3A_199 : vector<32x12800xf32>
    %add3A_263 = arith.addf %mul3A_261, %mul3A_262 : vector<32x12800xf32>
    %get3A_264 = arith.constant 0 : index
    %get3A_265 = arith.constant 0 : index
    %get3A_266 = vector.load %arg4[%get3A_264, %get3A_265] : memref<32x1xf32, #tpu.memory_space<vmem>>, vector<32x1xf32>
    %slice3A_267 = vector.extract_strided_slice %mul3A_12 {offsets = [4, 0], sizes = [1, 12800], strides = [1, 1]} : vector<12x12800xf32> to vector<1x12800xf32>
    %mul3A_268 = vector.broadcast %get3A_266 : vector<32x1xf32> to vector<32x12800xf32>
    %mul3A_269 = vector.broadcast %slice3A_267 : vector<1x12800xf32> to vector<32x12800xf32>
    %mul3A_270 = arith.mulf %mul3A_268, %mul3A_269 : vector<32x12800xf32>
    %get3A_271 = arith.constant 0 : index
    %get3A_272 = arith.constant 0 : index
    %get3A_273 = vector.load %arg5[%get3A_271, %get3A_272] : memref<32x1xf32, #tpu.memory_space<vmem>>, vector<32x1xf32>
    %add3A_274 = vector.broadcast %get3A_273 : vector<32x1xf32> to vector<32x12800xf32>
    %add3A_275 = arith.addf %mul3A_270, %add3A_274 : vector<32x12800xf32>
    %max3A_276 = arith.constant 0.000000e+00 : f32
    %max3A_277 = vector.broadcast %max3A_276 : f32 to vector<32x12800xf32>
    %max3A_278 = arith.maximumf %add3A_275, %max3A_277 : vector<32x12800xf32>
    %get3A_279 = arith.constant 0 : index
    %get3A_280 = arith.constant 0 : index
    %get3A_281 = vector.load %arg6[%get3A_279, %get3A_280] : memref<96x32xf32, #tpu.memory_space<vmem>>, vector<96x32xf32>
    %dot_general3A_282 = arith.constant dense<0.000000e+00> : vector<96x12800xf32>
    %dot_general3A_283 = tpu.matmul %get3A_281, %max3A_278, %dot_general3A_282 {dimension_numbers = #tpu.dot_dimension_numbers<[1], [0], [0], [1], [0, 0, 1, 1], [], []>, transpose_lhs_hint = false} : vector<96x32xf32>, vector<32x12800xf32>, vector<96x12800xf32> -> vector<96x12800xf32>
    %get3A_284 = arith.constant 0 : index
    %get3A_285 = arith.constant 0 : index
    %get3A_286 = vector.load %arg8[%get3A_284, %get3A_285] : memref<96x1xf32, #tpu.memory_space<vmem>>, vector<96x1xf32>
    %add3A_287 = vector.broadcast %get3A_286 : vector<96x1xf32> to vector<96x12800xf32>
    %add3A_288 = arith.addf %dot_general3A_283, %add3A_287 : vector<96x12800xf32>
    %get3A_289 = arith.constant 0 : index
    %get3A_290 = arith.constant 0 : index
    %get3A_291 = vector.load %arg7[%get3A_289, %get3A_290] : memref<96x32xf32, #tpu.memory_space<vmem>>, vector<96x32xf32>
    %dot_general3A_292 = arith.constant dense<0.000000e+00> : vector<96x12800xf32>
    %dot_general3A_293 = tpu.matmul %get3A_291, %add3A_263, %dot_general3A_292 {dimension_numbers = #tpu.dot_dimension_numbers<[1], [0], [0], [1], [0, 0, 1, 1], [], []>, transpose_lhs_hint = false} : vector<96x32xf32>, vector<32x12800xf32>, vector<96x12800xf32> -> vector<96x12800xf32>
    %get3A_294 = arith.constant 0 : index
    %get3A_295 = arith.constant 0 : index
    %get3A_296 = vector.load %arg9[%get3A_294, %get3A_295] : memref<96x1xf32, #tpu.memory_space<vmem>>, vector<96x1xf32>
    %add3A_297 = vector.broadcast %get3A_296 : vector<96x1xf32> to vector<96x12800xf32>
    %add3A_298 = arith.addf %dot_general3A_293, %add3A_297 : vector<96x12800xf32>
    %slice3A_299 = vector.extract_strided_slice %add3A_288 {offsets = [0, 0], sizes = [32, 12800], strides = [1, 1]} : vector<96x12800xf32> to vector<32x12800xf32>
    %slice3A_300 = vector.extract_strided_slice %add3A_298 {offsets = [0, 0], sizes = [32, 12800], strides = [1, 1]} : vector<96x12800xf32> to vector<32x12800xf32>
    %add3A_301 = arith.addf %slice3A_299, %slice3A_300 : vector<32x12800xf32>
    %logistic3A_302 = arith.negf %add3A_301 : vector<32x12800xf32>
    %logistic3A_303 = math.exp %logistic3A_302 : vector<32x12800xf32>
    %logistic3A_304 = arith.constant 1.000000e+00 : f32
    %logistic3A_305 = vector.broadcast %logistic3A_304 : f32 to vector<32x12800xf32>
    %logistic3A_306 = arith.addf %logistic3A_305, %logistic3A_303 : vector<32x12800xf32>
    %logistic3A_307 = arith.divf %logistic3A_305, %logistic3A_306 : vector<32x12800xf32>
    %slice3A_308 = vector.extract_strided_slice %add3A_288 {offsets = [32, 0], sizes = [32, 12800], strides = [1, 1]} : vector<96x12800xf32> to vector<32x12800xf32>
    %slice3A_309 = vector.extract_strided_slice %add3A_298 {offsets = [32, 0], sizes = [32, 12800], strides = [1, 1]} : vector<96x12800xf32> to vector<32x12800xf32>
    %add3A_310 = arith.addf %slice3A_308, %slice3A_309 : vector<32x12800xf32>
    %logistic3A_311 = arith.negf %add3A_310 : vector<32x12800xf32>
    %logistic3A_312 = math.exp %logistic3A_311 : vector<32x12800xf32>
    %logistic3A_313 = arith.constant 1.000000e+00 : f32
    %logistic3A_314 = vector.broadcast %logistic3A_313 : f32 to vector<32x12800xf32>
    %logistic3A_315 = arith.addf %logistic3A_314, %logistic3A_312 : vector<32x12800xf32>
    %logistic3A_316 = arith.divf %logistic3A_314, %logistic3A_315 : vector<32x12800xf32>
    %slice3A_317 = vector.extract_strided_slice %add3A_288 {offsets = [64, 0], sizes = [32, 12800], strides = [1, 1]} : vector<96x12800xf32> to vector<32x12800xf32>
    %slice3A_318 = vector.extract_strided_slice %add3A_298 {offsets = [64, 0], sizes = [32, 12800], strides = [1, 1]} : vector<96x12800xf32> to vector<32x12800xf32>
    %mul3A_319 = arith.mulf %logistic3A_307, %slice3A_318 : vector<32x12800xf32>
    %add3A_320 = arith.addf %slice3A_317, %mul3A_319 : vector<32x12800xf32>
    %tanh3A_321 = math.tanh %add3A_320 : vector<32x12800xf32>
    %sub3A_322 = arith.constant 1.000000e+00 : f32
    %sub3A_323 = vector.broadcast %sub3A_322 : f32 to vector<32x12800xf32>
    %sub3A_324 = arith.subf %sub3A_323, %logistic3A_316 : vector<32x12800xf32>
    %mul3A_325 = arith.mulf %sub3A_324, %tanh3A_321 : vector<32x12800xf32>
    %mul3A_326 = arith.mulf %logistic3A_316, %add3A_263 : vector<32x12800xf32>
    %add3A_327 = arith.addf %mul3A_325, %mul3A_326 : vector<32x12800xf32>
    %get3A_328 = arith.constant 0 : index
    %get3A_329 = arith.constant 0 : index
    %get3A_330 = vector.load %arg4[%get3A_328, %get3A_329] : memref<32x1xf32, #tpu.memory_space<vmem>>, vector<32x1xf32>
    %slice3A_331 = vector.extract_strided_slice %mul3A_12 {offsets = [5, 0], sizes = [1, 12800], strides = [1, 1]} : vector<12x12800xf32> to vector<1x12800xf32>
    %mul3A_332 = vector.broadcast %get3A_330 : vector<32x1xf32> to vector<32x12800xf32>
    %mul3A_333 = vector.broadcast %slice3A_331 : vector<1x12800xf32> to vector<32x12800xf32>
    %mul3A_334 = arith.mulf %mul3A_332, %mul3A_333 : vector<32x12800xf32>
    %get3A_335 = arith.constant 0 : index
    %get3A_336 = arith.constant 0 : index
    %get3A_337 = vector.load %arg5[%get3A_335, %get3A_336] : memref<32x1xf32, #tpu.memory_space<vmem>>, vector<32x1xf32>
    %add3A_338 = vector.broadcast %get3A_337 : vector<32x1xf32> to vector<32x12800xf32>
    %add3A_339 = arith.addf %mul3A_334, %add3A_338 : vector<32x12800xf32>
    %max3A_340 = arith.constant 0.000000e+00 : f32
    %max3A_341 = vector.broadcast %max3A_340 : f32 to vector<32x12800xf32>
    %max3A_342 = arith.maximumf %add3A_339, %max3A_341 : vector<32x12800xf32>
    %get3A_343 = arith.constant 0 : index
    %get3A_344 = arith.constant 0 : index
    %get3A_345 = vector.load %arg6[%get3A_343, %get3A_344] : memref<96x32xf32, #tpu.memory_space<vmem>>, vector<96x32xf32>
    %dot_general3A_346 = arith.constant dense<0.000000e+00> : vector<96x12800xf32>
    %dot_general3A_347 = tpu.matmul %get3A_345, %max3A_342, %dot_general3A_346 {dimension_numbers = #tpu.dot_dimension_numbers<[1], [0], [0], [1], [0, 0, 1, 1], [], []>, transpose_lhs_hint = false} : vector<96x32xf32>, vector<32x12800xf32>, vector<96x12800xf32> -> vector<96x12800xf32>
    %get3A_348 = arith.constant 0 : index
    %get3A_349 = arith.constant 0 : index
    %get3A_350 = vector.load %arg8[%get3A_348, %get3A_349] : memref<96x1xf32, #tpu.memory_space<vmem>>, vector<96x1xf32>
    %add3A_351 = vector.broadcast %get3A_350 : vector<96x1xf32> to vector<96x12800xf32>
    %add3A_352 = arith.addf %dot_general3A_347, %add3A_351 : vector<96x12800xf32>
    %get3A_353 = arith.constant 0 : index
    %get3A_354 = arith.constant 0 : index
    %get3A_355 = vector.load %arg7[%get3A_353, %get3A_354] : memref<96x32xf32, #tpu.memory_space<vmem>>, vector<96x32xf32>
    %dot_general3A_356 = arith.constant dense<0.000000e+00> : vector<96x12800xf32>
    %dot_general3A_357 = tpu.matmul %get3A_355, %add3A_327, %dot_general3A_356 {dimension_numbers = #tpu.dot_dimension_numbers<[1], [0], [0], [1], [0, 0, 1, 1], [], []>, transpose_lhs_hint = false} : vector<96x32xf32>, vector<32x12800xf32>, vector<96x12800xf32> -> vector<96x12800xf32>
    %get3A_358 = arith.constant 0 : index
    %get3A_359 = arith.constant 0 : index
    %get3A_360 = vector.load %arg9[%get3A_358, %get3A_359] : memref<96x1xf32, #tpu.memory_space<vmem>>, vector<96x1xf32>
    %add3A_361 = vector.broadcast %get3A_360 : vector<96x1xf32> to vector<96x12800xf32>
    %add3A_362 = arith.addf %dot_general3A_357, %add3A_361 : vector<96x12800xf32>
    %slice3A_363 = vector.extract_strided_slice %add3A_352 {offsets = [0, 0], sizes = [32, 12800], strides = [1, 1]} : vector<96x12800xf32> to vector<32x12800xf32>
    %slice3A_364 = vector.extract_strided_slice %add3A_362 {offsets = [0, 0], sizes = [32, 12800], strides = [1, 1]} : vector<96x12800xf32> to vector<32x12800xf32>
    %add3A_365 = arith.addf %slice3A_363, %slice3A_364 : vector<32x12800xf32>
    %logistic3A_366 = arith.negf %add3A_365 : vector<32x12800xf32>
    %logistic3A_367 = math.exp %logistic3A_366 : vector<32x12800xf32>
    %logistic3A_368 = arith.constant 1.000000e+00 : f32
    %logistic3A_369 = vector.broadcast %logistic3A_368 : f32 to vector<32x12800xf32>
    %logistic3A_370 = arith.addf %logistic3A_369, %logistic3A_367 : vector<32x12800xf32>
    %logistic3A_371 = arith.divf %logistic3A_369, %logistic3A_370 : vector<32x12800xf32>
    %slice3A_372 = vector.extract_strided_slice %add3A_352 {offsets = [32, 0], sizes = [32, 12800], strides = [1, 1]} : vector<96x12800xf32> to vector<32x12800xf32>
    %slice3A_373 = vector.extract_strided_slice %add3A_362 {offsets = [32, 0], sizes = [32, 12800], strides = [1, 1]} : vector<96x12800xf32> to vector<32x12800xf32>
    %add3A_374 = arith.addf %slice3A_372, %slice3A_373 : vector<32x12800xf32>
    %logistic3A_375 = arith.negf %add3A_374 : vector<32x12800xf32>
    %logistic3A_376 = math.exp %logistic3A_375 : vector<32x12800xf32>
    %logistic3A_377 = arith.constant 1.000000e+00 : f32
    %logistic3A_378 = vector.broadcast %logistic3A_377 : f32 to vector<32x12800xf32>
    %logistic3A_379 = arith.addf %logistic3A_378, %logistic3A_376 : vector<32x12800xf32>
    %logistic3A_380 = arith.divf %logistic3A_378, %logistic3A_379 : vector<32x12800xf32>
    %slice3A_381 = vector.extract_strided_slice %add3A_352 {offsets = [64, 0], sizes = [32, 12800], strides = [1, 1]} : vector<96x12800xf32> to vector<32x12800xf32>
    %slice3A_382 = vector.extract_strided_slice %add3A_362 {offsets = [64, 0], sizes = [32, 12800], strides = [1, 1]} : vector<96x12800xf32> to vector<32x12800xf32>
    %mul3A_383 = arith.mulf %logistic3A_371, %slice3A_382 : vector<32x12800xf32>
    %add3A_384 = arith.addf %slice3A_381, %mul3A_383 : vector<32x12800xf32>
    %tanh3A_385 = math.tanh %add3A_384 : vector<32x12800xf32>
    %sub3A_386 = arith.constant 1.000000e+00 : f32
    %sub3A_387 = vector.broadcast %sub3A_386 : f32 to vector<32x12800xf32>
    %sub3A_388 = arith.subf %sub3A_387, %logistic3A_380 : vector<32x12800xf32>
    %mul3A_389 = arith.mulf %sub3A_388, %tanh3A_385 : vector<32x12800xf32>
    %mul3A_390 = arith.mulf %logistic3A_380, %add3A_327 : vector<32x12800xf32>
    %add3A_391 = arith.addf %mul3A_389, %mul3A_390 : vector<32x12800xf32>
    %get3A_392 = arith.constant 0 : index
    %get3A_393 = arith.constant 0 : index
    %get3A_394 = vector.load %arg4[%get3A_392, %get3A_393] : memref<32x1xf32, #tpu.memory_space<vmem>>, vector<32x1xf32>
    %slice3A_395 = vector.extract_strided_slice %mul3A_12 {offsets = [6, 0], sizes = [1, 12800], strides = [1, 1]} : vector<12x12800xf32> to vector<1x12800xf32>
    %mul3A_396 = vector.broadcast %get3A_394 : vector<32x1xf32> to vector<32x12800xf32>
    %mul3A_397 = vector.broadcast %slice3A_395 : vector<1x12800xf32> to vector<32x12800xf32>
    %mul3A_398 = arith.mulf %mul3A_396, %mul3A_397 : vector<32x12800xf32>
    %get3A_399 = arith.constant 0 : index
    %get3A_400 = arith.constant 0 : index
    %get3A_401 = vector.load %arg5[%get3A_399, %get3A_400] : memref<32x1xf32, #tpu.memory_space<vmem>>, vector<32x1xf32>
    %add3A_402 = vector.broadcast %get3A_401 : vector<32x1xf32> to vector<32x12800xf32>
    %add3A_403 = arith.addf %mul3A_398, %add3A_402 : vector<32x12800xf32>
    %max3A_404 = arith.constant 0.000000e+00 : f32
    %max3A_405 = vector.broadcast %max3A_404 : f32 to vector<32x12800xf32>
    %max3A_406 = arith.maximumf %add3A_403, %max3A_405 : vector<32x12800xf32>
    %get3A_407 = arith.constant 0 : index
    %get3A_408 = arith.constant 0 : index
    %get3A_409 = vector.load %arg6[%get3A_407, %get3A_408] : memref<96x32xf32, #tpu.memory_space<vmem>>, vector<96x32xf32>
    %dot_general3A_410 = arith.constant dense<0.000000e+00> : vector<96x12800xf32>
    %dot_general3A_411 = tpu.matmul %get3A_409, %max3A_406, %dot_general3A_410 {dimension_numbers = #tpu.dot_dimension_numbers<[1], [0], [0], [1], [0, 0, 1, 1], [], []>, transpose_lhs_hint = false} : vector<96x32xf32>, vector<32x12800xf32>, vector<96x12800xf32> -> vector<96x12800xf32>
    %get3A_412 = arith.constant 0 : index
    %get3A_413 = arith.constant 0 : index
    %get3A_414 = vector.load %arg8[%get3A_412, %get3A_413] : memref<96x1xf32, #tpu.memory_space<vmem>>, vector<96x1xf32>
    %add3A_415 = vector.broadcast %get3A_414 : vector<96x1xf32> to vector<96x12800xf32>
    %add3A_416 = arith.addf %dot_general3A_411, %add3A_415 : vector<96x12800xf32>
    %get3A_417 = arith.constant 0 : index
    %get3A_418 = arith.constant 0 : index
    %get3A_419 = vector.load %arg7[%get3A_417, %get3A_418] : memref<96x32xf32, #tpu.memory_space<vmem>>, vector<96x32xf32>
    %dot_general3A_420 = arith.constant dense<0.000000e+00> : vector<96x12800xf32>
    %dot_general3A_421 = tpu.matmul %get3A_419, %add3A_391, %dot_general3A_420 {dimension_numbers = #tpu.dot_dimension_numbers<[1], [0], [0], [1], [0, 0, 1, 1], [], []>, transpose_lhs_hint = false} : vector<96x32xf32>, vector<32x12800xf32>, vector<96x12800xf32> -> vector<96x12800xf32>
    %get3A_422 = arith.constant 0 : index
    %get3A_423 = arith.constant 0 : index
    %get3A_424 = vector.load %arg9[%get3A_422, %get3A_423] : memref<96x1xf32, #tpu.memory_space<vmem>>, vector<96x1xf32>
    %add3A_425 = vector.broadcast %get3A_424 : vector<96x1xf32> to vector<96x12800xf32>
    %add3A_426 = arith.addf %dot_general3A_421, %add3A_425 : vector<96x12800xf32>
    %slice3A_427 = vector.extract_strided_slice %add3A_416 {offsets = [0, 0], sizes = [32, 12800], strides = [1, 1]} : vector<96x12800xf32> to vector<32x12800xf32>
    %slice3A_428 = vector.extract_strided_slice %add3A_426 {offsets = [0, 0], sizes = [32, 12800], strides = [1, 1]} : vector<96x12800xf32> to vector<32x12800xf32>
    %add3A_429 = arith.addf %slice3A_427, %slice3A_428 : vector<32x12800xf32>
    %logistic3A_430 = arith.negf %add3A_429 : vector<32x12800xf32>
    %logistic3A_431 = math.exp %logistic3A_430 : vector<32x12800xf32>
    %logistic3A_432 = arith.constant 1.000000e+00 : f32
    %logistic3A_433 = vector.broadcast %logistic3A_432 : f32 to vector<32x12800xf32>
    %logistic3A_434 = arith.addf %logistic3A_433, %logistic3A_431 : vector<32x12800xf32>
    %logistic3A_435 = arith.divf %logistic3A_433, %logistic3A_434 : vector<32x12800xf32>
    %slice3A_436 = vector.extract_strided_slice %add3A_416 {offsets = [32, 0], sizes = [32, 12800], strides = [1, 1]} : vector<96x12800xf32> to vector<32x12800xf32>
    %slice3A_437 = vector.extract_strided_slice %add3A_426 {offsets = [32, 0], sizes = [32, 12800], strides = [1, 1]} : vector<96x12800xf32> to vector<32x12800xf32>
    %add3A_438 = arith.addf %slice3A_436, %slice3A_437 : vector<32x12800xf32>
    %logistic3A_439 = arith.negf %add3A_438 : vector<32x12800xf32>
    %logistic3A_440 = math.exp %logistic3A_439 : vector<32x12800xf32>
    %logistic3A_441 = arith.constant 1.000000e+00 : f32
    %logistic3A_442 = vector.broadcast %logistic3A_441 : f32 to vector<32x12800xf32>
    %logistic3A_443 = arith.addf %logistic3A_442, %logistic3A_440 : vector<32x12800xf32>
    %logistic3A_444 = arith.divf %logistic3A_442, %logistic3A_443 : vector<32x12800xf32>
    %slice3A_445 = vector.extract_strided_slice %add3A_416 {offsets = [64, 0], sizes = [32, 12800], strides = [1, 1]} : vector<96x12800xf32> to vector<32x12800xf32>
    %slice3A_446 = vector.extract_strided_slice %add3A_426 {offsets = [64, 0], sizes = [32, 12800], strides = [1, 1]} : vector<96x12800xf32> to vector<32x12800xf32>
    %mul3A_447 = arith.mulf %logistic3A_435, %slice3A_446 : vector<32x12800xf32>
    %add3A_448 = arith.addf %slice3A_445, %mul3A_447 : vector<32x12800xf32>
    %tanh3A_449 = math.tanh %add3A_448 : vector<32x12800xf32>
    %sub3A_450 = arith.constant 1.000000e+00 : f32
    %sub3A_451 = vector.broadcast %sub3A_450 : f32 to vector<32x12800xf32>
    %sub3A_452 = arith.subf %sub3A_451, %logistic3A_444 : vector<32x12800xf32>
    %mul3A_453 = arith.mulf %sub3A_452, %tanh3A_449 : vector<32x12800xf32>
    %mul3A_454 = arith.mulf %logistic3A_444, %add3A_391 : vector<32x12800xf32>
    %add3A_455 = arith.addf %mul3A_453, %mul3A_454 : vector<32x12800xf32>
    %get3A_456 = arith.constant 0 : index
    %get3A_457 = arith.constant 0 : index
    %get3A_458 = vector.load %arg4[%get3A_456, %get3A_457] : memref<32x1xf32, #tpu.memory_space<vmem>>, vector<32x1xf32>
    %slice3A_459 = vector.extract_strided_slice %mul3A_12 {offsets = [7, 0], sizes = [1, 12800], strides = [1, 1]} : vector<12x12800xf32> to vector<1x12800xf32>
    %mul3A_460 = vector.broadcast %get3A_458 : vector<32x1xf32> to vector<32x12800xf32>
    %mul3A_461 = vector.broadcast %slice3A_459 : vector<1x12800xf32> to vector<32x12800xf32>
    %mul3A_462 = arith.mulf %mul3A_460, %mul3A_461 : vector<32x12800xf32>
    %get3A_463 = arith.constant 0 : index
    %get3A_464 = arith.constant 0 : index
    %get3A_465 = vector.load %arg5[%get3A_463, %get3A_464] : memref<32x1xf32, #tpu.memory_space<vmem>>, vector<32x1xf32>
    %add3A_466 = vector.broadcast %get3A_465 : vector<32x1xf32> to vector<32x12800xf32>
    %add3A_467 = arith.addf %mul3A_462, %add3A_466 : vector<32x12800xf32>
    %max3A_468 = arith.constant 0.000000e+00 : f32
    %max3A_469 = vector.broadcast %max3A_468 : f32 to vector<32x12800xf32>
    %max3A_470 = arith.maximumf %add3A_467, %max3A_469 : vector<32x12800xf32>
    %get3A_471 = arith.constant 0 : index
    %get3A_472 = arith.constant 0 : index
    %get3A_473 = vector.load %arg6[%get3A_471, %get3A_472] : memref<96x32xf32, #tpu.memory_space<vmem>>, vector<96x32xf32>
    %dot_general3A_474 = arith.constant dense<0.000000e+00> : vector<96x12800xf32>
    %dot_general3A_475 = tpu.matmul %get3A_473, %max3A_470, %dot_general3A_474 {dimension_numbers = #tpu.dot_dimension_numbers<[1], [0], [0], [1], [0, 0, 1, 1], [], []>, transpose_lhs_hint = false} : vector<96x32xf32>, vector<32x12800xf32>, vector<96x12800xf32> -> vector<96x12800xf32>
    %get3A_476 = arith.constant 0 : index
    %get3A_477 = arith.constant 0 : index
    %get3A_478 = vector.load %arg8[%get3A_476, %get3A_477] : memref<96x1xf32, #tpu.memory_space<vmem>>, vector<96x1xf32>
    %add3A_479 = vector.broadcast %get3A_478 : vector<96x1xf32> to vector<96x12800xf32>
    %add3A_480 = arith.addf %dot_general3A_475, %add3A_479 : vector<96x12800xf32>
    %get3A_481 = arith.constant 0 : index
    %get3A_482 = arith.constant 0 : index
    %get3A_483 = vector.load %arg7[%get3A_481, %get3A_482] : memref<96x32xf32, #tpu.memory_space<vmem>>, vector<96x32xf32>
    %dot_general3A_484 = arith.constant dense<0.000000e+00> : vector<96x12800xf32>
    %dot_general3A_485 = tpu.matmul %get3A_483, %add3A_455, %dot_general3A_484 {dimension_numbers = #tpu.dot_dimension_numbers<[1], [0], [0], [1], [0, 0, 1, 1], [], []>, transpose_lhs_hint = false} : vector<96x32xf32>, vector<32x12800xf32>, vector<96x12800xf32> -> vector<96x12800xf32>
    %get3A_486 = arith.constant 0 : index
    %get3A_487 = arith.constant 0 : index
    %get3A_488 = vector.load %arg9[%get3A_486, %get3A_487] : memref<96x1xf32, #tpu.memory_space<vmem>>, vector<96x1xf32>
    %add3A_489 = vector.broadcast %get3A_488 : vector<96x1xf32> to vector<96x12800xf32>
    %add3A_490 = arith.addf %dot_general3A_485, %add3A_489 : vector<96x12800xf32>
    %slice3A_491 = vector.extract_strided_slice %add3A_480 {offsets = [0, 0], sizes = [32, 12800], strides = [1, 1]} : vector<96x12800xf32> to vector<32x12800xf32>
    %slice3A_492 = vector.extract_strided_slice %add3A_490 {offsets = [0, 0], sizes = [32, 12800], strides = [1, 1]} : vector<96x12800xf32> to vector<32x12800xf32>
    %add3A_493 = arith.addf %slice3A_491, %slice3A_492 : vector<32x12800xf32>
    %logistic3A_494 = arith.negf %add3A_493 : vector<32x12800xf32>
    %logistic3A_495 = math.exp %logistic3A_494 : vector<32x12800xf32>
    %logistic3A_496 = arith.constant 1.000000e+00 : f32
    %logistic3A_497 = vector.broadcast %logistic3A_496 : f32 to vector<32x12800xf32>
    %logistic3A_498 = arith.addf %logistic3A_497, %logistic3A_495 : vector<32x12800xf32>
    %logistic3A_499 = arith.divf %logistic3A_497, %logistic3A_498 : vector<32x12800xf32>
    %slice3A_500 = vector.extract_strided_slice %add3A_480 {offsets = [32, 0], sizes = [32, 12800], strides = [1, 1]} : vector<96x12800xf32> to vector<32x12800xf32>
    %slice3A_501 = vector.extract_strided_slice %add3A_490 {offsets = [32, 0], sizes = [32, 12800], strides = [1, 1]} : vector<96x12800xf32> to vector<32x12800xf32>
    %add3A_502 = arith.addf %slice3A_500, %slice3A_501 : vector<32x12800xf32>
    %logistic3A_503 = arith.negf %add3A_502 : vector<32x12800xf32>
    %logistic3A_504 = math.exp %logistic3A_503 : vector<32x12800xf32>
    %logistic3A_505 = arith.constant 1.000000e+00 : f32
    %logistic3A_506 = vector.broadcast %logistic3A_505 : f32 to vector<32x12800xf32>
    %logistic3A_507 = arith.addf %logistic3A_506, %logistic3A_504 : vector<32x12800xf32>
    %logistic3A_508 = arith.divf %logistic3A_506, %logistic3A_507 : vector<32x12800xf32>
    %slice3A_509 = vector.extract_strided_slice %add3A_480 {offsets = [64, 0], sizes = [32, 12800], strides = [1, 1]} : vector<96x12800xf32> to vector<32x12800xf32>
    %slice3A_510 = vector.extract_strided_slice %add3A_490 {offsets = [64, 0], sizes = [32, 12800], strides = [1, 1]} : vector<96x12800xf32> to vector<32x12800xf32>
    %mul3A_511 = arith.mulf %logistic3A_499, %slice3A_510 : vector<32x12800xf32>
    %add3A_512 = arith.addf %slice3A_509, %mul3A_511 : vector<32x12800xf32>
    %tanh3A_513 = math.tanh %add3A_512 : vector<32x12800xf32>
    %sub3A_514 = arith.constant 1.000000e+00 : f32
    %sub3A_515 = vector.broadcast %sub3A_514 : f32 to vector<32x12800xf32>
    %sub3A_516 = arith.subf %sub3A_515, %logistic3A_508 : vector<32x12800xf32>
    %mul3A_517 = arith.mulf %sub3A_516, %tanh3A_513 : vector<32x12800xf32>
    %mul3A_518 = arith.mulf %logistic3A_508, %add3A_455 : vector<32x12800xf32>
    %add3A_519 = arith.addf %mul3A_517, %mul3A_518 : vector<32x12800xf32>
    %get3A_520 = arith.constant 0 : index
    %get3A_521 = arith.constant 0 : index
    %get3A_522 = vector.load %arg4[%get3A_520, %get3A_521] : memref<32x1xf32, #tpu.memory_space<vmem>>, vector<32x1xf32>
    %slice3A_523 = vector.extract_strided_slice %mul3A_12 {offsets = [8, 0], sizes = [1, 12800], strides = [1, 1]} : vector<12x12800xf32> to vector<1x12800xf32>
    %mul3A_524 = vector.broadcast %get3A_522 : vector<32x1xf32> to vector<32x12800xf32>
    %mul3A_525 = vector.broadcast %slice3A_523 : vector<1x12800xf32> to vector<32x12800xf32>
    %mul3A_526 = arith.mulf %mul3A_524, %mul3A_525 : vector<32x12800xf32>
    %get3A_527 = arith.constant 0 : index
    %get3A_528 = arith.constant 0 : index
    %get3A_529 = vector.load %arg5[%get3A_527, %get3A_528] : memref<32x1xf32, #tpu.memory_space<vmem>>, vector<32x1xf32>
    %add3A_530 = vector.broadcast %get3A_529 : vector<32x1xf32> to vector<32x12800xf32>
    %add3A_531 = arith.addf %mul3A_526, %add3A_530 : vector<32x12800xf32>
    %max3A_532 = arith.constant 0.000000e+00 : f32
    %max3A_533 = vector.broadcast %max3A_532 : f32 to vector<32x12800xf32>
    %max3A_534 = arith.maximumf %add3A_531, %max3A_533 : vector<32x12800xf32>
    %get3A_535 = arith.constant 0 : index
    %get3A_536 = arith.constant 0 : index
    %get3A_537 = vector.load %arg6[%get3A_535, %get3A_536] : memref<96x32xf32, #tpu.memory_space<vmem>>, vector<96x32xf32>
    %dot_general3A_538 = arith.constant dense<0.000000e+00> : vector<96x12800xf32>
    %dot_general3A_539 = tpu.matmul %get3A_537, %max3A_534, %dot_general3A_538 {dimension_numbers = #tpu.dot_dimension_numbers<[1], [0], [0], [1], [0, 0, 1, 1], [], []>, transpose_lhs_hint = false} : vector<96x32xf32>, vector<32x12800xf32>, vector<96x12800xf32> -> vector<96x12800xf32>
    %get3A_540 = arith.constant 0 : index
    %get3A_541 = arith.constant 0 : index
    %get3A_542 = vector.load %arg8[%get3A_540, %get3A_541] : memref<96x1xf32, #tpu.memory_space<vmem>>, vector<96x1xf32>
    %add3A_543 = vector.broadcast %get3A_542 : vector<96x1xf32> to vector<96x12800xf32>
    %add3A_544 = arith.addf %dot_general3A_539, %add3A_543 : vector<96x12800xf32>
    %get3A_545 = arith.constant 0 : index
    %get3A_546 = arith.constant 0 : index
    %get3A_547 = vector.load %arg7[%get3A_545, %get3A_546] : memref<96x32xf32, #tpu.memory_space<vmem>>, vector<96x32xf32>
    %dot_general3A_548 = arith.constant dense<0.000000e+00> : vector<96x12800xf32>
    %dot_general3A_549 = tpu.matmul %get3A_547, %add3A_519, %dot_general3A_548 {dimension_numbers = #tpu.dot_dimension_numbers<[1], [0], [0], [1], [0, 0, 1, 1], [], []>, transpose_lhs_hint = false} : vector<96x32xf32>, vector<32x12800xf32>, vector<96x12800xf32> -> vector<96x12800xf32>
    %get3A_550 = arith.constant 0 : index
    %get3A_551 = arith.constant 0 : index
    %get3A_552 = vector.load %arg9[%get3A_550, %get3A_551] : memref<96x1xf32, #tpu.memory_space<vmem>>, vector<96x1xf32>
    %add3A_553 = vector.broadcast %get3A_552 : vector<96x1xf32> to vector<96x12800xf32>
    %add3A_554 = arith.addf %dot_general3A_549, %add3A_553 : vector<96x12800xf32>
    %slice3A_555 = vector.extract_strided_slice %add3A_544 {offsets = [0, 0], sizes = [32, 12800], strides = [1, 1]} : vector<96x12800xf32> to vector<32x12800xf32>
    %slice3A_556 = vector.extract_strided_slice %add3A_554 {offsets = [0, 0], sizes = [32, 12800], strides = [1, 1]} : vector<96x12800xf32> to vector<32x12800xf32>
    %add3A_557 = arith.addf %slice3A_555, %slice3A_556 : vector<32x12800xf32>
    %logistic3A_558 = arith.negf %add3A_557 : vector<32x12800xf32>
    %logistic3A_559 = math.exp %logistic3A_558 : vector<32x12800xf32>
    %logistic3A_560 = arith.constant 1.000000e+00 : f32
    %logistic3A_561 = vector.broadcast %logistic3A_560 : f32 to vector<32x12800xf32>
    %logistic3A_562 = arith.addf %logistic3A_561, %logistic3A_559 : vector<32x12800xf32>
    %logistic3A_563 = arith.divf %logistic3A_561, %logistic3A_562 : vector<32x12800xf32>
    %slice3A_564 = vector.extract_strided_slice %add3A_544 {offsets = [32, 0], sizes = [32, 12800], strides = [1, 1]} : vector<96x12800xf32> to vector<32x12800xf32>
    %slice3A_565 = vector.extract_strided_slice %add3A_554 {offsets = [32, 0], sizes = [32, 12800], strides = [1, 1]} : vector<96x12800xf32> to vector<32x12800xf32>
    %add3A_566 = arith.addf %slice3A_564, %slice3A_565 : vector<32x12800xf32>
    %logistic3A_567 = arith.negf %add3A_566 : vector<32x12800xf32>
    %logistic3A_568 = math.exp %logistic3A_567 : vector<32x12800xf32>
    %logistic3A_569 = arith.constant 1.000000e+00 : f32
    %logistic3A_570 = vector.broadcast %logistic3A_569 : f32 to vector<32x12800xf32>
    %logistic3A_571 = arith.addf %logistic3A_570, %logistic3A_568 : vector<32x12800xf32>
    %logistic3A_572 = arith.divf %logistic3A_570, %logistic3A_571 : vector<32x12800xf32>
    %slice3A_573 = vector.extract_strided_slice %add3A_544 {offsets = [64, 0], sizes = [32, 12800], strides = [1, 1]} : vector<96x12800xf32> to vector<32x12800xf32>
    %slice3A_574 = vector.extract_strided_slice %add3A_554 {offsets = [64, 0], sizes = [32, 12800], strides = [1, 1]} : vector<96x12800xf32> to vector<32x12800xf32>
    %mul3A_575 = arith.mulf %logistic3A_563, %slice3A_574 : vector<32x12800xf32>
    %add3A_576 = arith.addf %slice3A_573, %mul3A_575 : vector<32x12800xf32>
    %tanh3A_577 = math.tanh %add3A_576 : vector<32x12800xf32>
    %sub3A_578 = arith.constant 1.000000e+00 : f32
    %sub3A_579 = vector.broadcast %sub3A_578 : f32 to vector<32x12800xf32>
    %sub3A_580 = arith.subf %sub3A_579, %logistic3A_572 : vector<32x12800xf32>
    %mul3A_581 = arith.mulf %sub3A_580, %tanh3A_577 : vector<32x12800xf32>
    %mul3A_582 = arith.mulf %logistic3A_572, %add3A_519 : vector<32x12800xf32>
    %add3A_583 = arith.addf %mul3A_581, %mul3A_582 : vector<32x12800xf32>
    %get3A_584 = arith.constant 0 : index
    %get3A_585 = arith.constant 0 : index
    %get3A_586 = vector.load %arg4[%get3A_584, %get3A_585] : memref<32x1xf32, #tpu.memory_space<vmem>>, vector<32x1xf32>
    %slice3A_587 = vector.extract_strided_slice %mul3A_12 {offsets = [9, 0], sizes = [1, 12800], strides = [1, 1]} : vector<12x12800xf32> to vector<1x12800xf32>
    %mul3A_588 = vector.broadcast %get3A_586 : vector<32x1xf32> to vector<32x12800xf32>
    %mul3A_589 = vector.broadcast %slice3A_587 : vector<1x12800xf32> to vector<32x12800xf32>
    %mul3A_590 = arith.mulf %mul3A_588, %mul3A_589 : vector<32x12800xf32>
    %get3A_591 = arith.constant 0 : index
    %get3A_592 = arith.constant 0 : index
    %get3A_593 = vector.load %arg5[%get3A_591, %get3A_592] : memref<32x1xf32, #tpu.memory_space<vmem>>, vector<32x1xf32>
    %add3A_594 = vector.broadcast %get3A_593 : vector<32x1xf32> to vector<32x12800xf32>
    %add3A_595 = arith.addf %mul3A_590, %add3A_594 : vector<32x12800xf32>
    %max3A_596 = arith.constant 0.000000e+00 : f32
    %max3A_597 = vector.broadcast %max3A_596 : f32 to vector<32x12800xf32>
    %max3A_598 = arith.maximumf %add3A_595, %max3A_597 : vector<32x12800xf32>
    %get3A_599 = arith.constant 0 : index
    %get3A_600 = arith.constant 0 : index
    %get3A_601 = vector.load %arg6[%get3A_599, %get3A_600] : memref<96x32xf32, #tpu.memory_space<vmem>>, vector<96x32xf32>
    %dot_general3A_602 = arith.constant dense<0.000000e+00> : vector<96x12800xf32>
    %dot_general3A_603 = tpu.matmul %get3A_601, %max3A_598, %dot_general3A_602 {dimension_numbers = #tpu.dot_dimension_numbers<[1], [0], [0], [1], [0, 0, 1, 1], [], []>, transpose_lhs_hint = false} : vector<96x32xf32>, vector<32x12800xf32>, vector<96x12800xf32> -> vector<96x12800xf32>
    %get3A_604 = arith.constant 0 : index
    %get3A_605 = arith.constant 0 : index
    %get3A_606 = vector.load %arg8[%get3A_604, %get3A_605] : memref<96x1xf32, #tpu.memory_space<vmem>>, vector<96x1xf32>
    %add3A_607 = vector.broadcast %get3A_606 : vector<96x1xf32> to vector<96x12800xf32>
    %add3A_608 = arith.addf %dot_general3A_603, %add3A_607 : vector<96x12800xf32>
    %get3A_609 = arith.constant 0 : index
    %get3A_610 = arith.constant 0 : index
    %get3A_611 = vector.load %arg7[%get3A_609, %get3A_610] : memref<96x32xf32, #tpu.memory_space<vmem>>, vector<96x32xf32>
    %dot_general3A_612 = arith.constant dense<0.000000e+00> : vector<96x12800xf32>
    %dot_general3A_613 = tpu.matmul %get3A_611, %add3A_583, %dot_general3A_612 {dimension_numbers = #tpu.dot_dimension_numbers<[1], [0], [0], [1], [0, 0, 1, 1], [], []>, transpose_lhs_hint = false} : vector<96x32xf32>, vector<32x12800xf32>, vector<96x12800xf32> -> vector<96x12800xf32>
    %get3A_614 = arith.constant 0 : index
    %get3A_615 = arith.constant 0 : index
    %get3A_616 = vector.load %arg9[%get3A_614, %get3A_615] : memref<96x1xf32, #tpu.memory_space<vmem>>, vector<96x1xf32>
    %add3A_617 = vector.broadcast %get3A_616 : vector<96x1xf32> to vector<96x12800xf32>
    %add3A_618 = arith.addf %dot_general3A_613, %add3A_617 : vector<96x12800xf32>
    %slice3A_619 = vector.extract_strided_slice %add3A_608 {offsets = [0, 0], sizes = [32, 12800], strides = [1, 1]} : vector<96x12800xf32> to vector<32x12800xf32>
    %slice3A_620 = vector.extract_strided_slice %add3A_618 {offsets = [0, 0], sizes = [32, 12800], strides = [1, 1]} : vector<96x12800xf32> to vector<32x12800xf32>
    %add3A_621 = arith.addf %slice3A_619, %slice3A_620 : vector<32x12800xf32>
    %logistic3A_622 = arith.negf %add3A_621 : vector<32x12800xf32>
    %logistic3A_623 = math.exp %logistic3A_622 : vector<32x12800xf32>
    %logistic3A_624 = arith.constant 1.000000e+00 : f32
    %logistic3A_625 = vector.broadcast %logistic3A_624 : f32 to vector<32x12800xf32>
    %logistic3A_626 = arith.addf %logistic3A_625, %logistic3A_623 : vector<32x12800xf32>
    %logistic3A_627 = arith.divf %logistic3A_625, %logistic3A_626 : vector<32x12800xf32>
    %slice3A_628 = vector.extract_strided_slice %add3A_608 {offsets = [32, 0], sizes = [32, 12800], strides = [1, 1]} : vector<96x12800xf32> to vector<32x12800xf32>
    %slice3A_629 = vector.extract_strided_slice %add3A_618 {offsets = [32, 0], sizes = [32, 12800], strides = [1, 1]} : vector<96x12800xf32> to vector<32x12800xf32>
    %add3A_630 = arith.addf %slice3A_628, %slice3A_629 : vector<32x12800xf32>
    %logistic3A_631 = arith.negf %add3A_630 : vector<32x12800xf32>
    %logistic3A_632 = math.exp %logistic3A_631 : vector<32x12800xf32>
    %logistic3A_633 = arith.constant 1.000000e+00 : f32
    %logistic3A_634 = vector.broadcast %logistic3A_633 : f32 to vector<32x12800xf32>
    %logistic3A_635 = arith.addf %logistic3A_634, %logistic3A_632 : vector<32x12800xf32>
    %logistic3A_636 = arith.divf %logistic3A_634, %logistic3A_635 : vector<32x12800xf32>
    %slice3A_637 = vector.extract_strided_slice %add3A_608 {offsets = [64, 0], sizes = [32, 12800], strides = [1, 1]} : vector<96x12800xf32> to vector<32x12800xf32>
    %slice3A_638 = vector.extract_strided_slice %add3A_618 {offsets = [64, 0], sizes = [32, 12800], strides = [1, 1]} : vector<96x12800xf32> to vector<32x12800xf32>
    %mul3A_639 = arith.mulf %logistic3A_627, %slice3A_638 : vector<32x12800xf32>
    %add3A_640 = arith.addf %slice3A_637, %mul3A_639 : vector<32x12800xf32>
    %tanh3A_641 = math.tanh %add3A_640 : vector<32x12800xf32>
    %sub3A_642 = arith.constant 1.000000e+00 : f32
    %sub3A_643 = vector.broadcast %sub3A_642 : f32 to vector<32x12800xf32>
    %sub3A_644 = arith.subf %sub3A_643, %logistic3A_636 : vector<32x12800xf32>
    %mul3A_645 = arith.mulf %sub3A_644, %tanh3A_641 : vector<32x12800xf32>
    %mul3A_646 = arith.mulf %logistic3A_636, %add3A_583 : vector<32x12800xf32>
    %add3A_647 = arith.addf %mul3A_645, %mul3A_646 : vector<32x12800xf32>
    %get3A_648 = arith.constant 0 : index
    %get3A_649 = arith.constant 0 : index
    %get3A_650 = vector.load %arg4[%get3A_648, %get3A_649] : memref<32x1xf32, #tpu.memory_space<vmem>>, vector<32x1xf32>
    %slice3A_651 = vector.extract_strided_slice %mul3A_12 {offsets = [10, 0], sizes = [1, 12800], strides = [1, 1]} : vector<12x12800xf32> to vector<1x12800xf32>
    %mul3A_652 = vector.broadcast %get3A_650 : vector<32x1xf32> to vector<32x12800xf32>
    %mul3A_653 = vector.broadcast %slice3A_651 : vector<1x12800xf32> to vector<32x12800xf32>
    %mul3A_654 = arith.mulf %mul3A_652, %mul3A_653 : vector<32x12800xf32>
    %get3A_655 = arith.constant 0 : index
    %get3A_656 = arith.constant 0 : index
    %get3A_657 = vector.load %arg5[%get3A_655, %get3A_656] : memref<32x1xf32, #tpu.memory_space<vmem>>, vector<32x1xf32>
    %add3A_658 = vector.broadcast %get3A_657 : vector<32x1xf32> to vector<32x12800xf32>
    %add3A_659 = arith.addf %mul3A_654, %add3A_658 : vector<32x12800xf32>
    %max3A_660 = arith.constant 0.000000e+00 : f32
    %max3A_661 = vector.broadcast %max3A_660 : f32 to vector<32x12800xf32>
    %max3A_662 = arith.maximumf %add3A_659, %max3A_661 : vector<32x12800xf32>
    %get3A_663 = arith.constant 0 : index
    %get3A_664 = arith.constant 0 : index
    %get3A_665 = vector.load %arg6[%get3A_663, %get3A_664] : memref<96x32xf32, #tpu.memory_space<vmem>>, vector<96x32xf32>
    %dot_general3A_666 = arith.constant dense<0.000000e+00> : vector<96x12800xf32>
    %dot_general3A_667 = tpu.matmul %get3A_665, %max3A_662, %dot_general3A_666 {dimension_numbers = #tpu.dot_dimension_numbers<[1], [0], [0], [1], [0, 0, 1, 1], [], []>, transpose_lhs_hint = false} : vector<96x32xf32>, vector<32x12800xf32>, vector<96x12800xf32> -> vector<96x12800xf32>
    %get3A_668 = arith.constant 0 : index
    %get3A_669 = arith.constant 0 : index
    %get3A_670 = vector.load %arg8[%get3A_668, %get3A_669] : memref<96x1xf32, #tpu.memory_space<vmem>>, vector<96x1xf32>
    %add3A_671 = vector.broadcast %get3A_670 : vector<96x1xf32> to vector<96x12800xf32>
    %add3A_672 = arith.addf %dot_general3A_667, %add3A_671 : vector<96x12800xf32>
    %get3A_673 = arith.constant 0 : index
    %get3A_674 = arith.constant 0 : index
    %get3A_675 = vector.load %arg7[%get3A_673, %get3A_674] : memref<96x32xf32, #tpu.memory_space<vmem>>, vector<96x32xf32>
    %dot_general3A_676 = arith.constant dense<0.000000e+00> : vector<96x12800xf32>
    %dot_general3A_677 = tpu.matmul %get3A_675, %add3A_647, %dot_general3A_676 {dimension_numbers = #tpu.dot_dimension_numbers<[1], [0], [0], [1], [0, 0, 1, 1], [], []>, transpose_lhs_hint = false} : vector<96x32xf32>, vector<32x12800xf32>, vector<96x12800xf32> -> vector<96x12800xf32>
    %get3A_678 = arith.constant 0 : index
    %get3A_679 = arith.constant 0 : index
    %get3A_680 = vector.load %arg9[%get3A_678, %get3A_679] : memref<96x1xf32, #tpu.memory_space<vmem>>, vector<96x1xf32>
    %add3A_681 = vector.broadcast %get3A_680 : vector<96x1xf32> to vector<96x12800xf32>
    %add3A_682 = arith.addf %dot_general3A_677, %add3A_681 : vector<96x12800xf32>
    %slice3A_683 = vector.extract_strided_slice %add3A_672 {offsets = [0, 0], sizes = [32, 12800], strides = [1, 1]} : vector<96x12800xf32> to vector<32x12800xf32>
    %slice3A_684 = vector.extract_strided_slice %add3A_682 {offsets = [0, 0], sizes = [32, 12800], strides = [1, 1]} : vector<96x12800xf32> to vector<32x12800xf32>
    %add3A_685 = arith.addf %slice3A_683, %slice3A_684 : vector<32x12800xf32>
    %logistic3A_686 = arith.negf %add3A_685 : vector<32x12800xf32>
    %logistic3A_687 = math.exp %logistic3A_686 : vector<32x12800xf32>
    %logistic3A_688 = arith.constant 1.000000e+00 : f32
    %logistic3A_689 = vector.broadcast %logistic3A_688 : f32 to vector<32x12800xf32>
    %logistic3A_690 = arith.addf %logistic3A_689, %logistic3A_687 : vector<32x12800xf32>
    %logistic3A_691 = arith.divf %logistic3A_689, %logistic3A_690 : vector<32x12800xf32>
    %slice3A_692 = vector.extract_strided_slice %add3A_672 {offsets = [32, 0], sizes = [32, 12800], strides = [1, 1]} : vector<96x12800xf32> to vector<32x12800xf32>
    %slice3A_693 = vector.extract_strided_slice %add3A_682 {offsets = [32, 0], sizes = [32, 12800], strides = [1, 1]} : vector<96x12800xf32> to vector<32x12800xf32>
    %add3A_694 = arith.addf %slice3A_692, %slice3A_693 : vector<32x12800xf32>
    %logistic3A_695 = arith.negf %add3A_694 : vector<32x12800xf32>
    %logistic3A_696 = math.exp %logistic3A_695 : vector<32x12800xf32>
    %logistic3A_697 = arith.constant 1.000000e+00 : f32
    %logistic3A_698 = vector.broadcast %logistic3A_697 : f32 to vector<32x12800xf32>
    %logistic3A_699 = arith.addf %logistic3A_698, %logistic3A_696 : vector<32x12800xf32>
    %logistic3A_700 = arith.divf %logistic3A_698, %logistic3A_699 : vector<32x12800xf32>
    %slice3A_701 = vector.extract_strided_slice %add3A_672 {offsets = [64, 0], sizes = [32, 12800], strides = [1, 1]} : vector<96x12800xf32> to vector<32x12800xf32>
    %slice3A_702 = vector.extract_strided_slice %add3A_682 {offsets = [64, 0], sizes = [32, 12800], strides = [1, 1]} : vector<96x12800xf32> to vector<32x12800xf32>
    %mul3A_703 = arith.mulf %logistic3A_691, %slice3A_702 : vector<32x12800xf32>
    %add3A_704 = arith.addf %slice3A_701, %mul3A_703 : vector<32x12800xf32>
    %tanh3A_705 = math.tanh %add3A_704 : vector<32x12800xf32>
    %sub3A_706 = arith.constant 1.000000e+00 : f32
    %sub3A_707 = vector.broadcast %sub3A_706 : f32 to vector<32x12800xf32>
    %sub3A_708 = arith.subf %sub3A_707, %logistic3A_700 : vector<32x12800xf32>
    %mul3A_709 = arith.mulf %sub3A_708, %tanh3A_705 : vector<32x12800xf32>
    %mul3A_710 = arith.mulf %logistic3A_700, %add3A_647 : vector<32x12800xf32>
    %add3A_711 = arith.addf %mul3A_709, %mul3A_710 : vector<32x12800xf32>
    %get3A_712 = arith.constant 0 : index
    %get3A_713 = arith.constant 0 : index
    %get3A_714 = vector.load %arg4[%get3A_712, %get3A_713] : memref<32x1xf32, #tpu.memory_space<vmem>>, vector<32x1xf32>
    %slice3A_715 = vector.extract_strided_slice %mul3A_12 {offsets = [11, 0], sizes = [1, 12800], strides = [1, 1]} : vector<12x12800xf32> to vector<1x12800xf32>
    %mul3A_716 = vector.broadcast %get3A_714 : vector<32x1xf32> to vector<32x12800xf32>
    %mul3A_717 = vector.broadcast %slice3A_715 : vector<1x12800xf32> to vector<32x12800xf32>
    %mul3A_718 = arith.mulf %mul3A_716, %mul3A_717 : vector<32x12800xf32>
    %get3A_719 = arith.constant 0 : index
    %get3A_720 = arith.constant 0 : index
    %get3A_721 = vector.load %arg5[%get3A_719, %get3A_720] : memref<32x1xf32, #tpu.memory_space<vmem>>, vector<32x1xf32>
    %add3A_722 = vector.broadcast %get3A_721 : vector<32x1xf32> to vector<32x12800xf32>
    %add3A_723 = arith.addf %mul3A_718, %add3A_722 : vector<32x12800xf32>
    %max3A_724 = arith.constant 0.000000e+00 : f32
    %max3A_725 = vector.broadcast %max3A_724 : f32 to vector<32x12800xf32>
    %max3A_726 = arith.maximumf %add3A_723, %max3A_725 : vector<32x12800xf32>
    %get3A_727 = arith.constant 0 : index
    %get3A_728 = arith.constant 0 : index
    %get3A_729 = vector.load %arg6[%get3A_727, %get3A_728] : memref<96x32xf32, #tpu.memory_space<vmem>>, vector<96x32xf32>
    %dot_general3A_730 = arith.constant dense<0.000000e+00> : vector<96x12800xf32>
    %dot_general3A_731 = tpu.matmul %get3A_729, %max3A_726, %dot_general3A_730 {dimension_numbers = #tpu.dot_dimension_numbers<[1], [0], [0], [1], [0, 0, 1, 1], [], []>, transpose_lhs_hint = false} : vector<96x32xf32>, vector<32x12800xf32>, vector<96x12800xf32> -> vector<96x12800xf32>
    %get3A_732 = arith.constant 0 : index
    %get3A_733 = arith.constant 0 : index
    %get3A_734 = vector.load %arg8[%get3A_732, %get3A_733] : memref<96x1xf32, #tpu.memory_space<vmem>>, vector<96x1xf32>
    %add3A_735 = vector.broadcast %get3A_734 : vector<96x1xf32> to vector<96x12800xf32>
    %add3A_736 = arith.addf %dot_general3A_731, %add3A_735 : vector<96x12800xf32>
    %get3A_737 = arith.constant 0 : index
    %get3A_738 = arith.constant 0 : index
    %get3A_739 = vector.load %arg7[%get3A_737, %get3A_738] : memref<96x32xf32, #tpu.memory_space<vmem>>, vector<96x32xf32>
    %dot_general3A_740 = arith.constant dense<0.000000e+00> : vector<96x12800xf32>
    %dot_general3A_741 = tpu.matmul %get3A_739, %add3A_711, %dot_general3A_740 {dimension_numbers = #tpu.dot_dimension_numbers<[1], [0], [0], [1], [0, 0, 1, 1], [], []>, transpose_lhs_hint = false} : vector<96x32xf32>, vector<32x12800xf32>, vector<96x12800xf32> -> vector<96x12800xf32>
    %get3A_742 = arith.constant 0 : index
    %get3A_743 = arith.constant 0 : index
    %get3A_744 = vector.load %arg9[%get3A_742, %get3A_743] : memref<96x1xf32, #tpu.memory_space<vmem>>, vector<96x1xf32>
    %add3A_745 = vector.broadcast %get3A_744 : vector<96x1xf32> to vector<96x12800xf32>
    %add3A_746 = arith.addf %dot_general3A_741, %add3A_745 : vector<96x12800xf32>
    %slice3A_747 = vector.extract_strided_slice %add3A_736 {offsets = [0, 0], sizes = [32, 12800], strides = [1, 1]} : vector<96x12800xf32> to vector<32x12800xf32>
    %slice3A_748 = vector.extract_strided_slice %add3A_746 {offsets = [0, 0], sizes = [32, 12800], strides = [1, 1]} : vector<96x12800xf32> to vector<32x12800xf32>
    %add3A_749 = arith.addf %slice3A_747, %slice3A_748 : vector<32x12800xf32>
    %logistic3A_750 = arith.negf %add3A_749 : vector<32x12800xf32>
    %logistic3A_751 = math.exp %logistic3A_750 : vector<32x12800xf32>
    %logistic3A_752 = arith.constant 1.000000e+00 : f32
    %logistic3A_753 = vector.broadcast %logistic3A_752 : f32 to vector<32x12800xf32>
    %logistic3A_754 = arith.addf %logistic3A_753, %logistic3A_751 : vector<32x12800xf32>
    %logistic3A_755 = arith.divf %logistic3A_753, %logistic3A_754 : vector<32x12800xf32>
    %slice3A_756 = vector.extract_strided_slice %add3A_736 {offsets = [32, 0], sizes = [32, 12800], strides = [1, 1]} : vector<96x12800xf32> to vector<32x12800xf32>
    %slice3A_757 = vector.extract_strided_slice %add3A_746 {offsets = [32, 0], sizes = [32, 12800], strides = [1, 1]} : vector<96x12800xf32> to vector<32x12800xf32>
    %add3A_758 = arith.addf %slice3A_756, %slice3A_757 : vector<32x12800xf32>
    %logistic3A_759 = arith.negf %add3A_758 : vector<32x12800xf32>
    %logistic3A_760 = math.exp %logistic3A_759 : vector<32x12800xf32>
    %logistic3A_761 = arith.constant 1.000000e+00 : f32
    %logistic3A_762 = vector.broadcast %logistic3A_761 : f32 to vector<32x12800xf32>
    %logistic3A_763 = arith.addf %logistic3A_762, %logistic3A_760 : vector<32x12800xf32>
    %logistic3A_764 = arith.divf %logistic3A_762, %logistic3A_763 : vector<32x12800xf32>
    %slice3A_765 = vector.extract_strided_slice %add3A_736 {offsets = [64, 0], sizes = [32, 12800], strides = [1, 1]} : vector<96x12800xf32> to vector<32x12800xf32>
    %slice3A_766 = vector.extract_strided_slice %add3A_746 {offsets = [64, 0], sizes = [32, 12800], strides = [1, 1]} : vector<96x12800xf32> to vector<32x12800xf32>
    %mul3A_767 = arith.mulf %logistic3A_755, %slice3A_766 : vector<32x12800xf32>
    %add3A_768 = arith.addf %slice3A_765, %mul3A_767 : vector<32x12800xf32>
    %tanh3A_769 = math.tanh %add3A_768 : vector<32x12800xf32>
    %sub3A_770 = arith.constant 1.000000e+00 : f32
    %sub3A_771 = vector.broadcast %sub3A_770 : f32 to vector<32x12800xf32>
    %sub3A_772 = arith.subf %sub3A_771, %logistic3A_764 : vector<32x12800xf32>
    %mul3A_773 = arith.mulf %sub3A_772, %tanh3A_769 : vector<32x12800xf32>
    %mul3A_774 = arith.mulf %logistic3A_764, %add3A_711 : vector<32x12800xf32>
    %add3A_775 = arith.addf %mul3A_773, %mul3A_774 : vector<32x12800xf32>
    %get3A_776 = arith.constant 0 : index
    %get3A_777 = arith.constant 0 : index
    %get3A_778 = vector.load %arg10[%get3A_776, %get3A_777] : memref<1x32xf32, #tpu.memory_space<vmem>>, vector<1x32xf32>
    %dot_general3A_779 = arith.constant dense<0.000000e+00> : vector<1x12800xf32>
    %dot_general3A_780 = tpu.matmul %get3A_778, %add3A_775, %dot_general3A_779 {dimension_numbers = #tpu.dot_dimension_numbers<[1], [0], [0], [1], [0, 0, 1, 1], [], []>, transpose_lhs_hint = false} : vector<1x32xf32>, vector<32x12800xf32>, vector<1x12800xf32> -> vector<1x12800xf32>
    %mul3A_781 = arith.mulf %get3A_1, %dot_general3A_780 : vector<1x12800xf32>
    %swap3A = arith.constant 0 : index
    %swap3A_782 = arith.constant 0 : index
    %swap3A_783 = vector.load %arg11[%swap3A, %swap3A_782] : memref<1x12800xf32, #tpu.memory_space<vmem>>, vector<1x12800xf32>
    tpu.vector_store %arg11[%swap3A, %swap3A_782], %mul3A_781 {strides = array<i32>} : memref<1x12800xf32, #tpu.memory_space<vmem>>, vector<1x12800xf32>,
    return
  }
  func.func @transform_0(%arg0: i32) -> (i32, i32) {
    %c0_i32 = arith.constant 0 : i32
    %c0_i32_0 = arith.constant 0 : i32
    return %c0_i32, %arg0 : i32, i32
  }
  func.func @transform_1(%arg0: i32) -> (i32, i32) {
    %c0_i32 = arith.constant 0 : i32
    %c0_i32_0 = arith.constant 0 : i32
    return %c0_i32, %arg0 : i32, i32
  }
  func.func @transform_2(%arg0: i32) -> (i32, i32) {
    %c0_i32 = arith.constant 0 : i32
    %c0_i32_0 = arith.constant 0 : i32
    return %c0_i32, %arg0 : i32, i32
  }
  func.func @transform_3(%arg0: i32) -> (i32, i32) {
    %c0_i32 = arith.constant 0 : i32
    %c0_i32_0 = arith.constant 0 : i32
    %c0_i32_1 = arith.constant 0 : i32
    return %c0_i32, %c0_i32_0 : i32, i32
  }
  func.func @transform_4(%arg0: i32) -> (i32, i32) {
    %c0_i32 = arith.constant 0 : i32
    %c0_i32_0 = arith.constant 0 : i32
    %c0_i32_1 = arith.constant 0 : i32
    return %c0_i32, %c0_i32_0 : i32, i32
  }
  func.func @transform_5(%arg0: i32) -> (i32, i32) {
    %c0_i32 = arith.constant 0 : i32
    %c0_i32_0 = arith.constant 0 : i32
    %c0_i32_1 = arith.constant 0 : i32
    return %c0_i32, %c0_i32_0 : i32, i32
  }
  func.func @transform_6(%arg0: i32) -> (i32, i32) {
    %c0_i32 = arith.constant 0 : i32
    %c0_i32_0 = arith.constant 0 : i32
    %c0_i32_1 = arith.constant 0 : i32
    return %c0_i32, %c0_i32_0 : i32, i32
  }
  func.func @transform_7(%arg0: i32) -> (i32, i32) {
    %c0_i32 = arith.constant 0 : i32
    %c0_i32_0 = arith.constant 0 : i32
    %c0_i32_1 = arith.constant 0 : i32
    return %c0_i32, %c0_i32_0 : i32, i32
  }
  func.func @transform_8(%arg0: i32) -> (i32, i32) {
    %c0_i32 = arith.constant 0 : i32
    %c0_i32_0 = arith.constant 0 : i32
    %c0_i32_1 = arith.constant 0 : i32
    return %c0_i32, %c0_i32_0 : i32, i32
  }
  func.func @transform_9(%arg0: i32) -> (i32, i32) {
    %c0_i32 = arith.constant 0 : i32
    %c0_i32_0 = arith.constant 0 : i32
    %c0_i32_1 = arith.constant 0 : i32
    return %c0_i32, %c0_i32_0 : i32, i32
  }
  func.func @transform_10(%arg0: i32) -> (i32, i32) {
    %c0_i32 = arith.constant 0 : i32
    %c0_i32_0 = arith.constant 0 : i32
    return %c0_i32, %arg0 : i32, i32
  }
}

module attributes {stable_mosaic.version = 14 : i64} {
  func.func @_out_body(%arg0: i32, %arg1: memref<2x12800xf32, #tpu.memory_space<vmem>>, %arg2: memref<1x12800xf32, #tpu.memory_space<vmem>>, %arg3: memref<1x12800xf32, #tpu.memory_space<vmem>>, %arg4: memref<1x1xf32, #tpu.memory_space<vmem>>, %arg5: memref<1x12800xf32, #tpu.memory_space<vmem>>) attributes {dimension_semantics = [#tpu.dimension_semantics<arbitrary>], iteration_bounds = array<i64: 4>, scalar_prefetch = 0 : i64, scratch_operands = 0 : i64, tpu.core_type = #tpu.core_type<tc>, window_params = [{transform_indices = @transform_0, window_bounds = array<i64: 2, 12800>}, {transform_indices = @transform_1, window_bounds = array<i64: 1, 12800>}, {transform_indices = @transform_2, window_bounds = array<i64: 1, 12800>}, {pipeline_mode = #tpu.pipeline_mode<synchronous>, transform_indices = @transform_3, window_bounds = array<i64: 1, 1>}, {transform_indices = @transform_4, window_bounds = array<i64: 1, 12800>}]} {
    %get3A = arith.constant 0 : index
    %get3A_0 = arith.constant 0 : index
    %get3A_1 = vector.load %arg3[%get3A, %get3A_0] : memref<1x12800xf32, #tpu.memory_space<vmem>>, vector<1x12800xf32>
    %get3A_2 = arith.constant 0 : index
    %get3A_3 = arith.constant 0 : index
    %get3A_4 = vector.load %arg1[%get3A_2, %get3A_3] : memref<2x12800xf32, #tpu.memory_space<vmem>>, vector<1x12800xf32>
    %get3A_5 = arith.constant 1 : index
    %get3A_6 = arith.constant 0 : index
    %get3A_7 = vector.load %arg1[%get3A_5, %get3A_6] : memref<2x12800xf32, #tpu.memory_space<vmem>>, vector<1x12800xf32>
    %add3A = arith.addf %get3A_4, %get3A_7 : vector<1x12800xf32>
    %get3A_8 = arith.constant 0 : index
    %get3A_9 = arith.constant 0 : index
    %get3A_10 = vector.load %arg2[%get3A_8, %get3A_9] : memref<1x12800xf32, #tpu.memory_space<vmem>>, vector<1x12800xf32>
    %add3A_11 = arith.addf %add3A, %get3A_10 : vector<1x12800xf32>
    %mul3A = arith.mulf %get3A_1, %add3A_11 : vector<1x12800xf32>
    %get3A_12 = arith.constant 0 : index
    %get3A_13 = arith.constant 0 : index
    %get3A_14 = vector.load %arg4[%get3A_12, %get3A_13] : memref<1x1xf32, #tpu.memory_space<vmem>>, vector<1x1xf32>
    %add3A_15 = vector.broadcast %get3A_14 : vector<1x1xf32> to vector<1x12800xf32>
    %add3A_16 = arith.addf %mul3A, %add3A_15 : vector<1x12800xf32>
    %swap3A = arith.constant 0 : index
    %swap3A_17 = arith.constant 0 : index
    %swap3A_18 = vector.load %arg5[%swap3A, %swap3A_17] : memref<1x12800xf32, #tpu.memory_space<vmem>>, vector<1x12800xf32>
    tpu.vector_store %arg5[%swap3A, %swap3A_17], %add3A_16 {strides = array<i32>} : memref<1x12800xf32, #tpu.memory_space<vmem>>, vector<1x12800xf32>,
    return
  }
  func.func @transform_0(%arg0: i32) -> (i32, i32) {
    %c0_i32 = arith.constant 0 : i32
    %c0_i32_0 = arith.constant 0 : i32
    return %c0_i32, %arg0 : i32, i32
  }
  func.func @transform_1(%arg0: i32) -> (i32, i32) {
    %c0_i32 = arith.constant 0 : i32
    %c0_i32_0 = arith.constant 0 : i32
    return %c0_i32, %arg0 : i32, i32
  }
  func.func @transform_2(%arg0: i32) -> (i32, i32) {
    %c0_i32 = arith.constant 0 : i32
    %c0_i32_0 = arith.constant 0 : i32
    return %c0_i32, %arg0 : i32, i32
  }
  func.func @transform_3(%arg0: i32) -> (i32, i32) {
    %c0_i32 = arith.constant 0 : i32
    %c0_i32_0 = arith.constant 0 : i32
    %c0_i32_1 = arith.constant 0 : i32
    return %c0_i32, %c0_i32_0 : i32, i32
  }
  func.func @transform_4(%arg0: i32) -> (i32, i32) {
    %c0_i32 = arith.constant 0 : i32
    %c0_i32_0 = arith.constant 0 : i32
    return %c0_i32, %arg0 : i32, i32
  }
}

</mosaic_0001>

<sc_bundles>
// kernel: kernel.11.cloned.1.call-start
scs
__scs_entry_jumppad:
0x0: {  	(pc) =	sbr.rel $0x88, $3  }
0x1: {  	(tag) =	ssettag $0x0;
	lr =	simm.s32 $0x1  }
0x2: {  	[smem:$0x3F97] =	sst lr;
	_ =	strace $0xD0000000  }
0x3: {  	_ = 	snop  }
0x4: {  	_ = 	snop  }
0x5: {  	_ = 	snop  }
0x6: {  	_ = 	snop  }
0x7: {  	_ = 	snop  }
__scs_overlays_trampoline_lowered:
0x8: {  	[smem:$0x3FA6] =	sst s0  }
0x9: {  	[smem:$0x3FA7] =	sst s1  }
0xa: {  	[smem:$0x3FA8] =	sst s2  }
0xb: {  	[smem:$0x3FA9] =	sst s3  }
0xc: {  	[smem:$0x3FAA] =	sst s4  }
0xd: {  	[smem:$0x3FAB] =	sst s5  }
0xe: {  	[smem:$0x3FAC] =	sst s6  }
0xf: {  	[smem:$0x3FAD] =	sst s7  }
0x10: {  	[smem:$0x3FAE] =	sst s8  }
0x11: {  	[smem:$0x3FAF] =	sst s9;
	s0 =	simm.s32 @!p0 $0x0  }
0x12: {  	s1 =	sld [smem:$0x3F95];
	s0 =	simm.s32 @p0 $0x1  }
0x13: {  	[smem:$0x3FB0] =	sst s0;
	s0 =	simm.s32 @!p1 $0x0  }
0x14: {  	s2 =	sld [smem:$0x3F94];
	s0 =	simm.s32 @p1 $0x1  }
0x15: {  	[smem:$0x3FB1] =	sst s0;
	s0 =	simm.s32 @!p2 $0x0  }
0x16: {  	s3 =	sld [smem:$0x3FDB];
	s0 =	simm.s32 @p2 $0x1  }
0x17: {  	s4 =	simm.s32 $0x1BF5;
	[smem:$0x3FB3] =	sst s0  }
0x18: {  	s0 =	sld [smem:$0x3F96];
	_ =	swait.ge [sflag:s4], $0x0  }
0x19: {  	s7 =	sld [smem:$0x3F97]  }
0x1a: {  	s8 =	sadd.s32 $0xFFFFE003, lr  }
0x1b: {  	s9 =	sadd.s32 $0xFFFFFEF7, lr;
	s5 =	simm.s32 $0xFFFFFFFF;
	p2 =	slt.u32 s8, $0xFFFFF086  }
0x1c: {  	p1 =	slt.u32 s9, $0xF7A;
	s5 =	simm.s32 @!p2 $0x0  }
0x1d: {  	s5 =	simm.s32 @p1 $0x1;
	p0 =	seq.s32 s7, s2  }
0x1e: {  	s7 =	smul.u32 @!p0 $0xF7A, s2;
	p2 =	seq.s32 @!p0 s5, $0x0  }
0x1f: {  	s9 =	smul.u32 $0xF7A, s1;
	s8 =	simm.s32 @!p0 $0x1BF5;
	p2 =	por !p2, p0  }
0x20: {  	[sflag:s8] =	ssyncset.s32 @!p0 $0xFFFFF086;
	s6 =	sadd.s32 @!p0 s3, s7;
	s7 =	simm.s32 @!p0 $0x108  }
0x21: {  	s3 =	sadd.s32 s3, s9;
	s6 =	sadd.s32 @!p0 $0x88, s6;
	s7 =	simm.s32 @p2 $0x1082  }
0x22: {  	[simem:s7], [sflag:s8] =	dma.local @!p0 [hbm:s6], $0xF7A  }
0x23: {  	s9 =	sor.u32 $0xD0000000, s2;
	s6 =	simm.s32 $0x108;
	_ =	swait.ge @!p0 [sflag:s8], $0x0  }
0x24: {  	s3 =	sadd.s32 $0x88, s3;
	s6 =	simm.s32 @!p1 $0x1082;
	[sflag:s4] =	ssyncset.s32 $0xFFFFF086  }
0x25: {  	[simem:s6], [sflag:s4] =	dma.local [hbm:s3], $0xF7A  }
0x26: {  	[smem:$0x3F97] =	sst s1;
	(tag) =	ssettag s2;
	_ =	strace s9  }
0x27: {  	s1 =	sld [smem:$0x3FA7]  }
0x28: {  	s2 =	sld [smem:$0x3FA8]  }
0x29: {  	s4 =	sld [smem:$0x3FAA]  }
0x2a: {  	p0 =	seq.s32 s5, $0x0;
	s5 =	sld [smem:$0x3FAB]  }
0x2b: {  	s6 =	sld [smem:$0x3FAC]  }
0x2c: {  	s7 =	sld [smem:$0x3FAD]  }
0x2d: {  	s3 =	simm.s32 $0x108;
	s8 =	sld [smem:$0x3FAE]  }
0x2e: {  	s3 =	simm.s32 @!p0 $0x1082;
	s9 =	sld [smem:$0x3FAF]  }
0x2f: {  	lr =	sadd.s32 s0, s3;
	s0 =	sld [smem:$0x3FA6]  }
0x30: {  	s3 =	sld [smem:$0x3FA9]  }
0x31: {  	[smem:$0x3FB2] =	sst s10  }
0x32: {  	s10 =	sld [smem:$0x3FB0];
	_ =	sdelay $0x3  }
0x33: {  	p0 =	seq.s32 s10, $0x1;
	s10 =	sld [smem:$0x3FB2];
	_ =	sdelay $0x3  }
0x34: {  	[smem:$0x3FB2] =	sst s10  }
0x35: {  	s10 =	sld [smem:$0x3FB1];
	_ =	sdelay $0x3  }
0x36: {  	p1 =	seq.s32 s10, $0x1;
	s10 =	sld [smem:$0x3FB2];
	_ =	sdelay $0x3  }
0x37: {  	[smem:$0x3FB2] =	sst s10  }
0x38: {  	s10 =	sld [smem:$0x3FB3]  }
0x39: {  	_ = 	snop;
	(pc) =	sbr.ind lr, $3  }
0x3a: {  	_ = 	snop  }
0x3b: {  	_ = 	snop  }
0x3c: {  	p2 =	seq.s32 s10, $0x1;
	s10 =	sld [smem:$0x3FB2]  }
0x3d: {  	_ =	shalt  }
0x3e: {  	_ =	shalt  }
0x3f: {  	_ =	shalt  }
0x40: {  	_ =	shalt  }
0x41: {  	_ =	shalt  }
0x42: {  	_ =	shalt  }
0x43: {  	_ =	shalt  }
0x44: {  	_ =	shalt  }
0x45: {  	_ =	shalt  }
0x46: {  	_ =	shalt  }
0x47: {  	_ =	shalt  }
0x48: {  	_ =	shalt  }
0x49: {  	_ =	shalt  }
0x4a: {  	_ =	shalt  }
0x4b: {  	_ =	shalt  }
0x4c: {  	_ =	shalt  }
0x4d: {  	_ =	shalt  }
0x4e: {  	_ =	shalt  }
0x4f: {  	_ =	shalt  }
0x50: {  	_ =	shalt  }
0x51: {  	_ =	shalt  }
0x52: {  	_ =	shalt  }
0x53: {  	_ =	shalt  }
0x54: {  	_ =	shalt  }
0x55: {  	_ =	shalt  }
0x56: {  	_ =	shalt  }
0x57: {  	_ =	shalt  }
0x58: {  	_ =	shalt  }
0x59: {  	_ =	shalt  }
0x5a: {  	_ =	shalt  }
0x5b: {  	_ =	shalt  }
0x5c: {  	_ =	shalt  }
0x5d: {  	_ =	shalt  }
0x5e: {  	_ =	shalt  }
0x5f: {  	_ =	shalt  }
0x60: {  	_ =	shalt  }
0x61: {  	_ =	shalt  }
0x62: {  	_ =	shalt  }
0x63: {  	_ =	shalt  }
0x64: {  	_ =	shalt  }
0x65: {  	_ =	shalt  }
0x66: {  	_ =	shalt  }
0x67: {  	_ =	shalt  }
0x68: {  	_ =	shalt  }
0x69: {  	_ =	shalt  }
0x6a: {  	_ =	shalt  }
0x6b: {  	_ =	shalt  }
0x6c: {  	_ =	shalt  }
0x6d: {  	_ =	shalt  }
0x6e: {  	_ =	shalt  }
0x6f: {  	_ =	shalt  }
0x70: {  	_ =	shalt  }
0x71: {  	_ =	shalt  }
0x72: {  	_ =	shalt  }
0x73: {  	_ =	shalt  }
0x74: {  	_ =	shalt  }
0x75: {  	_ =	shalt  }
0x76: {  	_ =	shalt  }
0x77: {  	_ =	shalt  }
0x78: {  	_ =	shalt  }
0x79: {  	_ =	shalt  }
0x7a: {  	_ =	shalt  }
0x7b: {  	_ =	shalt  }
0x7c: {  	_ =	shalt  }
0x7d: {  	_ =	shalt  }
0x7e: {  	_ =	shalt  }
0x7f: {  	_ =	shalt  }
0x80: {  	_ =	shalt  }
0x81: {  	_ =	shalt  }
0x82: {  	_ =	shalt  }
0x83: {  	_ =	shalt  }
0x84: {  	_ =	shalt  }
0x85: {  	_ =	shalt  }
0x86: {  	_ =	shalt  }
0x87: {  	_ =	shalt  }
.Lfunc_end0:
.L_simem_size_0:
called_computation.1_lowered:
.L_overlay_start_0:
0x88: {  	s2 =	sld [smem:$0x3FD9]  }
0x89: {  	s3 =	sld [smem:$0x3FFE];
	_ =	sdelay $0x1  }
0x8a: {  	s1 =	srdreg.scid  }
0x8b: {  	s0 =	sand.u32 $0x1, s1  }
0x8c: {  	s11 =	sshll.u32 s0, $0xA;
	s2 =	sadd.s32 s3, s2  }
0x8d: {  	s2 =	sadd.s32 s2, s11  }
0x8e: {  	[smem:$0x3FBE] =	sst s2  }
0x8f: {  	_ = 	snop  }
0x90: {  	(tm) =	ssettm $0x1  }
0x91: {  	s12 =	sld [smem:$0x3FFB];
	_ =	sdelay $0x3  }
0x92: {  	_ =	strace s12  }
0x93: {  	s2 =	sld [smem:$0x3FFC];
	_ =	sdelay $0x3  }
0x94: {  	_ =	strace s2  }
0x95: {  	s2 =	sld [smem:$0x3FFD];
	_ =	sdelay $0x3  }
0x96: {  	_ =	strace s2  }
0x97: {  	_ =	strace $0x8FFFFFFF  }
0x98: {  	s13 =	sld [smem:$0x3FDB];
	_ =	sdelay $0x1  }
0x99: {  	s14 =	simm.s32 $_scs_section_size  }
0x9a: {  	s4 =	simm.s32 $_size__tile_task_arg_handler_lowered;
	s5 =	simm.s32 $_tile_task_arg_handler_lowered  }
0x9b: {  	s17 =	simm.s32 $0x1BFF;
	s16 =	sshll.u32 s5, $0x1;
	s3 =	sadd.s32 s14, s13  }
0x9c: {  	s6 =	simm.s32 $0x60;
	s15 =	sshll.u32 s4, $0x1;
	s4 =	sadd.s32 s16, s3  }
0x9d: {  	[timem:s6], [sflag:s17] =	dma.local [hbm:s4], s15  }
0x9e: {  	_ =	swait.ge [sflag:s17], s15  }
0x9f: {  	s18 =	simm.s32 $_tile_overlayer_lowered;
	s2 =	ssub.s32 $0x0, s15;
	[sflag:s17] =	ssyncset.done $0x0  }
0xa0: {  	s19 =	simm.s32 $_size__tile_overlayer_lowered;
	s4 =	sshll.u32 s18, $0x1;
	[sflag:s17] =	ssyncadd.s32 s2  }
0xa1: {  	s21 =	simm.s32 $0x0;
	s20 =	sshll.u32 s19, $0x1;
	s4 =	sadd.s32 s4, s3  }
0xa2: {  	[timem:s21], [sflag:s17] =	dma.local [hbm:s4], s20  }
0xa3: {  	_ =	swait.ge [sflag:s17], s20  }
0xa4: {  	s22 =	ssub.s32 $0x0, s20;
	[sflag:s17] =	ssyncset.done $0x0  }
0xa5: {  	[sflag:s17] =	ssyncadd.s32 s22;
	_ =	sdelay $0x1  }
0xa6: {  	s23 =	simm.s32 $0x1B8B  }
0xa7: {  	_ =	swait.ge [sflag:s23], $0x1  }
0xa8: {  	[sflag:s23] =	ssyncset.done $0x0  }
0xa9: {  	s25 =	simm.s32 $0x1B8E;
	s24 =	sld [smem:$0x3FFE];
	[sflag:s23] =	ssyncadd.s32 $0xFFFFFFFF  }
0xaa: {  	s26 =	simm.s32 $execute0_lowered;
	[smem:$0x3FD2] =	sst s25  }
0xab: {  	s5 =	sshll.u32 s26, $0x1;
	_ =	strace $0x80000049;
	[dreg:$0x1] =	wrdreg $0xFFFFFFFF  }
0xac: {  	s28 =	simm.s32 $_size_execute0_lowered;
	s3 =	sadd.s32 s3, s5;
	[dreg:$0x0] =	wrdreg $0x0  }
0xad: {  	s5 =	sshll.u32 s28, $0x1;
	[dreg:$0x2] =	wrdreg s3  }
0xae: {  	[dreg:$0x3] =	wrdreg s5  }
0xaf: {  	[dreg:$0x4] =	wrdreg $0xC0  }
0xb0: {  	_ =	task [dreg:s21], $0x5FFFF  }
0xb1: {  	[dreg:$0x1] =	wrdreg $0xFFFFFFFF  }
0xb2: {  	[dreg:$0x0] =	wrdreg $0x30  }
0xb3: {  	[dreg:$0x2] =	wrdreg $0x0  }
0xb4: {  	[dreg:$0x3] =	wrdreg $0x152800  }
0xb5: {  	[dreg:$0x4] =	wrdreg $0x15F000  }
0xb6: {  	[dreg:$0x5] =	wrdreg $0x16B800  }
0xb7: {  	[dreg:$0x6] =	wrdreg $0x178000  }
0xb8: {  	[dreg:$0x7] =	wrdreg $0x184800  }
0xb9: {  	[dreg:$0x8] =	wrdreg $0x191000  }
0xba: {  	[dreg:$0x9] =	wrdreg $0x19D800  }
0xbb: {  	[dreg:$0xa] =	wrdreg $0x9  }
0xbc: {  	_ =	task [dreg:s21], $0xBFFFF  }
0xbd: {  	[dreg:$0x1] =	wrdreg $0xFFFFFFFF  }
0xbe: {  	[dreg:$0x0] =	wrdreg $0x60  }
0xbf: {  	[dreg:$0x2] =	wrdreg s24  }
0xc0: {  	[dreg:$0x3] =	wrdreg $0xB0000  }
0xc1: {  	[dreg:$0x4] =	wrdreg $0xBC800  }
0xc2: {  	[dreg:$0x5] =	wrdreg $0xC9000  }
0xc3: {  	[dreg:$0x6] =	wrdreg $0xD5800  }
0xc4: {  	[dreg:$0x7] =	wrdreg $0xE2000  }
0xc5: {  	[dreg:$0x8] =	wrdreg $0xEE800  }
0xc6: {  	[dreg:$0x9] =	wrdreg $0xFB000  }
0xc7: {  	[dreg:$0xa] =	wrdreg $0x107800  }
0xc8: {  	[dreg:$0xb] =	wrdreg $0x114000  }
0xc9: {  	[dreg:$0xc] =	wrdreg $0x120800  }
0xca: {  	[dreg:$0xd] =	wrdreg $0x12D000  }
0xcb: {  	[dreg:$0xe] =	wrdreg $0x139800  }
0xcc: {  	[dreg:$0xf] =	wrdreg $0x146000  }
0xcd: {  	_ =	task.clear_ibuf [dreg:s21], $0x10FFFF;
	_ =	strace $0x90000049  }
0xce: {  	s29 =	simm.s32 $0x9;
	_ =	strace $0x8000004B  }
0xcf: {  	_ =	swait.ge [sflag:s29], $0x1  }
0xd0: {  	[sflag:s29] =	ssyncadd.s32 $0xFFFFFFFF  }
0xd1: {  	_ =	strace $0x9000004B  }
0xd2: {  	_ =	sfence  }
0xd3: {  	s30 =	sld [smem:$0x0];
	_ =	sdelay $0x2  }
0xd4: {  	s31 =	sshll.u32 s1, $0xD;
	s1 =	sshrl.u32 s1, $0x2  }
0xd5: {  	s4 =	sand.u32 $0x4000, s31;
	s1 =	sadd.s32 s1, s30  }
0xd6: {  	s0 =	sor.u32 s4, s0;
	s1 =	sshll.u32 s1, $0x11  }
0xd7: {  	s0 =	sor.u32 s1, s0  }
0xd8: {  	s0 =	sadd.s32 $0x8F2B, s0  }
0xd9: {  	[sflag:s0] =	ssyncadd.remote.s32 $0x1  }
0xda: {  	_ =	sfence.sel $0xFFFF  }
0xdb: {  	[dreg:$0x0] =	wrdreg $0xFFFFFFFF;
	(pc) =	sbr.abs _section_cstart, $3  }
0xdc: {  	[dreg:$0x1] =	wrdreg $0xFFFFFFFF  }
0xdd: {  	_ =	task.clear_ibuf [dreg:s21], $0x2FFFF;
	_ =	strace $0x9FFFFFFF  }
0xde: {  	(tm) =	ssettm $0x7FFFFFFF  }
0xdf: {  	_ =	shalt  }
tec
_tile_task_arg_handler_lowered:
.L_overlay_start_1:
0x0: {  	(tag) =	ssettag $0x1  }
0x1: {  	s0 =	rddreg [dreg:$0x0]  }
0x2: {  	s1 =	rddreg [dreg:$0x1]  }
0x3: {  	s2 =	rddreg [dreg:$0x2]  }
0x4: {  	s3 =	rddreg [dreg:$0x3]  }
0x5: {  	s4 =	rddreg [dreg:$0x4]  }
0x6: {  	s5 =	rddreg [dreg:$0x5]  }
0x7: {  	s6 =	rddreg [dreg:$0x6]  }
0x8: {  	s7 =	rddreg [dreg:$0x7]  }
0x9: {  	s8 =	rddreg [dreg:$0x8]  }
0xa: {  	s9 =	rddreg [dreg:$0x9]  }
0xb: {  	s10 =	rddreg [dreg:$0xa]  }
0xc: {  	s11 =	rddreg [dreg:$0xb]  }
0xd: {  	s12 =	rddreg [dreg:$0xc]  }
0xe: {  	s13 =	rddreg [dreg:$0xd]  }
0xf: {  	[smem:s0] =	sst s1  }
0x10: {  	[smem:s0+$0x1] =	sst s2  }
0x11: {  	[smem:s0+$0x2] =	sst s3  }
0x12: {  	[smem:s0+$0x3] =	sst s4  }
0x13: {  	[smem:s0+$0x4] =	sst s5  }
0x14: {  	[smem:s0+$0x5] =	sst s6  }
0x15: {  	[smem:s0+$0x6] =	sst s7  }
0x16: {  	[smem:s0+$0x7] =	sst s8  }
0x17: {  	[smem:s0+$0x8] =	sst s9  }
0x18: {  	[smem:s0+$0x9] =	sst s10  }
0x19: {  	[smem:s0+$0xA] =	sst s11  }
0x1a: {  	[smem:s0+$0xB] =	sst s12  }
0x1b: {  	[smem:s0+$0xC] =	sst s13;
	_ =	shalt  }
.Lfunc_end2:
execute0_lowered:
.L_overlay_start_2:
0x1c: {  	(tag) =	ssettag $0x2  }
0x1d: {  	s13 =	rddreg [dreg:$0x0]  }
0x1e: {  	s0 =	rddreg [dreg:$0x1]  }
0x1f: {  	s1 =	rddreg [dreg:$0x2]  }
0x20: {  	s28 =	rddreg [dreg:$0x3]  }
0x21: {  	s31 =	rddreg [dreg:$0x4]  }
0x22: {  	s6 =	rddreg [dreg:$0x5]  }
0x23: {  	s7 =	rddreg [dreg:$0x6]  }
0x24: {  	s8 =	rddreg [dreg:$0x7]  }
0x25: {  	s9 =	rddreg [dreg:$0x8]  }
0x26: {  	s10 =	rddreg [dreg:$0x9]  }
0x27: {  	s11 =	rddreg [dreg:$0xa]  }
0x28: {  	s2 =	rddreg [dreg:$0xc]  }
0x29: {  	s12 =	rddreg [dreg:$0xd];
	s3 =	simm.s32 $0x0  }
0x2a: {  	s4 =	simm.s32 $0x0;
	[dreg:$0xe] =	wrdreg s3  }
0x2b: {  	[smem:$0x7FF] =	sst s4  }
0x2c: {  	s15 =	sld [smem:$0x0]  }
0x2d: {  	s14 =	srdreg.scid;
	s16 =	sld [smem:$0x1]  }
0x2e: {  	s3 =	stileid.u32;
	s17 =	sld [smem:$0x2]  }
0x2f: {  	s14 =	sand.u32 $0x1, s14;
	s26 =	sadd.s32 $0x75E00, s13;
	s18 =	sld [smem:$0x3]  }
0x30: {  	s5 =	sadd.s32 $0x38800, s13;
	s19 =	sld [smem:$0x4];
	s21 =	smul.u32 $0xC80, s3  }
0x31: {  	s20 =	sld [smem:$0x5];
	s23 =	smul.u32 $0x96000, s14;
	s24 =	ssub.s32 $0x2, s14  }
0x32: {  	s22 =	sld [smem:$0x6];
	s14 =	sshll.u32 s14, $0x4;
	s25 =	sshrl.u32 s24, $0x1  }
0x33: {  	s30 =	sld [smem:$0x7];
	s14 =	sor.u32 s3, s14;
	s29 =	ssub.s32 s24, s25  }
0x34: {  	s23 =	sadd.s32 s21, s23;
	s4 =	sshrl.u32 s21, $0x3;
	s24 =	sadd.s32 $0x79200, s13  }
0x35: {  	s25 =	sadd.s32 $0x77800, s13;
	s0 =	sadd.s32 s21, s0;
	[smem:$0x7F2] =	sst s29  }
0x36: {  	[dreg:$0xf] =	wrdreg s30;
	s23 =	sshrl.u32 s23, $0x3;
	s29 =	sadd.s32 s4, s13  }
0x37: {  	s4 =	sadd.s32 s21, s28;
	_ =	strace $0x8000004A;
	[dreg:$0x10] =	wrdreg s5  }
0x38: {  	s30 =	sadd.s32 s23, s13;
	s23 =	sadd.s32 $0x7AC00, s13;
	[dreg:$0x14] =	wrdreg s0  }
0x39: {  	s5 =	sadd.s32 $0x1C00, s13;
	s13 =	smul.u32 $0x190, s14;
	[dreg:$0x16] =	wrdreg s4  }
0x3a: {  	s14 =	sshll.u32 s3, $0x6;
	s3 =	sadd.s32 s21, s1;
	[dreg:$0x11] =	wrdreg s5  }
0x3b: {  	[dreg:$0x15] =	wrdreg s3  }
0x3c: {  	s5 =	sadd.s32 s21, s31;
	[dreg:$0x12] =	wrdreg s13  }
0x3d: {  	s3 =	smov.u32 s28;
	[dreg:$0x17] =	wrdreg s5  }
0x3e: {  	s28 =	sadd.s32 s21, s2;
	s13 =	sor.u32 $0x1C04, s14;
	s14 =	rddreg [dreg:$0xb]  }
0x3f: {  	s5 =	smov.u32 s6;
	s6 =	sadd.s32 s21, s6;
	[dreg:$0x1f] =	wrdreg s28  }
0x40: {  	[dreg:$0x18] =	wrdreg s6;
	s6 =	smov.u32 s7;
	s7 =	sadd.s32 s21, s7  }
0x41: {  	s0 =	sadd.s32 s21, s14;
	[dreg:$0x19] =	wrdreg s7  }
0x42: {  	s1 =	smov.u32 s2;
	s2 =	smov.u32 s13;
	[dreg:$0x1e] =	wrdreg s0  }
0x43: {  	s7 =	smov.u32 s8;
	s8 =	sadd.s32 s21, s8;
	[dreg:$0x13] =	wrdreg s2  }
0x44: {  	s13 =	sadd.s32 s21, s12;
	s0 =	sadd.s32 s21, s19;
	[dreg:$0x1a] =	wrdreg s8  }
0x45: {  	s13 =	sshrl.u32 s13, $0x3;
	[smem:$0x7F9] =	sst s0  }
0x46: {  	s8 =	smov.u32 s9;
	s9 =	sadd.s32 s21, s9;
	[smem:$0x7F4] =	sst s13  }
0x47: {  	s28 =	sadd.s32 s21, s17;
	s0 =	sadd.s32 s21, s20;
	[dreg:$0x1b] =	wrdreg s9  }
0x48: {  	s13 =	sshrl.u32 s28, $0x3;
	[smem:$0x7FB] =	sst s0  }
0x49: {  	[smem:$0x7F7] =	sst s13  }
0x4a: {  	s9 =	smov.u32 s10;
	s10 =	sadd.s32 s21, s10;
	s28 =	sld [smem:$0x7F9]  }
0x4b: {  	s0 =	sadd.s32 $0x33C00, s29;
	[dreg:$0x1c] =	wrdreg s10  }
0x4c: {  	s10 =	smov.u32 s11;
	s11 =	sadd.s32 s21, s11;
	[smem:$0x7DD] =	sst s0  }
0x4d: {  	s0 =	sadd.s32 $0x74400, s29;
	[dreg:$0x1d] =	wrdreg s11  }
0x4e: {  	[smem:$0x7DE] =	sst s0;
	s0 =	sadd.s32 $0x72A00, s29  }
0x4f: {  	[smem:$0x7DF] =	sst s0;
	s0 =	sadd.s32 $0x71000, s29  }
0x50: {  	[smem:$0x7E0] =	sst s0;
	s0 =	sadd.s32 $0x6F600, s29  }
0x51: {  	[smem:$0x7E1] =	sst s0;
	s0 =	sadd.s32 $0x6DC00, s29  }
0x52: {  	[smem:$0x7E2] =	sst s0;
	s0 =	sadd.s32 $0x6C200, s29  }
0x53: {  	[smem:$0x7E3] =	sst s0;
	s0 =	sadd.s32 $0x6A800, s29  }
0x54: {  	s29 =	sadd.s32 $0x35600, s29;
	[smem:$0x7E4] =	sst s0  }
0x55: {  	[smem:$0x7E5] =	sst s29;
	s29 =	sadd.s32 $0x7C600, s30  }
0x56: {  	[smem:$0x7E6] =	sst s29;
	s29 =	sadd.s32 $0x7DF00, s30  }
0x57: {  	[smem:$0x7E7] =	sst s29;
	s29 =	sadd.s32 $0x7F800, s30  }
0x58: {  	[smem:$0x7E8] =	sst s29;
	s29 =	sadd.s32 $0x81100, s30  }
0x59: {  	[smem:$0x7E9] =	sst s29;
	s29 =	sadd.s32 $0x82A00, s30  }
0x5a: {  	[smem:$0x7EA] =	sst s29;
	s29 =	sadd.s32 $0x84300, s30  }
0x5b: {  	[smem:$0x7EB] =	sst s29;
	s29 =	sadd.s32 $0x85C00, s30  }
0x5c: {  	[smem:$0x7EC] =	sst s29;
	s29 =	sadd.s32 $0x87500, s30  }
0x5d: {  	[smem:$0x7ED] =	sst s29;
	s29 =	sadd.s32 $0x88E00, s30  }
0x5e: {  	[smem:$0x7EE] =	sst s29;
	s29 =	sadd.s32 $0x8A700, s30  }
0x5f: {  	[smem:$0x7EF] =	sst s29;
	s29 =	sadd.s32 $0x8C000, s30  }
0x60: {  	s11 =	smov.u32 s14;
	[smem:$0x7F0] =	sst s29  }
0x61: {  	s14 =	sadd.s32 s21, s15;
	s29 =	sadd.s32 $0x8D900, s30;
	s30 =	sld [smem:$0x7F2]  }
0x62: {  	s12 =	sadd.s32 s21, s18;
	[smem:$0x7F1] =	sst s29;
	s29 =	sshrl.u32 s14, $0x3  }
0x63: {  	s14 =	sshrl.u32 s12, $0x3;
	[smem:$0x7F5] =	sst s29  }
0x64: {  	s4 =	smov.u32 s31;
	[smem:$0x7F8] =	sst s14  }
0x65: {  	s31 =	sadd.s32 s21, s16;
	s29 =	sld [smem:$0x7FB];
	s0 =	smax.u32 s30, $0x1  }
0x66: {  	s30 =	sshrl.u32 s31, $0x3;
	[smem:$0x7F3] =	sst s0  }
0x67: {  	s21 =	sadd.s32 s21, s22;
	[smem:$0x7F6] =	sst s30;
	s0 =	sshrl.u32 s28, $0x3  }
0x68: {  	s13 =	simm.s32 $0x7D;
	s30 =	sshrl.u32 s21, $0x3;
	[smem:$0x7FA] =	sst s0  }
0x69: {  	s14 =	simm.s32 $0x2;
	s0 =	sshrl.u32 s29, $0x3;
	[smem:$0x7FD] =	sst s30  }
0x6a: {  	s31 =	simm.s32 $0x1;
	s21 =	simm.s32 $0x4;
	[smem:$0x7FC] =	sst s0  }
.LBB3_1:
0x6b: {  	s0 =	rddreg [dreg:$0x14]  }
0x6c: {  	s12 =	sld [smem:$0x7DD]  }
0x6d: {  	s0 =	sshrl.u32 s0, $0x3  }
0x6e: {  	[smem:$0x7D1] =	sst s0  }
0x6f: {  	[spmem:s0], [sflag:s2] =	dma.local [hbm:s12], $0x190  }
0x70: {  	_ =	swait.ge [sflag:s21], $0x190  }
0x71: {  	s29 =	rddreg [dreg:$0x15]  }
0x72: {  	[sflag:s21] =	ssyncset.done $0x0;
	s0 =	sshrl.u32 s29, $0x3  }
0x73: {  	[sflag:s21] =	ssyncadd.s32 $0xFFFFFE70;
	[smem:$0x7D2] =	sst s0  }
0x74: {  	[spmem:s0], [sflag:s2] =	dma.local [hbm:s12], $0x190  }
0x75: {  	_ =	swait.ge [sflag:s21], $0x190  }
0x76: {  	s30 =	rddreg [dreg:$0x16]  }
0x77: {  	[sflag:s21] =	ssyncset.done $0x0;
	s0 =	sshrl.u32 s30, $0x3  }
0x78: {  	[sflag:s21] =	ssyncadd.s32 $0xFFFFFE70;
	[smem:$0x7D3] =	sst s0  }
0x79: {  	[spmem:s0], [sflag:s2] =	dma.local [hbm:s12], $0x190  }
0x7a: {  	_ =	swait.ge [sflag:s21], $0x190  }
0x7b: {  	s28 =	rddreg [dreg:$0x17]  }
0x7c: {  	[sflag:s21] =	ssyncset.done $0x0;
	s0 =	sshrl.u32 s28, $0x3  }
0x7d: {  	[sflag:s21] =	ssyncadd.s32 $0xFFFFFE70;
	[smem:$0x7D4] =	sst s0  }
0x7e: {  	[spmem:s0], [sflag:s2] =	dma.local [hbm:s12], $0x190  }
0x7f: {  	_ =	swait.ge [sflag:s21], $0x190  }
0x80: {  	s29 =	rddreg [dreg:$0x18]  }
0x81: {  	[sflag:s21] =	ssyncset.done $0x0;
	s0 =	sshrl.u32 s29, $0x3  }
0x82: {  	[sflag:s21] =	ssyncadd.s32 $0xFFFFFE70;
	[smem:$0x7D5] =	sst s0  }
0x83: {  	[spmem:s0], [sflag:s2] =	dma.local [hbm:s12], $0x190  }
0x84: {  	_ =	swait.ge [sflag:s21], $0x190  }
0x85: {  	s30 =	rddreg [dreg:$0x19]  }
0x86: {  	[sflag:s21] =	ssyncset.done $0x0;
	s0 =	sshrl.u32 s30, $0x3  }
0x87: {  	[sflag:s21] =	ssyncadd.s32 $0xFFFFFE70;
	[smem:$0x7D6] =	sst s0  }
0x88: {  	[spmem:s0], [sflag:s2] =	dma.local [hbm:s12], $0x190  }
0x89: {  	_ =	swait.ge [sflag:s21], $0x190  }
0x8a: {  	s28 =	rddreg [dreg:$0x1a]  }
0x8b: {  	[sflag:s21] =	ssyncset.done $0x0;
	s0 =	sshrl.u32 s28, $0x3  }
0x8c: {  	[sflag:s21] =	ssyncadd.s32 $0xFFFFFE70;
	[smem:$0x7D7] =	sst s0  }
0x8d: {  	[spmem:s0], [sflag:s2] =	dma.local [hbm:s12], $0x190  }
0x8e: {  	_ =	swait.ge [sflag:s21], $0x190  }
0x8f: {  	s29 =	rddreg [dreg:$0x1b]  }
0x90: {  	[sflag:s21] =	ssyncset.done $0x0;
	s0 =	sshrl.u32 s29, $0x3  }
0x91: {  	[sflag:s21] =	ssyncadd.s32 $0xFFFFFE70;
	[smem:$0x7D8] =	sst s0  }
0x92: {  	[spmem:s0], [sflag:s2] =	dma.local [hbm:s12], $0x190  }
0x93: {  	_ =	swait.ge [sflag:s21], $0x190  }
0x94: {  	s30 =	rddreg [dreg:$0x1c]  }
0x95: {  	[sflag:s21] =	ssyncset.done $0x0;
	s0 =	sshrl.u32 s30, $0x3  }
0x96: {  	[sflag:s21] =	ssyncadd.s32 $0xFFFFFE70;
	[smem:$0x7D9] =	sst s0  }
0x97: {  	[spmem:s0], [sflag:s2] =	dma.local [hbm:s12], $0x190  }
0x98: {  	_ =	swait.ge [sflag:s21], $0x190  }
0x99: {  	s28 =	rddreg [dreg:$0x1d]  }
0x9a: {  	[sflag:s21] =	ssyncset.done $0x0;
	s0 =	sshrl.u32 s28, $0x3  }
0x9b: {  	[sflag:s21] =	ssyncadd.s32 $0xFFFFFE70;
	[smem:$0x7DA] =	sst s0  }
0x9c: {  	[spmem:s0], [sflag:s2] =	dma.local [hbm:s12], $0x190  }
0x9d: {  	_ =	swait.ge [sflag:s21], $0x190  }
0x9e: {  	s29 =	rddreg [dreg:$0x1e]  }
0x9f: {  	[sflag:s21] =	ssyncset.done $0x0;
	s0 =	sshrl.u32 s29, $0x3  }
0xa0: {  	[sflag:s21] =	ssyncadd.s32 $0xFFFFFE70;
	[smem:$0x7DB] =	sst s0  }
0xa1: {  	[spmem:s0], [sflag:s2] =	dma.local [hbm:s12], $0x190  }
0xa2: {  	_ =	swait.ge [sflag:s21], $0x190  }
0xa3: {  	s30 =	rddreg [dreg:$0x1f]  }
0xa4: {  	[sflag:s21] =	ssyncset.done $0x0;
	s0 =	sshrl.u32 s30, $0x3  }
0xa5: {  	[sflag:s21] =	ssyncadd.s32 $0xFFFFFE70;
	[smem:$0x7DC] =	sst s0  }
0xa6: {  	[spmem:s0], [sflag:s2] =	dma.local [hbm:s12], $0x190  }
0xa7: {  	_ =	swait.ge [sflag:s21], $0x190  }
0xa8: {  	s12 =	sld [smem:$0x7DE]  }
0xa9: {  	s28 =	sld [smem:$0x7F4]  }
0xaa: {  	[sflag:s21] =	ssyncset.done $0x0  }
0xab: {  	[sflag:s21] =	ssyncadd.s32 $0xFFFFFE70  }
0xac: {  	[spmem:s28], [sflag:s2] =	dma.local [hbm:s12], $0x190  }
0xad: {  	_ =	swait.ge [sflag:s21], $0x190  }
0xae: {  	s29 =	sld [smem:$0x7DF]  }
0xaf: {  	s30 =	sld [smem:$0x7F5]  }
0xb0: {  	[sflag:s21] =	ssyncset.done $0x0  }
0xb1: {  	[sflag:s21] =	ssyncadd.s32 $0xFFFFFE70  }
0xb2: {  	[spmem:s30], [sflag:s2] =	dma.local [hbm:s29], $0x190  }
0xb3: {  	_ =	swait.ge [sflag:s21], $0x190  }
0xb4: {  	s12 =	sld [smem:$0x7E0]  }
0xb5: {  	s28 =	sld [smem:$0x7F6]  }
0xb6: {  	[sflag:s21] =	ssyncset.done $0x0  }
0xb7: {  	[sflag:s21] =	ssyncadd.s32 $0xFFFFFE70  }
0xb8: {  	[spmem:s28], [sflag:s2] =	dma.local [hbm:s12], $0x190  }
0xb9: {  	_ =	swait.ge [sflag:s21], $0x190  }
0xba: {  	s29 =	sld [smem:$0x7E1]  }
0xbb: {  	s30 =	sld [smem:$0x7F7]  }
0xbc: {  	[sflag:s21] =	ssyncset.done $0x0  }
0xbd: {  	[sflag:s21] =	ssyncadd.s32 $0xFFFFFE70  }
0xbe: {  	[spmem:s30], [sflag:s2] =	dma.local [hbm:s29], $0x190  }
0xbf: {  	_ =	swait.ge [sflag:s21], $0x190  }
0xc0: {  	s12 =	sld [smem:$0x7E2]  }
0xc1: {  	s28 =	sld [smem:$0x7F8]  }
0xc2: {  	[sflag:s21] =	ssyncset.done $0x0  }
0xc3: {  	[sflag:s21] =	ssyncadd.s32 $0xFFFFFE70  }
0xc4: {  	[spmem:s28], [sflag:s2] =	dma.local [hbm:s12], $0x190  }
0xc5: {  	_ =	swait.ge [sflag:s21], $0x190  }
0xc6: {  	s29 =	sld [smem:$0x7E3]  }
0xc7: {  	s30 =	sld [smem:$0x7FA]  }
0xc8: {  	[sflag:s21] =	ssyncset.done $0x0  }
0xc9: {  	[sflag:s21] =	ssyncadd.s32 $0xFFFFFE70  }
0xca: {  	[spmem:s30], [sflag:s2] =	dma.local [hbm:s29], $0x190  }
0xcb: {  	_ =	swait.ge [sflag:s21], $0x190  }
0xcc: {  	s12 =	sld [smem:$0x7E4]  }
0xcd: {  	s28 =	sld [smem:$0x7FC]  }
0xce: {  	[sflag:s21] =	ssyncset.done $0x0  }
0xcf: {  	[sflag:s21] =	ssyncadd.s32 $0xFFFFFE70  }
0xd0: {  	[spmem:s28], [sflag:s2] =	dma.local [hbm:s12], $0x190  }
0xd1: {  	_ =	swait.ge [sflag:s21], $0x190  }
0xd2: {  	s29 =	sld [smem:$0x7E5]  }
0xd3: {  	s30 =	sld [smem:$0x7FD]  }
0xd4: {  	[sflag:s21] =	ssyncset.done $0x0  }
0xd5: {  	[sflag:s21] =	ssyncadd.s32 $0xFFFFFE70  }
0xd6: {  	[spmem:s30], [sflag:s2] =	dma.local [hbm:s29], $0x190  }
0xd7: {  	_ =	swait.ge [sflag:s21], $0x190  }
0xd8: {  	[sflag:s21] =	ssyncset.done $0x0  }
0xd9: {  	[sflag:s21] =	ssyncadd.s32 $0xFFFFFE70  }
0xda: {  	s21 =	simm.s32 $0x0;
	[bflag:$0x0] =	sbarrier.arrive $0xFFFF  }
.LBB3_2:
0xdb: {  	s28 =	smul.u32 $0x50, s21  }
0xdc: {  	s0 =	rddreg [dreg:$0x12]  }
0xdd: {  	s28 =	sadd.s32 s0, s28  }
0xde: {  	s2 =	rddreg [dreg:$0x10];
	s29 =	sshll.u32 s28, $0x4  }
0xdf: {  	s28 =	simm.s32 $0x0;
	s30 =	sadd.s32 s2, s29;
	s2 =	simm.s32 $0x4  }
0xe0: {  	[tilespmem:s28], [sflag:$0x4] =	stream.linear.gather [hbm4b:s30+s28], $0x2800, $0x38;
	[tilespmem:$0x1AA00] =	vst v63  }
0xe1: {  	_ =	swait.ge [sflag:s2], $0x2800  }
0xe2: {  	[sflag:s2] =	ssyncset.done $0x0;
	s12 =	rddreg [dreg:$0x11]  }
0xe3: {  	[sflag:s2] =	ssyncadd.s32 $0xFFFFD800;
	s30 =	sadd.s32 s12, s29;
	s29 =	simm.s32 $0x2800  }
0xe4: {  	[tilespmem:s29], [sflag:$0x4] =	stream.linear.gather [hbm4b:s30+s28], $0x2800, $0x38;
	[tilespmem:$0x1AA00] =	vst v63  }
0xe5: {  	_ =	swait.ge [sflag:s2], $0x2800  }
0xe6: {  	[sflag:s2] =	ssyncset.done $0x0  }
0xe7: {  	s12 =	simm.s32 $0x5000;
	[sflag:s2] =	ssyncadd.s32 $0xFFFFD800  }
0xe8: {  	[tilespmem:s12], [sflag:$0x1] =	stream.indirect.gather [hbm4b:s23+s13], $0x1, s28, s13, $0xb8;
	[tilespmem:$0x1AA00] =	vst v63  }
0xe9: {  	s2 =	simm.s32 $0x5080  }
0xea: {  	[tilespmem:s2], [sflag:$0x1] =	stream.indirect.gather [hbm4b:s24+s13], $0x1, s28, s13, $0xb8;
	[tilespmem:$0x1AA00] =	vst v63  }
0xeb: {  	s12 =	simm.s32 $0x5100  }
0xec: {  	[tilespmem:s12], [sflag:$0x1] =	stream.indirect.gather [hbm4b:s25+s13], $0x1, s28, s13, $0xb8;
	[tilespmem:$0x1AA00] =	vst v63  }
0xed: {  	s2 =	simm.s32 $0x5180  }
0xee: {  	[tilespmem:s2], [sflag:$0x1] =	stream.indirect.gather [hbm4b:s26+s13], $0x1, s28, s13, $0xb8;
	[tilespmem:$0x1AA00] =	vst v63  }
0xef: {  	s0 =	rddreg [dreg:$0xd];
	s12 =	simm.s32 $0x5200  }
0xf0: {  	[tilespmem:s12], [sflag:$0x2] =	stream.indirect.gather [spmem:s0], $0x1, s28, s13, $0xb8;
	[tilespmem:$0x1AA00] =	vst v63  }
0xf1: {  	s12 =	simm.s32 $0x5280  }
0xf2: {  	[tilespmem:s12], [sflag:$0x2] =	stream.indirect.gather [spmem:s15], $0x1, s28, s13, $0xb8;
	[tilespmem:$0x1AA00] =	vst v63  }
0xf3: {  	s12 =	simm.s32 $0x5300  }
0xf4: {  	[tilespmem:s12], [sflag:$0x2] =	stream.indirect.gather [spmem:s16], $0x1, s28, s13, $0xb8;
	[tilespmem:$0x1AA00] =	vst v63  }
0xf5: {  	s12 =	simm.s32 $0x5380  }
0xf6: {  	[tilespmem:s12], [sflag:$0x2] =	stream.indirect.gather [spmem:s17], $0x1, s28, s13, $0xb8;
	[tilespmem:$0x1AA00] =	vst v63  }
0xf7: {  	s12 =	simm.s32 $0x5400  }
0xf8: {  	[tilespmem:s12], [sflag:$0x2] =	stream.indirect.gather [spmem:s18], $0x1, s28, s13, $0xb8;
	[tilespmem:$0x1AA00] =	vst v63  }
0xf9: {  	s12 =	simm.s32 $0x5480  }
0xfa: {  	[tilespmem:s12], [sflag:$0x2] =	stream.indirect.gather [spmem:s19], $0x1, s28, s13, $0xb8;
	[tilespmem:$0x1AA00] =	vst v63  }
0xfb: {  	s12 =	simm.s32 $0x5500  }
0xfc: {  	[tilespmem:s12], [sflag:$0x2] =	stream.indirect.gather [spmem:s20], $0x1, s28, s13, $0xb8;
	[tilespmem:$0x1AA00] =	vst v63  }
0xfd: {  	s12 =	simm.s32 $0x5580  }
0xfe: {  	[tilespmem:s12], [sflag:$0x2] =	stream.indirect.gather [spmem:s22], $0x1, s28, s13, $0xb8;
	[tilespmem:$0x1AA00] =	vst v63  }
0xff: {  	s2 =	simm.s32 $0x80;
	s12 =	simm.s32 $0x5800  }
0x100: {  	[tilespmem:s12], [sflag:$0x1] =	stream.indirect.gather [hbm4b:s23+s13], $0x1, s2, s13, $0xb8;
	[tilespmem:$0x1AA00] =	vst v63  }
0x101: {  	s12 =	simm.s32 $0x5880  }
0x102: {  	[tilespmem:s12], [sflag:$0x1] =	stream.indirect.gather [hbm4b:s24+s13], $0x1, s2, s13, $0xb8;
	[tilespmem:$0x1AA00] =	vst v63  }
0x103: {  	s12 =	simm.s32 $0x5900  }
0x104: {  	[tilespmem:s12], [sflag:$0x1] =	stream.indirect.gather [hbm4b:s25+s13], $0x1, s2, s13, $0xb8;
	[tilespmem:$0x1AA00] =	vst v63  }
0x105: {  	s12 =	simm.s32 $0x5980  }
0x106: {  	[tilespmem:s12], [sflag:$0x1] =	stream.indirect.gather [hbm4b:s26+s13], $0x1, s2, s13, $0xb8;
	[tilespmem:$0x1AA00] =	vst v63  }
0x107: {  	s12 =	simm.s32 $0x5A00  }
0x108: {  	[tilespmem:s12], [sflag:$0x2] =	stream.indirect.gather [spmem:s0], $0x1, s2, s13, $0xb8;
	[tilespmem:$0x1AA00] =	vst v63  }
0x109: {  	s12 =	simm.s32 $0x5A80  }
0x10a: {  	[tilespmem:s12], [sflag:$0x2] =	stream.indirect.gather [spmem:s15], $0x1, s2, s13, $0xb8;
	[tilespmem:$0x1AA00] =	vst v63  }
0x10b: {  	s12 =	simm.s32 $0x5B00  }
0x10c: {  	[tilespmem:s12], [sflag:$0x2] =	stream.indirect.gather [spmem:s16], $0x1, s2, s13, $0xb8;
	[tilespmem:$0x1AA00] =	vst v63  }
0x10d: {  	s12 =	simm.s32 $0x5B80  }
0x10e: {  	[tilespmem:s12], [sflag:$0x2] =	stream.indirect.gather [spmem:s17], $0x1, s2, s13, $0xb8;
	[tilespmem:$0x1AA00] =	vst v63  }
0x10f: {  	s12 =	simm.s32 $0x5C00  }
0x110: {  	[tilespmem:s12], [sflag:$0x2] =	stream.indirect.gather [spmem:s18], $0x1, s2, s13, $0xb8;
	[tilespmem:$0x1AA00] =	vst v63  }
0x111: {  	s12 =	simm.s32 $0x5C80  }
0x112: {  	[tilespmem:s12], [sflag:$0x2] =	stream.indirect.gather [spmem:s19], $0x1, s2, s13, $0xb8;
	[tilespmem:$0x1AA00] =	vst v63  }
0x113: {  	s12 =	simm.s32 $0x5D00  }
0x114: {  	[tilespmem:s12], [sflag:$0x2] =	stream.indirect.gather [spmem:s20], $0x1, s2, s13, $0xb8;
	[tilespmem:$0x1AA00] =	vst v63  }
0x115: {  	s12 =	simm.s32 $0x5D80  }
0x116: {  	[tilespmem:s12], [sflag:$0x2] =	stream.indirect.gather [spmem:s22], $0x1, s2, s13, $0xb8;
	[tilespmem:$0x1AA00] =	vst v63  }
0x117: {  	s2 =	simm.s32 $0x100;
	s12 =	simm.s32 $0x6000  }
0x118: {  	[tilespmem:s12], [sflag:$0x1] =	stream.indirect.gather [hbm4b:s23+s13], $0x1, s2, s13, $0xb8;
	[tilespmem:$0x1AA00] =	vst v63  }
0x119: {  	s12 =	simm.s32 $0x6080  }
0x11a: {  	[tilespmem:s12], [sflag:$0x1] =	stream.indirect.gather [hbm4b:s24+s13], $0x1, s2, s13, $0xb8;
	[tilespmem:$0x1AA00] =	vst v63  }
0x11b: {  	s12 =	simm.s32 $0x6100  }
0x11c: {  	[tilespmem:s12], [sflag:$0x1] =	stream.indirect.gather [hbm4b:s25+s13], $0x1, s2, s13, $0xb8;
	[tilespmem:$0x1AA00] =	vst v63  }
0x11d: {  	s12 =	simm.s32 $0x6180  }
0x11e: {  	[tilespmem:s12], [sflag:$0x1] =	stream.indirect.gather [hbm4b:s26+s13], $0x1, s2, s13, $0xb8;
	[tilespmem:$0x1AA00] =	vst v63  }
0x11f: {  	s12 =	simm.s32 $0x6200  }
0x120: {  	[tilespmem:s12], [sflag:$0x2] =	stream.indirect.gather [spmem:s0], $0x1, s2, s13, $0xb8;
	[tilespmem:$0x1AA00] =	vst v63  }
0x121: {  	s12 =	simm.s32 $0x6280  }
0x122: {  	[tilespmem:s12], [sflag:$0x2] =	stream.indirect.gather [spmem:s15], $0x1, s2, s13, $0xb8;
	[tilespmem:$0x1AA00] =	vst v63  }
0x123: {  	s12 =	simm.s32 $0x6300  }
0x124: {  	[tilespmem:s12], [sflag:$0x2] =	stream.indirect.gather [spmem:s16], $0x1, s2, s13, $0xb8;
	[tilespmem:$0x1AA00] =	vst v63  }
0x125: {  	s12 =	simm.s32 $0x6380  }
0x126: {  	[tilespmem:s12], [sflag:$0x2] =	stream.indirect.gather [spmem:s17], $0x1, s2, s13, $0xb8;
	[tilespmem:$0x1AA00] =	vst v63  }
0x127: {  	s12 =	simm.s32 $0x6400  }
0x128: {  	[tilespmem:s12], [sflag:$0x2] =	stream.indirect.gather [spmem:s18], $0x1, s2, s13, $0xb8;
	[tilespmem:$0x1AA00] =	vst v63  }
0x129: {  	s12 =	simm.s32 $0x6480  }
0x12a: {  	[tilespmem:s12], [sflag:$0x2] =	stream.indirect.gather [spmem:s19], $0x1, s2, s13, $0xb8;
	[tilespmem:$0x1AA00] =	vst v63  }
0x12b: {  	s12 =	simm.s32 $0x6500  }
0x12c: {  	[tilespmem:s12], [sflag:$0x2] =	stream.indirect.gather [spmem:s20], $0x1, s2, s13, $0xb8;
	[tilespmem:$0x1AA00] =	vst v63  }
0x12d: {  	s12 =	simm.s32 $0x6580  }
0x12e: {  	[tilespmem:s12], [sflag:$0x2] =	stream.indirect.gather [spmem:s22], $0x1, s2, s13, $0xb8;
	[tilespmem:$0x1AA00] =	vst v63  }
0x12f: {  	s2 =	simm.s32 $0x180;
	s12 =	simm.s32 $0x6800  }
0x130: {  	[tilespmem:s12], [sflag:$0x1] =	stream.indirect.gather [hbm4b:s23+s13], $0x1, s2, s13, $0xb8;
	[tilespmem:$0x1AA00] =	vst v63  }
0x131: {  	s12 =	simm.s32 $0x6880  }
0x132: {  	[tilespmem:s12], [sflag:$0x1] =	stream.indirect.gather [hbm4b:s24+s13], $0x1, s2, s13, $0xb8;
	[tilespmem:$0x1AA00] =	vst v63  }
0x133: {  	s12 =	simm.s32 $0x6900  }
0x134: {  	[tilespmem:s12], [sflag:$0x1] =	stream.indirect.gather [hbm4b:s25+s13], $0x1, s2, s13, $0xb8;
	[tilespmem:$0x1AA00] =	vst v63  }
0x135: {  	s12 =	simm.s32 $0x6980  }
0x136: {  	[tilespmem:s12], [sflag:$0x1] =	stream.indirect.gather [hbm4b:s26+s13], $0x1, s2, s13, $0xb8;
	[tilespmem:$0x1AA00] =	vst v63  }
0x137: {  	s12 =	simm.s32 $0x6A00  }
0x138: {  	[tilespmem:s12], [sflag:$0x2] =	stream.indirect.gather [spmem:s0], $0x1, s2, s13, $0xb8;
	[tilespmem:$0x1AA00] =	vst v63  }
0x139: {  	s12 =	simm.s32 $0x6A80  }
0x13a: {  	[tilespmem:s12], [sflag:$0x2] =	stream.indirect.gather [spmem:s15], $0x1, s2, s13, $0xb8;
	[tilespmem:$0x1AA00] =	vst v63  }
0x13b: {  	s12 =	simm.s32 $0x6B00  }
0x13c: {  	[tilespmem:s12], [sflag:$0x2] =	stream.indirect.gather [spmem:s16], $0x1, s2, s13, $0xb8;
	[tilespmem:$0x1AA00] =	vst v63  }
0x13d: {  	s12 =	simm.s32 $0x6B80  }
0x13e: {  	[tilespmem:s12], [sflag:$0x2] =	stream.indirect.gather [spmem:s17], $0x1, s2, s13, $0xb8;
	[tilespmem:$0x1AA00] =	vst v63  }
0x13f: {  	s12 =	simm.s32 $0x6C00  }
0x140: {  	[tilespmem:s12], [sflag:$0x2] =	stream.indirect.gather [spmem:s18], $0x1, s2, s13, $0xb8;
	[tilespmem:$0x1AA00] =	vst v63  }
0x141: {  	s12 =	simm.s32 $0x6C80  }
0x142: {  	[tilespmem:s12], [sflag:$0x2] =	stream.indirect.gather [spmem:s19], $0x1, s2, s13, $0xb8;
	[tilespmem:$0x1AA00] =	vst v63  }
0x143: {  	s12 =	simm.s32 $0x6D00  }
0x144: {  	[tilespmem:s12], [sflag:$0x2] =	stream.indirect.gather [spmem:s20], $0x1, s2, s13, $0xb8;
	[tilespmem:$0x1AA00] =	vst v63  }
0x145: {  	s12 =	simm.s32 $0x6D80  }
0x146: {  	[tilespmem:s12], [sflag:$0x2] =	stream.indirect.gather [spmem:s22], $0x1, s2, s13, $0xb8;
	[tilespmem:$0x1AA00] =	vst v63  }
0x147: {  	s2 =	simm.s32 $0x200;
	s12 =	simm.s32 $0x7000  }
0x148: {  	[tilespmem:s12], [sflag:$0x1] =	stream.indirect.gather [hbm4b:s23+s13], $0x1, s2, s13, $0xb8;
	[tilespmem:$0x1AA00] =	vst v63  }
0x149: {  	s12 =	simm.s32 $0x7080  }
0x14a: {  	[tilespmem:s12], [sflag:$0x1] =	stream.indirect.gather [hbm4b:s24+s13], $0x1, s2, s13, $0xb8;
	[tilespmem:$0x1AA00] =	vst v63  }
0x14b: {  	s12 =	simm.s32 $0x7100  }
0x14c: {  	[tilespmem:s12], [sflag:$0x1] =	stream.indirect.gather [hbm4b:s25+s13], $0x1, s2, s13, $0xb8;
	[tilespmem:$0x1AA00] =	vst v63  }
0x14d: {  	s12 =	simm.s32 $0x7180  }
0x14e: {  	[tilespmem:s12], [sflag:$0x1] =	stream.indirect.gather [hbm4b:s26+s13], $0x1, s2, s13, $0xb8;
	[tilespmem:$0x1AA00] =	vst v63  }
0x14f: {  	s12 =	simm.s32 $0x7200  }
0x150: {  	[tilespmem:s12], [sflag:$0x2] =	stream.indirect.gather [spmem:s0], $0x1, s2, s13, $0xb8;
	[tilespmem:$0x1AA00] =	vst v63  }
0x151: {  	s12 =	simm.s32 $0x7280  }
0x152: {  	[tilespmem:s12], [sflag:$0x2] =	stream.indirect.gather [spmem:s15], $0x1, s2, s13, $0xb8;
	[tilespmem:$0x1AA00] =	vst v63  }
0x153: {  	s12 =	simm.s32 $0x7300  }
0x154: {  	[tilespmem:s12], [sflag:$0x2] =	stream.indirect.gather [spmem:s16], $0x1, s2, s13, $0xb8;
	[tilespmem:$0x1AA00] =	vst v63  }
0x155: {  	s12 =	simm.s32 $0x7380  }
0x156: {  	[tilespmem:s12], [sflag:$0x2] =	stream.indirect.gather [spmem:s17], $0x1, s2, s13, $0xb8;
	[tilespmem:$0x1AA00] =	vst v63  }
0x157: {  	s12 =	simm.s32 $0x7400  }
0x158: {  	[tilespmem:s12], [sflag:$0x2] =	stream.indirect.gather [spmem:s18], $0x1, s2, s13, $0xb8;
	[tilespmem:$0x1AA00] =	vst v63  }
0x159: {  	s12 =	simm.s32 $0x7480  }
0x15a: {  	[tilespmem:s12], [sflag:$0x2] =	stream.indirect.gather [spmem:s19], $0x1, s2, s13, $0xb8;
	[tilespmem:$0x1AA00] =	vst v63  }
0x15b: {  	s12 =	simm.s32 $0x7500  }
0x15c: {  	[tilespmem:s12], [sflag:$0x2] =	stream.indirect.gather [spmem:s20], $0x1, s2, s13, $0xb8;
	[tilespmem:$0x1AA00] =	vst v63  }
0x15d: {  	s12 =	simm.s32 $0x7580  }
0x15e: {  	[tilespmem:s12], [sflag:$0x2] =	stream.indirect.gather [spmem:s22], $0x1, s2, s13, $0xb8;
	[tilespmem:$0x1AA00] =	vst v63  }
0x15f: {  	s2 =	simm.s32 $0x280;
	s12 =	simm.s32 $0x7800  }
0x160: {  	[tilespmem:s12], [sflag:$0x1] =	stream.indirect.gather [hbm4b:s23+s13], $0x1, s2, s13, $0xb8;
	[tilespmem:$0x1AA00] =	vst v63  }
0x161: {  	s12 =	simm.s32 $0x7880  }
0x162: {  	[tilespmem:s12], [sflag:$0x1] =	stream.indirect.gather [hbm4b:s24+s13], $0x1, s2, s13, $0xb8;
	[tilespmem:$0x1AA00] =	vst v63  }
0x163: {  	s12 =	simm.s32 $0x7900  }
0x164: {  	[tilespmem:s12], [sflag:$0x1] =	stream.indirect.gather [hbm4b:s25+s13], $0x1, s2, s13, $0xb8;
	[tilespmem:$0x1AA00] =	vst v63  }
0x165: {  	s12 =	simm.s32 $0x7980  }
0x166: {  	[tilespmem:s12], [sflag:$0x1] =	stream.indirect.gather [hbm4b:s26+s13], $0x1, s2, s13, $0xb8;
	[tilespmem:$0x1AA00] =	vst v63  }
0x167: {  	s12 =	simm.s32 $0x7A00  }
0x168: {  	[tilespmem:s12], [sflag:$0x2] =	stream.indirect.gather [spmem:s0], $0x1, s2, s13, $0xb8;
	[tilespmem:$0x1AA00] =	vst v63  }
0x169: {  	s12 =	simm.s32 $0x7A80  }
0x16a: {  	[tilespmem:s12], [sflag:$0x2] =	stream.indirect.gather [spmem:s15], $0x1, s2, s13, $0xb8;
	[tilespmem:$0x1AA00] =	vst v63  }
0x16b: {  	s12 =	simm.s32 $0x7B00  }
0x16c: {  	[tilespmem:s12], [sflag:$0x2] =	stream.indirect.gather [spmem:s16], $0x1, s2, s13, $0xb8;
	[tilespmem:$0x1AA00] =	vst v63  }
0x16d: {  	s12 =	simm.s32 $0x7B80  }
0x16e: {  	[tilespmem:s12], [sflag:$0x2] =	stream.indirect.gather [spmem:s17], $0x1, s2, s13, $0xb8;
	[tilespmem:$0x1AA00] =	vst v63  }
0x16f: {  	s12 =	simm.s32 $0x7C00  }
0x170: {  	[tilespmem:s12], [sflag:$0x2] =	stream.indirect.gather [spmem:s18], $0x1, s2, s13, $0xb8;
	[tilespmem:$0x1AA00] =	vst v63  }
0x171: {  	s12 =	simm.s32 $0x7C80  }
0x172: {  	[tilespmem:s12], [sflag:$0x2] =	stream.indirect.gather [spmem:s19], $0x1, s2, s13, $0xb8;
	[tilespmem:$0x1AA00] =	vst v63  }
0x173: {  	s12 =	simm.s32 $0x7D00  }
0x174: {  	[tilespmem:s12], [sflag:$0x2] =	stream.indirect.gather [spmem:s20], $0x1, s2, s13, $0xb8;
	[tilespmem:$0x1AA00] =	vst v63  }
0x175: {  	s12 =	simm.s32 $0x7D80  }
0x176: {  	[tilespmem:s12], [sflag:$0x2] =	stream.indirect.gather [spmem:s22], $0x1, s2, s13, $0xb8;
	[tilespmem:$0x1AA00] =	vst v63  }
0x177: {  	s2 =	simm.s32 $0x300;
	s12 =	simm.s32 $0x8000  }
0x178: {  	[tilespmem:s12], [sflag:$0x1] =	stream.indirect.gather [hbm4b:s23+s13], $0x1, s2, s13, $0xb8;
	[tilespmem:$0x1AA00] =	vst v63  }
0x179: {  	s12 =	simm.s32 $0x8080  }
0x17a: {  	[tilespmem:s12], [sflag:$0x1] =	stream.indirect.gather [hbm4b:s24+s13], $0x1, s2, s13, $0xb8;
	[tilespmem:$0x1AA00] =	vst v63  }
0x17b: {  	s12 =	simm.s32 $0x8100  }
0x17c: {  	[tilespmem:s12], [sflag:$0x1] =	stream.indirect.gather [hbm4b:s25+s13], $0x1, s2, s13, $0xb8;
	[tilespmem:$0x1AA00] =	vst v63  }
0x17d: {  	s12 =	simm.s32 $0x8180  }
0x17e: {  	[tilespmem:s12], [sflag:$0x1] =	stream.indirect.gather [hbm4b:s26+s13], $0x1, s2, s13, $0xb8;
	[tilespmem:$0x1AA00] =	vst v63  }
0x17f: {  	s12 =	simm.s32 $0x8200  }
0x180: {  	[tilespmem:s12], [sflag:$0x2] =	stream.indirect.gather [spmem:s0], $0x1, s2, s13, $0xb8;
	[tilespmem:$0x1AA00] =	vst v63  }
0x181: {  	s12 =	simm.s32 $0x8280  }
0x182: {  	[tilespmem:s12], [sflag:$0x2] =	stream.indirect.gather [spmem:s15], $0x1, s2, s13, $0xb8;
	[tilespmem:$0x1AA00] =	vst v63  }
0x183: {  	s12 =	simm.s32 $0x8300  }
0x184: {  	[tilespmem:s12], [sflag:$0x2] =	stream.indirect.gather [spmem:s16], $0x1, s2, s13, $0xb8;
	[tilespmem:$0x1AA00] =	vst v63  }
0x185: {  	s12 =	simm.s32 $0x8380  }
0x186: {  	[tilespmem:s12], [sflag:$0x2] =	stream.indirect.gather [spmem:s17], $0x1, s2, s13, $0xb8;
	[tilespmem:$0x1AA00] =	vst v63  }
0x187: {  	s12 =	simm.s32 $0x8400  }
0x188: {  	[tilespmem:s12], [sflag:$0x2] =	stream.indirect.gather [spmem:s18], $0x1, s2, s13, $0xb8;
	[tilespmem:$0x1AA00] =	vst v63  }
0x189: {  	s12 =	simm.s32 $0x8480  }
0x18a: {  	[tilespmem:s12], [sflag:$0x2] =	stream.indirect.gather [spmem:s19], $0x1, s2, s13, $0xb8;
	[tilespmem:$0x1AA00] =	vst v63  }
0x18b: {  	s12 =	simm.s32 $0x8500  }
0x18c: {  	[tilespmem:s12], [sflag:$0x2] =	stream.indirect.gather [spmem:s20], $0x1, s2, s13, $0xb8;
	[tilespmem:$0x1AA00] =	vst v63  }
0x18d: {  	s12 =	simm.s32 $0x8580  }
0x18e: {  	[tilespmem:s12], [sflag:$0x2] =	stream.indirect.gather [spmem:s22], $0x1, s2, s13, $0xb8;
	[tilespmem:$0x1AA00] =	vst v63  }
0x18f: {  	s2 =	simm.s32 $0x380;
	s12 =	simm.s32 $0x8800  }
0x190: {  	[tilespmem:s12], [sflag:$0x1] =	stream.indirect.gather [hbm4b:s23+s13], $0x1, s2, s13, $0xb8;
	[tilespmem:$0x1AA00] =	vst v63  }
0x191: {  	s12 =	simm.s32 $0x8880  }
0x192: {  	[tilespmem:s12], [sflag:$0x1] =	stream.indirect.gather [hbm4b:s24+s13], $0x1, s2, s13, $0xb8;
	[tilespmem:$0x1AA00] =	vst v63  }
0x193: {  	s12 =	simm.s32 $0x8900  }
0x194: {  	[tilespmem:s12], [sflag:$0x1] =	stream.indirect.gather [hbm4b:s25+s13], $0x1, s2, s13, $0xb8;
	[tilespmem:$0x1AA00] =	vst v63  }
0x195: {  	s12 =	simm.s32 $0x8980  }
0x196: {  	[tilespmem:s12], [sflag:$0x1] =	stream.indirect.gather [hbm4b:s26+s13], $0x1, s2, s13, $0xb8;
	[tilespmem:$0x1AA00] =	vst v63  }
0x197: {  	s12 =	simm.s32 $0x8A00  }
0x198: {  	[tilespmem:s12], [sflag:$0x2] =	stream.indirect.gather [spmem:s0], $0x1, s2, s13, $0xb8;
	[tilespmem:$0x1AA00] =	vst v63  }
0x199: {  	s12 =	simm.s32 $0x8A80  }
0x19a: {  	[tilespmem:s12], [sflag:$0x2] =	stream.indirect.gather [spmem:s15], $0x1, s2, s13, $0xb8;
	[tilespmem:$0x1AA00] =	vst v63  }
0x19b: {  	s12 =	simm.s32 $0x8B00  }
0x19c: {  	[tilespmem:s12], [sflag:$0x2] =	stream.indirect.gather [spmem:s16], $0x1, s2, s13, $0xb8;
	[tilespmem:$0x1AA00] =	vst v63  }
0x19d: {  	s12 =	simm.s32 $0x8B80  }
0x19e: {  	[tilespmem:s12], [sflag:$0x2] =	stream.indirect.gather [spmem:s17], $0x1, s2, s13, $0xb8;
	[tilespmem:$0x1AA00] =	vst v63  }
0x19f: {  	s12 =	simm.s32 $0x8C00  }
0x1a0: {  	[tilespmem:s12], [sflag:$0x2] =	stream.indirect.gather [spmem:s18], $0x1, s2, s13, $0xb8;
	[tilespmem:$0x1AA00] =	vst v63  }
0x1a1: {  	s12 =	simm.s32 $0x8C80  }
0x1a2: {  	[tilespmem:s12], [sflag:$0x2] =	stream.indirect.gather [spmem:s19], $0x1, s2, s13, $0xb8;
	[tilespmem:$0x1AA00] =	vst v63  }
0x1a3: {  	s12 =	simm.s32 $0x8D00  }
0x1a4: {  	[tilespmem:s12], [sflag:$0x2] =	stream.indirect.gather [spmem:s20], $0x1, s2, s13, $0xb8;
	[tilespmem:$0x1AA00] =	vst v63  }
0x1a5: {  	s12 =	simm.s32 $0x8D80  }
0x1a6: {  	[tilespmem:s12], [sflag:$0x2] =	stream.indirect.gather [spmem:s22], $0x1, s2, s13, $0xb8;
	[tilespmem:$0x1AA00] =	vst v63  }
0x1a7: {  	s2 =	simm.s32 $0x400;
	s12 =	simm.s32 $0x9000  }
0x1a8: {  	[tilespmem:s12], [sflag:$0x1] =	stream.indirect.gather [hbm4b:s23+s13], $0x1, s2, s13, $0xb8;
	[tilespmem:$0x1AA00] =	vst v63  }
0x1a9: {  	s12 =	simm.s32 $0x9080  }
0x1aa: {  	[tilespmem:s12], [sflag:$0x1] =	stream.indirect.gather [hbm4b:s24+s13], $0x1, s2, s13, $0xb8;
	[tilespmem:$0x1AA00] =	vst v63  }
0x1ab: {  	s12 =	simm.s32 $0x9100  }
0x1ac: {  	[tilespmem:s12], [sflag:$0x1] =	stream.indirect.gather [hbm4b:s25+s13], $0x1, s2, s13, $0xb8;
	[tilespmem:$0x1AA00] =	vst v63  }
0x1ad: {  	s12 =	simm.s32 $0x9180  }
0x1ae: {  	[tilespmem:s12], [sflag:$0x1] =	stream.indirect.gather [hbm4b:s26+s13], $0x1, s2, s13, $0xb8;
	[tilespmem:$0x1AA00] =	vst v63  }
0x1af: {  	s12 =	simm.s32 $0x9200  }
0x1b0: {  	[tilespmem:s12], [sflag:$0x2] =	stream.indirect.gather [spmem:s0], $0x1, s2, s13, $0xb8;
	[tilespmem:$0x1AA00] =	vst v63  }
0x1b1: {  	s12 =	simm.s32 $0x9280  }
0x1b2: {  	[tilespmem:s12], [sflag:$0x2] =	stream.indirect.gather [spmem:s15], $0x1, s2, s13, $0xb8;
	[tilespmem:$0x1AA00] =	vst v63  }
0x1b3: {  	s12 =	simm.s32 $0x9300  }
0x1b4: {  	[tilespmem:s12], [sflag:$0x2] =	stream.indirect.gather [spmem:s16], $0x1, s2, s13, $0xb8;
	[tilespmem:$0x1AA00] =	vst v63  }
0x1b5: {  	s12 =	simm.s32 $0x9380  }
0x1b6: {  	[tilespmem:s12], [sflag:$0x2] =	stream.indirect.gather [spmem:s17], $0x1, s2, s13, $0xb8;
	[tilespmem:$0x1AA00] =	vst v63  }
0x1b7: {  	s12 =	simm.s32 $0x9400  }
0x1b8: {  	[tilespmem:s12], [sflag:$0x2] =	stream.indirect.gather [spmem:s18], $0x1, s2, s13, $0xb8;
	[tilespmem:$0x1AA00] =	vst v63  }
0x1b9: {  	s12 =	simm.s32 $0x9480  }
0x1ba: {  	[tilespmem:s12], [sflag:$0x2] =	stream.indirect.gather [spmem:s19], $0x1, s2, s13, $0xb8;
	[tilespmem:$0x1AA00] =	vst v63  }
0x1bb: {  	s12 =	simm.s32 $0x9500  }
0x1bc: {  	[tilespmem:s12], [sflag:$0x2] =	stream.indirect.gather [spmem:s20], $0x1, s2, s13, $0xb8;
	[tilespmem:$0x1AA00] =	vst v63  }
0x1bd: {  	s12 =	simm.s32 $0x9580  }
0x1be: {  	[tilespmem:s12], [sflag:$0x2] =	stream.indirect.gather [spmem:s22], $0x1, s2, s13, $0xb8;
	[tilespmem:$0x1AA00] =	vst v63  }
0x1bf: {  	s2 =	simm.s32 $0x480;
	s12 =	simm.s32 $0x9800  }
0x1c0: {  	[tilespmem:s12], [sflag:$0x1] =	stream.indirect.gather [hbm4b:s23+s13], $0x1, s2, s13, $0xb8;
	[tilespmem:$0x1AA00] =	vst v63  }
0x1c1: {  	s12 =	simm.s32 $0x9880  }
0x1c2: {  	[tilespmem:s12], [sflag:$0x1] =	stream.indirect.gather [hbm4b:s24+s13], $0x1, s2, s13, $0xb8;
	[tilespmem:$0x1AA00] =	vst v63  }
0x1c3: {  	s12 =	simm.s32 $0x9900  }
0x1c4: {  	[tilespmem:s12], [sflag:$0x1] =	stream.indirect.gather [hbm4b:s25+s13], $0x1, s2, s13, $0xb8;
	[tilespmem:$0x1AA00] =	vst v63  }
0x1c5: {  	s12 =	simm.s32 $0x9980  }
0x1c6: {  	[tilespmem:s12], [sflag:$0x1] =	stream.indirect.gather [hbm4b:s26+s13], $0x1, s2, s13, $0xb8;
	[tilespmem:$0x1AA00] =	vst v63  }
0x1c7: {  	s12 =	simm.s32 $0x9A00  }
0x1c8: {  	[tilespmem:s12], [sflag:$0x2] =	stream.indirect.gather [spmem:s0], $0x1, s2, s13, $0xb8;
	[tilespmem:$0x1AA00] =	vst v63  }
0x1c9: {  	s12 =	simm.s32 $0x9A80  }
0x1ca: {  	[tilespmem:s12], [sflag:$0x2] =	stream.indirect.gather [spmem:s15], $0x1, s2, s13, $0xb8;
	[tilespmem:$0x1AA00] =	vst v63  }
0x1cb: {  	s12 =	simm.s32 $0x9B00  }
0x1cc: {  	[tilespmem:s12], [sflag:$0x2] =	stream.indirect.gather [spmem:s16], $0x1, s2, s13, $0xb8;
	[tilespmem:$0x1AA00] =	vst v63  }
0x1cd: {  	s12 =	simm.s32 $0x9B80  }
0x1ce: {  	[tilespmem:s12], [sflag:$0x2] =	stream.indirect.gather [spmem:s17], $0x1, s2, s13, $0xb8;
	[tilespmem:$0x1AA00] =	vst v63  }
0x1cf: {  	s12 =	simm.s32 $0x9C00  }
0x1d0: {  	[tilespmem:s12], [sflag:$0x2] =	stream.indirect.gather [spmem:s18], $0x1, s2, s13, $0xb8;
	[tilespmem:$0x1AA00] =	vst v63  }
0x1d1: {  	s12 =	simm.s32 $0x9C80  }
0x1d2: {  	[tilespmem:s12], [sflag:$0x2] =	stream.indirect.gather [spmem:s19], $0x1, s2, s13, $0xb8;
	[tilespmem:$0x1AA00] =	vst v63  }
0x1d3: {  	s12 =	simm.s32 $0x9D00  }
0x1d4: {  	[tilespmem:s12], [sflag:$0x2] =	stream.indirect.gather [spmem:s20], $0x1, s2, s13, $0xb8;
	[tilespmem:$0x1AA00] =	vst v63  }
0x1d5: {  	s12 =	simm.s32 $0x9D80  }
0x1d6: {  	[tilespmem:s12], [sflag:$0x2] =	stream.indirect.gather [spmem:s22], $0x1, s2, s13, $0xb8;
	[tilespmem:$0x1AA00] =	vst v63  }
0x1d7: {  	s2 =	simm.s32 $0x500;
	s12 =	simm.s32 $0xA000  }
0x1d8: {  	[tilespmem:s12], [sflag:$0x1] =	stream.indirect.gather [hbm4b:s23+s13], $0x1, s2, s13, $0xb8;
	[tilespmem:$0x1AA00] =	vst v63  }
0x1d9: {  	s12 =	simm.s32 $0xA080  }
0x1da: {  	[tilespmem:s12], [sflag:$0x1] =	stream.indirect.gather [hbm4b:s24+s13], $0x1, s2, s13, $0xb8;
	[tilespmem:$0x1AA00] =	vst v63  }
0x1db: {  	s12 =	simm.s32 $0xA100  }
0x1dc: {  	[tilespmem:s12], [sflag:$0x1] =	stream.indirect.gather [hbm4b:s25+s13], $0x1, s2, s13, $0xb8;
	[tilespmem:$0x1AA00] =	vst v63  }
0x1dd: {  	s12 =	simm.s32 $0xA180  }
0x1de: {  	[tilespmem:s12], [sflag:$0x1] =	stream.indirect.gather [hbm4b:s26+s13], $0x1, s2, s13, $0xb8;
	[tilespmem:$0x1AA00] =	vst v63  }
0x1df: {  	s12 =	simm.s32 $0xA200  }
0x1e0: {  	[tilespmem:s12], [sflag:$0x2] =	stream.indirect.gather [spmem:s0], $0x1, s2, s13, $0xb8;
	[tilespmem:$0x1AA00] =	vst v63  }
0x1e1: {  	s12 =	simm.s32 $0xA280  }
0x1e2: {  	[tilespmem:s12], [sflag:$0x2] =	stream.indirect.gather [spmem:s15], $0x1, s2, s13, $0xb8;
	[tilespmem:$0x1AA00] =	vst v63  }
0x1e3: {  	s12 =	simm.s32 $0xA300  }
0x1e4: {  	[tilespmem:s12], [sflag:$0x2] =	stream.indirect.gather [spmem:s16], $0x1, s2, s13, $0xb8;
	[tilespmem:$0x1AA00] =	vst v63  }
0x1e5: {  	s12 =	simm.s32 $0xA380  }
0x1e6: {  	[tilespmem:s12], [sflag:$0x2] =	stream.indirect.gather [spmem:s17], $0x1, s2, s13, $0xb8;
	[tilespmem:$0x1AA00] =	vst v63  }
0x1e7: {  	s12 =	simm.s32 $0xA400  }
0x1e8: {  	[tilespmem:s12], [sflag:$0x2] =	stream.indirect.gather [spmem:s18], $0x1, s2, s13, $0xb8;
	[tilespmem:$0x1AA00] =	vst v63  }
0x1e9: {  	s12 =	simm.s32 $0xA480  }
0x1ea: {  	[tilespmem:s12], [sflag:$0x2] =	stream.indirect.gather [spmem:s19], $0x1, s2, s13, $0xb8;
	[tilespmem:$0x1AA00] =	vst v63  }
0x1eb: {  	s12 =	simm.s32 $0xA500  }
0x1ec: {  	[tilespmem:s12], [sflag:$0x2] =	stream.indirect.gather [spmem:s20], $0x1, s2, s13, $0xb8;
	[tilespmem:$0x1AA00] =	vst v63  }
0x1ed: {  	s30 =	simm.s32 $0x580;
	s12 =	simm.s32 $0xA580  }
0x1ee: {  	[tilespmem:s12], [sflag:$0x2] =	stream.indirect.gather [spmem:s22], $0x1, s2, s13, $0xb8;
	[tilespmem:$0x1AA00] =	vst v63  }
.LBB3_3:
0x1ef: {  	p0 =	seq.s32 s28, $0x0  }
0x1f0: {  	s12 =	simm.s32 @!p0 $0x3  }
0x1f1: {  	p1 =	sgt.u32 @!p0 s28, $0x44;
	_ =	swait.ge @!p0 [sflag:s12], $0x5DC  }
0x1f2: {  	p1 =	por p0, !p1;
	[sflag:s12] =	ssyncset.done @!p0 $0x0  }
0x1f3: {  	[sflag:s12] =	ssyncadd.s32 @!p0 $0xFFFFFA24;
	s12 =	sadd.s32 @p1 $0xB, s28  }
0x1f4: {  	s0 =	smul.u32 @p1 $0xAB, s12;
	_ =	sdelay $0x1  }
0x1f5: {  	s0 =	sshrl.u32 @p1 s0, $0xB  }
0x1f6: {  	s0 =	sand.u32 @p1 $0x1F, s0  }
0x1f7: {  	s0 =	smul.u32 @p1 $0xC, s0;
	_ =	sdelay $0x1  }
0x1f8: {  	s0 =	ssub.s32 @p1 s12, s0  }
0x1f9: {  	s0 =	sand.u32 @p1 $0xFF, s0  }
0x1fa: {  	s0 =	sshll.u32 @p1 s0, $0xB  }
0x1fb: {  	s12 =	sadd.s32 @p1 $0x5000, s0  }
0x1fc: {  	[tilespmem:s12], [sflag:$0x1] =	stream.indirect.gather @p1 [hbm4b:s23+s13], $0x1, s30, s13, $0xb8;
	[tilespmem:$0x1AA00] =	vst v63  }
0x1fd: {  	s12 =	sadd.s32 @p1 $0x5080, s0  }
0x1fe: {  	[tilespmem:s12], [sflag:$0x1] =	stream.indirect.gather @p1 [hbm4b:s24+s13], $0x1, s30, s13, $0xb8;
	[tilespmem:$0x1AA00] =	vst v63  }
0x1ff: {  	s12 =	sadd.s32 @p1 $0x5100, s0  }
0x200: {  	[tilespmem:s12], [sflag:$0x1] =	stream.indirect.gather @p1 [hbm4b:s25+s13], $0x1, s30, s13, $0xb8;
	[tilespmem:$0x1AA00] =	vst v63  }
0x201: {  	s12 =	sadd.s32 @p1 $0x5180, s0  }
0x202: {  	[tilespmem:s12], [sflag:$0x1] =	stream.indirect.gather @p1 [hbm4b:s26+s13], $0x1, s30, s13, $0xb8;
	[tilespmem:$0x1AA00] =	vst v63  }
0x203: {  	s2 =	rddreg @p1 [dreg:$0xd];
	s12 =	sadd.s32 @p1 $0x5200, s0  }
0x204: {  	[tilespmem:s12], [sflag:$0x2] =	stream.indirect.gather @p1 [spmem:s2], $0x1, s30, s13, $0xb8;
	[tilespmem:$0x1AA00] =	vst v63  }
0x205: {  	s12 =	sadd.s32 @p1 $0x5280, s0  }
0x206: {  	[tilespmem:s12], [sflag:$0x2] =	stream.indirect.gather @p1 [spmem:s15], $0x1, s30, s13, $0xb8;
	[tilespmem:$0x1AA00] =	vst v63  }
0x207: {  	s12 =	sadd.s32 @p1 $0x5300, s0  }
0x208: {  	[tilespmem:s12], [sflag:$0x2] =	stream.indirect.gather @p1 [spmem:s16], $0x1, s30, s13, $0xb8;
	[tilespmem:$0x1AA00] =	vst v63  }
0x209: {  	s12 =	sadd.s32 @p1 $0x5380, s0  }
0x20a: {  	[tilespmem:s12], [sflag:$0x2] =	stream.indirect.gather @p1 [spmem:s17], $0x1, s30, s13, $0xb8;
	[tilespmem:$0x1AA00] =	vst v63  }
0x20b: {  	s12 =	sadd.s32 @p1 $0x5400, s0  }
0x20c: {  	[tilespmem:s12], [sflag:$0x2] =	stream.indirect.gather @p1 [spmem:s18], $0x1, s30, s13, $0xb8;
	[tilespmem:$0x1AA00] =	vst v63  }
0x20d: {  	s12 =	sadd.s32 @p1 $0x5480, s0  }
0x20e: {  	[tilespmem:s12], [sflag:$0x2] =	stream.indirect.gather @p1 [spmem:s19], $0x1, s30, s13, $0xb8;
	[tilespmem:$0x1AA00] =	vst v63  }
0x20f: {  	s12 =	sadd.s32 @p1 $0x5500, s0  }
0x210: {  	[tilespmem:s12], [sflag:$0x2] =	stream.indirect.gather @p1 [spmem:s20], $0x1, s30, s13, $0xb8;
	[tilespmem:$0x1AA00] =	vst v63  }
0x211: {  	s0 =	sadd.s32 @p1 $0x5580, s0;
	s12 =	smul.u32 $0xAB, s28  }
0x212: {  	[tilespmem:s0], [sflag:$0x2] =	stream.indirect.gather @p1 [spmem:s22], $0x1, s30, s13, $0xb8;
	[tilespmem:$0x1AA00] =	vst v63  }
0x213: {  	s0 =	sshrl.u32 s12, $0xB  }
0x214: {  	s0 =	sand.u32 $0x1F, s0;
	_ =	swait.ge [sflag:s31], $0x1F4  }
0x215: {  	s0 =	smul.u32 $0xC, s0;
	[sflag:s31] =	ssyncset.done $0x0  }
0x216: {  	[sflag:s31] =	ssyncadd.s32 $0xFFFFFE0C  }
0x217: {  	s0 =	ssub.s32 s28, s0;
	_ =	swait.ge [sflag:s14], $0x3E8  }
0x218: {  	s0 =	sand.u32 $0xFF, s0;
	[sflag:s14] =	ssyncset.done $0x0  }
0x219: {  	s0 =	sshll.u32 s0, $0xB;
	[sflag:s14] =	ssyncadd.s32 $0xFFFFFC18  }
0x21a: {  	s12 =	sadd.s32 $0x5000, s0;
	s2 =	rddreg [dreg:$0x1]  }
0x21b: {  	[spmem:s2] =	stream.indirect.scatter.add.f32 [tilespmem:s12], [sflag:$0x3], $0x1, s29, s13, $0xb8;
	[tilespmem:$0x1AA00] =	vst v63  }
0x21c: {  	s12 =	sadd.s32 $0x5080, s0;
	s2 =	rddreg [dreg:$0x2]  }
0x21d: {  	[spmem:s2] =	stream.indirect.scatter.add.f32 [tilespmem:s12], [sflag:$0x3], $0x1, s29, s13, $0xb8;
	[tilespmem:$0x1AA00] =	vst v63  }
0x21e: {  	s2 =	sadd.s32 $0x5100, s0  }
0x21f: {  	[spmem:s3] =	stream.indirect.scatter.add.f32 [tilespmem:s2], [sflag:$0x3], $0x1, s29, s13, $0xb8;
	[tilespmem:$0x1AA00] =	vst v63  }
0x220: {  	s2 =	sadd.s32 $0x5180, s0  }
0x221: {  	[spmem:s4] =	stream.indirect.scatter.add.f32 [tilespmem:s2], [sflag:$0x3], $0x1, s29, s13, $0xb8;
	[tilespmem:$0x1AA00] =	vst v63  }
0x222: {  	s2 =	sadd.s32 $0x5200, s0  }
0x223: {  	[spmem:s5] =	stream.indirect.scatter.add.f32 [tilespmem:s2], [sflag:$0x3], $0x1, s29, s13, $0xb8;
	[tilespmem:$0x1AA00] =	vst v63  }
0x224: {  	s2 =	sadd.s32 $0x5280, s0  }
0x225: {  	[spmem:s6] =	stream.indirect.scatter.add.f32 [tilespmem:s2], [sflag:$0x3], $0x1, s29, s13, $0xb8;
	[tilespmem:$0x1AA00] =	vst v63  }
0x226: {  	s2 =	sadd.s32 $0x5300, s0  }
0x227: {  	[spmem:s7] =	stream.indirect.scatter.add.f32 [tilespmem:s2], [sflag:$0x3], $0x1, s29, s13, $0xb8;
	[tilespmem:$0x1AA00] =	vst v63  }
0x228: {  	s2 =	sadd.s32 $0x5380, s0  }
0x229: {  	[spmem:s8] =	stream.indirect.scatter.add.f32 [tilespmem:s2], [sflag:$0x3], $0x1, s29, s13, $0xb8;
	[tilespmem:$0x1AA00] =	vst v63  }
0x22a: {  	s28 =	sadd.s32 $0x1, s28;
	s2 =	sadd.s32 $0x5400, s0  }
0x22b: {  	[spmem:s9] =	stream.indirect.scatter.add.f32 [tilespmem:s2], [sflag:$0x3], $0x1, s29, s13, $0xb8;
	[tilespmem:$0x1AA00] =	vst v63  }
0x22c: {  	p0 =	sne.s32 s28, $0x50;
	s2 =	sadd.s32 $0x5480, s0  }
0x22d: {  	[spmem:s10] =	stream.indirect.scatter.add.f32 [tilespmem:s2], [sflag:$0x3], $0x1, s29, s13, $0xb8;
	[tilespmem:$0x1AA00] =	vst v63  }
.Ltmp0:
0x22e: {  	s2 =	sadd.s32 $0x5500, s0;
	(pc) =	sbr.rel @p0 .LBB3_3-.Ltmp0, $4  }
0x22f: {  	[spmem:s11] =	stream.indirect.scatter.add.f32 [tilespmem:s2], [sflag:$0x3], $0x1, s29, s13, $0xb8;
	[tilespmem:$0x1AA00] =	vst v63  }
0x230: {  	s0 =	sadd.s32 $0x5580, s0  }
0x231: {  	[spmem:s1] =	stream.indirect.scatter.add.f32 [tilespmem:s0], [sflag:$0x3], $0x1, s29, s13, $0xb8;
	[tilespmem:$0x1AA00] =	vst v63  }
0x232: {  	s30 =	sadd.s32 $0x80, s30;
	s29 =	sadd.s32 $0x80, s29  }
0x233: {  	s21 =	sadd.s32 $0x1, s21  }
0x234: {  	p0 =	sne.s32 s21, $0x5  }
.Ltmp1:
0x235: {  	_ = 	snop;
	(pc) =	sbr.rel @p0 .LBB3_2-.Ltmp1, $4  }
0x236: {  	s0 =	simm.s32 $0x3  }
0x237: {  	_ =	swait.ge [sflag:s0], $0x5DC  }
0x238: {  	[sflag:s0] =	ssyncset.done $0x0  }
0x239: {  	[sflag:s0] =	ssyncadd.s32 $0xFFFFFA24  }
0x23a: {  	[bflag:$0x0] =	sbarrier.arrive $0xFFFF  }
0x23b: {  	s0 =	sld [smem:$0x7E6]  }
0x23c: {  	s12 =	sld [smem:$0x7D1];
	_ =	sdelay $0x1  }
0x23d: {  	s21 =	simm.s32 $0x4;
	s2 =	rddreg [dreg:$0x13]  }
0x23e: {  	[hbm:s0], [sflag:s2] =	dma.local [spmem:s12], $0x190  }
0x23f: {  	_ =	swait.ge [sflag:s21], $0x190  }
0x240: {  	s12 =	sld [smem:$0x7E7]  }
0x241: {  	s28 =	sld [smem:$0x7D2]  }
0x242: {  	[sflag:s21] =	ssyncset.done $0x0  }
0x243: {  	[sflag:s21] =	ssyncadd.s32 $0xFFFFFE70  }
0x244: {  	[hbm:s12], [sflag:s2] =	dma.local [spmem:s28], $0x190  }
0x245: {  	_ =	swait.ge [sflag:s21], $0x190  }
0x246: {  	s29 =	sld [smem:$0x7E8]  }
0x247: {  	s30 =	sld [smem:$0x7D3]  }
0x248: {  	[sflag:s21] =	ssyncset.done $0x0  }
0x249: {  	[sflag:s21] =	ssyncadd.s32 $0xFFFFFE70  }
0x24a: {  	[hbm:s29], [sflag:s2] =	dma.local [spmem:s30], $0x190  }
0x24b: {  	_ =	swait.ge [sflag:s21], $0x190  }
0x24c: {  	s12 =	sld [smem:$0x7E9]  }
0x24d: {  	s28 =	sld [smem:$0x7D4]  }
0x24e: {  	[sflag:s21] =	ssyncset.done $0x0  }
0x24f: {  	[sflag:s21] =	ssyncadd.s32 $0xFFFFFE70  }
0x250: {  	[hbm:s12], [sflag:s2] =	dma.local [spmem:s28], $0x190  }
0x251: {  	_ =	swait.ge [sflag:s21], $0x190  }
0x252: {  	s29 =	sld [smem:$0x7EA]  }
0x253: {  	s30 =	sld [smem:$0x7D5]  }
0x254: {  	[sflag:s21] =	ssyncset.done $0x0  }
0x255: {  	[sflag:s21] =	ssyncadd.s32 $0xFFFFFE70  }
0x256: {  	[hbm:s29], [sflag:s2] =	dma.local [spmem:s30], $0x190  }
0x257: {  	_ =	swait.ge [sflag:s21], $0x190  }
0x258: {  	s12 =	sld [smem:$0x7EB]  }
0x259: {  	s28 =	sld [smem:$0x7D6]  }
0x25a: {  	[sflag:s21] =	ssyncset.done $0x0  }
0x25b: {  	[sflag:s21] =	ssyncadd.s32 $0xFFFFFE70  }
0x25c: {  	[hbm:s12], [sflag:s2] =	dma.local [spmem:s28], $0x190  }
0x25d: {  	_ =	swait.ge [sflag:s21], $0x190  }
0x25e: {  	s29 =	sld [smem:$0x7EC]  }
0x25f: {  	s30 =	sld [smem:$0x7D7]  }
0x260: {  	[sflag:s21] =	ssyncset.done $0x0  }
0x261: {  	[sflag:s21] =	ssyncadd.s32 $0xFFFFFE70  }
0x262: {  	[hbm:s29], [sflag:s2] =	dma.local [spmem:s30], $0x190  }
0x263: {  	_ =	swait.ge [sflag:s21], $0x190  }
0x264: {  	s12 =	sld [smem:$0x7ED]  }
0x265: {  	s28 =	sld [smem:$0x7D8]  }
0x266: {  	[sflag:s21] =	ssyncset.done $0x0  }
0x267: {  	[sflag:s21] =	ssyncadd.s32 $0xFFFFFE70  }
0x268: {  	[hbm:s12], [sflag:s2] =	dma.local [spmem:s28], $0x190  }
0x269: {  	_ =	swait.ge [sflag:s21], $0x190  }
0x26a: {  	s29 =	sld [smem:$0x7EE]  }
0x26b: {  	s30 =	sld [smem:$0x7D9]  }
0x26c: {  	[sflag:s21] =	ssyncset.done $0x0  }
0x26d: {  	[sflag:s21] =	ssyncadd.s32 $0xFFFFFE70  }
0x26e: {  	[hbm:s29], [sflag:s2] =	dma.local [spmem:s30], $0x190  }
0x26f: {  	_ =	swait.ge [sflag:s21], $0x190  }
0x270: {  	s12 =	sld [smem:$0x7EF]  }
0x271: {  	s28 =	sld [smem:$0x7DA]  }
0x272: {  	[sflag:s21] =	ssyncset.done $0x0  }
0x273: {  	[sflag:s21] =	ssyncadd.s32 $0xFFFFFE70  }
0x274: {  	[hbm:s12], [sflag:s2] =	dma.local [spmem:s28], $0x190  }
0x275: {  	_ =	swait.ge [sflag:s21], $0x190  }
0x276: {  	s29 =	sld [smem:$0x7F0]  }
0x277: {  	s30 =	sld [smem:$0x7DB]  }
0x278: {  	[sflag:s21] =	ssyncset.done $0x0  }
0x279: {  	[sflag:s21] =	ssyncadd.s32 $0xFFFFFE70  }
0x27a: {  	[hbm:s29], [sflag:s2] =	dma.local [spmem:s30], $0x190  }
0x27b: {  	_ =	swait.ge [sflag:s21], $0x190  }
0x27c: {  	s12 =	sld [smem:$0x7F1]  }
0x27d: {  	s28 =	sld [smem:$0x7DC]  }
0x27e: {  	[sflag:s21] =	ssyncset.done $0x0  }
0x27f: {  	[sflag:s21] =	ssyncadd.s32 $0xFFFFFE70  }
0x280: {  	[hbm:s12], [sflag:s2] =	dma.local [spmem:s28], $0x190  }
0x281: {  	_ =	swait.ge [sflag:s21], $0x190  }
0x282: {  	s30 =	sld [smem:$0x7F3]  }
0x283: {  	s29 =	rddreg [dreg:$0xe]  }
0x284: {  	s0 =	sadd.s32 $0x1, s29  }
0x285: {  	p0 =	sne.s32 s0, s30  }
.Ltmp2:
0x286: {  	_ = 	snop;
	(pc) =	sbr.rel @p0 .LBB3_1-.Ltmp2, $3  }
0x287: {  	_ =	sdelay $0x1  }
0x288: {  	[sflag:s21] =	ssyncset.done $0x0  }
0x289: {  	[sflag:s21] =	ssyncadd.s32 $0xFFFFFE70;
	[dreg:$0xe] =	wrdreg s0  }
0x28a: {  	_ =	sfence.sel $0x180000  }
0x28b: {  	[bflag:$0x0] =	sbarrier.arrive $0xFFFF  }
0x28c: {  	_ =	strace $0x9000004A  }
0x28d: {  	s0 =	stileid.u32;
	[bflag:$0x2] =	sbarrier.arrive $0xFFFF  }
0x28e: {  	p0 =	sne.s32 s0, $0x0;
	s0 =	rddreg [dreg:$0xf]  }
0x28f: {  	s0 =	sadd.s32 @!p0 $0x100000, s0  }
0x290: {  	[sflag:s0] =	ssyncadd.tile.s32 @!p0 $0x1;
	_ =	shalt  }
.Lfunc_end3:
_tile_overlayer_lowered:
.L_overlay_start_3:
0x291: {  	(tag) =	ssettag $0x3  }
0x292: {  	s0 =	rddreg [dreg:$0x0];
	s2 =	stileid.u32  }
0x293: {  	s1 =	rddreg [dreg:$0x1];
	p0 =	sne.s32 s2, $0x0  }
0x294: {  	s3 =	rddreg [dreg:$0x2];
	[bflag:$0x3] =	sbarrier.arrive $0xFFFF;
	s2 =	simm.s32 @!p0 $0x1C04  }
0x295: {  	[timem:s3], [sflag:s2] =	dma.local @!p0 [hbm:s0], s1  }
0x296: {  	s0 =	simm.s32 @!p0 $0x4  }
0x297: {  	_ =	swait.ge @!p0 [sflag:s0], s1  }
0x298: {  	s1 =	ssub.s32 @!p0 $0x0, s1;
	[sflag:s0] =	ssyncset.done @!p0 $0x0  }
0x299: {  	[sflag:s0] =	ssyncadd.s32 @!p0 s1  }
0x29a: {  	[bflag:$0x3] =	sbarrier.arrive $0xFFFF  }
0x29b: {  	_ =	shalt  }

// kernel: kernel.14.cloned.1.call-start
scs
__scs_entry_jumppad:
0x0: {  	(pc) =	sbr.rel $0x88, $3  }
0x1: {  	(tag) =	ssettag $0x0;
	lr =	simm.s32 $0x1  }
0x2: {  	[smem:$0x3F97] =	sst lr;
	_ =	strace $0xD0000000  }
0x3: {  	_ = 	snop  }
0x4: {  	_ = 	snop  }
0x5: {  	_ = 	snop  }
0x6: {  	_ = 	snop  }
0x7: {  	_ = 	snop  }
__scs_overlays_trampoline_lowered:
0x8: {  	[smem:$0x3FA6] =	sst s0  }
0x9: {  	[smem:$0x3FA7] =	sst s1  }
0xa: {  	[smem:$0x3FA8] =	sst s2  }
0xb: {  	[smem:$0x3FA9] =	sst s3  }
0xc: {  	[smem:$0x3FAA] =	sst s4  }
0xd: {  	[smem:$0x3FAB] =	sst s5  }
0xe: {  	[smem:$0x3FAC] =	sst s6  }
0xf: {  	[smem:$0x3FAD] =	sst s7  }
0x10: {  	[smem:$0x3FAE] =	sst s8  }
0x11: {  	[smem:$0x3FAF] =	sst s9;
	s0 =	simm.s32 @!p0 $0x0  }
0x12: {  	s1 =	sld [smem:$0x3F95];
	s0 =	simm.s32 @p0 $0x1  }
0x13: {  	[smem:$0x3FB0] =	sst s0;
	s0 =	simm.s32 @!p1 $0x0  }
0x14: {  	s2 =	sld [smem:$0x3F94];
	s0 =	simm.s32 @p1 $0x1  }
0x15: {  	[smem:$0x3FB1] =	sst s0;
	s0 =	simm.s32 @!p2 $0x0  }
0x16: {  	s3 =	sld [smem:$0x3FDB];
	s0 =	simm.s32 @p2 $0x1  }
0x17: {  	s4 =	simm.s32 $0x1BF5;
	[smem:$0x3FB3] =	sst s0  }
0x18: {  	s0 =	sld [smem:$0x3F96];
	_ =	swait.ge [sflag:s4], $0x0  }
0x19: {  	s7 =	sld [smem:$0x3F97]  }
0x1a: {  	s8 =	sadd.s32 $0xFFFFE003, lr  }
0x1b: {  	s9 =	sadd.s32 $0xFFFFFEF7, lr;
	s5 =	simm.s32 $0xFFFFFFFF;
	p2 =	slt.u32 s8, $0xFFFFF086  }
0x1c: {  	p1 =	slt.u32 s9, $0xF7A;
	s5 =	simm.s32 @!p2 $0x0  }
0x1d: {  	s5 =	simm.s32 @p1 $0x1;
	p0 =	seq.s32 s7, s2  }
0x1e: {  	s7 =	smul.u32 @!p0 $0xF7A, s2;
	p2 =	seq.s32 @!p0 s5, $0x0  }
0x1f: {  	s9 =	smul.u32 $0xF7A, s1;
	s8 =	simm.s32 @!p0 $0x1BF5;
	p2 =	por !p2, p0  }
0x20: {  	[sflag:s8] =	ssyncset.s32 @!p0 $0xFFFFF086;
	s6 =	sadd.s32 @!p0 s3, s7;
	s7 =	simm.s32 @!p0 $0x108  }
0x21: {  	s3 =	sadd.s32 s3, s9;
	s6 =	sadd.s32 @!p0 $0x88, s6;
	s7 =	simm.s32 @p2 $0x1082  }
0x22: {  	[simem:s7], [sflag:s8] =	dma.local @!p0 [hbm:s6], $0xF7A  }
0x23: {  	s9 =	sor.u32 $0xD0000000, s2;
	s6 =	simm.s32 $0x108;
	_ =	swait.ge @!p0 [sflag:s8], $0x0  }
0x24: {  	s3 =	sadd.s32 $0x88, s3;
	s6 =	simm.s32 @!p1 $0x1082;
	[sflag:s4] =	ssyncset.s32 $0xFFFFF086  }
0x25: {  	[simem:s6], [sflag:s4] =	dma.local [hbm:s3], $0xF7A  }
0x26: {  	[smem:$0x3F97] =	sst s1;
	(tag) =	ssettag s2;
	_ =	strace s9  }
0x27: {  	s1 =	sld [smem:$0x3FA7]  }
0x28: {  	s2 =	sld [smem:$0x3FA8]  }
0x29: {  	s4 =	sld [smem:$0x3FAA]  }
0x2a: {  	p0 =	seq.s32 s5, $0x0;
	s5 =	sld [smem:$0x3FAB]  }
0x2b: {  	s6 =	sld [smem:$0x3FAC]  }
0x2c: {  	s7 =	sld [smem:$0x3FAD]  }
0x2d: {  	s3 =	simm.s32 $0x108;
	s8 =	sld [smem:$0x3FAE]  }
0x2e: {  	s3 =	simm.s32 @!p0 $0x1082;
	s9 =	sld [smem:$0x3FAF]  }
0x2f: {  	lr =	sadd.s32 s0, s3;
	s0 =	sld [smem:$0x3FA6]  }
0x30: {  	s3 =	sld [smem:$0x3FA9]  }
0x31: {  	[smem:$0x3FB2] =	sst s10  }
0x32: {  	s10 =	sld [smem:$0x3FB0];
	_ =	sdelay $0x3  }
0x33: {  	p0 =	seq.s32 s10, $0x1;
	s10 =	sld [smem:$0x3FB2];
	_ =	sdelay $0x3  }
0x34: {  	[smem:$0x3FB2] =	sst s10  }
0x35: {  	s10 =	sld [smem:$0x3FB1];
	_ =	sdelay $0x3  }
0x36: {  	p1 =	seq.s32 s10, $0x1;
	s10 =	sld [smem:$0x3FB2];
	_ =	sdelay $0x3  }
0x37: {  	[smem:$0x3FB2] =	sst s10  }
0x38: {  	s10 =	sld [smem:$0x3FB3]  }
0x39: {  	_ = 	snop;
	(pc) =	sbr.ind lr, $3  }
0x3a: {  	_ = 	snop  }
0x3b: {  	_ = 	snop  }
0x3c: {  	p2 =	seq.s32 s10, $0x1;
	s10 =	sld [smem:$0x3FB2]  }
0x3d: {  	_ =	shalt  }
0x3e: {  	_ =	shalt  }
0x3f: {  	_ =	shalt  }
0x40: {  	_ =	shalt  }
0x41: {  	_ =	shalt  }
0x42: {  	_ =	shalt  }
0x43: {  	_ =	shalt  }
0x44: {  	_ =	shalt  }
0x45: {  	_ =	shalt  }
0x46: {  	_ =	shalt  }
0x47: {  	_ =	shalt  }
0x48: {  	_ =	shalt  }
0x49: {  	_ =	shalt  }
0x4a: {  	_ =	shalt  }
0x4b: {  	_ =	shalt  }
0x4c: {  	_ =	shalt  }
0x4d: {  	_ =	shalt  }
0x4e: {  	_ =	shalt  }
0x4f: {  	_ =	shalt  }
0x50: {  	_ =	shalt  }
0x51: {  	_ =	shalt  }
0x52: {  	_ =	shalt  }
0x53: {  	_ =	shalt  }
0x54: {  	_ =	shalt  }
0x55: {  	_ =	shalt  }
0x56: {  	_ =	shalt  }
0x57: {  	_ =	shalt  }
0x58: {  	_ =	shalt  }
0x59: {  	_ =	shalt  }
0x5a: {  	_ =	shalt  }
0x5b: {  	_ =	shalt  }
0x5c: {  	_ =	shalt  }
0x5d: {  	_ =	shalt  }
0x5e: {  	_ =	shalt  }
0x5f: {  	_ =	shalt  }
0x60: {  	_ =	shalt  }
0x61: {  	_ =	shalt  }
0x62: {  	_ =	shalt  }
0x63: {  	_ =	shalt  }
0x64: {  	_ =	shalt  }
0x65: {  	_ =	shalt  }
0x66: {  	_ =	shalt  }
0x67: {  	_ =	shalt  }
0x68: {  	_ =	shalt  }
0x69: {  	_ =	shalt  }
0x6a: {  	_ =	shalt  }
0x6b: {  	_ =	shalt  }
0x6c: {  	_ =	shalt  }
0x6d: {  	_ =	shalt  }
0x6e: {  	_ =	shalt  }
0x6f: {  	_ =	shalt  }
0x70: {  	_ =	shalt  }
0x71: {  	_ =	shalt  }
0x72: {  	_ =	shalt  }
0x73: {  	_ =	shalt  }
0x74: {  	_ =	shalt  }
0x75: {  	_ =	shalt  }
0x76: {  	_ =	shalt  }
0x77: {  	_ =	shalt  }
0x78: {  	_ =	shalt  }
0x79: {  	_ =	shalt  }
0x7a: {  	_ =	shalt  }
0x7b: {  	_ =	shalt  }
0x7c: {  	_ =	shalt  }
0x7d: {  	_ =	shalt  }
0x7e: {  	_ =	shalt  }
0x7f: {  	_ =	shalt  }
0x80: {  	_ =	shalt  }
0x81: {  	_ =	shalt  }
0x82: {  	_ =	shalt  }
0x83: {  	_ =	shalt  }
0x84: {  	_ =	shalt  }
0x85: {  	_ =	shalt  }
0x86: {  	_ =	shalt  }
0x87: {  	_ =	shalt  }
.Lfunc_end0:
.L_simem_size_0:
called_computation.2_lowered:
.L_overlay_start_0:
0x88: {  	s2 =	sld [smem:$0x3FD9]  }
0x89: {  	s3 =	sld [smem:$0x3FFE];
	_ =	sdelay $0x1  }
0x8a: {  	s1 =	srdreg.scid  }
0x8b: {  	s0 =	sand.u32 $0x1, s1  }
0x8c: {  	s16 =	sshll.u32 s0, $0xA;
	s2 =	sadd.s32 s3, s2  }
0x8d: {  	s2 =	sadd.s32 s2, s16  }
0x8e: {  	[smem:$0x3FBE] =	sst s2  }
0x8f: {  	_ = 	snop  }
0x90: {  	(tm) =	ssettm $0x1  }
0x91: {  	s17 =	sld [smem:$0x3FFB];
	_ =	sdelay $0x3  }
0x92: {  	_ =	strace s17  }
0x93: {  	s2 =	sld [smem:$0x3FFC];
	_ =	sdelay $0x3  }
0x94: {  	_ =	strace s2  }
0x95: {  	s2 =	sld [smem:$0x3FFD];
	_ =	sdelay $0x3  }
0x96: {  	_ =	strace s2  }
0x97: {  	_ =	strace $0x8FFFFFFF  }
0x98: {  	s18 =	sld [smem:$0x3FDB];
	_ =	sdelay $0x1  }
0x99: {  	s19 =	simm.s32 $_scs_section_size  }
0x9a: {  	s4 =	simm.s32 $_size__tile_overlayer_lowered;
	s5 =	simm.s32 $_tile_overlayer_lowered  }
0x9b: {  	s22 =	simm.s32 $0x1BFF;
	s21 =	sshll.u32 s5, $0x1;
	s2 =	sadd.s32 s19, s18  }
0x9c: {  	s6 =	simm.s32 $0x0;
	s20 =	sshll.u32 s4, $0x1;
	s4 =	sadd.s32 s21, s2  }
0x9d: {  	[timem:s6], [sflag:s22] =	dma.local [hbm:s4], s20  }
0x9e: {  	_ =	swait.ge [sflag:s22], s20  }
0x9f: {  	s3 =	ssub.s32 $0x0, s20;
	[sflag:s22] =	ssyncset.done $0x0  }
0xa0: {  	[sflag:s22] =	ssyncadd.s32 s3;
	_ =	sdelay $0x1  }
0xa1: {  	s23 =	simm.s32 $0x1B8B  }
0xa2: {  	_ =	swait.ge [sflag:s23], $0x1  }
0xa3: {  	[sflag:s23] =	ssyncset.done $0x0  }
0xa4: {  	s25 =	simm.s32 $0x1B8E;
	s24 =	sld [smem:$0x3FFE];
	[sflag:s23] =	ssyncadd.s32 $0xFFFFFFFF  }
0xa5: {  	s26 =	simm.s32 $execute0_lowered;
	[smem:$0x3FD2] =	sst s25  }
0xa6: {  	s4 =	sshll.u32 s26, $0x1;
	_ =	strace $0x8000004C;
	[dreg:$0x1] =	wrdreg $0xFFFFFFFF  }
0xa7: {  	s28 =	simm.s32 $_size_execute0_lowered;
	s2 =	sadd.s32 s2, s4;
	[dreg:$0x0] =	wrdreg $0x0  }
0xa8: {  	s4 =	sshll.u32 s28, $0x1;
	[dreg:$0x2] =	wrdreg s2  }
0xa9: {  	[dreg:$0x3] =	wrdreg s4  }
0xaa: {  	[dreg:$0x4] =	wrdreg $0xC0  }
0xab: {  	_ =	task [dreg:s6], $0x5FFFF  }
0xac: {  	[dreg:$0x1] =	wrdreg $0xFFFFFFFF  }
0xad: {  	[dreg:$0x0] =	wrdreg $0x60  }
0xae: {  	[dreg:$0x2] =	wrdreg s24  }
0xaf: {  	[dreg:$0x3] =	wrdreg $0x54000  }
0xb0: {  	[dreg:$0x4] =	wrdreg $0x60800  }
0xb1: {  	[dreg:$0x5] =	wrdreg $0x9  }
0xb2: {  	_ =	task.clear_ibuf [dreg:s6], $0x6FFFF;
	_ =	strace $0x9000004C  }
0xb3: {  	s29 =	simm.s32 $0x9;
	_ =	strace $0x8000004E  }
0xb4: {  	_ =	swait.ge [sflag:s29], $0x1  }
0xb5: {  	[sflag:s29] =	ssyncadd.s32 $0xFFFFFFFF  }
0xb6: {  	_ =	strace $0x9000004E  }
0xb7: {  	_ =	sfence  }
0xb8: {  	s30 =	sld [smem:$0x0];
	_ =	sdelay $0x2  }
0xb9: {  	s31 =	sshll.u32 s1, $0xD;
	s1 =	sshrl.u32 s1, $0x2  }
0xba: {  	s3 =	sand.u32 $0x4000, s31;
	s1 =	sadd.s32 s1, s30  }
0xbb: {  	s0 =	sor.u32 s3, s0;
	s1 =	sshll.u32 s1, $0x11  }
0xbc: {  	s0 =	sor.u32 s1, s0  }
0xbd: {  	s0 =	sadd.s32 $0x8F2B, s0  }
0xbe: {  	[sflag:s0] =	ssyncadd.remote.s32 $0x1  }
0xbf: {  	_ =	sfence.sel $0xFFFF  }
0xc0: {  	[dreg:$0x0] =	wrdreg $0xFFFFFFFF;
	(pc) =	sbr.abs _section_cstart, $3  }
0xc1: {  	[dreg:$0x1] =	wrdreg $0xFFFFFFFF  }
0xc2: {  	_ =	task.clear_ibuf [dreg:s6], $0x2FFFF;
	_ =	strace $0x9FFFFFFF  }
0xc3: {  	(tm) =	ssettm $0x7FFFFFFF  }
tec
execute0_lowered:
.L_overlay_start_1:
0x0: {  	(tag) =	ssettag $0x1  }
0x1: {  	s0 =	rddreg [dreg:$0x0]  }
0x2: {  	s2 =	rddreg [dreg:$0x1]  }
0x3: {  	s3 =	rddreg [dreg:$0x2]  }
0x4: {  	s4 =	stileid.u32;
	s12 =	simm.s32 $0x0;
	s5 =	srdreg.scid  }
0x5: {  	s14 =	simm.s32 $0x3;
	s16 =	simm.s32 $0x2800;
	s17 =	simm.s32 $0x7D  }
0x6: {  	s18 =	simm.s32 $0x5000;
	s28 =	simm.s32 $0x280;
	s29 =	simm.s32 $0x5280  }
0x7: {  	s30 =	simm.s32 $0x300;
	s31 =	simm.s32 $0x5300;
	s1 =	smul.u32 $0xC80, s4  }
0x8: {  	[smem:$0x7FF] =	sst s12;
	s7 =	sand.u32 $0x1, s5;
	s5 =	sadd.s32 $0x38800, s0  }
0x9: {  	s6 =	sadd.s32 $0x1C00, s0;
	s23 =	sshll.u32 s4, $0x6;
	_ =	strace $0x8000004D  }
0xa: {  	s8 =	smul.u32 $0xC800, s7;
	s10 =	ssub.s32 $0x2, s7;
	s7 =	sshll.u32 s7, $0x4  }
0xb: {  	s19 =	sshrl.u32 s1, $0x3;
	s11 =	sshrl.u32 s10, $0x1;
	s7 =	sor.u32 s4, s7  }
0xc: {  	s21 =	sadd.s32 s1, s2;
	s9 =	sadd.s32 s19, s0;
	s8 =	sadd.s32 s1, s8  }
0xd: {  	s20 =	ssub.s32 s10, s11;
	s7 =	smul.u32 $0x190, s7;
	s11 =	sor.u32 $0x1C03, s23  }
0xe: {  	s1 =	sadd.s32 s1, s3;
	s23 =	simm.s32 $0x180;
	s10 =	simm.s32 $0x1  }
0xf: {  	s8 =	sshrl.u32 s8, $0x3;
	s22 =	sadd.s32 $0x33C00, s9;
	[dreg:$0x6] =	wrdreg s11  }
0x10: {  	s24 =	sadd.s32 $0x35600, s9;
	s25 =	smax.u32 s20, $0x1;
	[dreg:$0x5] =	wrdreg s22  }
0x11: {  	s9 =	sshrl.u32 s21, $0x3;
	s26 =	sshrl.u32 s1, $0x3;
	[dreg:$0x7] =	wrdreg s24  }
0x12: {  	s20 =	simm.s32 $0x5080;
	s21 =	simm.s32 $0x100;
	[dreg:$0x9] =	wrdreg s25  }
0x13: {  	s1 =	simm.s32 $0x5380;
	s0 =	sadd.s32 s8, s0;
	[dreg:$0xb] =	wrdreg s26  }
0x14: {  	s22 =	simm.s32 $0x5100;
	s24 =	simm.s32 $0x5180;
	s25 =	simm.s32 $0x200  }
0x15: {  	s26 =	simm.s32 $0x5200;
	[dreg:$0xa] =	wrdreg s9;
	s0 =	sadd.s32 $0x6A800, s0  }
0x16: {  	s8 =	simm.s32 $0x2;
	[dreg:$0x8] =	wrdreg s0;
	s0 =	simm.s32 $0x380  }
.LBB2_1:
0x17: {  	[dreg:$0x4] =	wrdreg s12  }
0x18: {  	s4 =	rddreg [dreg:$0x5]  }
0x19: {  	[spmem:s9], [sflag:s11] =	dma.local [hbm:s4], $0x190  }
0x1a: {  	_ =	swait.ge [sflag:s14], $0x190  }
0x1b: {  	[sflag:s14] =	ssyncset.done $0x0;
	s15 =	rddreg [dreg:$0x7]  }
0x1c: {  	s19 =	rddreg [dreg:$0xb];
	[sflag:s14] =	ssyncadd.s32 $0xFFFFFE70  }
0x1d: {  	[spmem:s19], [sflag:s11] =	dma.local [hbm:s15], $0x190  }
0x1e: {  	_ =	swait.ge [sflag:s14], $0x190  }
0x1f: {  	[sflag:s14] =	ssyncset.done $0x0  }
0x20: {  	[sflag:s14] =	ssyncadd.s32 $0xFFFFFE70  }
0x21: {  	s11 =	simm.s32 $0x0;
	[bflag:$0x0] =	sbarrier.arrive $0xFFFF  }
.LBB2_2:
0x22: {  	s9 =	smul.u32 $0x50, s11;
	_ =	sdelay $0x1  }
0x23: {  	s9 =	sadd.s32 s7, s9  }
0x24: {  	s9 =	sshll.u32 s9, $0x4  }
0x25: {  	s13 =	simm.s32 $0x0;
	s12 =	sadd.s32 s5, s9  }
0x26: {  	[tilespmem:s13], [sflag:$0x3] =	stream.linear.gather [hbm4b:s12+s13], $0x2800, $0x38;
	[tilespmem:$0x6D00] =	vst v63  }
0x27: {  	_ =	swait.ge [sflag:s14], $0x2800  }
0x28: {  	[sflag:s14] =	ssyncset.done $0x0  }
0x29: {  	s9 =	sadd.s32 s6, s9;
	[sflag:s14] =	ssyncadd.s32 $0xFFFFD800  }
0x2a: {  	[tilespmem:s16], [sflag:$0x3] =	stream.linear.gather [hbm4b:s9+s13], $0x2800, $0x38;
	[tilespmem:$0x6D00] =	vst v63  }
0x2b: {  	_ =	swait.ge [sflag:s14], $0x2800  }
0x2c: {  	[sflag:s14] =	ssyncset.done $0x0  }
0x2d: {  	[sflag:s14] =	ssyncadd.s32 $0xFFFFD800  }
0x2e: {  	[tilespmem:s18], [sflag:$0x1] =	stream.indirect.gather [spmem:s3], $0x1, s13, s17, $0xb8;
	[tilespmem:$0x6D00] =	vst v63  }
0x2f: {  	s4 =	simm.s32 $0x80  }
0x30: {  	[tilespmem:s20], [sflag:$0x1] =	stream.indirect.gather [spmem:s3], $0x1, s4, s17, $0xb8;
	[tilespmem:$0x6D00] =	vst v63  }
0x31: {  	_ = 	snop  }
0x32: {  	[tilespmem:s22], [sflag:$0x1] =	stream.indirect.gather [spmem:s3], $0x1, s21, s17, $0xb8;
	[tilespmem:$0x6D00] =	vst v63  }
0x33: {  	_ = 	snop  }
0x34: {  	[tilespmem:s24], [sflag:$0x1] =	stream.indirect.gather [spmem:s3], $0x1, s23, s17, $0xb8;
	[tilespmem:$0x6D00] =	vst v63  }
0x35: {  	_ = 	snop  }
0x36: {  	[tilespmem:s26], [sflag:$0x1] =	stream.indirect.gather [spmem:s3], $0x1, s25, s17, $0xb8;
	[tilespmem:$0x6D00] =	vst v63  }
0x37: {  	_ = 	snop  }
0x38: {  	[tilespmem:s29], [sflag:$0x1] =	stream.indirect.gather [spmem:s3], $0x1, s28, s17, $0xb8;
	[tilespmem:$0x6D00] =	vst v63  }
0x39: {  	_ = 	snop  }
0x3a: {  	[tilespmem:s31], [sflag:$0x1] =	stream.indirect.gather [spmem:s3], $0x1, s30, s17, $0xb8;
	[tilespmem:$0x6D00] =	vst v63  }
0x3b: {  	s15 =	simm.s32 $0x1  }
0x3c: {  	[tilespmem:s1], [sflag:$0x1] =	stream.indirect.gather [spmem:s3], $0x1, s0, s17, $0xb8;
	[tilespmem:$0x6D00] =	vst v63  }
0x3d: {  	p0 =	por $0x0, $0x0;
	_ =	swait.ge [sflag:s15], $0x7D  }
0x3e: {  	s9 =	simm.s32 @!p0 $0x1000;
	[sflag:s15] =	ssyncset.done $0x0  }
0x3f: {  	s9 =	sand.u32 @!p0 $0xE00, s9;
	[sflag:s15] =	ssyncadd.s32 $0xFFFFFF83  }
0x40: {  	[spmem:s2] =	stream.indirect.scatter.add.f32 [tilespmem:s18], [sflag:$0x2], $0x1, s16, s17, $0xb8;
	[tilespmem:$0x6D00] =	vst v63  }
0x41: {  	s9 =	sshrl.u32 @!p0 s9, $0x2;
	_ =	swait.ge [sflag:s8], $0x7D  }
0x42: {  	s12 =	simm.s32 $0x200;
	s9 =	sor.u32 @!p0 $0x5000, s9;
	[sflag:s8] =	ssyncset.done $0x0  }
0x43: {  	s13 =	simm.s32 @!p0 $0x400;
	s15 =	simm.s32 @!p0 $0x7D;
	[sflag:s8] =	ssyncadd.s32 $0xFFFFFF83  }
0x44: {  	[tilespmem:s9], [sflag:$0x1] =	stream.indirect.gather @!p0 [spmem:s3], $0x1, s13, s15, $0xb8;
	[tilespmem:$0x6D00] =	vst v63  }
0x45: {  	s19 =	sand.u32 $0xE00, s12;
	_ =	swait.ge [sflag:s10], $0x7D  }
0x46: {  	s15 =	simm.s32 $0x2;
	s9 =	sshrl.u32 s19, $0x2;
	[sflag:s10] =	ssyncset.done $0x0  }
0x47: {  	s13 =	sor.u32 $0x5000, s9;
	s9 =	simm.s32 $0x2880;
	[sflag:s10] =	ssyncadd.s32 $0xFFFFFF83  }
.LBB2_3:
0x48: {  	[spmem:s2] =	stream.indirect.scatter.add.f32 [tilespmem:s13], [sflag:$0x2], $0x1, s9, s17, $0xb8;
	[tilespmem:$0x6D00] =	vst v63  }
0x49: {  	p0 =	sgt.u32 s15, $0x48;
	s15 =	sadd.s32 $0x1, s15;
	s9 =	smov.u32 s12  }
0x4a: {  	s12 =	sadd.s32 $0x200, s12;
	s13 =	sadd.s32 @!p0 $0x1000, s9;
	s4 =	sshra.s32 @!p0 s9, $0x2  }
0x4b: {  	s13 =	sand.u32 @!p0 $0xE00, s13;
	s4 =	sadd.s32 @!p0 $0x400, s4;
	_ =	swait.ge [sflag:s8], $0x7D  }
0x4c: {  	s19 =	simm.s32 @!p0 $0x7D;
	s13 =	sshrl.u32 @!p0 s13, $0x2;
	[sflag:s8] =	ssyncset.done $0x0  }
0x4d: {  	s13 =	sor.u32 @!p0 $0x5000, s13;
	[sflag:s8] =	ssyncadd.s32 $0xFFFFFF83  }
0x4e: {  	[tilespmem:s13], [sflag:$0x1] =	stream.indirect.gather @!p0 [spmem:s3], $0x1, s4, s19, $0xb8;
	[tilespmem:$0x6D00] =	vst v63  }
0x4f: {  	p0 =	sne.s32 s15, $0x50  }
.Ltmp0:
0x50: {  	_ = 	snop;
	(pc) =	sbr.rel @p0 .LBB2_3-.Ltmp0, $4  }
0x51: {  	_ = 	snop  }
0x52: {  	s4 =	sand.u32 $0xE00, s12;
	_ =	swait.ge [sflag:s10], $0x7D  }
0x53: {  	s9 =	sshra.s32 s9, $0x2;
	s4 =	sshrl.u32 s4, $0x2;
	[sflag:s10] =	ssyncset.done $0x0  }
0x54: {  	s9 =	sadd.s32 $0x2880, s9;
	s13 =	sor.u32 $0x5000, s4;
	[sflag:s10] =	ssyncadd.s32 $0xFFFFFF83  }
0x55: {  	s11 =	sadd.s32 $0x1, s11  }
0x56: {  	p0 =	sne.s32 s11, $0x5  }
.Ltmp1:
0x57: {  	_ = 	snop;
	(pc) =	sbr.rel @p0 .LBB2_2-.Ltmp1, $4  }
0x58: {  	[spmem:s2] =	stream.indirect.scatter.add.f32 [tilespmem:s13], [sflag:$0x2], $0x1, s9, s17, $0xb8;
	[tilespmem:$0x6D00] =	vst v63  }
0x59: {  	_ =	swait.ge [sflag:s8], $0x7D  }
0x5a: {  	[sflag:s8] =	ssyncset.done $0x0  }
0x5b: {  	[sflag:s8] =	ssyncadd.s32 $0xFFFFFF83  }
0x5c: {  	[bflag:$0x0] =	sbarrier.arrive $0xFFFF  }
0x5d: {  	s11 =	rddreg [dreg:$0x6]  }
0x5e: {  	s4 =	rddreg [dreg:$0x8]  }
0x5f: {  	s9 =	rddreg [dreg:$0xa]  }
0x60: {  	[hbm:s4], [sflag:s11] =	dma.local [spmem:s9], $0x190  }
0x61: {  	_ =	swait.ge [sflag:s14], $0x190  }
0x62: {  	s12 =	rddreg [dreg:$0x4]  }
0x63: {  	s19 =	rddreg [dreg:$0x9];
	s12 =	sadd.s32 $0x1, s12  }
0x64: {  	p0 =	sne.s32 s12, s19  }
.Ltmp2:
0x65: {  	_ = 	snop;
	(pc) =	sbr.rel @p0 .LBB2_1-.Ltmp2, $3  }
0x66: {  	_ =	sdelay $0x1  }
0x67: {  	[sflag:s14] =	ssyncset.done $0x0  }
0x68: {  	[sflag:s14] =	ssyncadd.s32 $0xFFFFFE70  }
0x69: {  	_ =	sfence.sel $0x180000  }
0x6a: {  	[bflag:$0x0] =	sbarrier.arrive $0xFFFF  }
0x6b: {  	_ =	strace $0x9000004D  }
0x6c: {  	s0 =	stileid.u32;
	[bflag:$0x2] =	sbarrier.arrive $0xFFFF  }
0x6d: {  	p0 =	sne.s32 s0, $0x0;
	s0 =	rddreg [dreg:$0x3]  }
0x6e: {  	s0 =	sadd.s32 @!p0 $0x100000, s0  }
0x6f: {  	[sflag:s0] =	ssyncadd.tile.s32 @!p0 $0x1;
	_ =	shalt  }
.Lfunc_end2:
_tile_overlayer_lowered:
.L_overlay_start_2:
0x70: {  	(tag) =	ssettag $0x2  }
0x71: {  	s0 =	rddreg [dreg:$0x0];
	s2 =	stileid.u32  }
0x72: {  	s1 =	rddreg [dreg:$0x1];
	p0 =	sne.s32 s2, $0x0  }
0x73: {  	s3 =	rddreg [dreg:$0x2];
	[bflag:$0x3] =	sbarrier.arrive $0xFFFF;
	s2 =	simm.s32 @!p0 $0x1C03  }
0x74: {  	[timem:s3], [sflag:s2] =	dma.local @!p0 [hbm:s0], s1  }
0x75: {  	s0 =	simm.s32 @!p0 $0x3  }
0x76: {  	_ =	swait.ge @!p0 [sflag:s0], s1  }
0x77: {  	s1 =	ssub.s32 @!p0 $0x0, s1;
	[sflag:s0] =	ssyncset.done @!p0 $0x0  }
0x78: {  	[sflag:s0] =	ssyncadd.s32 @!p0 s1  }
0x79: {  	[bflag:$0x3] =	sbarrier.arrive $0xFFFF  }
0x7a: {  	_ =	shalt  }

// kernel: kernel.8.cloned.1.call-start
scs
__scs_entry_jumppad:
0x0: {  	(pc) =	sbr.rel $0x88, $3  }
0x1: {  	(tag) =	ssettag $0x0;
	lr =	simm.s32 $0x1  }
0x2: {  	[smem:$0x3F97] =	sst lr;
	_ =	strace $0xD0000000  }
0x3: {  	_ = 	snop  }
0x4: {  	_ = 	snop  }
0x5: {  	_ = 	snop  }
0x6: {  	_ = 	snop  }
0x7: {  	_ = 	snop  }
__scs_overlays_trampoline_lowered:
0x8: {  	[smem:$0x3FA6] =	sst s0  }
0x9: {  	[smem:$0x3FA7] =	sst s1  }
0xa: {  	[smem:$0x3FA8] =	sst s2  }
0xb: {  	[smem:$0x3FA9] =	sst s3  }
0xc: {  	[smem:$0x3FAA] =	sst s4  }
0xd: {  	[smem:$0x3FAB] =	sst s5  }
0xe: {  	[smem:$0x3FAC] =	sst s6  }
0xf: {  	[smem:$0x3FAD] =	sst s7  }
0x10: {  	[smem:$0x3FAE] =	sst s8  }
0x11: {  	[smem:$0x3FAF] =	sst s9;
	s0 =	simm.s32 @!p0 $0x0  }
0x12: {  	s1 =	sld [smem:$0x3F95];
	s0 =	simm.s32 @p0 $0x1  }
0x13: {  	[smem:$0x3FB0] =	sst s0;
	s0 =	simm.s32 @!p1 $0x0  }
0x14: {  	s2 =	sld [smem:$0x3F94];
	s0 =	simm.s32 @p1 $0x1  }
0x15: {  	[smem:$0x3FB1] =	sst s0;
	s0 =	simm.s32 @!p2 $0x0  }
0x16: {  	s3 =	sld [smem:$0x3FDB];
	s0 =	simm.s32 @p2 $0x1  }
0x17: {  	s4 =	simm.s32 $0x1BF5;
	[smem:$0x3FB3] =	sst s0  }
0x18: {  	s0 =	sld [smem:$0x3F96];
	_ =	swait.ge [sflag:s4], $0x0  }
0x19: {  	s7 =	sld [smem:$0x3F97]  }
0x1a: {  	s8 =	sadd.s32 $0xFFFFE003, lr  }
0x1b: {  	s9 =	sadd.s32 $0xFFFFFEF7, lr;
	s5 =	simm.s32 $0xFFFFFFFF;
	p2 =	slt.u32 s8, $0xFFFFF086  }
0x1c: {  	p1 =	slt.u32 s9, $0xF7A;
	s5 =	simm.s32 @!p2 $0x0  }
0x1d: {  	s5 =	simm.s32 @p1 $0x1;
	p0 =	seq.s32 s7, s2  }
0x1e: {  	s7 =	smul.u32 @!p0 $0xF7A, s2;
	p2 =	seq.s32 @!p0 s5, $0x0  }
0x1f: {  	s9 =	smul.u32 $0xF7A, s1;
	s8 =	simm.s32 @!p0 $0x1BF5;
	p2 =	por !p2, p0  }
0x20: {  	[sflag:s8] =	ssyncset.s32 @!p0 $0xFFFFF086;
	s6 =	sadd.s32 @!p0 s3, s7;
	s7 =	simm.s32 @!p0 $0x108  }
0x21: {  	s3 =	sadd.s32 s3, s9;
	s6 =	sadd.s32 @!p0 $0x88, s6;
	s7 =	simm.s32 @p2 $0x1082  }
0x22: {  	[simem:s7], [sflag:s8] =	dma.local @!p0 [hbm:s6], $0xF7A  }
0x23: {  	s9 =	sor.u32 $0xD0000000, s2;
	s6 =	simm.s32 $0x108;
	_ =	swait.ge @!p0 [sflag:s8], $0x0  }
0x24: {  	s3 =	sadd.s32 $0x88, s3;
	s6 =	simm.s32 @!p1 $0x1082;
	[sflag:s4] =	ssyncset.s32 $0xFFFFF086  }
0x25: {  	[simem:s6], [sflag:s4] =	dma.local [hbm:s3], $0xF7A  }
0x26: {  	[smem:$0x3F97] =	sst s1;
	(tag) =	ssettag s2;
	_ =	strace s9  }
0x27: {  	s1 =	sld [smem:$0x3FA7]  }
0x28: {  	s2 =	sld [smem:$0x3FA8]  }
0x29: {  	s4 =	sld [smem:$0x3FAA]  }
0x2a: {  	p0 =	seq.s32 s5, $0x0;
	s5 =	sld [smem:$0x3FAB]  }
0x2b: {  	s6 =	sld [smem:$0x3FAC]  }
0x2c: {  	s7 =	sld [smem:$0x3FAD]  }
0x2d: {  	s3 =	simm.s32 $0x108;
	s8 =	sld [smem:$0x3FAE]  }
0x2e: {  	s3 =	simm.s32 @!p0 $0x1082;
	s9 =	sld [smem:$0x3FAF]  }
0x2f: {  	lr =	sadd.s32 s0, s3;
	s0 =	sld [smem:$0x3FA6]  }
0x30: {  	s3 =	sld [smem:$0x3FA9]  }
0x31: {  	[smem:$0x3FB2] =	sst s10  }
0x32: {  	s10 =	sld [smem:$0x3FB0];
	_ =	sdelay $0x3  }
0x33: {  	p0 =	seq.s32 s10, $0x1;
	s10 =	sld [smem:$0x3FB2];
	_ =	sdelay $0x3  }
0x34: {  	[smem:$0x3FB2] =	sst s10  }
0x35: {  	s10 =	sld [smem:$0x3FB1];
	_ =	sdelay $0x3  }
0x36: {  	p1 =	seq.s32 s10, $0x1;
	s10 =	sld [smem:$0x3FB2];
	_ =	sdelay $0x3  }
0x37: {  	[smem:$0x3FB2] =	sst s10  }
0x38: {  	s10 =	sld [smem:$0x3FB3]  }
0x39: {  	_ = 	snop;
	(pc) =	sbr.ind lr, $3  }
0x3a: {  	_ = 	snop  }
0x3b: {  	_ = 	snop  }
0x3c: {  	p2 =	seq.s32 s10, $0x1;
	s10 =	sld [smem:$0x3FB2]  }
0x3d: {  	_ =	shalt  }
0x3e: {  	_ =	shalt  }
0x3f: {  	_ =	shalt  }
0x40: {  	_ =	shalt  }
0x41: {  	_ =	shalt  }
0x42: {  	_ =	shalt  }
0x43: {  	_ =	shalt  }
0x44: {  	_ =	shalt  }
0x45: {  	_ =	shalt  }
0x46: {  	_ =	shalt  }
0x47: {  	_ =	shalt  }
0x48: {  	_ =	shalt  }
0x49: {  	_ =	shalt  }
0x4a: {  	_ =	shalt  }
0x4b: {  	_ =	shalt  }
0x4c: {  	_ =	shalt  }
0x4d: {  	_ =	shalt  }
0x4e: {  	_ =	shalt  }
0x4f: {  	_ =	shalt  }
0x50: {  	_ =	shalt  }
0x51: {  	_ =	shalt  }
0x52: {  	_ =	shalt  }
0x53: {  	_ =	shalt  }
0x54: {  	_ =	shalt  }
0x55: {  	_ =	shalt  }
0x56: {  	_ =	shalt  }
0x57: {  	_ =	shalt  }
0x58: {  	_ =	shalt  }
0x59: {  	_ =	shalt  }
0x5a: {  	_ =	shalt  }
0x5b: {  	_ =	shalt  }
0x5c: {  	_ =	shalt  }
0x5d: {  	_ =	shalt  }
0x5e: {  	_ =	shalt  }
0x5f: {  	_ =	shalt  }
0x60: {  	_ =	shalt  }
0x61: {  	_ =	shalt  }
0x62: {  	_ =	shalt  }
0x63: {  	_ =	shalt  }
0x64: {  	_ =	shalt  }
0x65: {  	_ =	shalt  }
0x66: {  	_ =	shalt  }
0x67: {  	_ =	shalt  }
0x68: {  	_ =	shalt  }
0x69: {  	_ =	shalt  }
0x6a: {  	_ =	shalt  }
0x6b: {  	_ =	shalt  }
0x6c: {  	_ =	shalt  }
0x6d: {  	_ =	shalt  }
0x6e: {  	_ =	shalt  }
0x6f: {  	_ =	shalt  }
0x70: {  	_ =	shalt  }
0x71: {  	_ =	shalt  }
0x72: {  	_ =	shalt  }
0x73: {  	_ =	shalt  }
0x74: {  	_ =	shalt  }
0x75: {  	_ =	shalt  }
0x76: {  	_ =	shalt  }
0x77: {  	_ =	shalt  }
0x78: {  	_ =	shalt  }
0x79: {  	_ =	shalt  }
0x7a: {  	_ =	shalt  }
0x7b: {  	_ =	shalt  }
0x7c: {  	_ =	shalt  }
0x7d: {  	_ =	shalt  }
0x7e: {  	_ =	shalt  }
0x7f: {  	_ =	shalt  }
0x80: {  	_ =	shalt  }
0x81: {  	_ =	shalt  }
0x82: {  	_ =	shalt  }
0x83: {  	_ =	shalt  }
0x84: {  	_ =	shalt  }
0x85: {  	_ =	shalt  }
0x86: {  	_ =	shalt  }
0x87: {  	_ =	shalt  }
.Lfunc_end0:
.L_simem_size_0:
called_computation_lowered:
.L_overlay_start_0:
0x88: {  	s2 =	sld [smem:$0x3FD9]  }
0x89: {  	s3 =	sld [smem:$0x3FFE];
	_ =	sdelay $0x1  }
0x8a: {  	s1 =	srdreg.scid  }
0x8b: {  	s0 =	sand.u32 $0x1, s1  }
0x8c: {  	s16 =	sshll.u32 s0, $0xA;
	s2 =	sadd.s32 s3, s2  }
0x8d: {  	s2 =	sadd.s32 s2, s16  }
0x8e: {  	[smem:$0x3FBE] =	sst s2  }
0x8f: {  	_ = 	snop  }
0x90: {  	(tm) =	ssettm $0x1  }
0x91: {  	s17 =	sld [smem:$0x3FFB];
	_ =	sdelay $0x3  }
0x92: {  	_ =	strace s17  }
0x93: {  	s2 =	sld [smem:$0x3FFC];
	_ =	sdelay $0x3  }
0x94: {  	_ =	strace s2  }
0x95: {  	s2 =	sld [smem:$0x3FFD];
	_ =	sdelay $0x3  }
0x96: {  	_ =	strace s2  }
0x97: {  	_ =	strace $0x8FFFFFFF  }
0x98: {  	s18 =	sld [smem:$0x3FDB];
	_ =	sdelay $0x1  }
0x99: {  	s19 =	simm.s32 $_scs_section_size  }
0x9a: {  	s4 =	simm.s32 $_size__tile_overlayer_lowered;
	s5 =	simm.s32 $_tile_overlayer_lowered  }
0x9b: {  	s22 =	simm.s32 $0x1BFF;
	s21 =	sshll.u32 s5, $0x1;
	s2 =	sadd.s32 s19, s18  }
0x9c: {  	s6 =	simm.s32 $0x0;
	s20 =	sshll.u32 s4, $0x1;
	s4 =	sadd.s32 s21, s2  }
0x9d: {  	[timem:s6], [sflag:s22] =	dma.local [hbm:s4], s20  }
0x9e: {  	_ =	swait.ge [sflag:s22], s20  }
0x9f: {  	s3 =	ssub.s32 $0x0, s20;
	[sflag:s22] =	ssyncset.done $0x0  }
0xa0: {  	[sflag:s22] =	ssyncadd.s32 s3;
	_ =	sdelay $0x1  }
0xa1: {  	s23 =	simm.s32 $0x1B8B  }
0xa2: {  	_ =	swait.ge [sflag:s23], $0x1  }
0xa3: {  	[sflag:s23] =	ssyncset.done $0x0  }
0xa4: {  	s25 =	simm.s32 $0x1B8E;
	s24 =	sld [smem:$0x3FFE];
	[sflag:s23] =	ssyncadd.s32 $0xFFFFFFFF  }
0xa5: {  	s26 =	simm.s32 $execute0_lowered;
	[smem:$0x3FD2] =	sst s25  }
0xa6: {  	s4 =	sshll.u32 s26, $0x1;
	_ =	strace $0x80000046;
	[dreg:$0x1] =	wrdreg $0xFFFFFFFF  }
0xa7: {  	s28 =	simm.s32 $_size_execute0_lowered;
	s2 =	sadd.s32 s2, s4;
	[dreg:$0x0] =	wrdreg $0x0  }
0xa8: {  	s4 =	sshll.u32 s28, $0x1;
	[dreg:$0x2] =	wrdreg s2  }
0xa9: {  	[dreg:$0x3] =	wrdreg s4  }
0xaa: {  	[dreg:$0x4] =	wrdreg $0xC0  }
0xab: {  	_ =	task [dreg:s6], $0x5FFFF  }
0xac: {  	[dreg:$0x1] =	wrdreg $0xFFFFFFFF  }
0xad: {  	[dreg:$0x0] =	wrdreg $0x60  }
0xae: {  	[dreg:$0x2] =	wrdreg s24  }
0xaf: {  	[dreg:$0x3] =	wrdreg $0x28800  }
0xb0: {  	[dreg:$0x4] =	wrdreg $0x9  }
0xb1: {  	_ =	task.clear_ibuf [dreg:s6], $0x5FFFF;
	_ =	strace $0x90000046  }
0xb2: {  	s29 =	simm.s32 $0x9;
	_ =	strace $0x80000048  }
0xb3: {  	_ =	swait.ge [sflag:s29], $0x1  }
0xb4: {  	[sflag:s29] =	ssyncadd.s32 $0xFFFFFFFF  }
0xb5: {  	_ =	strace $0x90000048  }
0xb6: {  	_ =	sfence  }
0xb7: {  	s30 =	sld [smem:$0x0];
	_ =	sdelay $0x2  }
0xb8: {  	s31 =	sshll.u32 s1, $0xD;
	s1 =	sshrl.u32 s1, $0x2  }
0xb9: {  	s3 =	sand.u32 $0x4000, s31;
	s1 =	sadd.s32 s1, s30  }
0xba: {  	s0 =	sor.u32 s3, s0;
	s1 =	sshll.u32 s1, $0x11  }
0xbb: {  	s0 =	sor.u32 s1, s0  }
0xbc: {  	s0 =	sadd.s32 $0x8F2B, s0  }
0xbd: {  	[sflag:s0] =	ssyncadd.remote.s32 $0x1  }
0xbe: {  	_ =	sfence.sel $0xFFFF  }
0xbf: {  	[dreg:$0x0] =	wrdreg $0xFFFFFFFF;
	(pc) =	sbr.abs _section_cstart, $3  }
0xc0: {  	[dreg:$0x1] =	wrdreg $0xFFFFFFFF  }
0xc1: {  	_ =	task.clear_ibuf [dreg:s6], $0x2FFFF;
	_ =	strace $0x9FFFFFFF  }
0xc2: {  	(tm) =	ssettm $0x7FFFFFFF  }
0xc3: {  	_ =	shalt  }
tec
execute0_lowered:
.L_overlay_start_1:
0x0: {  	(tag) =	ssettag $0x1  }
0x1: {  	s5 =	rddreg [dreg:$0x0]  }
0x2: {  	s0 =	srdreg.scid;
	s2 =	rddreg [dreg:$0x1];
	s3 =	simm.s32 $0x0  }
0x3: {  	s14 =	simm.s32 $0x2;
	s15 =	simm.s32 $0x7D;
	s16 =	simm.s32 $0x2800  }
0x4: {  	s17 =	simm.s32 $0x1;
	s4 =	sand.u32 $0x1, s0;
	s0 =	stileid.u32  }
0x5: {  	s18 =	simm.s32 $0x0;
	[smem:$0x7FF] =	sst s3;
	s7 =	smul.u32 $0xC80, s0  }
0x6: {  	s1 =	sshll.u32 s4, $0x4;
	s8 =	smul.u32 $0xC800, s4;
	s4 =	ssub.s32 $0x2, s4  }
0x7: {  	s31 =	sshll.u32 s0, $0x6;
	s1 =	sor.u32 s0, s1;
	s30 =	sshrl.u32 s4, $0x1  }
0x8: {  	s6 =	smul.u32 $0x1900, s1;
	s1 =	rddreg [dreg:$0x2];
	_ =	strace $0x80000047  }
0x9: {  	s28 =	sadd.s32 s7, s8;
	s29 =	sshrl.u32 s7, $0x3;
	s9 =	ssub.s32 s4, s30  }
0xa: {  	s13 =	sadd.s32 s7, s2;
	s8 =	sadd.s32 s29, s5;
	s7 =	smax.u32 s9, $0x1  }
0xb: {  	s13 =	sshrl.u32 s13, $0x3;
	s12 =	sadd.s32 s6, s5;
	s6 =	sshrl.u32 s28, $0x3  }
0xc: {  	s4 =	sadd.s32 $0x33C00, s8;
	s6 =	sadd.s32 s6, s5;
	s5 =	sor.u32 $0x1C02, s31  }
0xd: {  	s8 =	sadd.s32 $0x1C00, s12;
	s9 =	sadd.s32 $0x2100, s12;
	s10 =	sadd.s32 $0x2600, s12  }
0xe: {  	v0 =	vimm.f32 $1.000000000e+00;
	s11 =	sadd.s32 $0x2B00, s12;
	s12 =	sadd.s32 $0x3000, s12;
	s6 =	sadd.s32 $0x35600, s6  }
.LBB2_1:
0xf: {  	[spmem:s13], [sflag:s5] =	dma.local [hbm:s4], $0x190  }
0x10: {  	_ =	swait.ge [sflag:s14], $0x190  }
0x11: {  	[sflag:s14] =	ssyncset.done $0x0  }
0x12: {  	[sflag:s14] =	ssyncadd.s32 $0xFFFFFE70  }
0x13: {  	[tilespmem:$0x2800] =	vst v0  }
0x14: {  	[tilespmem:$0x2810] =	vst v0  }
0x15: {  	[tilespmem:$0x2820] =	vst v0  }
0x16: {  	[tilespmem:$0x2830] =	vst v0  }
0x17: {  	[tilespmem:$0x2840] =	vst v0  }
0x18: {  	[tilespmem:$0x2850] =	vst v0  }
0x19: {  	[tilespmem:$0x2860] =	vst v0  }
0x1a: {  	[tilespmem:$0x2870] =	vst v0  }
0x1b: {  	[bflag:$0x0] =	sbarrier.arrive $0xFFFF  }
0x1c: {  	[tilespmem:s3], [sflag:$0x2] =	stream.linear.gather [hbm4b:s8+s3], $0x2800, $0x38;
	[tilespmem:$0x3500] =	vst v63  }
0x1d: {  	_ =	swait.ge [sflag:s14], $0x2800  }
0x1e: {  	p0 =	por $0x1, $0x1;
	[sflag:s14] =	ssyncset.done $0x0  }
0x1f: {  	s20 =	simm.s32 @!p0 $0x1;
	[sflag:s14] =	ssyncadd.s32 $0xFFFFD800  }
0x20: {  	_ =	swait.ge @!p0 [sflag:s20], $0x7D  }
0x21: {  	s19 =	simm.s32 $0x1;
	[sflag:s20] =	ssyncset.done @!p0 $0x0  }
0x22: {  	s21 =	simm.s32 $0x0;
	[sflag:s20] =	ssyncadd.s32 @!p0 $0xFFFFFF83;
	s20 =	simm.s32 $0x80  }
.LBB2_2:
0x23: {  	[spmem:s2] =	stream.indirect.scatter.add.f32 [tilespmem:s16], [sflag:$0x1], $0x1, s21, s15, $0xb8;
	[tilespmem:$0x3500] =	vst v63  }
0x24: {  	p0 =	slt.u32 s19, $0x8;
	s19 =	sadd.s32 $0x1, s19  }
0x25: {  	p1 =	sne.s32 s19, $0x50  }
.Ltmp0:
0x26: {  	(pc) =	sbr.rel @p1 .LBB2_2-.Ltmp0, $4  }
0x27: {  	s21 =	smov.u32 s20;
	s22 =	simm.s32 @!p0 $0x1  }
0x28: {  	_ =	swait.ge @!p0 [sflag:s22], $0x7D  }
0x29: {  	[sflag:s22] =	ssyncset.done @!p0 $0x0  }
0x2a: {  	s20 =	sadd.s32 $0x80, s20;
	[sflag:s22] =	ssyncadd.s32 @!p0 $0xFFFFFF83  }
0x2b: {  	[spmem:s2] =	stream.indirect.scatter.add.f32 [tilespmem:s16], [sflag:$0x1], $0x1, s21, s15, $0xb8;
	[tilespmem:$0x3500] =	vst v63  }
0x2c: {  	_ =	swait.ge [sflag:s17], $0x3E8  }
0x2d: {  	[sflag:s17] =	ssyncset.done $0x0  }
0x2e: {  	s19 =	simm.s32 $0x0;
	[sflag:s17] =	ssyncadd.s32 $0xFFFFFC18  }
0x2f: {  	[tilespmem:s19], [sflag:$0x2] =	stream.linear.gather [hbm4b:s9+s19], $0x2800, $0x38;
	[tilespmem:$0x3500] =	vst v63  }
0x30: {  	_ =	swait.ge [sflag:s14], $0x2800  }
0x31: {  	p0 =	por $0x1, $0x1;
	[sflag:s14] =	ssyncset.done $0x0  }
0x32: {  	s21 =	simm.s32 @!p0 $0x1;
	[sflag:s14] =	ssyncadd.s32 $0xFFFFD800  }
0x33: {  	_ =	swait.ge @!p0 [sflag:s21], $0x7D  }
0x34: {  	[sflag:s21] =	ssyncset.done @!p0 $0x0  }
0x35: {  	s20 =	simm.s32 $0x1;
	[sflag:s21] =	ssyncadd.s32 @!p0 $0xFFFFFF83;
	s21 =	simm.s32 $0x80  }
.LBB2_4:
0x36: {  	[spmem:s2] =	stream.indirect.scatter.add.f32 [tilespmem:s16], [sflag:$0x1], $0x1, s19, s15, $0xb8;
	[tilespmem:$0x3500] =	vst v63  }
0x37: {  	p0 =	slt.u32 s20, $0x8;
	s20 =	sadd.s32 $0x1, s20  }
0x38: {  	p1 =	sne.s32 s20, $0x50  }
.Ltmp1:
0x39: {  	(pc) =	sbr.rel @p1 .LBB2_4-.Ltmp1, $4  }
0x3a: {  	s19 =	smov.u32 s21;
	s22 =	simm.s32 @!p0 $0x1  }
0x3b: {  	_ =	swait.ge @!p0 [sflag:s22], $0x7D  }
0x3c: {  	[sflag:s22] =	ssyncset.done @!p0 $0x0  }
0x3d: {  	s21 =	sadd.s32 $0x80, s21;
	[sflag:s22] =	ssyncadd.s32 @!p0 $0xFFFFFF83  }
0x3e: {  	[spmem:s2] =	stream.indirect.scatter.add.f32 [tilespmem:s16], [sflag:$0x1], $0x1, s19, s15, $0xb8;
	[tilespmem:$0x3500] =	vst v63  }
0x3f: {  	_ =	swait.ge [sflag:s17], $0x3E8  }
0x40: {  	[sflag:s17] =	ssyncset.done $0x0  }
0x41: {  	s19 =	simm.s32 $0x0;
	[sflag:s17] =	ssyncadd.s32 $0xFFFFFC18  }
0x42: {  	[tilespmem:s19], [sflag:$0x2] =	stream.linear.gather [hbm4b:s10+s19], $0x2800, $0x38;
	[tilespmem:$0x3500] =	vst v63  }
0x43: {  	_ =	swait.ge [sflag:s14], $0x2800  }
0x44: {  	p0 =	por $0x1, $0x1;
	[sflag:s14] =	ssyncset.done $0x0  }
0x45: {  	s21 =	simm.s32 @!p0 $0x1;
	[sflag:s14] =	ssyncadd.s32 $0xFFFFD800  }
0x46: {  	_ =	swait.ge @!p0 [sflag:s21], $0x7D  }
0x47: {  	[sflag:s21] =	ssyncset.done @!p0 $0x0  }
0x48: {  	s20 =	simm.s32 $0x1;
	[sflag:s21] =	ssyncadd.s32 @!p0 $0xFFFFFF83;
	s21 =	simm.s32 $0x80  }
.LBB2_6:
0x49: {  	[spmem:s2] =	stream.indirect.scatter.add.f32 [tilespmem:s16], [sflag:$0x1], $0x1, s19, s15, $0xb8;
	[tilespmem:$0x3500] =	vst v63  }
0x4a: {  	p0 =	slt.u32 s20, $0x8;
	s20 =	sadd.s32 $0x1, s20  }
0x4b: {  	p1 =	sne.s32 s20, $0x50  }
.Ltmp2:
0x4c: {  	(pc) =	sbr.rel @p1 .LBB2_6-.Ltmp2, $4  }
0x4d: {  	s19 =	smov.u32 s21;
	s22 =	simm.s32 @!p0 $0x1  }
0x4e: {  	_ =	swait.ge @!p0 [sflag:s22], $0x7D  }
0x4f: {  	[sflag:s22] =	ssyncset.done @!p0 $0x0  }
0x50: {  	s21 =	sadd.s32 $0x80, s21;
	[sflag:s22] =	ssyncadd.s32 @!p0 $0xFFFFFF83  }
0x51: {  	[spmem:s2] =	stream.indirect.scatter.add.f32 [tilespmem:s16], [sflag:$0x1], $0x1, s19, s15, $0xb8;
	[tilespmem:$0x3500] =	vst v63  }
0x52: {  	_ =	swait.ge [sflag:s17], $0x3E8  }
0x53: {  	[sflag:s17] =	ssyncset.done $0x0  }
0x54: {  	s19 =	simm.s32 $0x0;
	[sflag:s17] =	ssyncadd.s32 $0xFFFFFC18  }
0x55: {  	[tilespmem:s19], [sflag:$0x2] =	stream.linear.gather [hbm4b:s11+s19], $0x2800, $0x38;
	[tilespmem:$0x3500] =	vst v63  }
0x56: {  	_ =	swait.ge [sflag:s14], $0x2800  }
0x57: {  	p0 =	por $0x1, $0x1;
	[sflag:s14] =	ssyncset.done $0x0  }
0x58: {  	s21 =	simm.s32 @!p0 $0x1;
	[sflag:s14] =	ssyncadd.s32 $0xFFFFD800  }
0x59: {  	_ =	swait.ge @!p0 [sflag:s21], $0x7D  }
0x5a: {  	[sflag:s21] =	ssyncset.done @!p0 $0x0  }
0x5b: {  	s20 =	simm.s32 $0x1;
	[sflag:s21] =	ssyncadd.s32 @!p0 $0xFFFFFF83;
	s21 =	simm.s32 $0x80  }
.LBB2_8:
0x5c: {  	[spmem:s2] =	stream.indirect.scatter.add.f32 [tilespmem:s16], [sflag:$0x1], $0x1, s19, s15, $0xb8;
	[tilespmem:$0x3500] =	vst v63  }
0x5d: {  	p0 =	slt.u32 s20, $0x8;
	s20 =	sadd.s32 $0x1, s20  }
0x5e: {  	p1 =	sne.s32 s20, $0x50  }
.Ltmp3:
0x5f: {  	(pc) =	sbr.rel @p1 .LBB2_8-.Ltmp3, $4  }
0x60: {  	s19 =	smov.u32 s21;
	s22 =	simm.s32 @!p0 $0x1  }
0x61: {  	_ =	swait.ge @!p0 [sflag:s22], $0x7D  }
0x62: {  	[sflag:s22] =	ssyncset.done @!p0 $0x0  }
0x63: {  	s21 =	sadd.s32 $0x80, s21;
	[sflag:s22] =	ssyncadd.s32 @!p0 $0xFFFFFF83  }
0x64: {  	[spmem:s2] =	stream.indirect.scatter.add.f32 [tilespmem:s16], [sflag:$0x1], $0x1, s19, s15, $0xb8;
	[tilespmem:$0x3500] =	vst v63  }
0x65: {  	_ =	swait.ge [sflag:s17], $0x3E8  }
0x66: {  	[sflag:s17] =	ssyncset.done $0x0  }
0x67: {  	s19 =	simm.s32 $0x0;
	[sflag:s17] =	ssyncadd.s32 $0xFFFFFC18  }
0x68: {  	[tilespmem:s19], [sflag:$0x2] =	stream.linear.gather [hbm4b:s12+s19], $0x2800, $0x38;
	[tilespmem:$0x3500] =	vst v63  }
0x69: {  	_ =	swait.ge [sflag:s14], $0x2800  }
0x6a: {  	p0 =	por $0x1, $0x1;
	[sflag:s14] =	ssyncset.done $0x0  }
0x6b: {  	s21 =	simm.s32 @!p0 $0x1;
	[sflag:s14] =	ssyncadd.s32 $0xFFFFD800  }
0x6c: {  	_ =	swait.ge @!p0 [sflag:s21], $0x7D  }
0x6d: {  	[sflag:s21] =	ssyncset.done @!p0 $0x0  }
0x6e: {  	s20 =	simm.s32 $0x1;
	[sflag:s21] =	ssyncadd.s32 @!p0 $0xFFFFFF83;
	s21 =	simm.s32 $0x80  }
.LBB2_10:
0x6f: {  	[spmem:s2] =	stream.indirect.scatter.add.f32 [tilespmem:s16], [sflag:$0x1], $0x1, s19, s15, $0xb8;
	[tilespmem:$0x3500] =	vst v63  }
0x70: {  	p0 =	slt.u32 s20, $0x8;
	s20 =	sadd.s32 $0x1, s20  }
0x71: {  	p1 =	sne.s32 s20, $0x50  }
.Ltmp4:
0x72: {  	(pc) =	sbr.rel @p1 .LBB2_10-.Ltmp4, $4  }
0x73: {  	s19 =	smov.u32 s21;
	s22 =	simm.s32 @!p0 $0x1  }
0x74: {  	_ =	swait.ge @!p0 [sflag:s22], $0x7D  }
0x75: {  	[sflag:s22] =	ssyncset.done @!p0 $0x0  }
0x76: {  	s21 =	sadd.s32 $0x80, s21;
	[sflag:s22] =	ssyncadd.s32 @!p0 $0xFFFFFF83  }
0x77: {  	[spmem:s2] =	stream.indirect.scatter.add.f32 [tilespmem:s16], [sflag:$0x1], $0x1, s19, s15, $0xb8;
	[tilespmem:$0x3500] =	vst v63  }
0x78: {  	_ =	swait.ge [sflag:s17], $0x3E8  }
0x79: {  	s18 =	sadd.s32 $0x1, s18;
	[sflag:s17] =	ssyncset.done $0x0  }
0x7a: {  	p0 =	sne.s32 s18, s7;
	[sflag:s17] =	ssyncadd.s32 $0xFFFFFC18  }
.Ltmp5:
0x7b: {  	[bflag:$0x0] =	sbarrier.arrive $0xFFFF;
	(pc) =	sbr.rel @p0 .LBB2_1-.Ltmp5, $4  }
0x7c: {  	[hbm:s6], [sflag:s5] =	dma.local [spmem:s13], $0x190  }
0x7d: {  	_ =	swait.ge [sflag:s14], $0x190  }
0x7e: {  	[sflag:s14] =	ssyncset.done $0x0  }
0x7f: {  	[sflag:s14] =	ssyncadd.s32 $0xFFFFFE70  }
0x80: {  	_ =	sfence.sel $0x180000  }
0x81: {  	[bflag:$0x0] =	sbarrier.arrive $0xFFFF  }
0x82: {  	p0 =	sne.s32 s0, $0x0;
	_ =	strace $0x90000047  }
0x83: {  	s0 =	sadd.s32 @!p0 $0x100000, s1;
	[bflag:$0x2] =	sbarrier.arrive $0xFFFF  }
0x84: {  	[sflag:s0] =	ssyncadd.tile.s32 @!p0 $0x1;
	_ =	shalt  }
.Lfunc_end2:
_tile_overlayer_lowered:
.L_overlay_start_2:
0x85: {  	(tag) =	ssettag $0x2  }
0x86: {  	s0 =	rddreg [dreg:$0x0];
	s2 =	stileid.u32  }
0x87: {  	s1 =	rddreg [dreg:$0x1];
	p0 =	sne.s32 s2, $0x0  }
0x88: {  	s3 =	rddreg [dreg:$0x2];
	[bflag:$0x3] =	sbarrier.arrive $0xFFFF;
	s2 =	simm.s32 @!p0 $0x1C02  }
0x89: {  	[timem:s3], [sflag:s2] =	dma.local @!p0 [hbm:s0], s1  }
0x8a: {  	s0 =	simm.s32 @!p0 $0x2  }
0x8b: {  	_ =	swait.ge @!p0 [sflag:s0], s1  }
0x8c: {  	s1 =	ssub.s32 @!p0 $0x0, s1;
	[sflag:s0] =	ssyncset.done @!p0 $0x0  }
0x8d: {  	[sflag:s0] =	ssyncadd.s32 @!p0 s1  }
0x8e: {  	[bflag:$0x3] =	sbarrier.arrive $0xFFFF  }
0x8f: {  	_ =	shalt  }

</sc_bundles>
